<compile_context>
chip_gen: v7x
topology: tpu7x:2x2x1
jax: 0.10.2.dev20260603
libtpu: 0.0.44.dev20260713+nightly
codegen_flags: <defaults>
</compile_context>

<pallas_src>
import functools

import jax
import jax.numpy as jnp
from jax import lax
from jax.experimental import pallas as pl
from jax.experimental.pallas import tpu as pltpu
from jax.experimental.pallas import tpu_sc as plsc

_W = 80


def _stage1_kernel(lp_ref, tg_ref, coef_ref, allow_ref, corr_ref, mm_ref):
    T, B, V = lp_ref.shape
    L = tg_ref.shape[1]
    f32 = jnp.float32
    iota_v = jax.lax.broadcasted_iota(jnp.int32, (1, V, V), 1)
    c01 = jax.lax.broadcasted_iota(jnp.int32, (B, 2), 1)
    cneg = jnp.full((B, V - L - 2), -1, jnp.int32)
    kidx = jax.lax.broadcasted_iota(jnp.int32, (1, L), 1)

    text_all = jnp.concatenate([tg_ref[...], c01, cneg], axis=1)
    mcol = (jax.lax.broadcasted_iota(jnp.int32, (1, 1, V), 2) == L + 2)
    mm_ref[...] = (iota_v == text_all.reshape(B, 1, V)).astype(f32) + (
        mcol.astype(f32) * (1.0 / V)
    )

    def stage1(i, corr):
        for j in range(4):
            b = 4 * i + j
            lp_b = lp_ref[:, pl.ds(b, 1), :].reshape(T, V)
            mm = mm_ref[pl.ds(b, 1)].reshape(V, V)
            lpo = jnp.dot(lp_b, mm, preferred_element_type=f32)
            coef_ref[pl.ds(b, 1)] = lpo[:, 0:_W].reshape(1, T, _W)
            tg_b = tg_ref[pl.ds(b, 1), :]
            tprev = jnp.concatenate([tg_b[:, :1], tg_b[:, :-1]], axis=1)
            allow_ref[pl.ds(b, 1)] = ((kidx >= 1) & (tg_b != tprev)).astype(
                f32
            )
            corr = corr + jnp.sum(lpo[:, L + 2 : L + 3])
        return corr

    corr = jax.lax.fori_loop(0, B // 4, stage1, jnp.zeros((), f32))
    corr_ref[...] = jnp.reshape(corr, (1, 1))


def _make_sc_dp(T, B, L):
    CH = 64
    NCH = T // CH
    f32 = jnp.float32
    info = plsc.get_sparse_core_info()
    NC = info.num_cores

    mesh = plsc.VectorSubcoreMesh(core_axis_name="c", subcore_axis_name="s")

    @functools.partial(
        pl.kernel,
        mesh=mesh,
        out_type=jax.ShapeDtypeStruct((B, 16), f32),
        scratch_types=[
            pltpu.VMEM((2, CH, _W), f32),
            pltpu.VMEM((64,), f32),
            pltpu.VMEM((80,), f32),
            pltpu.VMEM((80,), f32),
            pltpu.VMEM((80,), f32),
            pltpu.VMEM((80,), f32),
            pltpu.VMEM((16,), f32),
            pltpu.SemaphoreType.DMA,
            pltpu.SemaphoreType.DMA,
            pltpu.SemaphoreType.DMA,
        ],
    )
    def sc_dp(coef_hbm, allow_hbm, out_hbm, buf, alv, beh, bdeh, bo, bdo,
              res, sem0, sem1, sema):
        b = lax.axis_index("s") * NC + lax.axis_index("c")
        pltpu.async_copy(allow_hbm.at[b], alv, sema).wait()
        allow = [alv[pl.ds(16 * j, 16)] for j in range(4)]
        zero = jnp.zeros((16,), f32)
        bo[pl.ds(0, 16)] = zero
        bdo[pl.ds(0, 16)] = zero
        i0 = jnp.full((16,), 0, jnp.int32)
        i1 = jnp.full((16,), 1, jnp.int32)
        i2 = jnp.full((16,), 2, jnp.int32)

        sems = (sem0, sem1)

        def dma(g, par):
            return pltpu.make_async_copy(
                coef_hbm.at[b, pl.ds(g * CH, CH), :],
                buf.at[par], sems[par],
            )

        dma(0, 0).start()

        def step(bufpar, tloc, st):
            eh, deh, o, do, e0, de0 = st
            lg = [buf[bufpar, tloc, pl.ds(16 * j, 16)] for j in range(4)]
            sv = buf[bufpar, tloc, pl.ds(L, 16)]
            msp = jnp.take(sv, i2)
            l0 = jnp.take(sv, i0)
            l1 = jnp.take(sv, i1)
            po = [jnp.exp(x) for x in lg]
            fo = [po[j] * (lg[j] - msp) for j in range(4)]
            p0 = jnp.exp(l0)
            pab = jnp.exp(l1)
            f0 = p0 * (l0 - msp)
            fab = pab * (l1 - msp)
            se = p0 + pab
            dse = f0 + fab
            beh[pl.ds(0, 16)] = e0
            bdeh[pl.ds(0, 16)] = de0
            for j in range(4):
                beh[pl.ds(8 + 16 * j, 16)] = eh[j]
                bdeh[pl.ds(8 + 16 * j, 16)] = deh[j]
                bo[pl.ds(8 + 16 * j, 16)] = o[j]
                bdo[pl.ds(8 + 16 * j, 16)] = do[j]
            eh_n = [se * eh[j] + p0 * o[j] for j in range(4)]
            deh_n = [se * deh[j] + dse * eh[j] + p0 * do[j] + f0 * o[j]
                     for j in range(4)]
            e0_n = se * e0
            de0_n = se * de0 + dse * e0
            o_n = []
            do_n = []
            for j in range(4):
                esh = beh[pl.ds(7 + 16 * j, 16)]
                desh = bdeh[pl.ds(7 + 16 * j, 16)]
                osh = bo[pl.ds(7 + 16 * j, 16)]
                dosh = bdo[pl.ds(7 + 16 * j, 16)]
                t1 = esh + allow[j] * osh
                dt1 = desh + allow[j] * dosh
                wo = po[j] + pab
                dwo = fo[j] + fab
                o_n.append(wo * o[j] + po[j] * t1)
                do_n.append(wo * do[j] + dwo * o[j] + po[j] * dt1 + fo[j] * t1)
            return eh_n, deh_n, o_n, do_n, e0_n, de0_n

        lane16 = jax.lax.broadcasted_iota(jnp.int32, (16,), 0)

        def norm(st):
            eh, deh, o, do, e0, de0 = st
            s = eh[0] + eh[1] + eh[2] + eh[3] + o[0] + o[1] + o[2] + o[3]
            for sh in (1, 2, 4, 8):
                s = s + jnp.take(s, lane16 ^ sh)
            c = s + e0
            rp = 1048576.0 / c
            return ([x * rp for x in eh], [x * rp for x in deh],
                    [x * rp for x in o], [x * rp for x in do],
                    e0 * rp, de0 * rp)

        def flatten(st):
            eh, deh, o, do, e0, de0 = st
            return (*eh, *deh, *o, *do, e0, de0)

        def unflatten(fl):
            return (list(fl[0:4]), list(fl[4:8]), list(fl[8:12]),
                    list(fl[12:16]), fl[16], fl[17])

        ones = jnp.full((16,), 1.0, f32)
        st = ([zero] * 4, [zero] * 4, [zero] * 4, [zero] * 4, ones, zero)

        def chunk_pair(gp, fl):
            st = unflatten(fl)
            for par in range(2):
                g = 2 * gp + par
                dma(g, par).wait()
                dma(jnp.minimum(g + 1, NCH - 1), (par + 1) % 2).start()

                def run(ii, fl2):
                    st2 = unflatten(fl2)
                    for jj in range(4):
                        st2 = step(par, 4 * ii + jj, st2)
                    return flatten(norm(st2))

                st = unflatten(lax.fori_loop(0, CH // 4, run, flatten(st)))
            return flatten(st)

        fl = lax.fori_loop(0, NCH // 2, chunk_pair, flatten(st))
        dma(NCH - 1, 0).wait()
        eh, deh, o, do, e0, de0 = unflatten(fl)
        res[...] = (deh[3] + do[3]) / (eh[3] + o[3])
        pltpu.sync_copy(res, out_hbm.at[b])

    return sc_dp


@jax.jit
def kernel(log_probs, targets, input_lengths, target_lengths):
    T, B, V = log_probs.shape
    L = targets.shape[1]
    coef, allow, corr = pl.pallas_call(
        _stage1_kernel,
        out_shape=[
            jax.ShapeDtypeStruct((B, T, _W), jnp.float32),
            jax.ShapeDtypeStruct((B, L), jnp.float32),
            jax.ShapeDtypeStruct((1, 1), jnp.float32),
        ],
        scratch_shapes=[pltpu.VMEM((B, V, V), jnp.float32)],
    )(log_probs, targets)
    dvec = _make_sc_dp(T, B, L)(coef, allow)
    total = (jnp.sum(dvec[:, 15]) + corr[0, 0]) / (B * -4.0)
    return total

# --- scband reference (transcript-rebuilt; emitter-appended) ---
"""Pipeline reference for scband-abstention-ctc-80118319940191 (READ-ONLY COPY).

The authoritative reference and input builder live on the scoring server;
editing this copy changes nothing except your own understanding.
"""

import jax, jax.numpy as jnp
import numpy as np

BLANK = 0
ABST = 1
NEG = -1e30


def _instance_loss(log_prob, target):
    # log_prob: [T, V], target: [L]
    L = target.shape[0]
    S = 2 * L + 1
    target_p = jnp.zeros((S,), dtype=jnp.int32).at[1::2].set(target.astype(jnp.int32))
    idx = jnp.arange(S)
    is_blank = target_p == BLANK
    same = (idx >= 2) & (target_p == jnp.roll(target_p, 2))
    two_term = is_blank | same
    dp0 = jnp.full((S,), NEG, dtype=log_prob.dtype)
    dp0 = dp0.at[0].set(jnp.logaddexp(log_prob[0, BLANK], log_prob[0, ABST]))
    dp0 = dp0.at[1].set(log_prob[0, target_p[1]])

    def step(dp_prev, lp_t):
        emit = lp_t[target_p]                      # log_prob[t, target_p[s]]
        prob = jnp.logaddexp(emit, lp_t[ABST])     # emission OR abstention
        a = prob + dp_prev
        b = jnp.where(idx >= 1, jnp.roll(dp_prev, 1), NEG) + emit
        c = jnp.where(idx >= 2, jnp.roll(dp_prev, 2), NEG) + emit
        res2 = jnp.logaddexp(a, b)
        m = jnp.maximum(jnp.maximum(a, b), c)
        res3 = m + jnp.log(jnp.exp(a - m) + jnp.exp(b - m) + jnp.exp(c - m))
        dp_t = jnp.where(two_term, res2, res3)
        return dp_t, None

    dp_T, _ = jax.lax.scan(step, dp0, log_prob[1:])
    return jnp.logaddexp(dp_T[S - 1], dp_T[S - 2])


def _compute_loss(log_probs, targets):
    # log_probs: [T, B, V], targets: [B, L]
    B = log_probs.shape[1]
    lp_b = jnp.transpose(log_probs, (1, 0, 2))  # [B, T, V]
    grads = jax.vmap(jax.grad(_instance_loss))(lp_b, targets)  # [B, T, V]
    dlog_probs = jnp.transpose(grads, (1, 0, 2))               # [T, B, V]
    # torch: grads are detached (computed via per-instance .backward())
    return jnp.sum(jax.lax.stop_gradient(dlog_probs) * log_probs) / B / -4.0


def setup_inputs(seed: int = 0):
    key = jax.random.key(seed)
    k1, k2 = jax.random.split(key)
    T, B, V, L = 512, 32, 128, 64
    logits = jax.random.normal(k1, (T, B, V), dtype=jnp.float32)
    log_probs = jax.nn.log_softmax(logits, axis=-1)
    targets = jax.random.randint(k2, (B, L), 2, V, dtype=jnp.int32)  # avoid blank=0, abstention=1
    input_lengths = jnp.full((B,), T, dtype=jnp.int32)
    target_lengths = jnp.full((B,), L, dtype=jnp.int32)
    return {"log_probs": log_probs, "targets": targets, "input_lengths": input_lengths, "target_lengths": target_lengths}


def reference(log_probs, targets, input_lengths, target_lengths):
    # lengths are constant full-length (torch code requires equal lengths to stack grads)
    return _compute_loss(log_probs, targets)

if __name__ == "__main__":
    import jax
    _d = setup_inputs()
    print(jax.jit(kernel)(*tuple(_d.values())))

</pallas_src>

<mosaic_0001>
#map = affine_map<(d0, d1) -> (0, 0, 0)>
#map1 = affine_map<(d0, d1) -> (0, 0)>
module attributes {stable_mosaic.version = 14 : i64} {
  func.func @sc_dp(%arg0: i32, %arg1: i32, %arg2: memref<32x512x80xf32, #tpu.memory_space<hbm>>, %arg3: memref<32x64xf32, #tpu.memory_space<hbm>>, %arg4: memref<32x16xf32, #tpu.memory_space<hbm>>, %arg5: memref<2x64x80xf32, #tpu.memory_space<vmem>>, %arg6: memref<64xf32, #tpu.memory_space<vmem>>, %arg7: memref<80xf32, #tpu.memory_space<vmem>>, %arg8: memref<80xf32, #tpu.memory_space<vmem>>, %arg9: memref<80xf32, #tpu.memory_space<vmem>>, %arg10: memref<80xf32, #tpu.memory_space<vmem>>, %arg11: memref<16xf32, #tpu.memory_space<vmem>>, %arg12: memref<!tpu.dma_semaphore, #tpu.memory_space<semaphore_mem>>, %arg13: memref<!tpu.dma_semaphore, #tpu.memory_space<semaphore_mem>>, %arg14: memref<!tpu.dma_semaphore, #tpu.memory_space<semaphore_mem>>) attributes {dimension_semantics = [#tpu.dimension_semantics<core_parallel>, #tpu.dimension_semantics<subcore_parallel>], iteration_bounds = array<i64: 2, 16>, scalar_prefetch = 0 : i64, scratch_operands = 10 : i64, tpu.core_type = #tpu.core_type<sc_vector_subcore>, window_params = [{transform_indices = #map}, {transform_indices = #map1}, {transform_indices = #map1}]} {
    %mul3A = arith.constant 2 : i32
    %mul3A_0 = arith.muli %arg1, %mul3A : i32
    %add3A = arith.addi %mul3A_0, %arg0 : i32
    %dma_start3A = arith.constant 0 : i32
    %dma_start3A_1 = tpu.memref_slice %arg3[%add3A, %dma_start3A] : memref<32x64xf32, #tpu.memory_space<hbm>> -> memref<1x64xf32, #tpu.memory_space<hbm>>
    %dma_start3A_2 = tpu.memref_squeeze %dma_start3A_1 : memref<1x64xf32, #tpu.memory_space<hbm>> -> memref<64xf32, #tpu.memory_space<hbm>>
    %dma_start3A_3 = arith.constant 0 : i32
    %dma_start3A_4 = tpu.memref_slice %arg3[%add3A, %dma_start3A_3] : memref<32x64xf32, #tpu.memory_space<hbm>> -> memref<1x64xf32, #tpu.memory_space<hbm>>
    %dma_start3A_5 = tpu.memref_squeeze %dma_start3A_4 : memref<1x64xf32, #tpu.memory_space<hbm>> -> memref<64xf32, #tpu.memory_space<hbm>>
    tpu.enqueue_dma source(%dma_start3A_5 : memref<64xf32, #tpu.memory_space<hbm>>) target(%arg6 : memref<64xf32, #tpu.memory_space<vmem>>) target_semaphore(%arg14 : memref<!tpu.dma_semaphore, #tpu.memory_space<semaphore_mem>>)
    %dma_wait3A = arith.constant 0 : i32
    %dma_wait3A_6 = tpu.memref_slice %arg3[%add3A, %dma_wait3A] : memref<32x64xf32, #tpu.memory_space<hbm>> -> memref<1x64xf32, #tpu.memory_space<hbm>>
    %dma_wait3A_7 = tpu.memref_squeeze %dma_wait3A_6 : memref<1x64xf32, #tpu.memory_space<hbm>> -> memref<64xf32, #tpu.memory_space<hbm>>
    %dma_wait3A_8 = arith.constant 0 : i32
    %dma_wait3A_9 = tpu.memref_slice %arg3[%add3A, %dma_wait3A_8] : memref<32x64xf32, #tpu.memory_space<hbm>> -> memref<1x64xf32, #tpu.memory_space<hbm>>
    %dma_wait3A_10 = tpu.memref_squeeze %dma_wait3A_9 : memref<1x64xf32, #tpu.memory_space<hbm>> -> memref<64xf32, #tpu.memory_space<hbm>>
    tpu.wait_dma2 semaphore(%arg14 : memref<!tpu.dma_semaphore, #tpu.memory_space<semaphore_mem>>) src(%dma_wait3A_10 : memref<64xf32, #tpu.memory_space<hbm>>) dst(%arg6 : memref<64xf32, #tpu.memory_space<vmem>>)
    %get3A = arith.constant 0 : index
    %get3A_11 = tpu.vector_load %arg6[%get3A] {strides = array<i32>} : memref<64xf32, #tpu.memory_space<vmem>>, vector<16xf32>,
    %get3A_12 = vector.shape_cast %get3A_11 : vector<16xf32> to vector<16xf32>
    %get3A_13 = arith.constant 16 : index
    %get3A_14 = tpu.vector_load %arg6[%get3A_13] {strides = array<i32>} : memref<64xf32, #tpu.memory_space<vmem>>, vector<16xf32>,
    %get3A_15 = vector.shape_cast %get3A_14 : vector<16xf32> to vector<16xf32>
    %get3A_16 = arith.constant 32 : index
    %get3A_17 = tpu.vector_load %arg6[%get3A_16] {strides = array<i32>} : memref<64xf32, #tpu.memory_space<vmem>>, vector<16xf32>,
    %get3A_18 = vector.shape_cast %get3A_17 : vector<16xf32> to vector<16xf32>
    %get3A_19 = arith.constant 48 : index
    %get3A_20 = tpu.vector_load %arg6[%get3A_19] {strides = array<i32>} : memref<64xf32, #tpu.memory_space<vmem>>, vector<16xf32>,
    %get3A_21 = vector.shape_cast %get3A_20 : vector<16xf32> to vector<16xf32>
    %broadcast_in_dim3A = arith.constant 0.000000e+00 : f32
    %broadcast_in_dim3A_22 = vector.broadcast %broadcast_in_dim3A : f32 to vector<16xf32>
    %swap3A = arith.constant 0 : index
    %swap3A_23 = tpu.vector_load %arg9[%swap3A] {strides = array<i32>} : memref<80xf32, #tpu.memory_space<vmem>>, vector<16xf32>,
    %swap3A_24 = vector.shape_cast %swap3A_23 : vector<16xf32> to vector<16xf32>
    %swap3A_25 = vector.shape_cast %broadcast_in_dim3A_22 : vector<16xf32> to vector<16xf32>
    tpu.vector_store %arg9[%swap3A], %swap3A_25 {strides = array<i32>} : memref<80xf32, #tpu.memory_space<vmem>>, vector<16xf32>,
    %swap3A_26 = arith.constant 0 : index
    %swap3A_27 = tpu.vector_load %arg10[%swap3A_26] {strides = array<i32>} : memref<80xf32, #tpu.memory_space<vmem>>, vector<16xf32>,
    %swap3A_28 = vector.shape_cast %swap3A_27 : vector<16xf32> to vector<16xf32>
    %swap3A_29 = vector.shape_cast %broadcast_in_dim3A_22 : vector<16xf32> to vector<16xf32>
    tpu.vector_store %arg10[%swap3A_26], %swap3A_29 {strides = array<i32>} : memref<80xf32, #tpu.memory_space<vmem>>, vector<16xf32>,
    %broadcast_in_dim3A_30 = arith.constant 0 : i32
    %broadcast_in_dim3A_31 = vector.broadcast %broadcast_in_dim3A_30 : i32 to vector<16xi32>
    %broadcast_in_dim3A_32 = arith.constant 1 : i32
    %broadcast_in_dim3A_33 = vector.broadcast %broadcast_in_dim3A_32 : i32 to vector<16xi32>
    %broadcast_in_dim3A_34 = arith.constant 2 : i32
    %broadcast_in_dim3A_35 = vector.broadcast %broadcast_in_dim3A_34 : i32 to vector<16xi32>
    %dma_start3A_36 = arith.constant 0 : i32
    %dma_start3A_37 = arith.constant 0 : i32
    %dma_start3A_38 = arith.constant 0 : i32
    %dma_start3A_39 = tpu.memref_slice %arg5[%dma_start3A_36, %dma_start3A_37, %dma_start3A_38] : memref<2x64x80xf32, #tpu.memory_space<vmem>> -> memref<1x64x80xf32, #tpu.memory_space<vmem>>
    %dma_start3A_40 = tpu.memref_squeeze %dma_start3A_39 : memref<1x64x80xf32, #tpu.memory_space<vmem>> -> memref<64x80xf32, #tpu.memory_space<vmem>>
    %dma_start3A_41 = arith.constant 0 : i32
    %dma_start3A_42 = arith.constant 0 : i32
    %dma_start3A_43 = tpu.memref_slice %arg2[%add3A, %dma_start3A_41, %dma_start3A_42] : memref<32x512x80xf32, #tpu.memory_space<hbm>> -> memref<1x64x80xf32, #tpu.memory_space<hbm>>
    %dma_start3A_44 = tpu.memref_squeeze %dma_start3A_43 : memref<1x64x80xf32, #tpu.memory_space<hbm>> -> memref<64x80xf32, #tpu.memory_space<hbm>>
    %dma_start3A_45 = arith.constant 0 : i32
    %dma_start3A_46 = arith.constant 0 : i32
    %dma_start3A_47 = tpu.memref_slice %arg5[%dma_start3A_36, %dma_start3A_45, %dma_start3A_46] : memref<2x64x80xf32, #tpu.memory_space<vmem>> -> memref<1x64x80xf32, #tpu.memory_space<vmem>>
    %dma_start3A_48 = tpu.memref_squeeze %dma_start3A_47 : memref<1x64x80xf32, #tpu.memory_space<vmem>> -> memref<64x80xf32, #tpu.memory_space<vmem>>
    %dma_start3A_49 = arith.constant 0 : i32
    %dma_start3A_50 = arith.constant 0 : i32
    %dma_start3A_51 = tpu.memref_slice %arg2[%add3A, %dma_start3A_49, %dma_start3A_50] : memref<32x512x80xf32, #tpu.memory_space<hbm>> -> memref<1x64x80xf32, #tpu.memory_space<hbm>>
    %dma_start3A_52 = tpu.memref_squeeze %dma_start3A_51 : memref<1x64x80xf32, #tpu.memory_space<hbm>> -> memref<64x80xf32, #tpu.memory_space<hbm>>
    tpu.enqueue_dma source(%dma_start3A_52 : memref<64x80xf32, #tpu.memory_space<hbm>>) target(%dma_start3A_48 : memref<64x80xf32, #tpu.memory_space<vmem>>) target_semaphore(%arg12 : memref<!tpu.dma_semaphore, #tpu.memory_space<semaphore_mem>>)
    %iota3A = tpu.iota {dimensions = array<i32: 0>} : vector<16xi32>
    %broadcast_in_dim3A_53 = arith.constant 1.000000e+00 : f32
    %broadcast_in_dim3A_54 = vector.broadcast %broadcast_in_dim3A_53 : f32 to vector<16xf32>
    %scan3A = arith.constant 0 : i32
    %scan3A_55 = arith.constant 4 : i32
    %scan3A_56 = arith.addi %scan3A, %scan3A_55 : i32
    %scan3A_57 = arith.constant 1 : i32
    %scan3A_58:18 = scf.for %scan3A_83 = %scan3A to %scan3A_56 step %scan3A_57 iter_args(%scan3A_84 = %broadcast_in_dim3A_22, %scan3A_85 = %broadcast_in_dim3A_22, %scan3A_86 = %broadcast_in_dim3A_22, %scan3A_87 = %broadcast_in_dim3A_22, %scan3A_88 = %broadcast_in_dim3A_22, %scan3A_89 = %broadcast_in_dim3A_22, %scan3A_90 = %broadcast_in_dim3A_22, %scan3A_91 = %broadcast_in_dim3A_22, %scan3A_92 = %broadcast_in_dim3A_22, %scan3A_93 = %broadcast_in_dim3A_22, %scan3A_94 = %broadcast_in_dim3A_22, %scan3A_95 = %broadcast_in_dim3A_22, %scan3A_96 = %broadcast_in_dim3A_22, %scan3A_97 = %broadcast_in_dim3A_22, %scan3A_98 = %broadcast_in_dim3A_22, %scan3A_99 = %broadcast_in_dim3A_22, %scan3A_100 = %broadcast_in_dim3A_54, %scan3A_101 = %broadcast_in_dim3A_22) -> (vector<16xf32>, vector<16xf32>, vector<16xf32>, vector<16xf32>, vector<16xf32>, vector<16xf32>, vector<16xf32>, vector<16xf32>, vector<16xf32>, vector<16xf32>, vector<16xf32>, vector<16xf32>, vector<16xf32>, vector<16xf32>, vector<16xf32>, vector<16xf32>, vector<16xf32>, vector<16xf32>)  : i32 {
      %mul3A_102 = arith.constant 2 : i32
      %mul3A_103 = arith.muli %mul3A_102, %scan3A_83 : i32
      %add3A_104 = arith.constant 0 : i32
      %add3A_105 = arith.addi %mul3A_103, %add3A_104 : i32
      %mul3A_106 = arith.constant 64 : i32
      %mul3A_107 = arith.muli %add3A_105, %mul3A_106 : i32
      %dma_wait3A_108 = arith.constant 0 : i32
      %dma_wait3A_109 = arith.constant 0 : i32
      %dma_wait3A_110 = arith.constant 0 : i32
      %dma_wait3A_111 = tpu.memref_slice %arg5[%dma_wait3A_108, %dma_wait3A_109, %dma_wait3A_110] : memref<2x64x80xf32, #tpu.memory_space<vmem>> -> memref<1x64x80xf32, #tpu.memory_space<vmem>>
      %dma_wait3A_112 = tpu.memref_squeeze %dma_wait3A_111 : memref<1x64x80xf32, #tpu.memory_space<vmem>> -> memref<64x80xf32, #tpu.memory_space<vmem>>
      %dma_wait3A_113 = arith.constant 0 : i32
      %dma_wait3A_114 = tpu.memref_slice %arg2[%add3A, %mul3A_107, %dma_wait3A_113] : memref<32x512x80xf32, #tpu.memory_space<hbm>> -> memref<1x64x80xf32, #tpu.memory_space<hbm>>
      %dma_wait3A_115 = tpu.memref_squeeze %dma_wait3A_114 : memref<1x64x80xf32, #tpu.memory_space<hbm>> -> memref<64x80xf32, #tpu.memory_space<hbm>>
      %dma_wait3A_116 = arith.constant 0 : i32
      %dma_wait3A_117 = arith.constant 0 : i32
      %dma_wait3A_118 = tpu.memref_slice %arg5[%dma_wait3A_108, %dma_wait3A_116, %dma_wait3A_117] : memref<2x64x80xf32, #tpu.memory_space<vmem>> -> memref<1x64x80xf32, #tpu.memory_space<vmem>>
      %dma_wait3A_119 = tpu.memref_squeeze %dma_wait3A_118 : memref<1x64x80xf32, #tpu.memory_space<vmem>> -> memref<64x80xf32, #tpu.memory_space<vmem>>
      %dma_wait3A_120 = arith.constant 0 : i32
      %dma_wait3A_121 = tpu.memref_slice %arg2[%add3A, %mul3A_107, %dma_wait3A_120] : memref<32x512x80xf32, #tpu.memory_space<hbm>> -> memref<1x64x80xf32, #tpu.memory_space<hbm>>
      %dma_wait3A_122 = tpu.memref_squeeze %dma_wait3A_121 : memref<1x64x80xf32, #tpu.memory_space<hbm>> -> memref<64x80xf32, #tpu.memory_space<hbm>>
      tpu.wait_dma2 semaphore(%arg12 : memref<!tpu.dma_semaphore, #tpu.memory_space<semaphore_mem>>) src(%dma_wait3A_122 : memref<64x80xf32, #tpu.memory_space<hbm>>) dst(%dma_wait3A_119 : memref<64x80xf32, #tpu.memory_space<vmem>>)
      %add3A_123 = arith.constant 1 : i32
      %add3A_124 = arith.addi %add3A_105, %add3A_123 : i32
      %min3A = arith.constant 7 : i32
      %min3A_125 = arith.minsi %add3A_124, %min3A : i32
      %mul3A_126 = arith.constant 64 : i32
      %mul3A_127 = arith.muli %min3A_125, %mul3A_126 : i32
      %dma_start3A_128 = arith.constant 1 : i32
      %dma_start3A_129 = arith.constant 0 : i32
      %dma_start3A_130 = arith.constant 0 : i32
      %dma_start3A_131 = tpu.memref_slice %arg5[%dma_start3A_128, %dma_start3A_129, %dma_start3A_130] : memref<2x64x80xf32, #tpu.memory_space<vmem>> -> memref<1x64x80xf32, #tpu.memory_space<vmem>>
      %dma_start3A_132 = tpu.memref_squeeze %dma_start3A_131 : memref<1x64x80xf32, #tpu.memory_space<vmem>> -> memref<64x80xf32, #tpu.memory_space<vmem>>
      %dma_start3A_133 = arith.constant 0 : i32
      %dma_start3A_134 = tpu.memref_slice %arg2[%add3A, %mul3A_127, %dma_start3A_133] : memref<32x512x80xf32, #tpu.memory_space<hbm>> -> memref<1x64x80xf32, #tpu.memory_space<hbm>>
      %dma_start3A_135 = tpu.memref_squeeze %dma_start3A_134 : memref<1x64x80xf32, #tpu.memory_space<hbm>> -> memref<64x80xf32, #tpu.memory_space<hbm>>
      %dma_start3A_136 = arith.constant 0 : i32
      %dma_start3A_137 = arith.constant 0 : i32
      %dma_start3A_138 = tpu.memref_slice %arg5[%dma_start3A_128, %dma_start3A_136, %dma_start3A_137] : memref<2x64x80xf32, #tpu.memory_space<vmem>> -> memref<1x64x80xf32, #tpu.memory_space<vmem>>
      %dma_start3A_139 = tpu.memref_squeeze %dma_start3A_138 : memref<1x64x80xf32, #tpu.memory_space<vmem>> -> memref<64x80xf32, #tpu.memory_space<vmem>>
      %dma_start3A_140 = arith.constant 0 : i32
      %dma_start3A_141 = tpu.memref_slice %arg2[%add3A, %mul3A_127, %dma_start3A_140] : memref<32x512x80xf32, #tpu.memory_space<hbm>> -> memref<1x64x80xf32, #tpu.memory_space<hbm>>
      %dma_start3A_142 = tpu.memref_squeeze %dma_start3A_141 : memref<1x64x80xf32, #tpu.memory_space<hbm>> -> memref<64x80xf32, #tpu.memory_space<hbm>>
      tpu.enqueue_dma source(%dma_start3A_142 : memref<64x80xf32, #tpu.memory_space<hbm>>) target(%dma_start3A_139 : memref<64x80xf32, #tpu.memory_space<vmem>>) target_semaphore(%arg13 : memref<!tpu.dma_semaphore, #tpu.memory_space<semaphore_mem>>)
      %scan3A_143 = arith.constant 0 : i32
      %scan3A_144 = arith.constant 16 : i32
      %scan3A_145 = arith.addi %scan3A_143, %scan3A_144 : i32
      %scan3A_146 = arith.constant 1 : i32
      %scan3A_147:18 = scf.for %scan3A_197 = %scan3A_143 to %scan3A_145 step %scan3A_146 iter_args(%scan3A_198 = %scan3A_84, %scan3A_199 = %scan3A_85, %scan3A_200 = %scan3A_86, %scan3A_201 = %scan3A_87, %scan3A_202 = %scan3A_88, %scan3A_203 = %scan3A_89, %scan3A_204 = %scan3A_90, %scan3A_205 = %scan3A_91, %scan3A_206 = %scan3A_92, %scan3A_207 = %scan3A_93, %scan3A_208 = %scan3A_94, %scan3A_209 = %scan3A_95, %scan3A_210 = %scan3A_96, %scan3A_211 = %scan3A_97, %scan3A_212 = %scan3A_98, %scan3A_213 = %scan3A_99, %scan3A_214 = %scan3A_100, %scan3A_215 = %scan3A_101) -> (vector<16xf32>, vector<16xf32>, vector<16xf32>, vector<16xf32>, vector<16xf32>, vector<16xf32>, vector<16xf32>, vector<16xf32>, vector<16xf32>, vector<16xf32>, vector<16xf32>, vector<16xf32>, vector<16xf32>, vector<16xf32>, vector<16xf32>, vector<16xf32>, vector<16xf32>, vector<16xf32>)  : i32 {
        %mul3A_216 = arith.constant 4 : i32
        %mul3A_217 = arith.muli %mul3A_216, %scan3A_197 : i32
        %add3A_218 = arith.constant 0 : i32
        %add3A_219 = arith.addi %mul3A_217, %add3A_218 : i32
        %get3A_220 = arith.constant 0 : i32
        %get3A_221 = arith.index_cast %get3A_220 : i32 to index
        %get3A_222 = arith.index_cast %add3A_219 : i32 to index
        %get3A_223 = arith.constant 0 : index
        %get3A_224 = tpu.vector_load %arg5[%get3A_221, %get3A_222, %get3A_223] {strides = array<i32>} : memref<2x64x80xf32, #tpu.memory_space<vmem>>, vector<1x1x16xf32>,
        %get3A_225 = vector.shape_cast %get3A_224 : vector<1x1x16xf32> to vector<16xf32>
        %get3A_226 = arith.constant 0 : i32
        %get3A_227 = arith.index_cast %get3A_226 : i32 to index
        %get3A_228 = arith.index_cast %add3A_219 : i32 to index
        %get3A_229 = arith.constant 16 : index
        %get3A_230 = tpu.vector_load %arg5[%get3A_227, %get3A_228, %get3A_229] {strides = array<i32>} : memref<2x64x80xf32, #tpu.memory_space<vmem>>, vector<1x1x16xf32>,
        %get3A_231 = vector.shape_cast %get3A_230 : vector<1x1x16xf32> to vector<16xf32>
        %get3A_232 = arith.constant 0 : i32
        %get3A_233 = arith.index_cast %get3A_232 : i32 to index
        %get3A_234 = arith.index_cast %add3A_219 : i32 to index
        %get3A_235 = arith.constant 32 : index
        %get3A_236 = tpu.vector_load %arg5[%get3A_233, %get3A_234, %get3A_235] {strides = array<i32>} : memref<2x64x80xf32, #tpu.memory_space<vmem>>, vector<1x1x16xf32>,
        %get3A_237 = vector.shape_cast %get3A_236 : vector<1x1x16xf32> to vector<16xf32>
        %get3A_238 = arith.constant 0 : i32
        %get3A_239 = arith.index_cast %get3A_238 : i32 to index
        %get3A_240 = arith.index_cast %add3A_219 : i32 to index
        %get3A_241 = arith.constant 48 : index
        %get3A_242 = tpu.vector_load %arg5[%get3A_239, %get3A_240, %get3A_241] {strides = array<i32>} : memref<2x64x80xf32, #tpu.memory_space<vmem>>, vector<1x1x16xf32>,
        %get3A_243 = vector.shape_cast %get3A_242 : vector<1x1x16xf32> to vector<16xf32>
        %get3A_244 = arith.constant 0 : i32
        %get3A_245 = arith.index_cast %get3A_244 : i32 to index
        %get3A_246 = arith.index_cast %add3A_219 : i32 to index
        %get3A_247 = arith.constant 64 : index
        %get3A_248 = tpu.vector_load %arg5[%get3A_245, %get3A_246, %get3A_247] {strides = array<i32>} : memref<2x64x80xf32, #tpu.memory_space<vmem>>, vector<1x1x16xf32>,
        %get3A_249 = vector.shape_cast %get3A_248 : vector<1x1x16xf32> to vector<16xf32>
        %lt3A = arith.constant 0 : i32
        %lt3A_250 = vector.broadcast %lt3A : i32 to vector<16xi32>
        %lt3A_251 = arith.cmpi slt, %broadcast_in_dim3A_35, %lt3A_250 : vector<16xi32>
        %add3A_252 = arith.constant 16 : i32
        %add3A_253 = vector.broadcast %add3A_252 : i32 to vector<16xi32>
        %add3A_254 = arith.addi %broadcast_in_dim3A_35, %add3A_253 : vector<16xi32>
        %select_n3A = arith.select %lt3A_251, %add3A_254, %broadcast_in_dim3A_35 : vector<16xi1>, vector<16xi32>
        %broadcast_in_dim3A_255 = vector.shape_cast %select_n3A : vector<16xi32> to vector<16x1xi32>
        %gather3A = vector.shape_cast %broadcast_in_dim3A_255 : vector<16x1xi32> to vector<16xi32>
        %gather3A_256 = tpu.dynamic_gather %get3A_249[%gather3A] in [0] : vector<16xf32>, vector<16xi32> -> vector<16xf32>
        %lt3A_257 = arith.constant 0 : i32
        %lt3A_258 = vector.broadcast %lt3A_257 : i32 to vector<16xi32>
        %lt3A_259 = arith.cmpi slt, %broadcast_in_dim3A_31, %lt3A_258 : vector<16xi32>
        %add3A_260 = arith.constant 16 : i32
        %add3A_261 = vector.broadcast %add3A_260 : i32 to vector<16xi32>
        %add3A_262 = arith.addi %broadcast_in_dim3A_31, %add3A_261 : vector<16xi32>
        %select_n3A_263 = arith.select %lt3A_259, %add3A_262, %broadcast_in_dim3A_31 : vector<16xi1>, vector<16xi32>
        %broadcast_in_dim3A_264 = vector.shape_cast %select_n3A_263 : vector<16xi32> to vector<16x1xi32>
        %gather3A_265 = vector.shape_cast %broadcast_in_dim3A_264 : vector<16x1xi32> to vector<16xi32>
        %gather3A_266 = tpu.dynamic_gather %get3A_249[%gather3A_265] in [0] : vector<16xf32>, vector<16xi32> -> vector<16xf32>
        %lt3A_267 = arith.constant 0 : i32
        %lt3A_268 = vector.broadcast %lt3A_267 : i32 to vector<16xi32>
        %lt3A_269 = arith.cmpi slt, %broadcast_in_dim3A_33, %lt3A_268 : vector<16xi32>
        %add3A_270 = arith.constant 16 : i32
        %add3A_271 = vector.broadcast %add3A_270 : i32 to vector<16xi32>
        %add3A_272 = arith.addi %broadcast_in_dim3A_33, %add3A_271 : vector<16xi32>
        %select_n3A_273 = arith.select %lt3A_269, %add3A_272, %broadcast_in_dim3A_33 : vector<16xi1>, vector<16xi32>
        %broadcast_in_dim3A_274 = vector.shape_cast %select_n3A_273 : vector<16xi32> to vector<16x1xi32>
        %gather3A_275 = vector.shape_cast %broadcast_in_dim3A_274 : vector<16x1xi32> to vector<16xi32>
        %gather3A_276 = tpu.dynamic_gather %get3A_249[%gather3A_275] in [0] : vector<16xf32>, vector<16xi32> -> vector<16xf32>
        %exp3A = math.exp %get3A_225 : vector<16xf32>
        %exp3A_277 = math.exp %get3A_231 : vector<16xf32>
        %exp3A_278 = math.exp %get3A_237 : vector<16xf32>
        %exp3A_279 = math.exp %get3A_243 : vector<16xf32>
        %sub3A = arith.subf %get3A_225, %gather3A_256 : vector<16xf32>
        %mul3A_280 = arith.mulf %exp3A, %sub3A : vector<16xf32>
        %sub3A_281 = arith.subf %get3A_231, %gather3A_256 : vector<16xf32>
        %mul3A_282 = arith.mulf %exp3A_277, %sub3A_281 : vector<16xf32>
        %sub3A_283 = arith.subf %get3A_237, %gather3A_256 : vector<16xf32>
        %mul3A_284 = arith.mulf %exp3A_278, %sub3A_283 : vector<16xf32>
        %sub3A_285 = arith.subf %get3A_243, %gather3A_256 : vector<16xf32>
        %mul3A_286 = arith.mulf %exp3A_279, %sub3A_285 : vector<16xf32>
        %exp3A_287 = math.exp %gather3A_266 : vector<16xf32>
        %exp3A_288 = math.exp %gather3A_276 : vector<16xf32>
        %sub3A_289 = arith.subf %gather3A_266, %gather3A_256 : vector<16xf32>
        %mul3A_290 = arith.mulf %exp3A_287, %sub3A_289 : vector<16xf32>
        %sub3A_291 = arith.subf %gather3A_276, %gather3A_256 : vector<16xf32>
        %mul3A_292 = arith.mulf %exp3A_288, %sub3A_291 : vector<16xf32>
        %add3A_293 = arith.addf %exp3A_287, %exp3A_288 : vector<16xf32>
        %add3A_294 = arith.addf %mul3A_290, %mul3A_292 : vector<16xf32>
        %swap3A_295 = arith.constant 0 : index
        %swap3A_296 = tpu.vector_load %arg7[%swap3A_295] {strides = array<i32>} : memref<80xf32, #tpu.memory_space<vmem>>, vector<16xf32>,
        %swap3A_297 = vector.shape_cast %swap3A_296 : vector<16xf32> to vector<16xf32>
        %swap3A_298 = vector.shape_cast %scan3A_214 : vector<16xf32> to vector<16xf32>
        tpu.vector_store %arg7[%swap3A_295], %swap3A_298 {strides = array<i32>} : memref<80xf32, #tpu.memory_space<vmem>>, vector<16xf32>,
        %swap3A_299 = arith.constant 0 : index
        %swap3A_300 = tpu.vector_load %arg8[%swap3A_299] {strides = array<i32>} : memref<80xf32, #tpu.memory_space<vmem>>, vector<16xf32>,
        %swap3A_301 = vector.shape_cast %swap3A_300 : vector<16xf32> to vector<16xf32>
        %swap3A_302 = vector.shape_cast %scan3A_215 : vector<16xf32> to vector<16xf32>
        tpu.vector_store %arg8[%swap3A_299], %swap3A_302 {strides = array<i32>} : memref<80xf32, #tpu.memory_space<vmem>>, vector<16xf32>,
        %swap3A_303 = arith.constant 8 : index
        %swap3A_304 = tpu.vector_load %arg7[%swap3A_303] {strides = array<i32>} : memref<80xf32, #tpu.memory_space<vmem>>, vector<16xf32>,
        %swap3A_305 = vector.shape_cast %swap3A_304 : vector<16xf32> to vector<16xf32>
        %swap3A_306 = vector.shape_cast %scan3A_198 : vector<16xf32> to vector<16xf32>
        tpu.vector_store %arg7[%swap3A_303], %swap3A_306 {strides = array<i32>} : memref<80xf32, #tpu.memory_space<vmem>>, vector<16xf32>,
        %swap3A_307 = arith.constant 8 : index
        %swap3A_308 = tpu.vector_load %arg8[%swap3A_307] {strides = array<i32>} : memref<80xf32, #tpu.memory_space<vmem>>, vector<16xf32>,
        %swap3A_309 = vector.shape_cast %swap3A_308 : vector<16xf32> to vector<16xf32>
        %swap3A_310 = vector.shape_cast %scan3A_202 : vector<16xf32> to vector<16xf32>
        tpu.vector_store %arg8[%swap3A_307], %swap3A_310 {strides = array<i32>} : memref<80xf32, #tpu.memory_space<vmem>>, vector<16xf32>,
        %swap3A_311 = arith.constant 8 : index
        %swap3A_312 = tpu.vector_load %arg9[%swap3A_311] {strides = array<i32>} : memref<80xf32, #tpu.memory_space<vmem>>, vector<16xf32>,
        %swap3A_313 = vector.shape_cast %swap3A_312 : vector<16xf32> to vector<16xf32>
        %swap3A_314 = vector.shape_cast %scan3A_206 : vector<16xf32> to vector<16xf32>
        tpu.vector_store %arg9[%swap3A_311], %swap3A_314 {strides = array<i32>} : memref<80xf32, #tpu.memory_space<vmem>>, vector<16xf32>,
        %swap3A_315 = arith.constant 8 : index
        %swap3A_316 = tpu.vector_load %arg10[%swap3A_315] {strides = array<i32>} : memref<80xf32, #tpu.memory_space<vmem>>, vector<16xf32>,
        %swap3A_317 = vector.shape_cast %swap3A_316 : vector<16xf32> to vector<16xf32>
        %swap3A_318 = vector.shape_cast %scan3A_210 : vector<16xf32> to vector<16xf32>
        tpu.vector_store %arg10[%swap3A_315], %swap3A_318 {strides = array<i32>} : memref<80xf32, #tpu.memory_space<vmem>>, vector<16xf32>,
        %swap3A_319 = arith.constant 24 : index
        %swap3A_320 = tpu.vector_load %arg7[%swap3A_319] {strides = array<i32>} : memref<80xf32, #tpu.memory_space<vmem>>, vector<16xf32>,
        %swap3A_321 = vector.shape_cast %swap3A_320 : vector<16xf32> to vector<16xf32>
        %swap3A_322 = vector.shape_cast %scan3A_199 : vector<16xf32> to vector<16xf32>
        tpu.vector_store %arg7[%swap3A_319], %swap3A_322 {strides = array<i32>} : memref<80xf32, #tpu.memory_space<vmem>>, vector<16xf32>,
        %swap3A_323 = arith.constant 24 : index
        %swap3A_324 = tpu.vector_load %arg8[%swap3A_323] {strides = array<i32>} : memref<80xf32, #tpu.memory_space<vmem>>, vector<16xf32>,
        %swap3A_325 = vector.shape_cast %swap3A_324 : vector<16xf32> to vector<16xf32>
        %swap3A_326 = vector.shape_cast %scan3A_203 : vector<16xf32> to vector<16xf32>
        tpu.vector_store %arg8[%swap3A_323], %swap3A_326 {strides = array<i32>} : memref<80xf32, #tpu.memory_space<vmem>>, vector<16xf32>,
        %swap3A_327 = arith.constant 24 : index
        %swap3A_328 = tpu.vector_load %arg9[%swap3A_327] {strides = array<i32>} : memref<80xf32, #tpu.memory_space<vmem>>, vector<16xf32>,
        %swap3A_329 = vector.shape_cast %swap3A_328 : vector<16xf32> to vector<16xf32>
        %swap3A_330 = vector.shape_cast %scan3A_207 : vector<16xf32> to vector<16xf32>
        tpu.vector_store %arg9[%swap3A_327], %swap3A_330 {strides = array<i32>} : memref<80xf32, #tpu.memory_space<vmem>>, vector<16xf32>,
        %swap3A_331 = arith.constant 24 : index
        %swap3A_332 = tpu.vector_load %arg10[%swap3A_331] {strides = array<i32>} : memref<80xf32, #tpu.memory_space<vmem>>, vector<16xf32>,
        %swap3A_333 = vector.shape_cast %swap3A_332 : vector<16xf32> to vector<16xf32>
        %swap3A_334 = vector.shape_cast %scan3A_211 : vector<16xf32> to vector<16xf32>
        tpu.vector_store %arg10[%swap3A_331], %swap3A_334 {strides = array<i32>} : memref<80xf32, #tpu.memory_space<vmem>>, vector<16xf32>,
        %swap3A_335 = arith.constant 40 : index
        %swap3A_336 = tpu.vector_load %arg7[%swap3A_335] {strides = array<i32>} : memref<80xf32, #tpu.memory_space<vmem>>, vector<16xf32>,
        %swap3A_337 = vector.shape_cast %swap3A_336 : vector<16xf32> to vector<16xf32>
        %swap3A_338 = vector.shape_cast %scan3A_200 : vector<16xf32> to vector<16xf32>
        tpu.vector_store %arg7[%swap3A_335], %swap3A_338 {strides = array<i32>} : memref<80xf32, #tpu.memory_space<vmem>>, vector<16xf32>,
        %swap3A_339 = arith.constant 40 : index
        %swap3A_340 = tpu.vector_load %arg8[%swap3A_339] {strides = array<i32>} : memref<80xf32, #tpu.memory_space<vmem>>, vector<16xf32>,
        %swap3A_341 = vector.shape_cast %swap3A_340 : vector<16xf32> to vector<16xf32>
        %swap3A_342 = vector.shape_cast %scan3A_204 : vector<16xf32> to vector<16xf32>
        tpu.vector_store %arg8[%swap3A_339], %swap3A_342 {strides = array<i32>} : memref<80xf32, #tpu.memory_space<vmem>>, vector<16xf32>,
        %swap3A_343 = arith.constant 40 : index
        %swap3A_344 = tpu.vector_load %arg9[%swap3A_343] {strides = array<i32>} : memref<80xf32, #tpu.memory_space<vmem>>, vector<16xf32>,
        %swap3A_345 = vector.shape_cast %swap3A_344 : vector<16xf32> to vector<16xf32>
        %swap3A_346 = vector.shape_cast %scan3A_208 : vector<16xf32> to vector<16xf32>
        tpu.vector_store %arg9[%swap3A_343], %swap3A_346 {strides = array<i32>} : memref<80xf32, #tpu.memory_space<vmem>>, vector<16xf32>,
        %swap3A_347 = arith.constant 40 : index
        %swap3A_348 = tpu.vector_load %arg10[%swap3A_347] {strides = array<i32>} : memref<80xf32, #tpu.memory_space<vmem>>, vector<16xf32>,
        %swap3A_349 = vector.shape_cast %swap3A_348 : vector<16xf32> to vector<16xf32>
        %swap3A_350 = vector.shape_cast %scan3A_212 : vector<16xf32> to vector<16xf32>
        tpu.vector_store %arg10[%swap3A_347], %swap3A_350 {strides = array<i32>} : memref<80xf32, #tpu.memory_space<vmem>>, vector<16xf32>,
        %swap3A_351 = arith.constant 56 : index
        %swap3A_352 = tpu.vector_load %arg7[%swap3A_351] {strides = array<i32>} : memref<80xf32, #tpu.memory_space<vmem>>, vector<16xf32>,
        %swap3A_353 = vector.shape_cast %swap3A_352 : vector<16xf32> to vector<16xf32>
        %swap3A_354 = vector.shape_cast %scan3A_201 : vector<16xf32> to vector<16xf32>
        tpu.vector_store %arg7[%swap3A_351], %swap3A_354 {strides = array<i32>} : memref<80xf32, #tpu.memory_space<vmem>>, vector<16xf32>,
        %swap3A_355 = arith.constant 56 : index
        %swap3A_356 = tpu.vector_load %arg8[%swap3A_355] {strides = array<i32>} : memref<80xf32, #tpu.memory_space<vmem>>, vector<16xf32>,
        %swap3A_357 = vector.shape_cast %swap3A_356 : vector<16xf32> to vector<16xf32>
        %swap3A_358 = vector.shape_cast %scan3A_205 : vector<16xf32> to vector<16xf32>
        tpu.vector_store %arg8[%swap3A_355], %swap3A_358 {strides = array<i32>} : memref<80xf32, #tpu.memory_space<vmem>>, vector<16xf32>,
        %swap3A_359 = arith.constant 56 : index
        %swap3A_360 = tpu.vector_load %arg9[%swap3A_359] {strides = array<i32>} : memref<80xf32, #tpu.memory_space<vmem>>, vector<16xf32>,
        %swap3A_361 = vector.shape_cast %swap3A_360 : vector<16xf32> to vector<16xf32>
        %swap3A_362 = vector.shape_cast %scan3A_209 : vector<16xf32> to vector<16xf32>
        tpu.vector_store %arg9[%swap3A_359], %swap3A_362 {strides = array<i32>} : memref<80xf32, #tpu.memory_space<vmem>>, vector<16xf32>,
        %swap3A_363 = arith.constant 56 : index
        %swap3A_364 = tpu.vector_load %arg10[%swap3A_363] {strides = array<i32>} : memref<80xf32, #tpu.memory_space<vmem>>, vector<16xf32>,
        %swap3A_365 = vector.shape_cast %swap3A_364 : vector<16xf32> to vector<16xf32>
        %swap3A_366 = vector.shape_cast %scan3A_213 : vector<16xf32> to vector<16xf32>
        tpu.vector_store %arg10[%swap3A_363], %swap3A_366 {strides = array<i32>} : memref<80xf32, #tpu.memory_space<vmem>>, vector<16xf32>,
        %mul3A_367 = arith.mulf %add3A_293, %scan3A_198 : vector<16xf32>
        %mul3A_368 = arith.mulf %exp3A_287, %scan3A_206 : vector<16xf32>
        %add3A_369 = arith.addf %mul3A_367, %mul3A_368 : vector<16xf32>
        %mul3A_370 = arith.mulf %add3A_293, %scan3A_199 : vector<16xf32>
        %mul3A_371 = arith.mulf %exp3A_287, %scan3A_207 : vector<16xf32>
        %add3A_372 = arith.addf %mul3A_370, %mul3A_371 : vector<16xf32>
        %mul3A_373 = arith.mulf %add3A_293, %scan3A_200 : vector<16xf32>
        %mul3A_374 = arith.mulf %exp3A_287, %scan3A_208 : vector<16xf32>
        %add3A_375 = arith.addf %mul3A_373, %mul3A_374 : vector<16xf32>
        %mul3A_376 = arith.mulf %add3A_293, %scan3A_201 : vector<16xf32>
        %mul3A_377 = arith.mulf %exp3A_287, %scan3A_209 : vector<16xf32>
        %add3A_378 = arith.addf %mul3A_376, %mul3A_377 : vector<16xf32>
        %mul3A_379 = arith.mulf %add3A_293, %scan3A_202 : vector<16xf32>
        %mul3A_380 = arith.mulf %add3A_294, %scan3A_198 : vector<16xf32>
        %add3A_381 = arith.addf %mul3A_379, %mul3A_380 : vector<16xf32>
        %mul3A_382 = arith.mulf %exp3A_287, %scan3A_210 : vector<16xf32>
        %add3A_383 = arith.addf %add3A_381, %mul3A_382 : vector<16xf32>
        %mul3A_384 = arith.mulf %mul3A_290, %scan3A_206 : vector<16xf32>
        %add3A_385 = arith.addf %add3A_383, %mul3A_384 : vector<16xf32>
        %mul3A_386 = arith.mulf %add3A_293, %scan3A_203 : vector<16xf32>
        %mul3A_387 = arith.mulf %add3A_294, %scan3A_199 : vector<16xf32>
        %add3A_388 = arith.addf %mul3A_386, %mul3A_387 : vector<16xf32>
        %mul3A_389 = arith.mulf %exp3A_287, %scan3A_211 : vector<16xf32>
        %add3A_390 = arith.addf %add3A_388, %mul3A_389 : vector<16xf32>
        %mul3A_391 = arith.mulf %mul3A_290, %scan3A_207 : vector<16xf32>
        %add3A_392 = arith.addf %add3A_390, %mul3A_391 : vector<16xf32>
        %mul3A_393 = arith.mulf %add3A_293, %scan3A_204 : vector<16xf32>
        %mul3A_394 = arith.mulf %add3A_294, %scan3A_200 : vector<16xf32>
        %add3A_395 = arith.addf %mul3A_393, %mul3A_394 : vector<16xf32>
        %mul3A_396 = arith.mulf %exp3A_287, %scan3A_212 : vector<16xf32>
        %add3A_397 = arith.addf %add3A_395, %mul3A_396 : vector<16xf32>
        %mul3A_398 = arith.mulf %mul3A_290, %scan3A_208 : vector<16xf32>
        %add3A_399 = arith.addf %add3A_397, %mul3A_398 : vector<16xf32>
        %mul3A_400 = arith.mulf %add3A_293, %scan3A_205 : vector<16xf32>
        %mul3A_401 = arith.mulf %add3A_294, %scan3A_201 : vector<16xf32>
        %add3A_402 = arith.addf %mul3A_400, %mul3A_401 : vector<16xf32>
        %mul3A_403 = arith.mulf %exp3A_287, %scan3A_213 : vector<16xf32>
        %add3A_404 = arith.addf %add3A_402, %mul3A_403 : vector<16xf32>
        %mul3A_405 = arith.mulf %mul3A_290, %scan3A_209 : vector<16xf32>
        %add3A_406 = arith.addf %add3A_404, %mul3A_405 : vector<16xf32>
        %mul3A_407 = arith.mulf %add3A_293, %scan3A_214 : vector<16xf32>
        %mul3A_408 = arith.mulf %add3A_293, %scan3A_215 : vector<16xf32>
        %mul3A_409 = arith.mulf %add3A_294, %scan3A_214 : vector<16xf32>
        %add3A_410 = arith.addf %mul3A_408, %mul3A_409 : vector<16xf32>
        %get3A_411 = arith.constant 7 : index
        %get3A_412 = tpu.vector_load %arg7[%get3A_411] {strides = array<i32>} : memref<80xf32, #tpu.memory_space<vmem>>, vector<16xf32>,
        %get3A_413 = vector.shape_cast %get3A_412 : vector<16xf32> to vector<16xf32>
        %get3A_414 = arith.constant 7 : index
        %get3A_415 = tpu.vector_load %arg8[%get3A_414] {strides = array<i32>} : memref<80xf32, #tpu.memory_space<vmem>>, vector<16xf32>,
        %get3A_416 = vector.shape_cast %get3A_415 : vector<16xf32> to vector<16xf32>
        %get3A_417 = arith.constant 7 : index
        %get3A_418 = tpu.vector_load %arg9[%get3A_417] {strides = array<i32>} : memref<80xf32, #tpu.memory_space<vmem>>, vector<16xf32>,
        %get3A_419 = vector.shape_cast %get3A_418 : vector<16xf32> to vector<16xf32>
        %get3A_420 = arith.constant 7 : index
        %get3A_421 = tpu.vector_load %arg10[%get3A_420] {strides = array<i32>} : memref<80xf32, #tpu.memory_space<vmem>>, vector<16xf32>,
        %get3A_422 = vector.shape_cast %get3A_421 : vector<16xf32> to vector<16xf32>
        %mul3A_423 = arith.mulf %get3A_12, %get3A_419 : vector<16xf32>
        %add3A_424 = arith.addf %get3A_413, %mul3A_423 : vector<16xf32>
        %mul3A_425 = arith.mulf %get3A_12, %get3A_422 : vector<16xf32>
        %add3A_426 = arith.addf %get3A_416, %mul3A_425 : vector<16xf32>
        %add3A_427 = arith.addf %exp3A, %exp3A_288 : vector<16xf32>
        %add3A_428 = arith.addf %mul3A_280, %mul3A_292 : vector<16xf32>
        %mul3A_429 = arith.mulf %add3A_427, %scan3A_206 : vector<16xf32>
        %mul3A_430 = arith.mulf %exp3A, %add3A_424 : vector<16xf32>
        %add3A_431 = arith.addf %mul3A_429, %mul3A_430 : vector<16xf32>
        %mul3A_432 = arith.mulf %add3A_427, %scan3A_210 : vector<16xf32>
        %mul3A_433 = arith.mulf %add3A_428, %scan3A_206 : vector<16xf32>
        %add3A_434 = arith.addf %mul3A_432, %mul3A_433 : vector<16xf32>
        %mul3A_435 = arith.mulf %exp3A, %add3A_426 : vector<16xf32>
        %add3A_436 = arith.addf %add3A_434, %mul3A_435 : vector<16xf32>
        %mul3A_437 = arith.mulf %mul3A_280, %add3A_424 : vector<16xf32>
        %add3A_438 = arith.addf %add3A_436, %mul3A_437 : vector<16xf32>
        %get3A_439 = arith.constant 23 : index
        %get3A_440 = tpu.vector_load %arg7[%get3A_439] {strides = array<i32>} : memref<80xf32, #tpu.memory_space<vmem>>, vector<16xf32>,
        %get3A_441 = vector.shape_cast %get3A_440 : vector<16xf32> to vector<16xf32>
        %get3A_442 = arith.constant 23 : index
        %get3A_443 = tpu.vector_load %arg8[%get3A_442] {strides = array<i32>} : memref<80xf32, #tpu.memory_space<vmem>>, vector<16xf32>,
        %get3A_444 = vector.shape_cast %get3A_443 : vector<16xf32> to vector<16xf32>
        %get3A_445 = arith.constant 23 : index
        %get3A_446 = tpu.vector_load %arg9[%get3A_445] {strides = array<i32>} : memref<80xf32, #tpu.memory_space<vmem>>, vector<16xf32>,
        %get3A_447 = vector.shape_cast %get3A_446 : vector<16xf32> to vector<16xf32>
        %get3A_448 = arith.constant 23 : index
        %get3A_449 = tpu.vector_load %arg10[%get3A_448] {strides = array<i32>} : memref<80xf32, #tpu.memory_space<vmem>>, vector<16xf32>,
        %get3A_450 = vector.shape_cast %get3A_449 : vector<16xf32> to vector<16xf32>
        %mul3A_451 = arith.mulf %get3A_15, %get3A_447 : vector<16xf32>
        %add3A_452 = arith.addf %get3A_441, %mul3A_451 : vector<16xf32>
        %mul3A_453 = arith.mulf %get3A_15, %get3A_450 : vector<16xf32>
        %add3A_454 = arith.addf %get3A_444, %mul3A_453 : vector<16xf32>
        %add3A_455 = arith.addf %exp3A_277, %exp3A_288 : vector<16xf32>
        %add3A_456 = arith.addf %mul3A_282, %mul3A_292 : vector<16xf32>
        %mul3A_457 = arith.mulf %add3A_455, %scan3A_207 : vector<16xf32>
        %mul3A_458 = arith.mulf %exp3A_277, %add3A_452 : vector<16xf32>
        %add3A_459 = arith.addf %mul3A_457, %mul3A_458 : vector<16xf32>
        %mul3A_460 = arith.mulf %add3A_455, %scan3A_211 : vector<16xf32>
        %mul3A_461 = arith.mulf %add3A_456, %scan3A_207 : vector<16xf32>
        %add3A_462 = arith.addf %mul3A_460, %mul3A_461 : vector<16xf32>
        %mul3A_463 = arith.mulf %exp3A_277, %add3A_454 : vector<16xf32>
        %add3A_464 = arith.addf %add3A_462, %mul3A_463 : vector<16xf32>
        %mul3A_465 = arith.mulf %mul3A_282, %add3A_452 : vector<16xf32>
        %add3A_466 = arith.addf %add3A_464, %mul3A_465 : vector<16xf32>
        %get3A_467 = arith.constant 39 : index
        %get3A_468 = tpu.vector_load %arg7[%get3A_467] {strides = array<i32>} : memref<80xf32, #tpu.memory_space<vmem>>, vector<16xf32>,
        %get3A_469 = vector.shape_cast %get3A_468 : vector<16xf32> to vector<16xf32>
        %get3A_470 = arith.constant 39 : index
        %get3A_471 = tpu.vector_load %arg8[%get3A_470] {strides = array<i32>} : memref<80xf32, #tpu.memory_space<vmem>>, vector<16xf32>,
        %get3A_472 = vector.shape_cast %get3A_471 : vector<16xf32> to vector<16xf32>
        %get3A_473 = arith.constant 39 : index
        %get3A_474 = tpu.vector_load %arg9[%get3A_473] {strides = array<i32>} : memref<80xf32, #tpu.memory_space<vmem>>, vector<16xf32>,
        %get3A_475 = vector.shape_cast %get3A_474 : vector<16xf32> to vector<16xf32>
        %get3A_476 = arith.constant 39 : index
        %get3A_477 = tpu.vector_load %arg10[%get3A_476] {strides = array<i32>} : memref<80xf32, #tpu.memory_space<vmem>>, vector<16xf32>,
        %get3A_478 = vector.shape_cast %get3A_477 : vector<16xf32> to vector<16xf32>
        %mul3A_479 = arith.mulf %get3A_18, %get3A_475 : vector<16xf32>
        %add3A_480 = arith.addf %get3A_469, %mul3A_479 : vector<16xf32>
        %mul3A_481 = arith.mulf %get3A_18, %get3A_478 : vector<16xf32>
        %add3A_482 = arith.addf %get3A_472, %mul3A_481 : vector<16xf32>
        %add3A_483 = arith.addf %exp3A_278, %exp3A_288 : vector<16xf32>
        %add3A_484 = arith.addf %mul3A_284, %mul3A_292 : vector<16xf32>
        %mul3A_485 = arith.mulf %add3A_483, %scan3A_208 : vector<16xf32>
        %mul3A_486 = arith.mulf %exp3A_278, %add3A_480 : vector<16xf32>
        %add3A_487 = arith.addf %mul3A_485, %mul3A_486 : vector<16xf32>
        %mul3A_488 = arith.mulf %add3A_483, %scan3A_212 : vector<16xf32>
        %mul3A_489 = arith.mulf %add3A_484, %scan3A_208 : vector<16xf32>
        %add3A_490 = arith.addf %mul3A_488, %mul3A_489 : vector<16xf32>
        %mul3A_491 = arith.mulf %exp3A_278, %add3A_482 : vector<16xf32>
        %add3A_492 = arith.addf %add3A_490, %mul3A_491 : vector<16xf32>
        %mul3A_493 = arith.mulf %mul3A_284, %add3A_480 : vector<16xf32>
        %add3A_494 = arith.addf %add3A_492, %mul3A_493 : vector<16xf32>
        %get3A_495 = arith.constant 55 : index
        %get3A_496 = tpu.vector_load %arg7[%get3A_495] {strides = array<i32>} : memref<80xf32, #tpu.memory_space<vmem>>, vector<16xf32>,
        %get3A_497 = vector.shape_cast %get3A_496 : vector<16xf32> to vector<16xf32>
        %get3A_498 = arith.constant 55 : index
        %get3A_499 = tpu.vector_load %arg8[%get3A_498] {strides = array<i32>} : memref<80xf32, #tpu.memory_space<vmem>>, vector<16xf32>,
        %get3A_500 = vector.shape_cast %get3A_499 : vector<16xf32> to vector<16xf32>
        %get3A_501 = arith.constant 55 : index
        %get3A_502 = tpu.vector_load %arg9[%get3A_501] {strides = array<i32>} : memref<80xf32, #tpu.memory_space<vmem>>, vector<16xf32>,
        %get3A_503 = vector.shape_cast %get3A_502 : vector<16xf32> to vector<16xf32>
        %get3A_504 = arith.constant 55 : index
        %get3A_505 = tpu.vector_load %arg10[%get3A_504] {strides = array<i32>} : memref<80xf32, #tpu.memory_space<vmem>>, vector<16xf32>,
        %get3A_506 = vector.shape_cast %get3A_505 : vector<16xf32> to vector<16xf32>
        %mul3A_507 = arith.mulf %get3A_21, %get3A_503 : vector<16xf32>
        %add3A_508 = arith.addf %get3A_497, %mul3A_507 : vector<16xf32>
        %mul3A_509 = arith.mulf %get3A_21, %get3A_506 : vector<16xf32>
        %add3A_510 = arith.addf %get3A_500, %mul3A_509 : vector<16xf32>
        %add3A_511 = arith.addf %exp3A_279, %exp3A_288 : vector<16xf32>
        %add3A_512 = arith.addf %mul3A_286, %mul3A_292 : vector<16xf32>
        %mul3A_513 = arith.mulf %add3A_511, %scan3A_209 : vector<16xf32>
        %mul3A_514 = arith.mulf %exp3A_279, %add3A_508 : vector<16xf32>
        %add3A_515 = arith.addf %mul3A_513, %mul3A_514 : vector<16xf32>
        %mul3A_516 = arith.mulf %add3A_511, %scan3A_213 : vector<16xf32>
        %mul3A_517 = arith.mulf %add3A_512, %scan3A_209 : vector<16xf32>
        %add3A_518 = arith.addf %mul3A_516, %mul3A_517 : vector<16xf32>
        %mul3A_519 = arith.mulf %exp3A_279, %add3A_510 : vector<16xf32>
        %add3A_520 = arith.addf %add3A_518, %mul3A_519 : vector<16xf32>
        %mul3A_521 = arith.mulf %mul3A_286, %add3A_508 : vector<16xf32>
        %add3A_522 = arith.addf %add3A_520, %mul3A_521 : vector<16xf32>
        %mul3A_523 = arith.constant 4 : i32
        %mul3A_524 = arith.muli %mul3A_523, %scan3A_197 : i32
        %add3A_525 = arith.constant 1 : i32
        %add3A_526 = arith.addi %mul3A_524, %add3A_525 : i32
        %get3A_527 = arith.constant 0 : i32
        %get3A_528 = arith.index_cast %get3A_527 : i32 to index
        %get3A_529 = arith.index_cast %add3A_526 : i32 to index
        %get3A_530 = arith.constant 0 : index
        %get3A_531 = tpu.vector_load %arg5[%get3A_528, %get3A_529, %get3A_530] {strides = array<i32>} : memref<2x64x80xf32, #tpu.memory_space<vmem>>, vector<1x1x16xf32>,
        %get3A_532 = vector.shape_cast %get3A_531 : vector<1x1x16xf32> to vector<16xf32>
        %get3A_533 = arith.constant 0 : i32
        %get3A_534 = arith.index_cast %get3A_533 : i32 to index
        %get3A_535 = arith.index_cast %add3A_526 : i32 to index
        %get3A_536 = arith.constant 16 : index
        %get3A_537 = tpu.vector_load %arg5[%get3A_534, %get3A_535, %get3A_536] {strides = array<i32>} : memref<2x64x80xf32, #tpu.memory_space<vmem>>, vector<1x1x16xf32>,
        %get3A_538 = vector.shape_cast %get3A_537 : vector<1x1x16xf32> to vector<16xf32>
        %get3A_539 = arith.constant 0 : i32
        %get3A_540 = arith.index_cast %get3A_539 : i32 to index
        %get3A_541 = arith.index_cast %add3A_526 : i32 to index
        %get3A_542 = arith.constant 32 : index
        %get3A_543 = tpu.vector_load %arg5[%get3A_540, %get3A_541, %get3A_542] {strides = array<i32>} : memref<2x64x80xf32, #tpu.memory_space<vmem>>, vector<1x1x16xf32>,
        %get3A_544 = vector.shape_cast %get3A_543 : vector<1x1x16xf32> to vector<16xf32>
        %get3A_545 = arith.constant 0 : i32
        %get3A_546 = arith.index_cast %get3A_545 : i32 to index
        %get3A_547 = arith.index_cast %add3A_526 : i32 to index
        %get3A_548 = arith.constant 48 : index
        %get3A_549 = tpu.vector_load %arg5[%get3A_546, %get3A_547, %get3A_548] {strides = array<i32>} : memref<2x64x80xf32, #tpu.memory_space<vmem>>, vector<1x1x16xf32>,
        %get3A_550 = vector.shape_cast %get3A_549 : vector<1x1x16xf32> to vector<16xf32>
        %get3A_551 = arith.constant 0 : i32
        %get3A_552 = arith.index_cast %get3A_551 : i32 to index
        %get3A_553 = arith.index_cast %add3A_526 : i32 to index
        %get3A_554 = arith.constant 64 : index
        %get3A_555 = tpu.vector_load %arg5[%get3A_552, %get3A_553, %get3A_554] {strides = array<i32>} : memref<2x64x80xf32, #tpu.memory_space<vmem>>, vector<1x1x16xf32>,
        %get3A_556 = vector.shape_cast %get3A_555 : vector<1x1x16xf32> to vector<16xf32>
        %lt3A_557 = arith.constant 0 : i32
        %lt3A_558 = vector.broadcast %lt3A_557 : i32 to vector<16xi32>
        %lt3A_559 = arith.cmpi slt, %broadcast_in_dim3A_35, %lt3A_558 : vector<16xi32>
        %add3A_560 = arith.constant 16 : i32
        %add3A_561 = vector.broadcast %add3A_560 : i32 to vector<16xi32>
        %add3A_562 = arith.addi %broadcast_in_dim3A_35, %add3A_561 : vector<16xi32>
        %select_n3A_563 = arith.select %lt3A_559, %add3A_562, %broadcast_in_dim3A_35 : vector<16xi1>, vector<16xi32>
        %broadcast_in_dim3A_564 = vector.shape_cast %select_n3A_563 : vector<16xi32> to vector<16x1xi32>
        %gather3A_565 = vector.shape_cast %broadcast_in_dim3A_564 : vector<16x1xi32> to vector<16xi32>
        %gather3A_566 = tpu.dynamic_gather %get3A_556[%gather3A_565] in [0] : vector<16xf32>, vector<16xi32> -> vector<16xf32>
        %lt3A_567 = arith.constant 0 : i32
        %lt3A_568 = vector.broadcast %lt3A_567 : i32 to vector<16xi32>
        %lt3A_569 = arith.cmpi slt, %broadcast_in_dim3A_31, %lt3A_568 : vector<16xi32>
        %add3A_570 = arith.constant 16 : i32
        %add3A_571 = vector.broadcast %add3A_570 : i32 to vector<16xi32>
        %add3A_572 = arith.addi %broadcast_in_dim3A_31, %add3A_571 : vector<16xi32>
        %select_n3A_573 = arith.select %lt3A_569, %add3A_572, %broadcast_in_dim3A_31 : vector<16xi1>, vector<16xi32>
        %broadcast_in_dim3A_574 = vector.shape_cast %select_n3A_573 : vector<16xi32> to vector<16x1xi32>
        %gather3A_575 = vector.shape_cast %broadcast_in_dim3A_574 : vector<16x1xi32> to vector<16xi32>
        %gather3A_576 = tpu.dynamic_gather %get3A_556[%gather3A_575] in [0] : vector<16xf32>, vector<16xi32> -> vector<16xf32>
        %lt3A_577 = arith.constant 0 : i32
        %lt3A_578 = vector.broadcast %lt3A_577 : i32 to vector<16xi32>
        %lt3A_579 = arith.cmpi slt, %broadcast_in_dim3A_33, %lt3A_578 : vector<16xi32>
        %add3A_580 = arith.constant 16 : i32
        %add3A_581 = vector.broadcast %add3A_580 : i32 to vector<16xi32>
        %add3A_582 = arith.addi %broadcast_in_dim3A_33, %add3A_581 : vector<16xi32>
        %select_n3A_583 = arith.select %lt3A_579, %add3A_582, %broadcast_in_dim3A_33 : vector<16xi1>, vector<16xi32>
        %broadcast_in_dim3A_584 = vector.shape_cast %select_n3A_583 : vector<16xi32> to vector<16x1xi32>
        %gather3A_585 = vector.shape_cast %broadcast_in_dim3A_584 : vector<16x1xi32> to vector<16xi32>
        %gather3A_586 = tpu.dynamic_gather %get3A_556[%gather3A_585] in [0] : vector<16xf32>, vector<16xi32> -> vector<16xf32>
        %exp3A_587 = math.exp %get3A_532 : vector<16xf32>
        %exp3A_588 = math.exp %get3A_538 : vector<16xf32>
        %exp3A_589 = math.exp %get3A_544 : vector<16xf32>
        %exp3A_590 = math.exp %get3A_550 : vector<16xf32>
        %sub3A_591 = arith.subf %get3A_532, %gather3A_566 : vector<16xf32>
        %mul3A_592 = arith.mulf %exp3A_587, %sub3A_591 : vector<16xf32>
        %sub3A_593 = arith.subf %get3A_538, %gather3A_566 : vector<16xf32>
        %mul3A_594 = arith.mulf %exp3A_588, %sub3A_593 : vector<16xf32>
        %sub3A_595 = arith.subf %get3A_544, %gather3A_566 : vector<16xf32>
        %mul3A_596 = arith.mulf %exp3A_589, %sub3A_595 : vector<16xf32>
        %sub3A_597 = arith.subf %get3A_550, %gather3A_566 : vector<16xf32>
        %mul3A_598 = arith.mulf %exp3A_590, %sub3A_597 : vector<16xf32>
        %exp3A_599 = math.exp %gather3A_576 : vector<16xf32>
        %exp3A_600 = math.exp %gather3A_586 : vector<16xf32>
        %sub3A_601 = arith.subf %gather3A_576, %gather3A_566 : vector<16xf32>
        %mul3A_602 = arith.mulf %exp3A_599, %sub3A_601 : vector<16xf32>
        %sub3A_603 = arith.subf %gather3A_586, %gather3A_566 : vector<16xf32>
        %mul3A_604 = arith.mulf %exp3A_600, %sub3A_603 : vector<16xf32>
        %add3A_605 = arith.addf %exp3A_599, %exp3A_600 : vector<16xf32>
        %add3A_606 = arith.addf %mul3A_602, %mul3A_604 : vector<16xf32>
        %swap3A_607 = arith.constant 0 : index
        %swap3A_608 = tpu.vector_load %arg7[%swap3A_607] {strides = array<i32>} : memref<80xf32, #tpu.memory_space<vmem>>, vector<16xf32>,
        %swap3A_609 = vector.shape_cast %swap3A_608 : vector<16xf32> to vector<16xf32>
        %swap3A_610 = vector.shape_cast %mul3A_407 : vector<16xf32> to vector<16xf32>
        tpu.vector_store %arg7[%swap3A_607], %swap3A_610 {strides = array<i32>} : memref<80xf32, #tpu.memory_space<vmem>>, vector<16xf32>,
        %swap3A_611 = arith.constant 0 : index
        %swap3A_612 = tpu.vector_load %arg8[%swap3A_611] {strides = array<i32>} : memref<80xf32, #tpu.memory_space<vmem>>, vector<16xf32>,
        %swap3A_613 = vector.shape_cast %swap3A_612 : vector<16xf32> to vector<16xf32>
        %swap3A_614 = vector.shape_cast %add3A_410 : vector<16xf32> to vector<16xf32>
        tpu.vector_store %arg8[%swap3A_611], %swap3A_614 {strides = array<i32>} : memref<80xf32, #tpu.memory_space<vmem>>, vector<16xf32>,
        %swap3A_615 = arith.constant 8 : index
        %swap3A_616 = tpu.vector_load %arg7[%swap3A_615] {strides = array<i32>} : memref<80xf32, #tpu.memory_space<vmem>>, vector<16xf32>,
        %swap3A_617 = vector.shape_cast %swap3A_616 : vector<16xf32> to vector<16xf32>
        %swap3A_618 = vector.shape_cast %add3A_369 : vector<16xf32> to vector<16xf32>
        tpu.vector_store %arg7[%swap3A_615], %swap3A_618 {strides = array<i32>} : memref<80xf32, #tpu.memory_space<vmem>>, vector<16xf32>,
        %swap3A_619 = arith.constant 8 : index
        %swap3A_620 = tpu.vector_load %arg8[%swap3A_619] {strides = array<i32>} : memref<80xf32, #tpu.memory_space<vmem>>, vector<16xf32>,
        %swap3A_621 = vector.shape_cast %swap3A_620 : vector<16xf32> to vector<16xf32>
        %swap3A_622 = vector.shape_cast %add3A_385 : vector<16xf32> to vector<16xf32>
        tpu.vector_store %arg8[%swap3A_619], %swap3A_622 {strides = array<i32>} : memref<80xf32, #tpu.memory_space<vmem>>, vector<16xf32>,
        %swap3A_623 = arith.constant 8 : index
        %swap3A_624 = tpu.vector_load %arg9[%swap3A_623] {strides = array<i32>} : memref<80xf32, #tpu.memory_space<vmem>>, vector<16xf32>,
        %swap3A_625 = vector.shape_cast %swap3A_624 : vector<16xf32> to vector<16xf32>
        %swap3A_626 = vector.shape_cast %add3A_431 : vector<16xf32> to vector<16xf32>
        tpu.vector_store %arg9[%swap3A_623], %swap3A_626 {strides = array<i32>} : memref<80xf32, #tpu.memory_space<vmem>>, vector<16xf32>,
        %swap3A_627 = arith.constant 8 : index
        %swap3A_628 = tpu.vector_load %arg10[%swap3A_627] {strides = array<i32>} : memref<80xf32, #tpu.memory_space<vmem>>, vector<16xf32>,
        %swap3A_629 = vector.shape_cast %swap3A_628 : vector<16xf32> to vector<16xf32>
        %swap3A_630 = vector.shape_cast %add3A_438 : vector<16xf32> to vector<16xf32>
        tpu.vector_store %arg10[%swap3A_627], %swap3A_630 {strides = array<i32>} : memref<80xf32, #tpu.memory_space<vmem>>, vector<16xf32>,
        %swap3A_631 = arith.constant 24 : index
        %swap3A_632 = tpu.vector_load %arg7[%swap3A_631] {strides = array<i32>} : memref<80xf32, #tpu.memory_space<vmem>>, vector<16xf32>,
        %swap3A_633 = vector.shape_cast %swap3A_632 : vector<16xf32> to vector<16xf32>
        %swap3A_634 = vector.shape_cast %add3A_372 : vector<16xf32> to vector<16xf32>
        tpu.vector_store %arg7[%swap3A_631], %swap3A_634 {strides = array<i32>} : memref<80xf32, #tpu.memory_space<vmem>>, vector<16xf32>,
        %swap3A_635 = arith.constant 24 : index
        %swap3A_636 = tpu.vector_load %arg8[%swap3A_635] {strides = array<i32>} : memref<80xf32, #tpu.memory_space<vmem>>, vector<16xf32>,
        %swap3A_637 = vector.shape_cast %swap3A_636 : vector<16xf32> to vector<16xf32>
        %swap3A_638 = vector.shape_cast %add3A_392 : vector<16xf32> to vector<16xf32>
        tpu.vector_store %arg8[%swap3A_635], %swap3A_638 {strides = array<i32>} : memref<80xf32, #tpu.memory_space<vmem>>, vector<16xf32>,
        %swap3A_639 = arith.constant 24 : index
        %swap3A_640 = tpu.vector_load %arg9[%swap3A_639] {strides = array<i32>} : memref<80xf32, #tpu.memory_space<vmem>>, vector<16xf32>,
        %swap3A_641 = vector.shape_cast %swap3A_640 : vector<16xf32> to vector<16xf32>
        %swap3A_642 = vector.shape_cast %add3A_459 : vector<16xf32> to vector<16xf32>
        tpu.vector_store %arg9[%swap3A_639], %swap3A_642 {strides = array<i32>} : memref<80xf32, #tpu.memory_space<vmem>>, vector<16xf32>,
        %swap3A_643 = arith.constant 24 : index
        %swap3A_644 = tpu.vector_load %arg10[%swap3A_643] {strides = array<i32>} : memref<80xf32, #tpu.memory_space<vmem>>, vector<16xf32>,
        %swap3A_645 = vector.shape_cast %swap3A_644 : vector<16xf32> to vector<16xf32>
        %swap3A_646 = vector.shape_cast %add3A_466 : vector<16xf32> to vector<16xf32>
        tpu.vector_store %arg10[%swap3A_643], %swap3A_646 {strides = array<i32>} : memref<80xf32, #tpu.memory_space<vmem>>, vector<16xf32>,
        %swap3A_647 = arith.constant 40 : index
        %swap3A_648 = tpu.vector_load %arg7[%swap3A_647] {strides = array<i32>} : memref<80xf32, #tpu.memory_space<vmem>>, vector<16xf32>,
        %swap3A_649 = vector.shape_cast %swap3A_648 : vector<16xf32> to vector<16xf32>
        %swap3A_650 = vector.shape_cast %add3A_375 : vector<16xf32> to vector<16xf32>
        tpu.vector_store %arg7[%swap3A_647], %swap3A_650 {strides = array<i32>} : memref<80xf32, #tpu.memory_space<vmem>>, vector<16xf32>,
        %swap3A_651 = arith.constant 40 : index
        %swap3A_652 = tpu.vector_load %arg8[%swap3A_651] {strides = array<i32>} : memref<80xf32, #tpu.memory_space<vmem>>, vector<16xf32>,
        %swap3A_653 = vector.shape_cast %swap3A_652 : vector<16xf32> to vector<16xf32>
        %swap3A_654 = vector.shape_cast %add3A_399 : vector<16xf32> to vector<16xf32>
        tpu.vector_store %arg8[%swap3A_651], %swap3A_654 {strides = array<i32>} : memref<80xf32, #tpu.memory_space<vmem>>, vector<16xf32>,
        %swap3A_655 = arith.constant 40 : index
        %swap3A_656 = tpu.vector_load %arg9[%swap3A_655] {strides = array<i32>} : memref<80xf32, #tpu.memory_space<vmem>>, vector<16xf32>,
        %swap3A_657 = vector.shape_cast %swap3A_656 : vector<16xf32> to vector<16xf32>
        %swap3A_658 = vector.shape_cast %add3A_487 : vector<16xf32> to vector<16xf32>
        tpu.vector_store %arg9[%swap3A_655], %swap3A_658 {strides = array<i32>} : memref<80xf32, #tpu.memory_space<vmem>>, vector<16xf32>,
        %swap3A_659 = arith.constant 40 : index
        %swap3A_660 = tpu.vector_load %arg10[%swap3A_659] {strides = array<i32>} : memref<80xf32, #tpu.memory_space<vmem>>, vector<16xf32>,
        %swap3A_661 = vector.shape_cast %swap3A_660 : vector<16xf32> to vector<16xf32>
        %swap3A_662 = vector.shape_cast %add3A_494 : vector<16xf32> to vector<16xf32>
        tpu.vector_store %arg10[%swap3A_659], %swap3A_662 {strides = array<i32>} : memref<80xf32, #tpu.memory_space<vmem>>, vector<16xf32>,
        %swap3A_663 = arith.constant 56 : index
        %swap3A_664 = tpu.vector_load %arg7[%swap3A_663] {strides = array<i32>} : memref<80xf32, #tpu.memory_space<vmem>>, vector<16xf32>,
        %swap3A_665 = vector.shape_cast %swap3A_664 : vector<16xf32> to vector<16xf32>
        %swap3A_666 = vector.shape_cast %add3A_378 : vector<16xf32> to vector<16xf32>
        tpu.vector_store %arg7[%swap3A_663], %swap3A_666 {strides = array<i32>} : memref<80xf32, #tpu.memory_space<vmem>>, vector<16xf32>,
        %swap3A_667 = arith.constant 56 : index
        %swap3A_668 = tpu.vector_load %arg8[%swap3A_667] {strides = array<i32>} : memref<80xf32, #tpu.memory_space<vmem>>, vector<16xf32>,
        %swap3A_669 = vector.shape_cast %swap3A_668 : vector<16xf32> to vector<16xf32>
        %swap3A_670 = vector.shape_cast %add3A_406 : vector<16xf32> to vector<16xf32>
        tpu.vector_store %arg8[%swap3A_667], %swap3A_670 {strides = array<i32>} : memref<80xf32, #tpu.memory_space<vmem>>, vector<16xf32>,
        %swap3A_671 = arith.constant 56 : index
        %swap3A_672 = tpu.vector_load %arg9[%swap3A_671] {strides = array<i32>} : memref<80xf32, #tpu.memory_space<vmem>>, vector<16xf32>,
        %swap3A_673 = vector.shape_cast %swap3A_672 : vector<16xf32> to vector<16xf32>
        %swap3A_674 = vector.shape_cast %add3A_515 : vector<16xf32> to vector<16xf32>
        tpu.vector_store %arg9[%swap3A_671], %swap3A_674 {strides = array<i32>} : memref<80xf32, #tpu.memory_space<vmem>>, vector<16xf32>,
        %swap3A_675 = arith.constant 56 : index
        %swap3A_676 = tpu.vector_load %arg10[%swap3A_675] {strides = array<i32>} : memref<80xf32, #tpu.memory_space<vmem>>, vector<16xf32>,
        %swap3A_677 = vector.shape_cast %swap3A_676 : vector<16xf32> to vector<16xf32>
        %swap3A_678 = vector.shape_cast %add3A_522 : vector<16xf32> to vector<16xf32>
        tpu.vector_store %arg10[%swap3A_675], %swap3A_678 {strides = array<i32>} : memref<80xf32, #tpu.memory_space<vmem>>, vector<16xf32>,
        %mul3A_679 = arith.mulf %add3A_605, %add3A_369 : vector<16xf32>
        %mul3A_680 = arith.mulf %exp3A_599, %add3A_431 : vector<16xf32>
        %add3A_681 = arith.addf %mul3A_679, %mul3A_680 : vector<16xf32>
        %mul3A_682 = arith.mulf %add3A_605, %add3A_372 : vector<16xf32>
        %mul3A_683 = arith.mulf %exp3A_599, %add3A_459 : vector<16xf32>
        %add3A_684 = arith.addf %mul3A_682, %mul3A_683 : vector<16xf32>
        %mul3A_685 = arith.mulf %add3A_605, %add3A_375 : vector<16xf32>
        %mul3A_686 = arith.mulf %exp3A_599, %add3A_487 : vector<16xf32>
        %add3A_687 = arith.addf %mul3A_685, %mul3A_686 : vector<16xf32>
        %mul3A_688 = arith.mulf %add3A_605, %add3A_378 : vector<16xf32>
        %mul3A_689 = arith.mulf %exp3A_599, %add3A_515 : vector<16xf32>
        %add3A_690 = arith.addf %mul3A_688, %mul3A_689 : vector<16xf32>
        %mul3A_691 = arith.mulf %add3A_605, %add3A_385 : vector<16xf32>
        %mul3A_692 = arith.mulf %add3A_606, %add3A_369 : vector<16xf32>
        %add3A_693 = arith.addf %mul3A_691, %mul3A_692 : vector<16xf32>
        %mul3A_694 = arith.mulf %exp3A_599, %add3A_438 : vector<16xf32>
        %add3A_695 = arith.addf %add3A_693, %mul3A_694 : vector<16xf32>
        %mul3A_696 = arith.mulf %mul3A_602, %add3A_431 : vector<16xf32>
        %add3A_697 = arith.addf %add3A_695, %mul3A_696 : vector<16xf32>
        %mul3A_698 = arith.mulf %add3A_605, %add3A_392 : vector<16xf32>
        %mul3A_699 = arith.mulf %add3A_606, %add3A_372 : vector<16xf32>
        %add3A_700 = arith.addf %mul3A_698, %mul3A_699 : vector<16xf32>
        %mul3A_701 = arith.mulf %exp3A_599, %add3A_466 : vector<16xf32>
        %add3A_702 = arith.addf %add3A_700, %mul3A_701 : vector<16xf32>
        %mul3A_703 = arith.mulf %mul3A_602, %add3A_459 : vector<16xf32>
        %add3A_704 = arith.addf %add3A_702, %mul3A_703 : vector<16xf32>
        %mul3A_705 = arith.mulf %add3A_605, %add3A_399 : vector<16xf32>
        %mul3A_706 = arith.mulf %add3A_606, %add3A_375 : vector<16xf32>
        %add3A_707 = arith.addf %mul3A_705, %mul3A_706 : vector<16xf32>
        %mul3A_708 = arith.mulf %exp3A_599, %add3A_494 : vector<16xf32>
        %add3A_709 = arith.addf %add3A_707, %mul3A_708 : vector<16xf32>
        %mul3A_710 = arith.mulf %mul3A_602, %add3A_487 : vector<16xf32>
        %add3A_711 = arith.addf %add3A_709, %mul3A_710 : vector<16xf32>
        %mul3A_712 = arith.mulf %add3A_605, %add3A_406 : vector<16xf32>
        %mul3A_713 = arith.mulf %add3A_606, %add3A_378 : vector<16xf32>
        %add3A_714 = arith.addf %mul3A_712, %mul3A_713 : vector<16xf32>
        %mul3A_715 = arith.mulf %exp3A_599, %add3A_522 : vector<16xf32>
        %add3A_716 = arith.addf %add3A_714, %mul3A_715 : vector<16xf32>
        %mul3A_717 = arith.mulf %mul3A_602, %add3A_515 : vector<16xf32>
        %add3A_718 = arith.addf %add3A_716, %mul3A_717 : vector<16xf32>
        %mul3A_719 = arith.mulf %add3A_605, %mul3A_407 : vector<16xf32>
        %mul3A_720 = arith.mulf %add3A_605, %add3A_410 : vector<16xf32>
        %mul3A_721 = arith.mulf %add3A_606, %mul3A_407 : vector<16xf32>
        %add3A_722 = arith.addf %mul3A_720, %mul3A_721 : vector<16xf32>
        %get3A_723 = arith.constant 7 : index
        %get3A_724 = tpu.vector_load %arg7[%get3A_723] {strides = array<i32>} : memref<80xf32, #tpu.memory_space<vmem>>, vector<16xf32>,
        %get3A_725 = vector.shape_cast %get3A_724 : vector<16xf32> to vector<16xf32>
        %get3A_726 = arith.constant 7 : index
        %get3A_727 = tpu.vector_load %arg8[%get3A_726] {strides = array<i32>} : memref<80xf32, #tpu.memory_space<vmem>>, vector<16xf32>,
        %get3A_728 = vector.shape_cast %get3A_727 : vector<16xf32> to vector<16xf32>
        %get3A_729 = arith.constant 7 : index
        %get3A_730 = tpu.vector_load %arg9[%get3A_729] {strides = array<i32>} : memref<80xf32, #tpu.memory_space<vmem>>, vector<16xf32>,
        %get3A_731 = vector.shape_cast %get3A_730 : vector<16xf32> to vector<16xf32>
        %get3A_732 = arith.constant 7 : index
        %get3A_733 = tpu.vector_load %arg10[%get3A_732] {strides = array<i32>} : memref<80xf32, #tpu.memory_space<vmem>>, vector<16xf32>,
        %get3A_734 = vector.shape_cast %get3A_733 : vector<16xf32> to vector<16xf32>
        %mul3A_735 = arith.mulf %get3A_12, %get3A_731 : vector<16xf32>
        %add3A_736 = arith.addf %get3A_725, %mul3A_735 : vector<16xf32>
        %mul3A_737 = arith.mulf %get3A_12, %get3A_734 : vector<16xf32>
        %add3A_738 = arith.addf %get3A_728, %mul3A_737 : vector<16xf32>
        %add3A_739 = arith.addf %exp3A_587, %exp3A_600 : vector<16xf32>
        %add3A_740 = arith.addf %mul3A_592, %mul3A_604 : vector<16xf32>
        %mul3A_741 = arith.mulf %add3A_739, %add3A_431 : vector<16xf32>
        %mul3A_742 = arith.mulf %exp3A_587, %add3A_736 : vector<16xf32>
        %add3A_743 = arith.addf %mul3A_741, %mul3A_742 : vector<16xf32>
        %mul3A_744 = arith.mulf %add3A_739, %add3A_438 : vector<16xf32>
        %mul3A_745 = arith.mulf %add3A_740, %add3A_431 : vector<16xf32>
        %add3A_746 = arith.addf %mul3A_744, %mul3A_745 : vector<16xf32>
        %mul3A_747 = arith.mulf %exp3A_587, %add3A_738 : vector<16xf32>
        %add3A_748 = arith.addf %add3A_746, %mul3A_747 : vector<16xf32>
        %mul3A_749 = arith.mulf %mul3A_592, %add3A_736 : vector<16xf32>
        %add3A_750 = arith.addf %add3A_748, %mul3A_749 : vector<16xf32>
        %get3A_751 = arith.constant 23 : index
        %get3A_752 = tpu.vector_load %arg7[%get3A_751] {strides = array<i32>} : memref<80xf32, #tpu.memory_space<vmem>>, vector<16xf32>,
        %get3A_753 = vector.shape_cast %get3A_752 : vector<16xf32> to vector<16xf32>
        %get3A_754 = arith.constant 23 : index
        %get3A_755 = tpu.vector_load %arg8[%get3A_754] {strides = array<i32>} : memref<80xf32, #tpu.memory_space<vmem>>, vector<16xf32>,
        %get3A_756 = vector.shape_cast %get3A_755 : vector<16xf32> to vector<16xf32>
        %get3A_757 = arith.constant 23 : index
        %get3A_758 = tpu.vector_load %arg9[%get3A_757] {strides = array<i32>} : memref<80xf32, #tpu.memory_space<vmem>>, vector<16xf32>,
        %get3A_759 = vector.shape_cast %get3A_758 : vector<16xf32> to vector<16xf32>
        %get3A_760 = arith.constant 23 : index
        %get3A_761 = tpu.vector_load %arg10[%get3A_760] {strides = array<i32>} : memref<80xf32, #tpu.memory_space<vmem>>, vector<16xf32>,
        %get3A_762 = vector.shape_cast %get3A_761 : vector<16xf32> to vector<16xf32>
        %mul3A_763 = arith.mulf %get3A_15, %get3A_759 : vector<16xf32>
        %add3A_764 = arith.addf %get3A_753, %mul3A_763 : vector<16xf32>
        %mul3A_765 = arith.mulf %get3A_15, %get3A_762 : vector<16xf32>
        %add3A_766 = arith.addf %get3A_756, %mul3A_765 : vector<16xf32>
        %add3A_767 = arith.addf %exp3A_588, %exp3A_600 : vector<16xf32>
        %add3A_768 = arith.addf %mul3A_594, %mul3A_604 : vector<16xf32>
        %mul3A_769 = arith.mulf %add3A_767, %add3A_459 : vector<16xf32>
        %mul3A_770 = arith.mulf %exp3A_588, %add3A_764 : vector<16xf32>
        %add3A_771 = arith.addf %mul3A_769, %mul3A_770 : vector<16xf32>
        %mul3A_772 = arith.mulf %add3A_767, %add3A_466 : vector<16xf32>
        %mul3A_773 = arith.mulf %add3A_768, %add3A_459 : vector<16xf32>
        %add3A_774 = arith.addf %mul3A_772, %mul3A_773 : vector<16xf32>
        %mul3A_775 = arith.mulf %exp3A_588, %add3A_766 : vector<16xf32>
        %add3A_776 = arith.addf %add3A_774, %mul3A_775 : vector<16xf32>
        %mul3A_777 = arith.mulf %mul3A_594, %add3A_764 : vector<16xf32>
        %add3A_778 = arith.addf %add3A_776, %mul3A_777 : vector<16xf32>
        %get3A_779 = arith.constant 39 : index
        %get3A_780 = tpu.vector_load %arg7[%get3A_779] {strides = array<i32>} : memref<80xf32, #tpu.memory_space<vmem>>, vector<16xf32>,
        %get3A_781 = vector.shape_cast %get3A_780 : vector<16xf32> to vector<16xf32>
        %get3A_782 = arith.constant 39 : index
        %get3A_783 = tpu.vector_load %arg8[%get3A_782] {strides = array<i32>} : memref<80xf32, #tpu.memory_space<vmem>>, vector<16xf32>,
        %get3A_784 = vector.shape_cast %get3A_783 : vector<16xf32> to vector<16xf32>
        %get3A_785 = arith.constant 39 : index
        %get3A_786 = tpu.vector_load %arg9[%get3A_785] {strides = array<i32>} : memref<80xf32, #tpu.memory_space<vmem>>, vector<16xf32>,
        %get3A_787 = vector.shape_cast %get3A_786 : vector<16xf32> to vector<16xf32>
        %get3A_788 = arith.constant 39 : index
        %get3A_789 = tpu.vector_load %arg10[%get3A_788] {strides = array<i32>} : memref<80xf32, #tpu.memory_space<vmem>>, vector<16xf32>,
        %get3A_790 = vector.shape_cast %get3A_789 : vector<16xf32> to vector<16xf32>
        %mul3A_791 = arith.mulf %get3A_18, %get3A_787 : vector<16xf32>
        %add3A_792 = arith.addf %get3A_781, %mul3A_791 : vector<16xf32>
        %mul3A_793 = arith.mulf %get3A_18, %get3A_790 : vector<16xf32>
        %add3A_794 = arith.addf %get3A_784, %mul3A_793 : vector<16xf32>
        %add3A_795 = arith.addf %exp3A_589, %exp3A_600 : vector<16xf32>
        %add3A_796 = arith.addf %mul3A_596, %mul3A_604 : vector<16xf32>
        %mul3A_797 = arith.mulf %add3A_795, %add3A_487 : vector<16xf32>
        %mul3A_798 = arith.mulf %exp3A_589, %add3A_792 : vector<16xf32>
        %add3A_799 = arith.addf %mul3A_797, %mul3A_798 : vector<16xf32>
        %mul3A_800 = arith.mulf %add3A_795, %add3A_494 : vector<16xf32>
        %mul3A_801 = arith.mulf %add3A_796, %add3A_487 : vector<16xf32>
        %add3A_802 = arith.addf %mul3A_800, %mul3A_801 : vector<16xf32>
        %mul3A_803 = arith.mulf %exp3A_589, %add3A_794 : vector<16xf32>
        %add3A_804 = arith.addf %add3A_802, %mul3A_803 : vector<16xf32>
        %mul3A_805 = arith.mulf %mul3A_596, %add3A_792 : vector<16xf32>
        %add3A_806 = arith.addf %add3A_804, %mul3A_805 : vector<16xf32>
        %get3A_807 = arith.constant 55 : index
        %get3A_808 = tpu.vector_load %arg7[%get3A_807] {strides = array<i32>} : memref<80xf32, #tpu.memory_space<vmem>>, vector<16xf32>,
        %get3A_809 = vector.shape_cast %get3A_808 : vector<16xf32> to vector<16xf32>
        %get3A_810 = arith.constant 55 : index
        %get3A_811 = tpu.vector_load %arg8[%get3A_810] {strides = array<i32>} : memref<80xf32, #tpu.memory_space<vmem>>, vector<16xf32>,
        %get3A_812 = vector.shape_cast %get3A_811 : vector<16xf32> to vector<16xf32>
        %get3A_813 = arith.constant 55 : index
        %get3A_814 = tpu.vector_load %arg9[%get3A_813] {strides = array<i32>} : memref<80xf32, #tpu.memory_space<vmem>>, vector<16xf32>,
        %get3A_815 = vector.shape_cast %get3A_814 : vector<16xf32> to vector<16xf32>
        %get3A_816 = arith.constant 55 : index
        %get3A_817 = tpu.vector_load %arg10[%get3A_816] {strides = array<i32>} : memref<80xf32, #tpu.memory_space<vmem>>, vector<16xf32>,
        %get3A_818 = vector.shape_cast %get3A_817 : vector<16xf32> to vector<16xf32>
        %mul3A_819 = arith.mulf %get3A_21, %get3A_815 : vector<16xf32>
        %add3A_820 = arith.addf %get3A_809, %mul3A_819 : vector<16xf32>
        %mul3A_821 = arith.mulf %get3A_21, %get3A_818 : vector<16xf32>
        %add3A_822 = arith.addf %get3A_812, %mul3A_821 : vector<16xf32>
        %add3A_823 = arith.addf %exp3A_590, %exp3A_600 : vector<16xf32>
        %add3A_824 = arith.addf %mul3A_598, %mul3A_604 : vector<16xf32>
        %mul3A_825 = arith.mulf %add3A_823, %add3A_515 : vector<16xf32>
        %mul3A_826 = arith.mulf %exp3A_590, %add3A_820 : vector<16xf32>
        %add3A_827 = arith.addf %mul3A_825, %mul3A_826 : vector<16xf32>
        %mul3A_828 = arith.mulf %add3A_823, %add3A_522 : vector<16xf32>
        %mul3A_829 = arith.mulf %add3A_824, %add3A_515 : vector<16xf32>
        %add3A_830 = arith.addf %mul3A_828, %mul3A_829 : vector<16xf32>
        %mul3A_831 = arith.mulf %exp3A_590, %add3A_822 : vector<16xf32>
        %add3A_832 = arith.addf %add3A_830, %mul3A_831 : vector<16xf32>
        %mul3A_833 = arith.mulf %mul3A_598, %add3A_820 : vector<16xf32>
        %add3A_834 = arith.addf %add3A_832, %mul3A_833 : vector<16xf32>
        %mul3A_835 = arith.constant 4 : i32
        %mul3A_836 = arith.muli %mul3A_835, %scan3A_197 : i32
        %add3A_837 = arith.constant 2 : i32
        %add3A_838 = arith.addi %mul3A_836, %add3A_837 : i32
        %get3A_839 = arith.constant 0 : i32
        %get3A_840 = arith.index_cast %get3A_839 : i32 to index
        %get3A_841 = arith.index_cast %add3A_838 : i32 to index
        %get3A_842 = arith.constant 0 : index
        %get3A_843 = tpu.vector_load %arg5[%get3A_840, %get3A_841, %get3A_842] {strides = array<i32>} : memref<2x64x80xf32, #tpu.memory_space<vmem>>, vector<1x1x16xf32>,
        %get3A_844 = vector.shape_cast %get3A_843 : vector<1x1x16xf32> to vector<16xf32>
        %get3A_845 = arith.constant 0 : i32
        %get3A_846 = arith.index_cast %get3A_845 : i32 to index
        %get3A_847 = arith.index_cast %add3A_838 : i32 to index
        %get3A_848 = arith.constant 16 : index
        %get3A_849 = tpu.vector_load %arg5[%get3A_846, %get3A_847, %get3A_848] {strides = array<i32>} : memref<2x64x80xf32, #tpu.memory_space<vmem>>, vector<1x1x16xf32>,
        %get3A_850 = vector.shape_cast %get3A_849 : vector<1x1x16xf32> to vector<16xf32>
        %get3A_851 = arith.constant 0 : i32
        %get3A_852 = arith.index_cast %get3A_851 : i32 to index
        %get3A_853 = arith.index_cast %add3A_838 : i32 to index
        %get3A_854 = arith.constant 32 : index
        %get3A_855 = tpu.vector_load %arg5[%get3A_852, %get3A_853, %get3A_854] {strides = array<i32>} : memref<2x64x80xf32, #tpu.memory_space<vmem>>, vector<1x1x16xf32>,
        %get3A_856 = vector.shape_cast %get3A_855 : vector<1x1x16xf32> to vector<16xf32>
        %get3A_857 = arith.constant 0 : i32
        %get3A_858 = arith.index_cast %get3A_857 : i32 to index
        %get3A_859 = arith.index_cast %add3A_838 : i32 to index
        %get3A_860 = arith.constant 48 : index
        %get3A_861 = tpu.vector_load %arg5[%get3A_858, %get3A_859, %get3A_860] {strides = array<i32>} : memref<2x64x80xf32, #tpu.memory_space<vmem>>, vector<1x1x16xf32>,
        %get3A_862 = vector.shape_cast %get3A_861 : vector<1x1x16xf32> to vector<16xf32>
        %get3A_863 = arith.constant 0 : i32
        %get3A_864 = arith.index_cast %get3A_863 : i32 to index
        %get3A_865 = arith.index_cast %add3A_838 : i32 to index
        %get3A_866 = arith.constant 64 : index
        %get3A_867 = tpu.vector_load %arg5[%get3A_864, %get3A_865, %get3A_866] {strides = array<i32>} : memref<2x64x80xf32, #tpu.memory_space<vmem>>, vector<1x1x16xf32>,
        %get3A_868 = vector.shape_cast %get3A_867 : vector<1x1x16xf32> to vector<16xf32>
        %lt3A_869 = arith.constant 0 : i32
        %lt3A_870 = vector.broadcast %lt3A_869 : i32 to vector<16xi32>
        %lt3A_871 = arith.cmpi slt, %broadcast_in_dim3A_35, %lt3A_870 : vector<16xi32>
        %add3A_872 = arith.constant 16 : i32
        %add3A_873 = vector.broadcast %add3A_872 : i32 to vector<16xi32>
        %add3A_874 = arith.addi %broadcast_in_dim3A_35, %add3A_873 : vector<16xi32>
        %select_n3A_875 = arith.select %lt3A_871, %add3A_874, %broadcast_in_dim3A_35 : vector<16xi1>, vector<16xi32>
        %broadcast_in_dim3A_876 = vector.shape_cast %select_n3A_875 : vector<16xi32> to vector<16x1xi32>
        %gather3A_877 = vector.shape_cast %broadcast_in_dim3A_876 : vector<16x1xi32> to vector<16xi32>
        %gather3A_878 = tpu.dynamic_gather %get3A_868[%gather3A_877] in [0] : vector<16xf32>, vector<16xi32> -> vector<16xf32>
        %lt3A_879 = arith.constant 0 : i32
        %lt3A_880 = vector.broadcast %lt3A_879 : i32 to vector<16xi32>
        %lt3A_881 = arith.cmpi slt, %broadcast_in_dim3A_31, %lt3A_880 : vector<16xi32>
        %add3A_882 = arith.constant 16 : i32
        %add3A_883 = vector.broadcast %add3A_882 : i32 to vector<16xi32>
        %add3A_884 = arith.addi %broadcast_in_dim3A_31, %add3A_883 : vector<16xi32>
        %select_n3A_885 = arith.select %lt3A_881, %add3A_884, %broadcast_in_dim3A_31 : vector<16xi1>, vector<16xi32>
        %broadcast_in_dim3A_886 = vector.shape_cast %select_n3A_885 : vector<16xi32> to vector<16x1xi32>
        %gather3A_887 = vector.shape_cast %broadcast_in_dim3A_886 : vector<16x1xi32> to vector<16xi32>
        %gather3A_888 = tpu.dynamic_gather %get3A_868[%gather3A_887] in [0] : vector<16xf32>, vector<16xi32> -> vector<16xf32>
        %lt3A_889 = arith.constant 0 : i32
        %lt3A_890 = vector.broadcast %lt3A_889 : i32 to vector<16xi32>
        %lt3A_891 = arith.cmpi slt, %broadcast_in_dim3A_33, %lt3A_890 : vector<16xi32>
        %add3A_892 = arith.constant 16 : i32
        %add3A_893 = vector.broadcast %add3A_892 : i32 to vector<16xi32>
        %add3A_894 = arith.addi %broadcast_in_dim3A_33, %add3A_893 : vector<16xi32>
        %select_n3A_895 = arith.select %lt3A_891, %add3A_894, %broadcast_in_dim3A_33 : vector<16xi1>, vector<16xi32>
        %broadcast_in_dim3A_896 = vector.shape_cast %select_n3A_895 : vector<16xi32> to vector<16x1xi32>
        %gather3A_897 = vector.shape_cast %broadcast_in_dim3A_896 : vector<16x1xi32> to vector<16xi32>
        %gather3A_898 = tpu.dynamic_gather %get3A_868[%gather3A_897] in [0] : vector<16xf32>, vector<16xi32> -> vector<16xf32>
        %exp3A_899 = math.exp %get3A_844 : vector<16xf32>
        %exp3A_900 = math.exp %get3A_850 : vector<16xf32>
        %exp3A_901 = math.exp %get3A_856 : vector<16xf32>
        %exp3A_902 = math.exp %get3A_862 : vector<16xf32>
        %sub3A_903 = arith.subf %get3A_844, %gather3A_878 : vector<16xf32>
        %mul3A_904 = arith.mulf %exp3A_899, %sub3A_903 : vector<16xf32>
        %sub3A_905 = arith.subf %get3A_850, %gather3A_878 : vector<16xf32>
        %mul3A_906 = arith.mulf %exp3A_900, %sub3A_905 : vector<16xf32>
        %sub3A_907 = arith.subf %get3A_856, %gather3A_878 : vector<16xf32>
        %mul3A_908 = arith.mulf %exp3A_901, %sub3A_907 : vector<16xf32>
        %sub3A_909 = arith.subf %get3A_862, %gather3A_878 : vector<16xf32>
        %mul3A_910 = arith.mulf %exp3A_902, %sub3A_909 : vector<16xf32>
        %exp3A_911 = math.exp %gather3A_888 : vector<16xf32>
        %exp3A_912 = math.exp %gather3A_898 : vector<16xf32>
        %sub3A_913 = arith.subf %gather3A_888, %gather3A_878 : vector<16xf32>
        %mul3A_914 = arith.mulf %exp3A_911, %sub3A_913 : vector<16xf32>
        %sub3A_915 = arith.subf %gather3A_898, %gather3A_878 : vector<16xf32>
        %mul3A_916 = arith.mulf %exp3A_912, %sub3A_915 : vector<16xf32>
        %add3A_917 = arith.addf %exp3A_911, %exp3A_912 : vector<16xf32>
        %add3A_918 = arith.addf %mul3A_914, %mul3A_916 : vector<16xf32>
        %swap3A_919 = arith.constant 0 : index
        %swap3A_920 = tpu.vector_load %arg7[%swap3A_919] {strides = array<i32>} : memref<80xf32, #tpu.memory_space<vmem>>, vector<16xf32>,
        %swap3A_921 = vector.shape_cast %swap3A_920 : vector<16xf32> to vector<16xf32>
        %swap3A_922 = vector.shape_cast %mul3A_719 : vector<16xf32> to vector<16xf32>
        tpu.vector_store %arg7[%swap3A_919], %swap3A_922 {strides = array<i32>} : memref<80xf32, #tpu.memory_space<vmem>>, vector<16xf32>,
        %swap3A_923 = arith.constant 0 : index
        %swap3A_924 = tpu.vector_load %arg8[%swap3A_923] {strides = array<i32>} : memref<80xf32, #tpu.memory_space<vmem>>, vector<16xf32>,
        %swap3A_925 = vector.shape_cast %swap3A_924 : vector<16xf32> to vector<16xf32>
        %swap3A_926 = vector.shape_cast %add3A_722 : vector<16xf32> to vector<16xf32>
        tpu.vector_store %arg8[%swap3A_923], %swap3A_926 {strides = array<i32>} : memref<80xf32, #tpu.memory_space<vmem>>, vector<16xf32>,
        %swap3A_927 = arith.constant 8 : index
        %swap3A_928 = tpu.vector_load %arg7[%swap3A_927] {strides = array<i32>} : memref<80xf32, #tpu.memory_space<vmem>>, vector<16xf32>,
        %swap3A_929 = vector.shape_cast %swap3A_928 : vector<16xf32> to vector<16xf32>
        %swap3A_930 = vector.shape_cast %add3A_681 : vector<16xf32> to vector<16xf32>
        tpu.vector_store %arg7[%swap3A_927], %swap3A_930 {strides = array<i32>} : memref<80xf32, #tpu.memory_space<vmem>>, vector<16xf32>,
        %swap3A_931 = arith.constant 8 : index
        %swap3A_932 = tpu.vector_load %arg8[%swap3A_931] {strides = array<i32>} : memref<80xf32, #tpu.memory_space<vmem>>, vector<16xf32>,
        %swap3A_933 = vector.shape_cast %swap3A_932 : vector<16xf32> to vector<16xf32>
        %swap3A_934 = vector.shape_cast %add3A_697 : vector<16xf32> to vector<16xf32>
        tpu.vector_store %arg8[%swap3A_931], %swap3A_934 {strides = array<i32>} : memref<80xf32, #tpu.memory_space<vmem>>, vector<16xf32>,
        %swap3A_935 = arith.constant 8 : index
        %swap3A_936 = tpu.vector_load %arg9[%swap3A_935] {strides = array<i32>} : memref<80xf32, #tpu.memory_space<vmem>>, vector<16xf32>,
        %swap3A_937 = vector.shape_cast %swap3A_936 : vector<16xf32> to vector<16xf32>
        %swap3A_938 = vector.shape_cast %add3A_743 : vector<16xf32> to vector<16xf32>
        tpu.vector_store %arg9[%swap3A_935], %swap3A_938 {strides = array<i32>} : memref<80xf32, #tpu.memory_space<vmem>>, vector<16xf32>,
        %swap3A_939 = arith.constant 8 : index
        %swap3A_940 = tpu.vector_load %arg10[%swap3A_939] {strides = array<i32>} : memref<80xf32, #tpu.memory_space<vmem>>, vector<16xf32>,
        %swap3A_941 = vector.shape_cast %swap3A_940 : vector<16xf32> to vector<16xf32>
        %swap3A_942 = vector.shape_cast %add3A_750 : vector<16xf32> to vector<16xf32>
        tpu.vector_store %arg10[%swap3A_939], %swap3A_942 {strides = array<i32>} : memref<80xf32, #tpu.memory_space<vmem>>, vector<16xf32>,
        %swap3A_943 = arith.constant 24 : index
        %swap3A_944 = tpu.vector_load %arg7[%swap3A_943] {strides = array<i32>} : memref<80xf32, #tpu.memory_space<vmem>>, vector<16xf32>,
        %swap3A_945 = vector.shape_cast %swap3A_944 : vector<16xf32> to vector<16xf32>
        %swap3A_946 = vector.shape_cast %add3A_684 : vector<16xf32> to vector<16xf32>
        tpu.vector_store %arg7[%swap3A_943], %swap3A_946 {strides = array<i32>} : memref<80xf32, #tpu.memory_space<vmem>>, vector<16xf32>,
        %swap3A_947 = arith.constant 24 : index
        %swap3A_948 = tpu.vector_load %arg8[%swap3A_947] {strides = array<i32>} : memref<80xf32, #tpu.memory_space<vmem>>, vector<16xf32>,
        %swap3A_949 = vector.shape_cast %swap3A_948 : vector<16xf32> to vector<16xf32>
        %swap3A_950 = vector.shape_cast %add3A_704 : vector<16xf32> to vector<16xf32>
        tpu.vector_store %arg8[%swap3A_947], %swap3A_950 {strides = array<i32>} : memref<80xf32, #tpu.memory_space<vmem>>, vector<16xf32>,
        %swap3A_951 = arith.constant 24 : index
        %swap3A_952 = tpu.vector_load %arg9[%swap3A_951] {strides = array<i32>} : memref<80xf32, #tpu.memory_space<vmem>>, vector<16xf32>,
        %swap3A_953 = vector.shape_cast %swap3A_952 : vector<16xf32> to vector<16xf32>
        %swap3A_954 = vector.shape_cast %add3A_771 : vector<16xf32> to vector<16xf32>
        tpu.vector_store %arg9[%swap3A_951], %swap3A_954 {strides = array<i32>} : memref<80xf32, #tpu.memory_space<vmem>>, vector<16xf32>,
        %swap3A_955 = arith.constant 24 : index
        %swap3A_956 = tpu.vector_load %arg10[%swap3A_955] {strides = array<i32>} : memref<80xf32, #tpu.memory_space<vmem>>, vector<16xf32>,
        %swap3A_957 = vector.shape_cast %swap3A_956 : vector<16xf32> to vector<16xf32>
        %swap3A_958 = vector.shape_cast %add3A_778 : vector<16xf32> to vector<16xf32>
        tpu.vector_store %arg10[%swap3A_955], %swap3A_958 {strides = array<i32>} : memref<80xf32, #tpu.memory_space<vmem>>, vector<16xf32>,
        %swap3A_959 = arith.constant 40 : index
        %swap3A_960 = tpu.vector_load %arg7[%swap3A_959] {strides = array<i32>} : memref<80xf32, #tpu.memory_space<vmem>>, vector<16xf32>,
        %swap3A_961 = vector.shape_cast %swap3A_960 : vector<16xf32> to vector<16xf32>
        %swap3A_962 = vector.shape_cast %add3A_687 : vector<16xf32> to vector<16xf32>
        tpu.vector_store %arg7[%swap3A_959], %swap3A_962 {strides = array<i32>} : memref<80xf32, #tpu.memory_space<vmem>>, vector<16xf32>,
        %swap3A_963 = arith.constant 40 : index
        %swap3A_964 = tpu.vector_load %arg8[%swap3A_963] {strides = array<i32>} : memref<80xf32, #tpu.memory_space<vmem>>, vector<16xf32>,
        %swap3A_965 = vector.shape_cast %swap3A_964 : vector<16xf32> to vector<16xf32>
        %swap3A_966 = vector.shape_cast %add3A_711 : vector<16xf32> to vector<16xf32>
        tpu.vector_store %arg8[%swap3A_963], %swap3A_966 {strides = array<i32>} : memref<80xf32, #tpu.memory_space<vmem>>, vector<16xf32>,
        %swap3A_967 = arith.constant 40 : index
        %swap3A_968 = tpu.vector_load %arg9[%swap3A_967] {strides = array<i32>} : memref<80xf32, #tpu.memory_space<vmem>>, vector<16xf32>,
        %swap3A_969 = vector.shape_cast %swap3A_968 : vector<16xf32> to vector<16xf32>
        %swap3A_970 = vector.shape_cast %add3A_799 : vector<16xf32> to vector<16xf32>
        tpu.vector_store %arg9[%swap3A_967], %swap3A_970 {strides = array<i32>} : memref<80xf32, #tpu.memory_space<vmem>>, vector<16xf32>,
        %swap3A_971 = arith.constant 40 : index
        %swap3A_972 = tpu.vector_load %arg10[%swap3A_971] {strides = array<i32>} : memref<80xf32, #tpu.memory_space<vmem>>, vector<16xf32>,
        %swap3A_973 = vector.shape_cast %swap3A_972 : vector<16xf32> to vector<16xf32>
        %swap3A_974 = vector.shape_cast %add3A_806 : vector<16xf32> to vector<16xf32>
        tpu.vector_store %arg10[%swap3A_971], %swap3A_974 {strides = array<i32>} : memref<80xf32, #tpu.memory_space<vmem>>, vector<16xf32>,
        %swap3A_975 = arith.constant 56 : index
        %swap3A_976 = tpu.vector_load %arg7[%swap3A_975] {strides = array<i32>} : memref<80xf32, #tpu.memory_space<vmem>>, vector<16xf32>,
        %swap3A_977 = vector.shape_cast %swap3A_976 : vector<16xf32> to vector<16xf32>
        %swap3A_978 = vector.shape_cast %add3A_690 : vector<16xf32> to vector<16xf32>
        tpu.vector_store %arg7[%swap3A_975], %swap3A_978 {strides = array<i32>} : memref<80xf32, #tpu.memory_space<vmem>>, vector<16xf32>,
        %swap3A_979 = arith.constant 56 : index
        %swap3A_980 = tpu.vector_load %arg8[%swap3A_979] {strides = array<i32>} : memref<80xf32, #tpu.memory_space<vmem>>, vector<16xf32>,
        %swap3A_981 = vector.shape_cast %swap3A_980 : vector<16xf32> to vector<16xf32>
        %swap3A_982 = vector.shape_cast %add3A_718 : vector<16xf32> to vector<16xf32>
        tpu.vector_store %arg8[%swap3A_979], %swap3A_982 {strides = array<i32>} : memref<80xf32, #tpu.memory_space<vmem>>, vector<16xf32>,
        %swap3A_983 = arith.constant 56 : index
        %swap3A_984 = tpu.vector_load %arg9[%swap3A_983] {strides = array<i32>} : memref<80xf32, #tpu.memory_space<vmem>>, vector<16xf32>,
        %swap3A_985 = vector.shape_cast %swap3A_984 : vector<16xf32> to vector<16xf32>
        %swap3A_986 = vector.shape_cast %add3A_827 : vector<16xf32> to vector<16xf32>
        tpu.vector_store %arg9[%swap3A_983], %swap3A_986 {strides = array<i32>} : memref<80xf32, #tpu.memory_space<vmem>>, vector<16xf32>,
        %swap3A_987 = arith.constant 56 : index
        %swap3A_988 = tpu.vector_load %arg10[%swap3A_987] {strides = array<i32>} : memref<80xf32, #tpu.memory_space<vmem>>, vector<16xf32>,
        %swap3A_989 = vector.shape_cast %swap3A_988 : vector<16xf32> to vector<16xf32>
        %swap3A_990 = vector.shape_cast %add3A_834 : vector<16xf32> to vector<16xf32>
        tpu.vector_store %arg10[%swap3A_987], %swap3A_990 {strides = array<i32>} : memref<80xf32, #tpu.memory_space<vmem>>, vector<16xf32>,
        %mul3A_991 = arith.mulf %add3A_917, %add3A_681 : vector<16xf32>
        %mul3A_992 = arith.mulf %exp3A_911, %add3A_743 : vector<16xf32>
        %add3A_993 = arith.addf %mul3A_991, %mul3A_992 : vector<16xf32>
        %mul3A_994 = arith.mulf %add3A_917, %add3A_684 : vector<16xf32>
        %mul3A_995 = arith.mulf %exp3A_911, %add3A_771 : vector<16xf32>
        %add3A_996 = arith.addf %mul3A_994, %mul3A_995 : vector<16xf32>
        %mul3A_997 = arith.mulf %add3A_917, %add3A_687 : vector<16xf32>
        %mul3A_998 = arith.mulf %exp3A_911, %add3A_799 : vector<16xf32>
        %add3A_999 = arith.addf %mul3A_997, %mul3A_998 : vector<16xf32>
        %mul3A_1000 = arith.mulf %add3A_917, %add3A_690 : vector<16xf32>
        %mul3A_1001 = arith.mulf %exp3A_911, %add3A_827 : vector<16xf32>
        %add3A_1002 = arith.addf %mul3A_1000, %mul3A_1001 : vector<16xf32>
        %mul3A_1003 = arith.mulf %add3A_917, %add3A_697 : vector<16xf32>
        %mul3A_1004 = arith.mulf %add3A_918, %add3A_681 : vector<16xf32>
        %add3A_1005 = arith.addf %mul3A_1003, %mul3A_1004 : vector<16xf32>
        %mul3A_1006 = arith.mulf %exp3A_911, %add3A_750 : vector<16xf32>
        %add3A_1007 = arith.addf %add3A_1005, %mul3A_1006 : vector<16xf32>
        %mul3A_1008 = arith.mulf %mul3A_914, %add3A_743 : vector<16xf32>
        %add3A_1009 = arith.addf %add3A_1007, %mul3A_1008 : vector<16xf32>
        %mul3A_1010 = arith.mulf %add3A_917, %add3A_704 : vector<16xf32>
        %mul3A_1011 = arith.mulf %add3A_918, %add3A_684 : vector<16xf32>
        %add3A_1012 = arith.addf %mul3A_1010, %mul3A_1011 : vector<16xf32>
        %mul3A_1013 = arith.mulf %exp3A_911, %add3A_778 : vector<16xf32>
        %add3A_1014 = arith.addf %add3A_1012, %mul3A_1013 : vector<16xf32>
        %mul3A_1015 = arith.mulf %mul3A_914, %add3A_771 : vector<16xf32>
        %add3A_1016 = arith.addf %add3A_1014, %mul3A_1015 : vector<16xf32>
        %mul3A_1017 = arith.mulf %add3A_917, %add3A_711 : vector<16xf32>
        %mul3A_1018 = arith.mulf %add3A_918, %add3A_687 : vector<16xf32>
        %add3A_1019 = arith.addf %mul3A_1017, %mul3A_1018 : vector<16xf32>
        %mul3A_1020 = arith.mulf %exp3A_911, %add3A_806 : vector<16xf32>
        %add3A_1021 = arith.addf %add3A_1019, %mul3A_1020 : vector<16xf32>
        %mul3A_1022 = arith.mulf %mul3A_914, %add3A_799 : vector<16xf32>
        %add3A_1023 = arith.addf %add3A_1021, %mul3A_1022 : vector<16xf32>
        %mul3A_1024 = arith.mulf %add3A_917, %add3A_718 : vector<16xf32>
        %mul3A_1025 = arith.mulf %add3A_918, %add3A_690 : vector<16xf32>
        %add3A_1026 = arith.addf %mul3A_1024, %mul3A_1025 : vector<16xf32>
        %mul3A_1027 = arith.mulf %exp3A_911, %add3A_834 : vector<16xf32>
        %add3A_1028 = arith.addf %add3A_1026, %mul3A_1027 : vector<16xf32>
        %mul3A_1029 = arith.mulf %mul3A_914, %add3A_827 : vector<16xf32>
        %add3A_1030 = arith.addf %add3A_1028, %mul3A_1029 : vector<16xf32>
        %mul3A_1031 = arith.mulf %add3A_917, %mul3A_719 : vector<16xf32>
        %mul3A_1032 = arith.mulf %add3A_917, %add3A_722 : vector<16xf32>
        %mul3A_1033 = arith.mulf %add3A_918, %mul3A_719 : vector<16xf32>
        %add3A_1034 = arith.addf %mul3A_1032, %mul3A_1033 : vector<16xf32>
        %get3A_1035 = arith.constant 7 : index
        %get3A_1036 = tpu.vector_load %arg7[%get3A_1035] {strides = array<i32>} : memref<80xf32, #tpu.memory_space<vmem>>, vector<16xf32>,
        %get3A_1037 = vector.shape_cast %get3A_1036 : vector<16xf32> to vector<16xf32>
        %get3A_1038 = arith.constant 7 : index
        %get3A_1039 = tpu.vector_load %arg8[%get3A_1038] {strides = array<i32>} : memref<80xf32, #tpu.memory_space<vmem>>, vector<16xf32>,
        %get3A_1040 = vector.shape_cast %get3A_1039 : vector<16xf32> to vector<16xf32>
        %get3A_1041 = arith.constant 7 : index
        %get3A_1042 = tpu.vector_load %arg9[%get3A_1041] {strides = array<i32>} : memref<80xf32, #tpu.memory_space<vmem>>, vector<16xf32>,
        %get3A_1043 = vector.shape_cast %get3A_1042 : vector<16xf32> to vector<16xf32>
        %get3A_1044 = arith.constant 7 : index
        %get3A_1045 = tpu.vector_load %arg10[%get3A_1044] {strides = array<i32>} : memref<80xf32, #tpu.memory_space<vmem>>, vector<16xf32>,
        %get3A_1046 = vector.shape_cast %get3A_1045 : vector<16xf32> to vector<16xf32>
        %mul3A_1047 = arith.mulf %get3A_12, %get3A_1043 : vector<16xf32>
        %add3A_1048 = arith.addf %get3A_1037, %mul3A_1047 : vector<16xf32>
        %mul3A_1049 = arith.mulf %get3A_12, %get3A_1046 : vector<16xf32>
        %add3A_1050 = arith.addf %get3A_1040, %mul3A_1049 : vector<16xf32>
        %add3A_1051 = arith.addf %exp3A_899, %exp3A_912 : vector<16xf32>
        %add3A_1052 = arith.addf %mul3A_904, %mul3A_916 : vector<16xf32>
        %mul3A_1053 = arith.mulf %add3A_1051, %add3A_743 : vector<16xf32>
        %mul3A_1054 = arith.mulf %exp3A_899, %add3A_1048 : vector<16xf32>
        %add3A_1055 = arith.addf %mul3A_1053, %mul3A_1054 : vector<16xf32>
        %mul3A_1056 = arith.mulf %add3A_1051, %add3A_750 : vector<16xf32>
        %mul3A_1057 = arith.mulf %add3A_1052, %add3A_743 : vector<16xf32>
        %add3A_1058 = arith.addf %mul3A_1056, %mul3A_1057 : vector<16xf32>
        %mul3A_1059 = arith.mulf %exp3A_899, %add3A_1050 : vector<16xf32>
        %add3A_1060 = arith.addf %add3A_1058, %mul3A_1059 : vector<16xf32>
        %mul3A_1061 = arith.mulf %mul3A_904, %add3A_1048 : vector<16xf32>
        %add3A_1062 = arith.addf %add3A_1060, %mul3A_1061 : vector<16xf32>
        %get3A_1063 = arith.constant 23 : index
        %get3A_1064 = tpu.vector_load %arg7[%get3A_1063] {strides = array<i32>} : memref<80xf32, #tpu.memory_space<vmem>>, vector<16xf32>,
        %get3A_1065 = vector.shape_cast %get3A_1064 : vector<16xf32> to vector<16xf32>
        %get3A_1066 = arith.constant 23 : index
        %get3A_1067 = tpu.vector_load %arg8[%get3A_1066] {strides = array<i32>} : memref<80xf32, #tpu.memory_space<vmem>>, vector<16xf32>,
        %get3A_1068 = vector.shape_cast %get3A_1067 : vector<16xf32> to vector<16xf32>
        %get3A_1069 = arith.constant 23 : index
        %get3A_1070 = tpu.vector_load %arg9[%get3A_1069] {strides = array<i32>} : memref<80xf32, #tpu.memory_space<vmem>>, vector<16xf32>,
        %get3A_1071 = vector.shape_cast %get3A_1070 : vector<16xf32> to vector<16xf32>
        %get3A_1072 = arith.constant 23 : index
        %get3A_1073 = tpu.vector_load %arg10[%get3A_1072] {strides = array<i32>} : memref<80xf32, #tpu.memory_space<vmem>>, vector<16xf32>,
        %get3A_1074 = vector.shape_cast %get3A_1073 : vector<16xf32> to vector<16xf32>
        %mul3A_1075 = arith.mulf %get3A_15, %get3A_1071 : vector<16xf32>
        %add3A_1076 = arith.addf %get3A_1065, %mul3A_1075 : vector<16xf32>
        %mul3A_1077 = arith.mulf %get3A_15, %get3A_1074 : vector<16xf32>
        %add3A_1078 = arith.addf %get3A_1068, %mul3A_1077 : vector<16xf32>
        %add3A_1079 = arith.addf %exp3A_900, %exp3A_912 : vector<16xf32>
        %add3A_1080 = arith.addf %mul3A_906, %mul3A_916 : vector<16xf32>
        %mul3A_1081 = arith.mulf %add3A_1079, %add3A_771 : vector<16xf32>
        %mul3A_1082 = arith.mulf %exp3A_900, %add3A_1076 : vector<16xf32>
        %add3A_1083 = arith.addf %mul3A_1081, %mul3A_1082 : vector<16xf32>
        %mul3A_1084 = arith.mulf %add3A_1079, %add3A_778 : vector<16xf32>
        %mul3A_1085 = arith.mulf %add3A_1080, %add3A_771 : vector<16xf32>
        %add3A_1086 = arith.addf %mul3A_1084, %mul3A_1085 : vector<16xf32>
        %mul3A_1087 = arith.mulf %exp3A_900, %add3A_1078 : vector<16xf32>
        %add3A_1088 = arith.addf %add3A_1086, %mul3A_1087 : vector<16xf32>
        %mul3A_1089 = arith.mulf %mul3A_906, %add3A_1076 : vector<16xf32>
        %add3A_1090 = arith.addf %add3A_1088, %mul3A_1089 : vector<16xf32>
        %get3A_1091 = arith.constant 39 : index
        %get3A_1092 = tpu.vector_load %arg7[%get3A_1091] {strides = array<i32>} : memref<80xf32, #tpu.memory_space<vmem>>, vector<16xf32>,
        %get3A_1093 = vector.shape_cast %get3A_1092 : vector<16xf32> to vector<16xf32>
        %get3A_1094 = arith.constant 39 : index
        %get3A_1095 = tpu.vector_load %arg8[%get3A_1094] {strides = array<i32>} : memref<80xf32, #tpu.memory_space<vmem>>, vector<16xf32>,
        %get3A_1096 = vector.shape_cast %get3A_1095 : vector<16xf32> to vector<16xf32>
        %get3A_1097 = arith.constant 39 : index
        %get3A_1098 = tpu.vector_load %arg9[%get3A_1097] {strides = array<i32>} : memref<80xf32, #tpu.memory_space<vmem>>, vector<16xf32>,
        %get3A_1099 = vector.shape_cast %get3A_1098 : vector<16xf32> to vector<16xf32>
        %get3A_1100 = arith.constant 39 : index
        %get3A_1101 = tpu.vector_load %arg10[%get3A_1100] {strides = array<i32>} : memref<80xf32, #tpu.memory_space<vmem>>, vector<16xf32>,
        %get3A_1102 = vector.shape_cast %get3A_1101 : vector<16xf32> to vector<16xf32>
        %mul3A_1103 = arith.mulf %get3A_18, %get3A_1099 : vector<16xf32>
        %add3A_1104 = arith.addf %get3A_1093, %mul3A_1103 : vector<16xf32>
        %mul3A_1105 = arith.mulf %get3A_18, %get3A_1102 : vector<16xf32>
        %add3A_1106 = arith.addf %get3A_1096, %mul3A_1105 : vector<16xf32>
        %add3A_1107 = arith.addf %exp3A_901, %exp3A_912 : vector<16xf32>
        %add3A_1108 = arith.addf %mul3A_908, %mul3A_916 : vector<16xf32>
        %mul3A_1109 = arith.mulf %add3A_1107, %add3A_799 : vector<16xf32>
        %mul3A_1110 = arith.mulf %exp3A_901, %add3A_1104 : vector<16xf32>
        %add3A_1111 = arith.addf %mul3A_1109, %mul3A_1110 : vector<16xf32>
        %mul3A_1112 = arith.mulf %add3A_1107, %add3A_806 : vector<16xf32>
        %mul3A_1113 = arith.mulf %add3A_1108, %add3A_799 : vector<16xf32>
        %add3A_1114 = arith.addf %mul3A_1112, %mul3A_1113 : vector<16xf32>
        %mul3A_1115 = arith.mulf %exp3A_901, %add3A_1106 : vector<16xf32>
        %add3A_1116 = arith.addf %add3A_1114, %mul3A_1115 : vector<16xf32>
        %mul3A_1117 = arith.mulf %mul3A_908, %add3A_1104 : vector<16xf32>
        %add3A_1118 = arith.addf %add3A_1116, %mul3A_1117 : vector<16xf32>
        %get3A_1119 = arith.constant 55 : index
        %get3A_1120 = tpu.vector_load %arg7[%get3A_1119] {strides = array<i32>} : memref<80xf32, #tpu.memory_space<vmem>>, vector<16xf32>,
        %get3A_1121 = vector.shape_cast %get3A_1120 : vector<16xf32> to vector<16xf32>
        %get3A_1122 = arith.constant 55 : index
        %get3A_1123 = tpu.vector_load %arg8[%get3A_1122] {strides = array<i32>} : memref<80xf32, #tpu.memory_space<vmem>>, vector<16xf32>,
        %get3A_1124 = vector.shape_cast %get3A_1123 : vector<16xf32> to vector<16xf32>
        %get3A_1125 = arith.constant 55 : index
        %get3A_1126 = tpu.vector_load %arg9[%get3A_1125] {strides = array<i32>} : memref<80xf32, #tpu.memory_space<vmem>>, vector<16xf32>,
        %get3A_1127 = vector.shape_cast %get3A_1126 : vector<16xf32> to vector<16xf32>
        %get3A_1128 = arith.constant 55 : index
        %get3A_1129 = tpu.vector_load %arg10[%get3A_1128] {strides = array<i32>} : memref<80xf32, #tpu.memory_space<vmem>>, vector<16xf32>,
        %get3A_1130 = vector.shape_cast %get3A_1129 : vector<16xf32> to vector<16xf32>
        %mul3A_1131 = arith.mulf %get3A_21, %get3A_1127 : vector<16xf32>
        %add3A_1132 = arith.addf %get3A_1121, %mul3A_1131 : vector<16xf32>
        %mul3A_1133 = arith.mulf %get3A_21, %get3A_1130 : vector<16xf32>
        %add3A_1134 = arith.addf %get3A_1124, %mul3A_1133 : vector<16xf32>
        %add3A_1135 = arith.addf %exp3A_902, %exp3A_912 : vector<16xf32>
        %add3A_1136 = arith.addf %mul3A_910, %mul3A_916 : vector<16xf32>
        %mul3A_1137 = arith.mulf %add3A_1135, %add3A_827 : vector<16xf32>
        %mul3A_1138 = arith.mulf %exp3A_902, %add3A_1132 : vector<16xf32>
        %add3A_1139 = arith.addf %mul3A_1137, %mul3A_1138 : vector<16xf32>
        %mul3A_1140 = arith.mulf %add3A_1135, %add3A_834 : vector<16xf32>
        %mul3A_1141 = arith.mulf %add3A_1136, %add3A_827 : vector<16xf32>
        %add3A_1142 = arith.addf %mul3A_1140, %mul3A_1141 : vector<16xf32>
        %mul3A_1143 = arith.mulf %exp3A_902, %add3A_1134 : vector<16xf32>
        %add3A_1144 = arith.addf %add3A_1142, %mul3A_1143 : vector<16xf32>
        %mul3A_1145 = arith.mulf %mul3A_910, %add3A_1132 : vector<16xf32>
        %add3A_1146 = arith.addf %add3A_1144, %mul3A_1145 : vector<16xf32>
        %mul3A_1147 = arith.constant 4 : i32
        %mul3A_1148 = arith.muli %mul3A_1147, %scan3A_197 : i32
        %add3A_1149 = arith.constant 3 : i32
        %add3A_1150 = arith.addi %mul3A_1148, %add3A_1149 : i32
        %get3A_1151 = arith.constant 0 : i32
        %get3A_1152 = arith.index_cast %get3A_1151 : i32 to index
        %get3A_1153 = arith.index_cast %add3A_1150 : i32 to index
        %get3A_1154 = arith.constant 0 : index
        %get3A_1155 = tpu.vector_load %arg5[%get3A_1152, %get3A_1153, %get3A_1154] {strides = array<i32>} : memref<2x64x80xf32, #tpu.memory_space<vmem>>, vector<1x1x16xf32>,
        %get3A_1156 = vector.shape_cast %get3A_1155 : vector<1x1x16xf32> to vector<16xf32>
        %get3A_1157 = arith.constant 0 : i32
        %get3A_1158 = arith.index_cast %get3A_1157 : i32 to index
        %get3A_1159 = arith.index_cast %add3A_1150 : i32 to index
        %get3A_1160 = arith.constant 16 : index
        %get3A_1161 = tpu.vector_load %arg5[%get3A_1158, %get3A_1159, %get3A_1160] {strides = array<i32>} : memref<2x64x80xf32, #tpu.memory_space<vmem>>, vector<1x1x16xf32>,
        %get3A_1162 = vector.shape_cast %get3A_1161 : vector<1x1x16xf32> to vector<16xf32>
        %get3A_1163 = arith.constant 0 : i32
        %get3A_1164 = arith.index_cast %get3A_1163 : i32 to index
        %get3A_1165 = arith.index_cast %add3A_1150 : i32 to index
        %get3A_1166 = arith.constant 32 : index
        %get3A_1167 = tpu.vector_load %arg5[%get3A_1164, %get3A_1165, %get3A_1166] {strides = array<i32>} : memref<2x64x80xf32, #tpu.memory_space<vmem>>, vector<1x1x16xf32>,
        %get3A_1168 = vector.shape_cast %get3A_1167 : vector<1x1x16xf32> to vector<16xf32>
        %get3A_1169 = arith.constant 0 : i32
        %get3A_1170 = arith.index_cast %get3A_1169 : i32 to index
        %get3A_1171 = arith.index_cast %add3A_1150 : i32 to index
        %get3A_1172 = arith.constant 48 : index
        %get3A_1173 = tpu.vector_load %arg5[%get3A_1170, %get3A_1171, %get3A_1172] {strides = array<i32>} : memref<2x64x80xf32, #tpu.memory_space<vmem>>, vector<1x1x16xf32>,
        %get3A_1174 = vector.shape_cast %get3A_1173 : vector<1x1x16xf32> to vector<16xf32>
        %get3A_1175 = arith.constant 0 : i32
        %get3A_1176 = arith.index_cast %get3A_1175 : i32 to index
        %get3A_1177 = arith.index_cast %add3A_1150 : i32 to index
        %get3A_1178 = arith.constant 64 : index
        %get3A_1179 = tpu.vector_load %arg5[%get3A_1176, %get3A_1177, %get3A_1178] {strides = array<i32>} : memref<2x64x80xf32, #tpu.memory_space<vmem>>, vector<1x1x16xf32>,
        %get3A_1180 = vector.shape_cast %get3A_1179 : vector<1x1x16xf32> to vector<16xf32>
        %lt3A_1181 = arith.constant 0 : i32
        %lt3A_1182 = vector.broadcast %lt3A_1181 : i32 to vector<16xi32>
        %lt3A_1183 = arith.cmpi slt, %broadcast_in_dim3A_35, %lt3A_1182 : vector<16xi32>
        %add3A_1184 = arith.constant 16 : i32
        %add3A_1185 = vector.broadcast %add3A_1184 : i32 to vector<16xi32>
        %add3A_1186 = arith.addi %broadcast_in_dim3A_35, %add3A_1185 : vector<16xi32>
        %select_n3A_1187 = arith.select %lt3A_1183, %add3A_1186, %broadcast_in_dim3A_35 : vector<16xi1>, vector<16xi32>
        %broadcast_in_dim3A_1188 = vector.shape_cast %select_n3A_1187 : vector<16xi32> to vector<16x1xi32>
        %gather3A_1189 = vector.shape_cast %broadcast_in_dim3A_1188 : vector<16x1xi32> to vector<16xi32>
        %gather3A_1190 = tpu.dynamic_gather %get3A_1180[%gather3A_1189] in [0] : vector<16xf32>, vector<16xi32> -> vector<16xf32>
        %lt3A_1191 = arith.constant 0 : i32
        %lt3A_1192 = vector.broadcast %lt3A_1191 : i32 to vector<16xi32>
        %lt3A_1193 = arith.cmpi slt, %broadcast_in_dim3A_31, %lt3A_1192 : vector<16xi32>
        %add3A_1194 = arith.constant 16 : i32
        %add3A_1195 = vector.broadcast %add3A_1194 : i32 to vector<16xi32>
        %add3A_1196 = arith.addi %broadcast_in_dim3A_31, %add3A_1195 : vector<16xi32>
        %select_n3A_1197 = arith.select %lt3A_1193, %add3A_1196, %broadcast_in_dim3A_31 : vector<16xi1>, vector<16xi32>
        %broadcast_in_dim3A_1198 = vector.shape_cast %select_n3A_1197 : vector<16xi32> to vector<16x1xi32>
        %gather3A_1199 = vector.shape_cast %broadcast_in_dim3A_1198 : vector<16x1xi32> to vector<16xi32>
        %gather3A_1200 = tpu.dynamic_gather %get3A_1180[%gather3A_1199] in [0] : vector<16xf32>, vector<16xi32> -> vector<16xf32>
        %lt3A_1201 = arith.constant 0 : i32
        %lt3A_1202 = vector.broadcast %lt3A_1201 : i32 to vector<16xi32>
        %lt3A_1203 = arith.cmpi slt, %broadcast_in_dim3A_33, %lt3A_1202 : vector<16xi32>
        %add3A_1204 = arith.constant 16 : i32
        %add3A_1205 = vector.broadcast %add3A_1204 : i32 to vector<16xi32>
        %add3A_1206 = arith.addi %broadcast_in_dim3A_33, %add3A_1205 : vector<16xi32>
        %select_n3A_1207 = arith.select %lt3A_1203, %add3A_1206, %broadcast_in_dim3A_33 : vector<16xi1>, vector<16xi32>
        %broadcast_in_dim3A_1208 = vector.shape_cast %select_n3A_1207 : vector<16xi32> to vector<16x1xi32>
        %gather3A_1209 = vector.shape_cast %broadcast_in_dim3A_1208 : vector<16x1xi32> to vector<16xi32>
        %gather3A_1210 = tpu.dynamic_gather %get3A_1180[%gather3A_1209] in [0] : vector<16xf32>, vector<16xi32> -> vector<16xf32>
        %exp3A_1211 = math.exp %get3A_1156 : vector<16xf32>
        %exp3A_1212 = math.exp %get3A_1162 : vector<16xf32>
        %exp3A_1213 = math.exp %get3A_1168 : vector<16xf32>
        %exp3A_1214 = math.exp %get3A_1174 : vector<16xf32>
        %sub3A_1215 = arith.subf %get3A_1156, %gather3A_1190 : vector<16xf32>
        %mul3A_1216 = arith.mulf %exp3A_1211, %sub3A_1215 : vector<16xf32>
        %sub3A_1217 = arith.subf %get3A_1162, %gather3A_1190 : vector<16xf32>
        %mul3A_1218 = arith.mulf %exp3A_1212, %sub3A_1217 : vector<16xf32>
        %sub3A_1219 = arith.subf %get3A_1168, %gather3A_1190 : vector<16xf32>
        %mul3A_1220 = arith.mulf %exp3A_1213, %sub3A_1219 : vector<16xf32>
        %sub3A_1221 = arith.subf %get3A_1174, %gather3A_1190 : vector<16xf32>
        %mul3A_1222 = arith.mulf %exp3A_1214, %sub3A_1221 : vector<16xf32>
        %exp3A_1223 = math.exp %gather3A_1200 : vector<16xf32>
        %exp3A_1224 = math.exp %gather3A_1210 : vector<16xf32>
        %sub3A_1225 = arith.subf %gather3A_1200, %gather3A_1190 : vector<16xf32>
        %mul3A_1226 = arith.mulf %exp3A_1223, %sub3A_1225 : vector<16xf32>
        %sub3A_1227 = arith.subf %gather3A_1210, %gather3A_1190 : vector<16xf32>
        %mul3A_1228 = arith.mulf %exp3A_1224, %sub3A_1227 : vector<16xf32>
        %add3A_1229 = arith.addf %exp3A_1223, %exp3A_1224 : vector<16xf32>
        %add3A_1230 = arith.addf %mul3A_1226, %mul3A_1228 : vector<16xf32>
        %swap3A_1231 = arith.constant 0 : index
        %swap3A_1232 = tpu.vector_load %arg7[%swap3A_1231] {strides = array<i32>} : memref<80xf32, #tpu.memory_space<vmem>>, vector<16xf32>,
        %swap3A_1233 = vector.shape_cast %swap3A_1232 : vector<16xf32> to vector<16xf32>
        %swap3A_1234 = vector.shape_cast %mul3A_1031 : vector<16xf32> to vector<16xf32>
        tpu.vector_store %arg7[%swap3A_1231], %swap3A_1234 {strides = array<i32>} : memref<80xf32, #tpu.memory_space<vmem>>, vector<16xf32>,
        %swap3A_1235 = arith.constant 0 : index
        %swap3A_1236 = tpu.vector_load %arg8[%swap3A_1235] {strides = array<i32>} : memref<80xf32, #tpu.memory_space<vmem>>, vector<16xf32>,
        %swap3A_1237 = vector.shape_cast %swap3A_1236 : vector<16xf32> to vector<16xf32>
        %swap3A_1238 = vector.shape_cast %add3A_1034 : vector<16xf32> to vector<16xf32>
        tpu.vector_store %arg8[%swap3A_1235], %swap3A_1238 {strides = array<i32>} : memref<80xf32, #tpu.memory_space<vmem>>, vector<16xf32>,
        %swap3A_1239 = arith.constant 8 : index
        %swap3A_1240 = tpu.vector_load %arg7[%swap3A_1239] {strides = array<i32>} : memref<80xf32, #tpu.memory_space<vmem>>, vector<16xf32>,
        %swap3A_1241 = vector.shape_cast %swap3A_1240 : vector<16xf32> to vector<16xf32>
        %swap3A_1242 = vector.shape_cast %add3A_993 : vector<16xf32> to vector<16xf32>
        tpu.vector_store %arg7[%swap3A_1239], %swap3A_1242 {strides = array<i32>} : memref<80xf32, #tpu.memory_space<vmem>>, vector<16xf32>,
        %swap3A_1243 = arith.constant 8 : index
        %swap3A_1244 = tpu.vector_load %arg8[%swap3A_1243] {strides = array<i32>} : memref<80xf32, #tpu.memory_space<vmem>>, vector<16xf32>,
        %swap3A_1245 = vector.shape_cast %swap3A_1244 : vector<16xf32> to vector<16xf32>
        %swap3A_1246 = vector.shape_cast %add3A_1009 : vector<16xf32> to vector<16xf32>
        tpu.vector_store %arg8[%swap3A_1243], %swap3A_1246 {strides = array<i32>} : memref<80xf32, #tpu.memory_space<vmem>>, vector<16xf32>,
        %swap3A_1247 = arith.constant 8 : index
        %swap3A_1248 = tpu.vector_load %arg9[%swap3A_1247] {strides = array<i32>} : memref<80xf32, #tpu.memory_space<vmem>>, vector<16xf32>,
        %swap3A_1249 = vector.shape_cast %swap3A_1248 : vector<16xf32> to vector<16xf32>
        %swap3A_1250 = vector.shape_cast %add3A_1055 : vector<16xf32> to vector<16xf32>
        tpu.vector_store %arg9[%swap3A_1247], %swap3A_1250 {strides = array<i32>} : memref<80xf32, #tpu.memory_space<vmem>>, vector<16xf32>,
        %swap3A_1251 = arith.constant 8 : index
        %swap3A_1252 = tpu.vector_load %arg10[%swap3A_1251] {strides = array<i32>} : memref<80xf32, #tpu.memory_space<vmem>>, vector<16xf32>,
        %swap3A_1253 = vector.shape_cast %swap3A_1252 : vector<16xf32> to vector<16xf32>
        %swap3A_1254 = vector.shape_cast %add3A_1062 : vector<16xf32> to vector<16xf32>
        tpu.vector_store %arg10[%swap3A_1251], %swap3A_1254 {strides = array<i32>} : memref<80xf32, #tpu.memory_space<vmem>>, vector<16xf32>,
        %swap3A_1255 = arith.constant 24 : index
        %swap3A_1256 = tpu.vector_load %arg7[%swap3A_1255] {strides = array<i32>} : memref<80xf32, #tpu.memory_space<vmem>>, vector<16xf32>,
        %swap3A_1257 = vector.shape_cast %swap3A_1256 : vector<16xf32> to vector<16xf32>
        %swap3A_1258 = vector.shape_cast %add3A_996 : vector<16xf32> to vector<16xf32>
        tpu.vector_store %arg7[%swap3A_1255], %swap3A_1258 {strides = array<i32>} : memref<80xf32, #tpu.memory_space<vmem>>, vector<16xf32>,
        %swap3A_1259 = arith.constant 24 : index
        %swap3A_1260 = tpu.vector_load %arg8[%swap3A_1259] {strides = array<i32>} : memref<80xf32, #tpu.memory_space<vmem>>, vector<16xf32>,
        %swap3A_1261 = vector.shape_cast %swap3A_1260 : vector<16xf32> to vector<16xf32>
        %swap3A_1262 = vector.shape_cast %add3A_1016 : vector<16xf32> to vector<16xf32>
        tpu.vector_store %arg8[%swap3A_1259], %swap3A_1262 {strides = array<i32>} : memref<80xf32, #tpu.memory_space<vmem>>, vector<16xf32>,
        %swap3A_1263 = arith.constant 24 : index
        %swap3A_1264 = tpu.vector_load %arg9[%swap3A_1263] {strides = array<i32>} : memref<80xf32, #tpu.memory_space<vmem>>, vector<16xf32>,
        %swap3A_1265 = vector.shape_cast %swap3A_1264 : vector<16xf32> to vector<16xf32>
        %swap3A_1266 = vector.shape_cast %add3A_1083 : vector<16xf32> to vector<16xf32>
        tpu.vector_store %arg9[%swap3A_1263], %swap3A_1266 {strides = array<i32>} : memref<80xf32, #tpu.memory_space<vmem>>, vector<16xf32>,
        %swap3A_1267 = arith.constant 24 : index
        %swap3A_1268 = tpu.vector_load %arg10[%swap3A_1267] {strides = array<i32>} : memref<80xf32, #tpu.memory_space<vmem>>, vector<16xf32>,
        %swap3A_1269 = vector.shape_cast %swap3A_1268 : vector<16xf32> to vector<16xf32>
        %swap3A_1270 = vector.shape_cast %add3A_1090 : vector<16xf32> to vector<16xf32>
        tpu.vector_store %arg10[%swap3A_1267], %swap3A_1270 {strides = array<i32>} : memref<80xf32, #tpu.memory_space<vmem>>, vector<16xf32>,
        %swap3A_1271 = arith.constant 40 : index
        %swap3A_1272 = tpu.vector_load %arg7[%swap3A_1271] {strides = array<i32>} : memref<80xf32, #tpu.memory_space<vmem>>, vector<16xf32>,
        %swap3A_1273 = vector.shape_cast %swap3A_1272 : vector<16xf32> to vector<16xf32>
        %swap3A_1274 = vector.shape_cast %add3A_999 : vector<16xf32> to vector<16xf32>
        tpu.vector_store %arg7[%swap3A_1271], %swap3A_1274 {strides = array<i32>} : memref<80xf32, #tpu.memory_space<vmem>>, vector<16xf32>,
        %swap3A_1275 = arith.constant 40 : index
        %swap3A_1276 = tpu.vector_load %arg8[%swap3A_1275] {strides = array<i32>} : memref<80xf32, #tpu.memory_space<vmem>>, vector<16xf32>,
        %swap3A_1277 = vector.shape_cast %swap3A_1276 : vector<16xf32> to vector<16xf32>
        %swap3A_1278 = vector.shape_cast %add3A_1023 : vector<16xf32> to vector<16xf32>
        tpu.vector_store %arg8[%swap3A_1275], %swap3A_1278 {strides = array<i32>} : memref<80xf32, #tpu.memory_space<vmem>>, vector<16xf32>,
        %swap3A_1279 = arith.constant 40 : index
        %swap3A_1280 = tpu.vector_load %arg9[%swap3A_1279] {strides = array<i32>} : memref<80xf32, #tpu.memory_space<vmem>>, vector<16xf32>,
        %swap3A_1281 = vector.shape_cast %swap3A_1280 : vector<16xf32> to vector<16xf32>
        %swap3A_1282 = vector.shape_cast %add3A_1111 : vector<16xf32> to vector<16xf32>
        tpu.vector_store %arg9[%swap3A_1279], %swap3A_1282 {strides = array<i32>} : memref<80xf32, #tpu.memory_space<vmem>>, vector<16xf32>,
        %swap3A_1283 = arith.constant 40 : index
        %swap3A_1284 = tpu.vector_load %arg10[%swap3A_1283] {strides = array<i32>} : memref<80xf32, #tpu.memory_space<vmem>>, vector<16xf32>,
        %swap3A_1285 = vector.shape_cast %swap3A_1284 : vector<16xf32> to vector<16xf32>
        %swap3A_1286 = vector.shape_cast %add3A_1118 : vector<16xf32> to vector<16xf32>
        tpu.vector_store %arg10[%swap3A_1283], %swap3A_1286 {strides = array<i32>} : memref<80xf32, #tpu.memory_space<vmem>>, vector<16xf32>,
        %swap3A_1287 = arith.constant 56 : index
        %swap3A_1288 = tpu.vector_load %arg7[%swap3A_1287] {strides = array<i32>} : memref<80xf32, #tpu.memory_space<vmem>>, vector<16xf32>,
        %swap3A_1289 = vector.shape_cast %swap3A_1288 : vector<16xf32> to vector<16xf32>
        %swap3A_1290 = vector.shape_cast %add3A_1002 : vector<16xf32> to vector<16xf32>
        tpu.vector_store %arg7[%swap3A_1287], %swap3A_1290 {strides = array<i32>} : memref<80xf32, #tpu.memory_space<vmem>>, vector<16xf32>,
        %swap3A_1291 = arith.constant 56 : index
        %swap3A_1292 = tpu.vector_load %arg8[%swap3A_1291] {strides = array<i32>} : memref<80xf32, #tpu.memory_space<vmem>>, vector<16xf32>,
        %swap3A_1293 = vector.shape_cast %swap3A_1292 : vector<16xf32> to vector<16xf32>
        %swap3A_1294 = vector.shape_cast %add3A_1030 : vector<16xf32> to vector<16xf32>
        tpu.vector_store %arg8[%swap3A_1291], %swap3A_1294 {strides = array<i32>} : memref<80xf32, #tpu.memory_space<vmem>>, vector<16xf32>,
        %swap3A_1295 = arith.constant 56 : index
        %swap3A_1296 = tpu.vector_load %arg9[%swap3A_1295] {strides = array<i32>} : memref<80xf32, #tpu.memory_space<vmem>>, vector<16xf32>,
        %swap3A_1297 = vector.shape_cast %swap3A_1296 : vector<16xf32> to vector<16xf32>
        %swap3A_1298 = vector.shape_cast %add3A_1139 : vector<16xf32> to vector<16xf32>
        tpu.vector_store %arg9[%swap3A_1295], %swap3A_1298 {strides = array<i32>} : memref<80xf32, #tpu.memory_space<vmem>>, vector<16xf32>,
        %swap3A_1299 = arith.constant 56 : index
        %swap3A_1300 = tpu.vector_load %arg10[%swap3A_1299] {strides = array<i32>} : memref<80xf32, #tpu.memory_space<vmem>>, vector<16xf32>,
        %swap3A_1301 = vector.shape_cast %swap3A_1300 : vector<16xf32> to vector<16xf32>
        %swap3A_1302 = vector.shape_cast %add3A_1146 : vector<16xf32> to vector<16xf32>
        tpu.vector_store %arg10[%swap3A_1299], %swap3A_1302 {strides = array<i32>} : memref<80xf32, #tpu.memory_space<vmem>>, vector<16xf32>,
        %mul3A_1303 = arith.mulf %add3A_1229, %add3A_993 : vector<16xf32>
        %mul3A_1304 = arith.mulf %exp3A_1223, %add3A_1055 : vector<16xf32>
        %add3A_1305 = arith.addf %mul3A_1303, %mul3A_1304 : vector<16xf32>
        %mul3A_1306 = arith.mulf %add3A_1229, %add3A_996 : vector<16xf32>
        %mul3A_1307 = arith.mulf %exp3A_1223, %add3A_1083 : vector<16xf32>
        %add3A_1308 = arith.addf %mul3A_1306, %mul3A_1307 : vector<16xf32>
        %mul3A_1309 = arith.mulf %add3A_1229, %add3A_999 : vector<16xf32>
        %mul3A_1310 = arith.mulf %exp3A_1223, %add3A_1111 : vector<16xf32>
        %add3A_1311 = arith.addf %mul3A_1309, %mul3A_1310 : vector<16xf32>
        %mul3A_1312 = arith.mulf %add3A_1229, %add3A_1002 : vector<16xf32>
        %mul3A_1313 = arith.mulf %exp3A_1223, %add3A_1139 : vector<16xf32>
        %add3A_1314 = arith.addf %mul3A_1312, %mul3A_1313 : vector<16xf32>
        %mul3A_1315 = arith.mulf %add3A_1229, %add3A_1009 : vector<16xf32>
        %mul3A_1316 = arith.mulf %add3A_1230, %add3A_993 : vector<16xf32>
        %add3A_1317 = arith.addf %mul3A_1315, %mul3A_1316 : vector<16xf32>
        %mul3A_1318 = arith.mulf %exp3A_1223, %add3A_1062 : vector<16xf32>
        %add3A_1319 = arith.addf %add3A_1317, %mul3A_1318 : vector<16xf32>
        %mul3A_1320 = arith.mulf %mul3A_1226, %add3A_1055 : vector<16xf32>
        %add3A_1321 = arith.addf %add3A_1319, %mul3A_1320 : vector<16xf32>
        %mul3A_1322 = arith.mulf %add3A_1229, %add3A_1016 : vector<16xf32>
        %mul3A_1323 = arith.mulf %add3A_1230, %add3A_996 : vector<16xf32>
        %add3A_1324 = arith.addf %mul3A_1322, %mul3A_1323 : vector<16xf32>
        %mul3A_1325 = arith.mulf %exp3A_1223, %add3A_1090 : vector<16xf32>
        %add3A_1326 = arith.addf %add3A_1324, %mul3A_1325 : vector<16xf32>
        %mul3A_1327 = arith.mulf %mul3A_1226, %add3A_1083 : vector<16xf32>
        %add3A_1328 = arith.addf %add3A_1326, %mul3A_1327 : vector<16xf32>
        %mul3A_1329 = arith.mulf %add3A_1229, %add3A_1023 : vector<16xf32>
        %mul3A_1330 = arith.mulf %add3A_1230, %add3A_999 : vector<16xf32>
        %add3A_1331 = arith.addf %mul3A_1329, %mul3A_1330 : vector<16xf32>
        %mul3A_1332 = arith.mulf %exp3A_1223, %add3A_1118 : vector<16xf32>
        %add3A_1333 = arith.addf %add3A_1331, %mul3A_1332 : vector<16xf32>
        %mul3A_1334 = arith.mulf %mul3A_1226, %add3A_1111 : vector<16xf32>
        %add3A_1335 = arith.addf %add3A_1333, %mul3A_1334 : vector<16xf32>
        %mul3A_1336 = arith.mulf %add3A_1229, %add3A_1030 : vector<16xf32>
        %mul3A_1337 = arith.mulf %add3A_1230, %add3A_1002 : vector<16xf32>
        %add3A_1338 = arith.addf %mul3A_1336, %mul3A_1337 : vector<16xf32>
        %mul3A_1339 = arith.mulf %exp3A_1223, %add3A_1146 : vector<16xf32>
        %add3A_1340 = arith.addf %add3A_1338, %mul3A_1339 : vector<16xf32>
        %mul3A_1341 = arith.mulf %mul3A_1226, %add3A_1139 : vector<16xf32>
        %add3A_1342 = arith.addf %add3A_1340, %mul3A_1341 : vector<16xf32>
        %mul3A_1343 = arith.mulf %add3A_1229, %mul3A_1031 : vector<16xf32>
        %mul3A_1344 = arith.mulf %add3A_1229, %add3A_1034 : vector<16xf32>
        %mul3A_1345 = arith.mulf %add3A_1230, %mul3A_1031 : vector<16xf32>
        %add3A_1346 = arith.addf %mul3A_1344, %mul3A_1345 : vector<16xf32>
        %get3A_1347 = arith.constant 7 : index
        %get3A_1348 = tpu.vector_load %arg7[%get3A_1347] {strides = array<i32>} : memref<80xf32, #tpu.memory_space<vmem>>, vector<16xf32>,
        %get3A_1349 = vector.shape_cast %get3A_1348 : vector<16xf32> to vector<16xf32>
        %get3A_1350 = arith.constant 7 : index
        %get3A_1351 = tpu.vector_load %arg8[%get3A_1350] {strides = array<i32>} : memref<80xf32, #tpu.memory_space<vmem>>, vector<16xf32>,
        %get3A_1352 = vector.shape_cast %get3A_1351 : vector<16xf32> to vector<16xf32>
        %get3A_1353 = arith.constant 7 : index
        %get3A_1354 = tpu.vector_load %arg9[%get3A_1353] {strides = array<i32>} : memref<80xf32, #tpu.memory_space<vmem>>, vector<16xf32>,
        %get3A_1355 = vector.shape_cast %get3A_1354 : vector<16xf32> to vector<16xf32>
        %get3A_1356 = arith.constant 7 : index
        %get3A_1357 = tpu.vector_load %arg10[%get3A_1356] {strides = array<i32>} : memref<80xf32, #tpu.memory_space<vmem>>, vector<16xf32>,
        %get3A_1358 = vector.shape_cast %get3A_1357 : vector<16xf32> to vector<16xf32>
        %mul3A_1359 = arith.mulf %get3A_12, %get3A_1355 : vector<16xf32>
        %add3A_1360 = arith.addf %get3A_1349, %mul3A_1359 : vector<16xf32>
        %mul3A_1361 = arith.mulf %get3A_12, %get3A_1358 : vector<16xf32>
        %add3A_1362 = arith.addf %get3A_1352, %mul3A_1361 : vector<16xf32>
        %add3A_1363 = arith.addf %exp3A_1211, %exp3A_1224 : vector<16xf32>
        %add3A_1364 = arith.addf %mul3A_1216, %mul3A_1228 : vector<16xf32>
        %mul3A_1365 = arith.mulf %add3A_1363, %add3A_1055 : vector<16xf32>
        %mul3A_1366 = arith.mulf %exp3A_1211, %add3A_1360 : vector<16xf32>
        %add3A_1367 = arith.addf %mul3A_1365, %mul3A_1366 : vector<16xf32>
        %mul3A_1368 = arith.mulf %add3A_1363, %add3A_1062 : vector<16xf32>
        %mul3A_1369 = arith.mulf %add3A_1364, %add3A_1055 : vector<16xf32>
        %add3A_1370 = arith.addf %mul3A_1368, %mul3A_1369 : vector<16xf32>
        %mul3A_1371 = arith.mulf %exp3A_1211, %add3A_1362 : vector<16xf32>
        %add3A_1372 = arith.addf %add3A_1370, %mul3A_1371 : vector<16xf32>
        %mul3A_1373 = arith.mulf %mul3A_1216, %add3A_1360 : vector<16xf32>
        %add3A_1374 = arith.addf %add3A_1372, %mul3A_1373 : vector<16xf32>
        %get3A_1375 = arith.constant 23 : index
        %get3A_1376 = tpu.vector_load %arg7[%get3A_1375] {strides = array<i32>} : memref<80xf32, #tpu.memory_space<vmem>>, vector<16xf32>,
        %get3A_1377 = vector.shape_cast %get3A_1376 : vector<16xf32> to vector<16xf32>
        %get3A_1378 = arith.constant 23 : index
        %get3A_1379 = tpu.vector_load %arg8[%get3A_1378] {strides = array<i32>} : memref<80xf32, #tpu.memory_space<vmem>>, vector<16xf32>,
        %get3A_1380 = vector.shape_cast %get3A_1379 : vector<16xf32> to vector<16xf32>
        %get3A_1381 = arith.constant 23 : index
        %get3A_1382 = tpu.vector_load %arg9[%get3A_1381] {strides = array<i32>} : memref<80xf32, #tpu.memory_space<vmem>>, vector<16xf32>,
        %get3A_1383 = vector.shape_cast %get3A_1382 : vector<16xf32> to vector<16xf32>
        %get3A_1384 = arith.constant 23 : index
        %get3A_1385 = tpu.vector_load %arg10[%get3A_1384] {strides = array<i32>} : memref<80xf32, #tpu.memory_space<vmem>>, vector<16xf32>,
        %get3A_1386 = vector.shape_cast %get3A_1385 : vector<16xf32> to vector<16xf32>
        %mul3A_1387 = arith.mulf %get3A_15, %get3A_1383 : vector<16xf32>
        %add3A_1388 = arith.addf %get3A_1377, %mul3A_1387 : vector<16xf32>
        %mul3A_1389 = arith.mulf %get3A_15, %get3A_1386 : vector<16xf32>
        %add3A_1390 = arith.addf %get3A_1380, %mul3A_1389 : vector<16xf32>
        %add3A_1391 = arith.addf %exp3A_1212, %exp3A_1224 : vector<16xf32>
        %add3A_1392 = arith.addf %mul3A_1218, %mul3A_1228 : vector<16xf32>
        %mul3A_1393 = arith.mulf %add3A_1391, %add3A_1083 : vector<16xf32>
        %mul3A_1394 = arith.mulf %exp3A_1212, %add3A_1388 : vector<16xf32>
        %add3A_1395 = arith.addf %mul3A_1393, %mul3A_1394 : vector<16xf32>
        %mul3A_1396 = arith.mulf %add3A_1391, %add3A_1090 : vector<16xf32>
        %mul3A_1397 = arith.mulf %add3A_1392, %add3A_1083 : vector<16xf32>
        %add3A_1398 = arith.addf %mul3A_1396, %mul3A_1397 : vector<16xf32>
        %mul3A_1399 = arith.mulf %exp3A_1212, %add3A_1390 : vector<16xf32>
        %add3A_1400 = arith.addf %add3A_1398, %mul3A_1399 : vector<16xf32>
        %mul3A_1401 = arith.mulf %mul3A_1218, %add3A_1388 : vector<16xf32>
        %add3A_1402 = arith.addf %add3A_1400, %mul3A_1401 : vector<16xf32>
        %get3A_1403 = arith.constant 39 : index
        %get3A_1404 = tpu.vector_load %arg7[%get3A_1403] {strides = array<i32>} : memref<80xf32, #tpu.memory_space<vmem>>, vector<16xf32>,
        %get3A_1405 = vector.shape_cast %get3A_1404 : vector<16xf32> to vector<16xf32>
        %get3A_1406 = arith.constant 39 : index
        %get3A_1407 = tpu.vector_load %arg8[%get3A_1406] {strides = array<i32>} : memref<80xf32, #tpu.memory_space<vmem>>, vector<16xf32>,
        %get3A_1408 = vector.shape_cast %get3A_1407 : vector<16xf32> to vector<16xf32>
        %get3A_1409 = arith.constant 39 : index
        %get3A_1410 = tpu.vector_load %arg9[%get3A_1409] {strides = array<i32>} : memref<80xf32, #tpu.memory_space<vmem>>, vector<16xf32>,
        %get3A_1411 = vector.shape_cast %get3A_1410 : vector<16xf32> to vector<16xf32>
        %get3A_1412 = arith.constant 39 : index
        %get3A_1413 = tpu.vector_load %arg10[%get3A_1412] {strides = array<i32>} : memref<80xf32, #tpu.memory_space<vmem>>, vector<16xf32>,
        %get3A_1414 = vector.shape_cast %get3A_1413 : vector<16xf32> to vector<16xf32>
        %mul3A_1415 = arith.mulf %get3A_18, %get3A_1411 : vector<16xf32>
        %add3A_1416 = arith.addf %get3A_1405, %mul3A_1415 : vector<16xf32>
        %mul3A_1417 = arith.mulf %get3A_18, %get3A_1414 : vector<16xf32>
        %add3A_1418 = arith.addf %get3A_1408, %mul3A_1417 : vector<16xf32>
        %add3A_1419 = arith.addf %exp3A_1213, %exp3A_1224 : vector<16xf32>
        %add3A_1420 = arith.addf %mul3A_1220, %mul3A_1228 : vector<16xf32>
        %mul3A_1421 = arith.mulf %add3A_1419, %add3A_1111 : vector<16xf32>
        %mul3A_1422 = arith.mulf %exp3A_1213, %add3A_1416 : vector<16xf32>
        %add3A_1423 = arith.addf %mul3A_1421, %mul3A_1422 : vector<16xf32>
        %mul3A_1424 = arith.mulf %add3A_1419, %add3A_1118 : vector<16xf32>
        %mul3A_1425 = arith.mulf %add3A_1420, %add3A_1111 : vector<16xf32>
        %add3A_1426 = arith.addf %mul3A_1424, %mul3A_1425 : vector<16xf32>
        %mul3A_1427 = arith.mulf %exp3A_1213, %add3A_1418 : vector<16xf32>
        %add3A_1428 = arith.addf %add3A_1426, %mul3A_1427 : vector<16xf32>
        %mul3A_1429 = arith.mulf %mul3A_1220, %add3A_1416 : vector<16xf32>
        %add3A_1430 = arith.addf %add3A_1428, %mul3A_1429 : vector<16xf32>
        %get3A_1431 = arith.constant 55 : index
        %get3A_1432 = tpu.vector_load %arg7[%get3A_1431] {strides = array<i32>} : memref<80xf32, #tpu.memory_space<vmem>>, vector<16xf32>,
        %get3A_1433 = vector.shape_cast %get3A_1432 : vector<16xf32> to vector<16xf32>
        %get3A_1434 = arith.constant 55 : index
        %get3A_1435 = tpu.vector_load %arg8[%get3A_1434] {strides = array<i32>} : memref<80xf32, #tpu.memory_space<vmem>>, vector<16xf32>,
        %get3A_1436 = vector.shape_cast %get3A_1435 : vector<16xf32> to vector<16xf32>
        %get3A_1437 = arith.constant 55 : index
        %get3A_1438 = tpu.vector_load %arg9[%get3A_1437] {strides = array<i32>} : memref<80xf32, #tpu.memory_space<vmem>>, vector<16xf32>,
        %get3A_1439 = vector.shape_cast %get3A_1438 : vector<16xf32> to vector<16xf32>
        %get3A_1440 = arith.constant 55 : index
        %get3A_1441 = tpu.vector_load %arg10[%get3A_1440] {strides = array<i32>} : memref<80xf32, #tpu.memory_space<vmem>>, vector<16xf32>,
        %get3A_1442 = vector.shape_cast %get3A_1441 : vector<16xf32> to vector<16xf32>
        %mul3A_1443 = arith.mulf %get3A_21, %get3A_1439 : vector<16xf32>
        %add3A_1444 = arith.addf %get3A_1433, %mul3A_1443 : vector<16xf32>
        %mul3A_1445 = arith.mulf %get3A_21, %get3A_1442 : vector<16xf32>
        %add3A_1446 = arith.addf %get3A_1436, %mul3A_1445 : vector<16xf32>
        %add3A_1447 = arith.addf %exp3A_1214, %exp3A_1224 : vector<16xf32>
        %add3A_1448 = arith.addf %mul3A_1222, %mul3A_1228 : vector<16xf32>
        %mul3A_1449 = arith.mulf %add3A_1447, %add3A_1139 : vector<16xf32>
        %mul3A_1450 = arith.mulf %exp3A_1214, %add3A_1444 : vector<16xf32>
        %add3A_1451 = arith.addf %mul3A_1449, %mul3A_1450 : vector<16xf32>
        %mul3A_1452 = arith.mulf %add3A_1447, %add3A_1146 : vector<16xf32>
        %mul3A_1453 = arith.mulf %add3A_1448, %add3A_1139 : vector<16xf32>
        %add3A_1454 = arith.addf %mul3A_1452, %mul3A_1453 : vector<16xf32>
        %mul3A_1455 = arith.mulf %exp3A_1214, %add3A_1446 : vector<16xf32>
        %add3A_1456 = arith.addf %add3A_1454, %mul3A_1455 : vector<16xf32>
        %mul3A_1457 = arith.mulf %mul3A_1222, %add3A_1444 : vector<16xf32>
        %add3A_1458 = arith.addf %add3A_1456, %mul3A_1457 : vector<16xf32>
        %add3A_1459 = arith.addf %add3A_1305, %add3A_1308 : vector<16xf32>
        %add3A_1460 = arith.addf %add3A_1459, %add3A_1311 : vector<16xf32>
        %add3A_1461 = arith.addf %add3A_1460, %add3A_1314 : vector<16xf32>
        %add3A_1462 = arith.addf %add3A_1461, %add3A_1367 : vector<16xf32>
        %add3A_1463 = arith.addf %add3A_1462, %add3A_1395 : vector<16xf32>
        %add3A_1464 = arith.addf %add3A_1463, %add3A_1423 : vector<16xf32>
        %add3A_1465 = arith.addf %add3A_1464, %add3A_1451 : vector<16xf32>
        %xor3A = arith.constant 1 : i32
        %xor3A_1466 = vector.broadcast %xor3A : i32 to vector<16xi32>
        %xor3A_1467 = arith.xori %iota3A, %xor3A_1466 : vector<16xi32>
        %lt3A_1468 = arith.constant 0 : i32
        %lt3A_1469 = vector.broadcast %lt3A_1468 : i32 to vector<16xi32>
        %lt3A_1470 = arith.cmpi slt, %xor3A_1467, %lt3A_1469 : vector<16xi32>
        %add3A_1471 = arith.constant 16 : i32
        %add3A_1472 = vector.broadcast %add3A_1471 : i32 to vector<16xi32>
        %add3A_1473 = arith.addi %xor3A_1467, %add3A_1472 : vector<16xi32>
        %select_n3A_1474 = arith.select %lt3A_1470, %add3A_1473, %xor3A_1467 : vector<16xi1>, vector<16xi32>
        %broadcast_in_dim3A_1475 = vector.shape_cast %select_n3A_1474 : vector<16xi32> to vector<16x1xi32>
        %gather3A_1476 = vector.shape_cast %broadcast_in_dim3A_1475 : vector<16x1xi32> to vector<16xi32>
        %gather3A_1477 = tpu.dynamic_gather %add3A_1465[%gather3A_1476] in [0] : vector<16xf32>, vector<16xi32> -> vector<16xf32>
        %add3A_1478 = arith.addf %add3A_1465, %gather3A_1477 : vector<16xf32>
        %xor3A_1479 = arith.constant 2 : i32
        %xor3A_1480 = vector.broadcast %xor3A_1479 : i32 to vector<16xi32>
        %xor3A_1481 = arith.xori %iota3A, %xor3A_1480 : vector<16xi32>
        %lt3A_1482 = arith.constant 0 : i32
        %lt3A_1483 = vector.broadcast %lt3A_1482 : i32 to vector<16xi32>
        %lt3A_1484 = arith.cmpi slt, %xor3A_1481, %lt3A_1483 : vector<16xi32>
        %add3A_1485 = arith.constant 16 : i32
        %add3A_1486 = vector.broadcast %add3A_1485 : i32 to vector<16xi32>
        %add3A_1487 = arith.addi %xor3A_1481, %add3A_1486 : vector<16xi32>
        %select_n3A_1488 = arith.select %lt3A_1484, %add3A_1487, %xor3A_1481 : vector<16xi1>, vector<16xi32>
        %broadcast_in_dim3A_1489 = vector.shape_cast %select_n3A_1488 : vector<16xi32> to vector<16x1xi32>
        %gather3A_1490 = vector.shape_cast %broadcast_in_dim3A_1489 : vector<16x1xi32> to vector<16xi32>
        %gather3A_1491 = tpu.dynamic_gather %add3A_1478[%gather3A_1490] in [0] : vector<16xf32>, vector<16xi32> -> vector<16xf32>
        %add3A_1492 = arith.addf %add3A_1478, %gather3A_1491 : vector<16xf32>
        %xor3A_1493 = arith.constant 4 : i32
        %xor3A_1494 = vector.broadcast %xor3A_1493 : i32 to vector<16xi32>
        %xor3A_1495 = arith.xori %iota3A, %xor3A_1494 : vector<16xi32>
        %lt3A_1496 = arith.constant 0 : i32
        %lt3A_1497 = vector.broadcast %lt3A_1496 : i32 to vector<16xi32>
        %lt3A_1498 = arith.cmpi slt, %xor3A_1495, %lt3A_1497 : vector<16xi32>
        %add3A_1499 = arith.constant 16 : i32
        %add3A_1500 = vector.broadcast %add3A_1499 : i32 to vector<16xi32>
        %add3A_1501 = arith.addi %xor3A_1495, %add3A_1500 : vector<16xi32>
        %select_n3A_1502 = arith.select %lt3A_1498, %add3A_1501, %xor3A_1495 : vector<16xi1>, vector<16xi32>
        %broadcast_in_dim3A_1503 = vector.shape_cast %select_n3A_1502 : vector<16xi32> to vector<16x1xi32>
        %gather3A_1504 = vector.shape_cast %broadcast_in_dim3A_1503 : vector<16x1xi32> to vector<16xi32>
        %gather3A_1505 = tpu.dynamic_gather %add3A_1492[%gather3A_1504] in [0] : vector<16xf32>, vector<16xi32> -> vector<16xf32>
        %add3A_1506 = arith.addf %add3A_1492, %gather3A_1505 : vector<16xf32>
        %xor3A_1507 = arith.constant 8 : i32
        %xor3A_1508 = vector.broadcast %xor3A_1507 : i32 to vector<16xi32>
        %xor3A_1509 = arith.xori %iota3A, %xor3A_1508 : vector<16xi32>
        %lt3A_1510 = arith.constant 0 : i32
        %lt3A_1511 = vector.broadcast %lt3A_1510 : i32 to vector<16xi32>
        %lt3A_1512 = arith.cmpi slt, %xor3A_1509, %lt3A_1511 : vector<16xi32>
        %add3A_1513 = arith.constant 16 : i32
        %add3A_1514 = vector.broadcast %add3A_1513 : i32 to vector<16xi32>
        %add3A_1515 = arith.addi %xor3A_1509, %add3A_1514 : vector<16xi32>
        %select_n3A_1516 = arith.select %lt3A_1512, %add3A_1515, %xor3A_1509 : vector<16xi1>, vector<16xi32>
        %broadcast_in_dim3A_1517 = vector.shape_cast %select_n3A_1516 : vector<16xi32> to vector<16x1xi32>
        %gather3A_1518 = vector.shape_cast %broadcast_in_dim3A_1517 : vector<16x1xi32> to vector<16xi32>
        %gather3A_1519 = tpu.dynamic_gather %add3A_1506[%gather3A_1518] in [0] : vector<16xf32>, vector<16xi32> -> vector<16xf32>
        %add3A_1520 = arith.addf %add3A_1506, %gather3A_1519 : vector<16xf32>
        %add3A_1521 = arith.addf %add3A_1520, %mul3A_1343 : vector<16xf32>
        %div3A_1522 = arith.constant 0x49800000 : f32
        %div3A_1523 = vector.broadcast %div3A_1522 : f32 to vector<16xf32>
        %div3A_1524 = arith.divf %div3A_1523, %add3A_1521 : vector<16xf32>
        %mul3A_1525 = arith.mulf %add3A_1305, %div3A_1524 : vector<16xf32>
        %mul3A_1526 = arith.mulf %add3A_1308, %div3A_1524 : vector<16xf32>
        %mul3A_1527 = arith.mulf %add3A_1311, %div3A_1524 : vector<16xf32>
        %mul3A_1528 = arith.mulf %add3A_1314, %div3A_1524 : vector<16xf32>
        %mul3A_1529 = arith.mulf %add3A_1321, %div3A_1524 : vector<16xf32>
        %mul3A_1530 = arith.mulf %add3A_1328, %div3A_1524 : vector<16xf32>
        %mul3A_1531 = arith.mulf %add3A_1335, %div3A_1524 : vector<16xf32>
        %mul3A_1532 = arith.mulf %add3A_1342, %div3A_1524 : vector<16xf32>
        %mul3A_1533 = arith.mulf %add3A_1367, %div3A_1524 : vector<16xf32>
        %mul3A_1534 = arith.mulf %add3A_1395, %div3A_1524 : vector<16xf32>
        %mul3A_1535 = arith.mulf %add3A_1423, %div3A_1524 : vector<16xf32>
        %mul3A_1536 = arith.mulf %add3A_1451, %div3A_1524 : vector<16xf32>
        %mul3A_1537 = arith.mulf %add3A_1374, %div3A_1524 : vector<16xf32>
        %mul3A_1538 = arith.mulf %add3A_1402, %div3A_1524 : vector<16xf32>
        %mul3A_1539 = arith.mulf %add3A_1430, %div3A_1524 : vector<16xf32>
        %mul3A_1540 = arith.mulf %add3A_1458, %div3A_1524 : vector<16xf32>
        %mul3A_1541 = arith.mulf %mul3A_1343, %div3A_1524 : vector<16xf32>
        %mul3A_1542 = arith.mulf %add3A_1346, %div3A_1524 : vector<16xf32>
        scf.yield %mul3A_1525, %mul3A_1526, %mul3A_1527, %mul3A_1528, %mul3A_1529, %mul3A_1530, %mul3A_1531, %mul3A_1532, %mul3A_1533, %mul3A_1534, %mul3A_1535, %mul3A_1536, %mul3A_1537, %mul3A_1538, %mul3A_1539, %mul3A_1540, %mul3A_1541, %mul3A_1542 : vector<16xf32>, vector<16xf32>, vector<16xf32>, vector<16xf32>, vector<16xf32>, vector<16xf32>, vector<16xf32>, vector<16xf32>, vector<16xf32>, vector<16xf32>, vector<16xf32>, vector<16xf32>, vector<16xf32>, vector<16xf32>, vector<16xf32>, vector<16xf32>, vector<16xf32>, vector<16xf32>
      }
      %scan3A_148 = arith.constant 16 : i32
      %mul3A_149 = arith.constant 2 : i32
      %mul3A_150 = arith.muli %mul3A_149, %scan3A_83 : i32
      %add3A_151 = arith.constant 1 : i32
      %add3A_152 = arith.addi %mul3A_150, %add3A_151 : i32
      %mul3A_153 = arith.constant 64 : i32
      %mul3A_154 = arith.muli %add3A_152, %mul3A_153 : i32
      %dma_wait3A_155 = arith.constant 1 : i32
      %dma_wait3A_156 = arith.constant 0 : i32
      %dma_wait3A_157 = arith.constant 0 : i32
      %dma_wait3A_158 = tpu.memref_slice %arg5[%dma_wait3A_155, %dma_wait3A_156, %dma_wait3A_157] : memref<2x64x80xf32, #tpu.memory_space<vmem>> -> memref<1x64x80xf32, #tpu.memory_space<vmem>>
      %dma_wait3A_159 = tpu.memref_squeeze %dma_wait3A_158 : memref<1x64x80xf32, #tpu.memory_space<vmem>> -> memref<64x80xf32, #tpu.memory_space<vmem>>
      %dma_wait3A_160 = arith.constant 0 : i32
      %dma_wait3A_161 = tpu.memref_slice %arg2[%add3A, %mul3A_154, %dma_wait3A_160] : memref<32x512x80xf32, #tpu.memory_space<hbm>> -> memref<1x64x80xf32, #tpu.memory_space<hbm>>
      %dma_wait3A_162 = tpu.memref_squeeze %dma_wait3A_161 : memref<1x64x80xf32, #tpu.memory_space<hbm>> -> memref<64x80xf32, #tpu.memory_space<hbm>>
      %dma_wait3A_163 = arith.constant 0 : i32
      %dma_wait3A_164 = arith.constant 0 : i32
      %dma_wait3A_165 = tpu.memref_slice %arg5[%dma_wait3A_155, %dma_wait3A_163, %dma_wait3A_164] : memref<2x64x80xf32, #tpu.memory_space<vmem>> -> memref<1x64x80xf32, #tpu.memory_space<vmem>>
      %dma_wait3A_166 = tpu.memref_squeeze %dma_wait3A_165 : memref<1x64x80xf32, #tpu.memory_space<vmem>> -> memref<64x80xf32, #tpu.memory_space<vmem>>
      %dma_wait3A_167 = arith.constant 0 : i32
      %dma_wait3A_168 = tpu.memref_slice %arg2[%add3A, %mul3A_154, %dma_wait3A_167] : memref<32x512x80xf32, #tpu.memory_space<hbm>> -> memref<1x64x80xf32, #tpu.memory_space<hbm>>
      %dma_wait3A_169 = tpu.memref_squeeze %dma_wait3A_168 : memref<1x64x80xf32, #tpu.memory_space<hbm>> -> memref<64x80xf32, #tpu.memory_space<hbm>>
      tpu.wait_dma2 semaphore(%arg13 : memref<!tpu.dma_semaphore, #tpu.memory_space<semaphore_mem>>) src(%dma_wait3A_169 : memref<64x80xf32, #tpu.memory_space<hbm>>) dst(%dma_wait3A_166 : memref<64x80xf32, #tpu.memory_space<vmem>>)
      %add3A_170 = arith.constant 1 : i32
      %add3A_171 = arith.addi %add3A_152, %add3A_170 : i32
      %min3A_172 = arith.constant 7 : i32
      %min3A_173 = arith.minsi %add3A_171, %min3A_172 : i32
      %mul3A_174 = arith.constant 64 : i32
      %mul3A_175 = arith.muli %min3A_173, %mul3A_174 : i32
      %dma_start3A_176 = arith.constant 0 : i32
      %dma_start3A_177 = arith.constant 0 : i32
      %dma_start3A_178 = arith.constant 0 : i32
      %dma_start3A_179 = tpu.memref_slice %arg5[%dma_start3A_176, %dma_start3A_177, %dma_start3A_178] : memref<2x64x80xf32, #tpu.memory_space<vmem>> -> memref<1x64x80xf32, #tpu.memory_space<vmem>>
      %dma_start3A_180 = tpu.memref_squeeze %dma_start3A_179 : memref<1x64x80xf32, #tpu.memory_space<vmem>> -> memref<64x80xf32, #tpu.memory_space<vmem>>
      %dma_start3A_181 = arith.constant 0 : i32
      %dma_start3A_182 = tpu.memref_slice %arg2[%add3A, %mul3A_175, %dma_start3A_181] : memref<32x512x80xf32, #tpu.memory_space<hbm>> -> memref<1x64x80xf32, #tpu.memory_space<hbm>>
      %dma_start3A_183 = tpu.memref_squeeze %dma_start3A_182 : memref<1x64x80xf32, #tpu.memory_space<hbm>> -> memref<64x80xf32, #tpu.memory_space<hbm>>
      %dma_start3A_184 = arith.constant 0 : i32
      %dma_start3A_185 = arith.constant 0 : i32
      %dma_start3A_186 = tpu.memref_slice %arg5[%dma_start3A_176, %dma_start3A_184, %dma_start3A_185] : memref<2x64x80xf32, #tpu.memory_space<vmem>> -> memref<1x64x80xf32, #tpu.memory_space<vmem>>
      %dma_start3A_187 = tpu.memref_squeeze %dma_start3A_186 : memref<1x64x80xf32, #tpu.memory_space<vmem>> -> memref<64x80xf32, #tpu.memory_space<vmem>>
      %dma_start3A_188 = arith.constant 0 : i32
      %dma_start3A_189 = tpu.memref_slice %arg2[%add3A, %mul3A_175, %dma_start3A_188] : memref<32x512x80xf32, #tpu.memory_space<hbm>> -> memref<1x64x80xf32, #tpu.memory_space<hbm>>
      %dma_start3A_190 = tpu.memref_squeeze %dma_start3A_189 : memref<1x64x80xf32, #tpu.memory_space<hbm>> -> memref<64x80xf32, #tpu.memory_space<hbm>>
      tpu.enqueue_dma source(%dma_start3A_190 : memref<64x80xf32, #tpu.memory_space<hbm>>) target(%dma_start3A_187 : memref<64x80xf32, #tpu.memory_space<vmem>>) target_semaphore(%arg12 : memref<!tpu.dma_semaphore, #tpu.memory_space<semaphore_mem>>)
      %scan3A_191 = arith.constant 0 : i32
      %scan3A_192 = arith.constant 16 : i32
      %scan3A_193 = arith.addi %scan3A_191, %scan3A_192 : i32
      %scan3A_194 = arith.constant 1 : i32
      %scan3A_195:18 = scf.for %scan3A_197 = %scan3A_191 to %scan3A_193 step %scan3A_194 iter_args(%scan3A_198 = %scan3A_147#0, %scan3A_199 = %scan3A_147#1, %scan3A_200 = %scan3A_147#2, %scan3A_201 = %scan3A_147#3, %scan3A_202 = %scan3A_147#4, %scan3A_203 = %scan3A_147#5, %scan3A_204 = %scan3A_147#6, %scan3A_205 = %scan3A_147#7, %scan3A_206 = %scan3A_147#8, %scan3A_207 = %scan3A_147#9, %scan3A_208 = %scan3A_147#10, %scan3A_209 = %scan3A_147#11, %scan3A_210 = %scan3A_147#12, %scan3A_211 = %scan3A_147#13, %scan3A_212 = %scan3A_147#14, %scan3A_213 = %scan3A_147#15, %scan3A_214 = %scan3A_147#16, %scan3A_215 = %scan3A_147#17) -> (vector<16xf32>, vector<16xf32>, vector<16xf32>, vector<16xf32>, vector<16xf32>, vector<16xf32>, vector<16xf32>, vector<16xf32>, vector<16xf32>, vector<16xf32>, vector<16xf32>, vector<16xf32>, vector<16xf32>, vector<16xf32>, vector<16xf32>, vector<16xf32>, vector<16xf32>, vector<16xf32>)  : i32 {
        %mul3A_216 = arith.constant 4 : i32
        %mul3A_217 = arith.muli %mul3A_216, %scan3A_197 : i32
        %add3A_218 = arith.constant 0 : i32
        %add3A_219 = arith.addi %mul3A_217, %add3A_218 : i32
        %get3A_220 = arith.constant 1 : i32
        %get3A_221 = arith.index_cast %get3A_220 : i32 to index
        %get3A_222 = arith.index_cast %add3A_219 : i32 to index
        %get3A_223 = arith.constant 0 : index
        %get3A_224 = tpu.vector_load %arg5[%get3A_221, %get3A_222, %get3A_223] {strides = array<i32>} : memref<2x64x80xf32, #tpu.memory_space<vmem>>, vector<1x1x16xf32>,
        %get3A_225 = vector.shape_cast %get3A_224 : vector<1x1x16xf32> to vector<16xf32>
        %get3A_226 = arith.constant 1 : i32
        %get3A_227 = arith.index_cast %get3A_226 : i32 to index
        %get3A_228 = arith.index_cast %add3A_219 : i32 to index
        %get3A_229 = arith.constant 16 : index
        %get3A_230 = tpu.vector_load %arg5[%get3A_227, %get3A_228, %get3A_229] {strides = array<i32>} : memref<2x64x80xf32, #tpu.memory_space<vmem>>, vector<1x1x16xf32>,
        %get3A_231 = vector.shape_cast %get3A_230 : vector<1x1x16xf32> to vector<16xf32>
        %get3A_232 = arith.constant 1 : i32
        %get3A_233 = arith.index_cast %get3A_232 : i32 to index
        %get3A_234 = arith.index_cast %add3A_219 : i32 to index
        %get3A_235 = arith.constant 32 : index
        %get3A_236 = tpu.vector_load %arg5[%get3A_233, %get3A_234, %get3A_235] {strides = array<i32>} : memref<2x64x80xf32, #tpu.memory_space<vmem>>, vector<1x1x16xf32>,
        %get3A_237 = vector.shape_cast %get3A_236 : vector<1x1x16xf32> to vector<16xf32>
        %get3A_238 = arith.constant 1 : i32
        %get3A_239 = arith.index_cast %get3A_238 : i32 to index
        %get3A_240 = arith.index_cast %add3A_219 : i32 to index
        %get3A_241 = arith.constant 48 : index
        %get3A_242 = tpu.vector_load %arg5[%get3A_239, %get3A_240, %get3A_241] {strides = array<i32>} : memref<2x64x80xf32, #tpu.memory_space<vmem>>, vector<1x1x16xf32>,
        %get3A_243 = vector.shape_cast %get3A_242 : vector<1x1x16xf32> to vector<16xf32>
        %get3A_244 = arith.constant 1 : i32
        %get3A_245 = arith.index_cast %get3A_244 : i32 to index
        %get3A_246 = arith.index_cast %add3A_219 : i32 to index
        %get3A_247 = arith.constant 64 : index
        %get3A_248 = tpu.vector_load %arg5[%get3A_245, %get3A_246, %get3A_247] {strides = array<i32>} : memref<2x64x80xf32, #tpu.memory_space<vmem>>, vector<1x1x16xf32>,
        %get3A_249 = vector.shape_cast %get3A_248 : vector<1x1x16xf32> to vector<16xf32>
        %lt3A = arith.constant 0 : i32
        %lt3A_250 = vector.broadcast %lt3A : i32 to vector<16xi32>
        %lt3A_251 = arith.cmpi slt, %broadcast_in_dim3A_35, %lt3A_250 : vector<16xi32>
        %add3A_252 = arith.constant 16 : i32
        %add3A_253 = vector.broadcast %add3A_252 : i32 to vector<16xi32>
        %add3A_254 = arith.addi %broadcast_in_dim3A_35, %add3A_253 : vector<16xi32>
        %select_n3A = arith.select %lt3A_251, %add3A_254, %broadcast_in_dim3A_35 : vector<16xi1>, vector<16xi32>
        %broadcast_in_dim3A_255 = vector.shape_cast %select_n3A : vector<16xi32> to vector<16x1xi32>
        %gather3A = vector.shape_cast %broadcast_in_dim3A_255 : vector<16x1xi32> to vector<16xi32>
        %gather3A_256 = tpu.dynamic_gather %get3A_249[%gather3A] in [0] : vector<16xf32>, vector<16xi32> -> vector<16xf32>
        %lt3A_257 = arith.constant 0 : i32
        %lt3A_258 = vector.broadcast %lt3A_257 : i32 to vector<16xi32>
        %lt3A_259 = arith.cmpi slt, %broadcast_in_dim3A_31, %lt3A_258 : vector<16xi32>
        %add3A_260 = arith.constant 16 : i32
        %add3A_261 = vector.broadcast %add3A_260 : i32 to vector<16xi32>
        %add3A_262 = arith.addi %broadcast_in_dim3A_31, %add3A_261 : vector<16xi32>
        %select_n3A_263 = arith.select %lt3A_259, %add3A_262, %broadcast_in_dim3A_31 : vector<16xi1>, vector<16xi32>
        %broadcast_in_dim3A_264 = vector.shape_cast %select_n3A_263 : vector<16xi32> to vector<16x1xi32>
        %gather3A_265 = vector.shape_cast %broadcast_in_dim3A_264 : vector<16x1xi32> to vector<16xi32>
        %gather3A_266 = tpu.dynamic_gather %get3A_249[%gather3A_265] in [0] : vector<16xf32>, vector<16xi32> -> vector<16xf32>
        %lt3A_267 = arith.constant 0 : i32
        %lt3A_268 = vector.broadcast %lt3A_267 : i32 to vector<16xi32>
        %lt3A_269 = arith.cmpi slt, %broadcast_in_dim3A_33, %lt3A_268 : vector<16xi32>
        %add3A_270 = arith.constant 16 : i32
        %add3A_271 = vector.broadcast %add3A_270 : i32 to vector<16xi32>
        %add3A_272 = arith.addi %broadcast_in_dim3A_33, %add3A_271 : vector<16xi32>
        %select_n3A_273 = arith.select %lt3A_269, %add3A_272, %broadcast_in_dim3A_33 : vector<16xi1>, vector<16xi32>
        %broadcast_in_dim3A_274 = vector.shape_cast %select_n3A_273 : vector<16xi32> to vector<16x1xi32>
        %gather3A_275 = vector.shape_cast %broadcast_in_dim3A_274 : vector<16x1xi32> to vector<16xi32>
        %gather3A_276 = tpu.dynamic_gather %get3A_249[%gather3A_275] in [0] : vector<16xf32>, vector<16xi32> -> vector<16xf32>
        %exp3A = math.exp %get3A_225 : vector<16xf32>
        %exp3A_277 = math.exp %get3A_231 : vector<16xf32>
        %exp3A_278 = math.exp %get3A_237 : vector<16xf32>
        %exp3A_279 = math.exp %get3A_243 : vector<16xf32>
        %sub3A = arith.subf %get3A_225, %gather3A_256 : vector<16xf32>
        %mul3A_280 = arith.mulf %exp3A, %sub3A : vector<16xf32>
        %sub3A_281 = arith.subf %get3A_231, %gather3A_256 : vector<16xf32>
        %mul3A_282 = arith.mulf %exp3A_277, %sub3A_281 : vector<16xf32>
        %sub3A_283 = arith.subf %get3A_237, %gather3A_256 : vector<16xf32>
        %mul3A_284 = arith.mulf %exp3A_278, %sub3A_283 : vector<16xf32>
        %sub3A_285 = arith.subf %get3A_243, %gather3A_256 : vector<16xf32>
        %mul3A_286 = arith.mulf %exp3A_279, %sub3A_285 : vector<16xf32>
        %exp3A_287 = math.exp %gather3A_266 : vector<16xf32>
        %exp3A_288 = math.exp %gather3A_276 : vector<16xf32>
        %sub3A_289 = arith.subf %gather3A_266, %gather3A_256 : vector<16xf32>
        %mul3A_290 = arith.mulf %exp3A_287, %sub3A_289 : vector<16xf32>
        %sub3A_291 = arith.subf %gather3A_276, %gather3A_256 : vector<16xf32>
        %mul3A_292 = arith.mulf %exp3A_288, %sub3A_291 : vector<16xf32>
        %add3A_293 = arith.addf %exp3A_287, %exp3A_288 : vector<16xf32>
        %add3A_294 = arith.addf %mul3A_290, %mul3A_292 : vector<16xf32>
        %swap3A_295 = arith.constant 0 : index
        %swap3A_296 = tpu.vector_load %arg7[%swap3A_295] {strides = array<i32>} : memref<80xf32, #tpu.memory_space<vmem>>, vector<16xf32>,
        %swap3A_297 = vector.shape_cast %swap3A_296 : vector<16xf32> to vector<16xf32>
        %swap3A_298 = vector.shape_cast %scan3A_214 : vector<16xf32> to vector<16xf32>
        tpu.vector_store %arg7[%swap3A_295], %swap3A_298 {strides = array<i32>} : memref<80xf32, #tpu.memory_space<vmem>>, vector<16xf32>,
        %swap3A_299 = arith.constant 0 : index
        %swap3A_300 = tpu.vector_load %arg8[%swap3A_299] {strides = array<i32>} : memref<80xf32, #tpu.memory_space<vmem>>, vector<16xf32>,
        %swap3A_301 = vector.shape_cast %swap3A_300 : vector<16xf32> to vector<16xf32>
        %swap3A_302 = vector.shape_cast %scan3A_215 : vector<16xf32> to vector<16xf32>
        tpu.vector_store %arg8[%swap3A_299], %swap3A_302 {strides = array<i32>} : memref<80xf32, #tpu.memory_space<vmem>>, vector<16xf32>,
        %swap3A_303 = arith.constant 8 : index
        %swap3A_304 = tpu.vector_load %arg7[%swap3A_303] {strides = array<i32>} : memref<80xf32, #tpu.memory_space<vmem>>, vector<16xf32>,
        %swap3A_305 = vector.shape_cast %swap3A_304 : vector<16xf32> to vector<16xf32>
        %swap3A_306 = vector.shape_cast %scan3A_198 : vector<16xf32> to vector<16xf32>
        tpu.vector_store %arg7[%swap3A_303], %swap3A_306 {strides = array<i32>} : memref<80xf32, #tpu.memory_space<vmem>>, vector<16xf32>,
        %swap3A_307 = arith.constant 8 : index
        %swap3A_308 = tpu.vector_load %arg8[%swap3A_307] {strides = array<i32>} : memref<80xf32, #tpu.memory_space<vmem>>, vector<16xf32>,
        %swap3A_309 = vector.shape_cast %swap3A_308 : vector<16xf32> to vector<16xf32>
        %swap3A_310 = vector.shape_cast %scan3A_202 : vector<16xf32> to vector<16xf32>
        tpu.vector_store %arg8[%swap3A_307], %swap3A_310 {strides = array<i32>} : memref<80xf32, #tpu.memory_space<vmem>>, vector<16xf32>,
        %swap3A_311 = arith.constant 8 : index
        %swap3A_312 = tpu.vector_load %arg9[%swap3A_311] {strides = array<i32>} : memref<80xf32, #tpu.memory_space<vmem>>, vector<16xf32>,
        %swap3A_313 = vector.shape_cast %swap3A_312 : vector<16xf32> to vector<16xf32>
        %swap3A_314 = vector.shape_cast %scan3A_206 : vector<16xf32> to vector<16xf32>
        tpu.vector_store %arg9[%swap3A_311], %swap3A_314 {strides = array<i32>} : memref<80xf32, #tpu.memory_space<vmem>>, vector<16xf32>,
        %swap3A_315 = arith.constant 8 : index
        %swap3A_316 = tpu.vector_load %arg10[%swap3A_315] {strides = array<i32>} : memref<80xf32, #tpu.memory_space<vmem>>, vector<16xf32>,
        %swap3A_317 = vector.shape_cast %swap3A_316 : vector<16xf32> to vector<16xf32>
        %swap3A_318 = vector.shape_cast %scan3A_210 : vector<16xf32> to vector<16xf32>
        tpu.vector_store %arg10[%swap3A_315], %swap3A_318 {strides = array<i32>} : memref<80xf32, #tpu.memory_space<vmem>>, vector<16xf32>,
        %swap3A_319 = arith.constant 24 : index
        %swap3A_320 = tpu.vector_load %arg7[%swap3A_319] {strides = array<i32>} : memref<80xf32, #tpu.memory_space<vmem>>, vector<16xf32>,
        %swap3A_321 = vector.shape_cast %swap3A_320 : vector<16xf32> to vector<16xf32>
        %swap3A_322 = vector.shape_cast %scan3A_199 : vector<16xf32> to vector<16xf32>
        tpu.vector_store %arg7[%swap3A_319], %swap3A_322 {strides = array<i32>} : memref<80xf32, #tpu.memory_space<vmem>>, vector<16xf32>,
        %swap3A_323 = arith.constant 24 : index
        %swap3A_324 = tpu.vector_load %arg8[%swap3A_323] {strides = array<i32>} : memref<80xf32, #tpu.memory_space<vmem>>, vector<16xf32>,
        %swap3A_325 = vector.shape_cast %swap3A_324 : vector<16xf32> to vector<16xf32>
        %swap3A_326 = vector.shape_cast %scan3A_203 : vector<16xf32> to vector<16xf32>
        tpu.vector_store %arg8[%swap3A_323], %swap3A_326 {strides = array<i32>} : memref<80xf32, #tpu.memory_space<vmem>>, vector<16xf32>,
        %swap3A_327 = arith.constant 24 : index
        %swap3A_328 = tpu.vector_load %arg9[%swap3A_327] {strides = array<i32>} : memref<80xf32, #tpu.memory_space<vmem>>, vector<16xf32>,
        %swap3A_329 = vector.shape_cast %swap3A_328 : vector<16xf32> to vector<16xf32>
        %swap3A_330 = vector.shape_cast %scan3A_207 : vector<16xf32> to vector<16xf32>
        tpu.vector_store %arg9[%swap3A_327], %swap3A_330 {strides = array<i32>} : memref<80xf32, #tpu.memory_space<vmem>>, vector<16xf32>,
        %swap3A_331 = arith.constant 24 : index
        %swap3A_332 = tpu.vector_load %arg10[%swap3A_331] {strides = array<i32>} : memref<80xf32, #tpu.memory_space<vmem>>, vector<16xf32>,
        %swap3A_333 = vector.shape_cast %swap3A_332 : vector<16xf32> to vector<16xf32>
        %swap3A_334 = vector.shape_cast %scan3A_211 : vector<16xf32> to vector<16xf32>
        tpu.vector_store %arg10[%swap3A_331], %swap3A_334 {strides = array<i32>} : memref<80xf32, #tpu.memory_space<vmem>>, vector<16xf32>,
        %swap3A_335 = arith.constant 40 : index
        %swap3A_336 = tpu.vector_load %arg7[%swap3A_335] {strides = array<i32>} : memref<80xf32, #tpu.memory_space<vmem>>, vector<16xf32>,
        %swap3A_337 = vector.shape_cast %swap3A_336 : vector<16xf32> to vector<16xf32>
        %swap3A_338 = vector.shape_cast %scan3A_200 : vector<16xf32> to vector<16xf32>
        tpu.vector_store %arg7[%swap3A_335], %swap3A_338 {strides = array<i32>} : memref<80xf32, #tpu.memory_space<vmem>>, vector<16xf32>,
        %swap3A_339 = arith.constant 40 : index
        %swap3A_340 = tpu.vector_load %arg8[%swap3A_339] {strides = array<i32>} : memref<80xf32, #tpu.memory_space<vmem>>, vector<16xf32>,
        %swap3A_341 = vector.shape_cast %swap3A_340 : vector<16xf32> to vector<16xf32>
        %swap3A_342 = vector.shape_cast %scan3A_204 : vector<16xf32> to vector<16xf32>
        tpu.vector_store %arg8[%swap3A_339], %swap3A_342 {strides = array<i32>} : memref<80xf32, #tpu.memory_space<vmem>>, vector<16xf32>,
        %swap3A_343 = arith.constant 40 : index
        %swap3A_344 = tpu.vector_load %arg9[%swap3A_343] {strides = array<i32>} : memref<80xf32, #tpu.memory_space<vmem>>, vector<16xf32>,
        %swap3A_345 = vector.shape_cast %swap3A_344 : vector<16xf32> to vector<16xf32>
        %swap3A_346 = vector.shape_cast %scan3A_208 : vector<16xf32> to vector<16xf32>
        tpu.vector_store %arg9[%swap3A_343], %swap3A_346 {strides = array<i32>} : memref<80xf32, #tpu.memory_space<vmem>>, vector<16xf32>,
        %swap3A_347 = arith.constant 40 : index
        %swap3A_348 = tpu.vector_load %arg10[%swap3A_347] {strides = array<i32>} : memref<80xf32, #tpu.memory_space<vmem>>, vector<16xf32>,
        %swap3A_349 = vector.shape_cast %swap3A_348 : vector<16xf32> to vector<16xf32>
        %swap3A_350 = vector.shape_cast %scan3A_212 : vector<16xf32> to vector<16xf32>
        tpu.vector_store %arg10[%swap3A_347], %swap3A_350 {strides = array<i32>} : memref<80xf32, #tpu.memory_space<vmem>>, vector<16xf32>,
        %swap3A_351 = arith.constant 56 : index
        %swap3A_352 = tpu.vector_load %arg7[%swap3A_351] {strides = array<i32>} : memref<80xf32, #tpu.memory_space<vmem>>, vector<16xf32>,
        %swap3A_353 = vector.shape_cast %swap3A_352 : vector<16xf32> to vector<16xf32>
        %swap3A_354 = vector.shape_cast %scan3A_201 : vector<16xf32> to vector<16xf32>
        tpu.vector_store %arg7[%swap3A_351], %swap3A_354 {strides = array<i32>} : memref<80xf32, #tpu.memory_space<vmem>>, vector<16xf32>,
        %swap3A_355 = arith.constant 56 : index
        %swap3A_356 = tpu.vector_load %arg8[%swap3A_355] {strides = array<i32>} : memref<80xf32, #tpu.memory_space<vmem>>, vector<16xf32>,
        %swap3A_357 = vector.shape_cast %swap3A_356 : vector<16xf32> to vector<16xf32>
        %swap3A_358 = vector.shape_cast %scan3A_205 : vector<16xf32> to vector<16xf32>
        tpu.vector_store %arg8[%swap3A_355], %swap3A_358 {strides = array<i32>} : memref<80xf32, #tpu.memory_space<vmem>>, vector<16xf32>,
        %swap3A_359 = arith.constant 56 : index
        %swap3A_360 = tpu.vector_load %arg9[%swap3A_359] {strides = array<i32>} : memref<80xf32, #tpu.memory_space<vmem>>, vector<16xf32>,
        %swap3A_361 = vector.shape_cast %swap3A_360 : vector<16xf32> to vector<16xf32>
        %swap3A_362 = vector.shape_cast %scan3A_209 : vector<16xf32> to vector<16xf32>
        tpu.vector_store %arg9[%swap3A_359], %swap3A_362 {strides = array<i32>} : memref<80xf32, #tpu.memory_space<vmem>>, vector<16xf32>,
        %swap3A_363 = arith.constant 56 : index
        %swap3A_364 = tpu.vector_load %arg10[%swap3A_363] {strides = array<i32>} : memref<80xf32, #tpu.memory_space<vmem>>, vector<16xf32>,
        %swap3A_365 = vector.shape_cast %swap3A_364 : vector<16xf32> to vector<16xf32>
        %swap3A_366 = vector.shape_cast %scan3A_213 : vector<16xf32> to vector<16xf32>
        tpu.vector_store %arg10[%swap3A_363], %swap3A_366 {strides = array<i32>} : memref<80xf32, #tpu.memory_space<vmem>>, vector<16xf32>,
        %mul3A_367 = arith.mulf %add3A_293, %scan3A_198 : vector<16xf32>
        %mul3A_368 = arith.mulf %exp3A_287, %scan3A_206 : vector<16xf32>
        %add3A_369 = arith.addf %mul3A_367, %mul3A_368 : vector<16xf32>
        %mul3A_370 = arith.mulf %add3A_293, %scan3A_199 : vector<16xf32>
        %mul3A_371 = arith.mulf %exp3A_287, %scan3A_207 : vector<16xf32>
        %add3A_372 = arith.addf %mul3A_370, %mul3A_371 : vector<16xf32>
        %mul3A_373 = arith.mulf %add3A_293, %scan3A_200 : vector<16xf32>
        %mul3A_374 = arith.mulf %exp3A_287, %scan3A_208 : vector<16xf32>
        %add3A_375 = arith.addf %mul3A_373, %mul3A_374 : vector<16xf32>
        %mul3A_376 = arith.mulf %add3A_293, %scan3A_201 : vector<16xf32>
        %mul3A_377 = arith.mulf %exp3A_287, %scan3A_209 : vector<16xf32>
        %add3A_378 = arith.addf %mul3A_376, %mul3A_377 : vector<16xf32>
        %mul3A_379 = arith.mulf %add3A_293, %scan3A_202 : vector<16xf32>
        %mul3A_380 = arith.mulf %add3A_294, %scan3A_198 : vector<16xf32>
        %add3A_381 = arith.addf %mul3A_379, %mul3A_380 : vector<16xf32>
        %mul3A_382 = arith.mulf %exp3A_287, %scan3A_210 : vector<16xf32>
        %add3A_383 = arith.addf %add3A_381, %mul3A_382 : vector<16xf32>
        %mul3A_384 = arith.mulf %mul3A_290, %scan3A_206 : vector<16xf32>
        %add3A_385 = arith.addf %add3A_383, %mul3A_384 : vector<16xf32>
        %mul3A_386 = arith.mulf %add3A_293, %scan3A_203 : vector<16xf32>
        %mul3A_387 = arith.mulf %add3A_294, %scan3A_199 : vector<16xf32>
        %add3A_388 = arith.addf %mul3A_386, %mul3A_387 : vector<16xf32>
        %mul3A_389 = arith.mulf %exp3A_287, %scan3A_211 : vector<16xf32>
        %add3A_390 = arith.addf %add3A_388, %mul3A_389 : vector<16xf32>
        %mul3A_391 = arith.mulf %mul3A_290, %scan3A_207 : vector<16xf32>
        %add3A_392 = arith.addf %add3A_390, %mul3A_391 : vector<16xf32>
        %mul3A_393 = arith.mulf %add3A_293, %scan3A_204 : vector<16xf32>
        %mul3A_394 = arith.mulf %add3A_294, %scan3A_200 : vector<16xf32>
        %add3A_395 = arith.addf %mul3A_393, %mul3A_394 : vector<16xf32>
        %mul3A_396 = arith.mulf %exp3A_287, %scan3A_212 : vector<16xf32>
        %add3A_397 = arith.addf %add3A_395, %mul3A_396 : vector<16xf32>
        %mul3A_398 = arith.mulf %mul3A_290, %scan3A_208 : vector<16xf32>
        %add3A_399 = arith.addf %add3A_397, %mul3A_398 : vector<16xf32>
        %mul3A_400 = arith.mulf %add3A_293, %scan3A_205 : vector<16xf32>
        %mul3A_401 = arith.mulf %add3A_294, %scan3A_201 : vector<16xf32>
        %add3A_402 = arith.addf %mul3A_400, %mul3A_401 : vector<16xf32>
        %mul3A_403 = arith.mulf %exp3A_287, %scan3A_213 : vector<16xf32>
        %add3A_404 = arith.addf %add3A_402, %mul3A_403 : vector<16xf32>
        %mul3A_405 = arith.mulf %mul3A_290, %scan3A_209 : vector<16xf32>
        %add3A_406 = arith.addf %add3A_404, %mul3A_405 : vector<16xf32>
        %mul3A_407 = arith.mulf %add3A_293, %scan3A_214 : vector<16xf32>
        %mul3A_408 = arith.mulf %add3A_293, %scan3A_215 : vector<16xf32>
        %mul3A_409 = arith.mulf %add3A_294, %scan3A_214 : vector<16xf32>
        %add3A_410 = arith.addf %mul3A_408, %mul3A_409 : vector<16xf32>
        %get3A_411 = arith.constant 7 : index
        %get3A_412 = tpu.vector_load %arg7[%get3A_411] {strides = array<i32>} : memref<80xf32, #tpu.memory_space<vmem>>, vector<16xf32>,
        %get3A_413 = vector.shape_cast %get3A_412 : vector<16xf32> to vector<16xf32>
        %get3A_414 = arith.constant 7 : index
        %get3A_415 = tpu.vector_load %arg8[%get3A_414] {strides = array<i32>} : memref<80xf32, #tpu.memory_space<vmem>>, vector<16xf32>,
        %get3A_416 = vector.shape_cast %get3A_415 : vector<16xf32> to vector<16xf32>
        %get3A_417 = arith.constant 7 : index
        %get3A_418 = tpu.vector_load %arg9[%get3A_417] {strides = array<i32>} : memref<80xf32, #tpu.memory_space<vmem>>, vector<16xf32>,
        %get3A_419 = vector.shape_cast %get3A_418 : vector<16xf32> to vector<16xf32>
        %get3A_420 = arith.constant 7 : index
        %get3A_421 = tpu.vector_load %arg10[%get3A_420] {strides = array<i32>} : memref<80xf32, #tpu.memory_space<vmem>>, vector<16xf32>,
        %get3A_422 = vector.shape_cast %get3A_421 : vector<16xf32> to vector<16xf32>
        %mul3A_423 = arith.mulf %get3A_12, %get3A_419 : vector<16xf32>
        %add3A_424 = arith.addf %get3A_413, %mul3A_423 : vector<16xf32>
        %mul3A_425 = arith.mulf %get3A_12, %get3A_422 : vector<16xf32>
        %add3A_426 = arith.addf %get3A_416, %mul3A_425 : vector<16xf32>
        %add3A_427 = arith.addf %exp3A, %exp3A_288 : vector<16xf32>
        %add3A_428 = arith.addf %mul3A_280, %mul3A_292 : vector<16xf32>
        %mul3A_429 = arith.mulf %add3A_427, %scan3A_206 : vector<16xf32>
        %mul3A_430 = arith.mulf %exp3A, %add3A_424 : vector<16xf32>
        %add3A_431 = arith.addf %mul3A_429, %mul3A_430 : vector<16xf32>
        %mul3A_432 = arith.mulf %add3A_427, %scan3A_210 : vector<16xf32>
        %mul3A_433 = arith.mulf %add3A_428, %scan3A_206 : vector<16xf32>
        %add3A_434 = arith.addf %mul3A_432, %mul3A_433 : vector<16xf32>
        %mul3A_435 = arith.mulf %exp3A, %add3A_426 : vector<16xf32>
        %add3A_436 = arith.addf %add3A_434, %mul3A_435 : vector<16xf32>
        %mul3A_437 = arith.mulf %mul3A_280, %add3A_424 : vector<16xf32>
        %add3A_438 = arith.addf %add3A_436, %mul3A_437 : vector<16xf32>
        %get3A_439 = arith.constant 23 : index
        %get3A_440 = tpu.vector_load %arg7[%get3A_439] {strides = array<i32>} : memref<80xf32, #tpu.memory_space<vmem>>, vector<16xf32>,
        %get3A_441 = vector.shape_cast %get3A_440 : vector<16xf32> to vector<16xf32>
        %get3A_442 = arith.constant 23 : index
        %get3A_443 = tpu.vector_load %arg8[%get3A_442] {strides = array<i32>} : memref<80xf32, #tpu.memory_space<vmem>>, vector<16xf32>,
        %get3A_444 = vector.shape_cast %get3A_443 : vector<16xf32> to vector<16xf32>
        %get3A_445 = arith.constant 23 : index
        %get3A_446 = tpu.vector_load %arg9[%get3A_445] {strides = array<i32>} : memref<80xf32, #tpu.memory_space<vmem>>, vector<16xf32>,
        %get3A_447 = vector.shape_cast %get3A_446 : vector<16xf32> to vector<16xf32>
        %get3A_448 = arith.constant 23 : index
        %get3A_449 = tpu.vector_load %arg10[%get3A_448] {strides = array<i32>} : memref<80xf32, #tpu.memory_space<vmem>>, vector<16xf32>,
        %get3A_450 = vector.shape_cast %get3A_449 : vector<16xf32> to vector<16xf32>
        %mul3A_451 = arith.mulf %get3A_15, %get3A_447 : vector<16xf32>
        %add3A_452 = arith.addf %get3A_441, %mul3A_451 : vector<16xf32>
        %mul3A_453 = arith.mulf %get3A_15, %get3A_450 : vector<16xf32>
        %add3A_454 = arith.addf %get3A_444, %mul3A_453 : vector<16xf32>
        %add3A_455 = arith.addf %exp3A_277, %exp3A_288 : vector<16xf32>
        %add3A_456 = arith.addf %mul3A_282, %mul3A_292 : vector<16xf32>
        %mul3A_457 = arith.mulf %add3A_455, %scan3A_207 : vector<16xf32>
        %mul3A_458 = arith.mulf %exp3A_277, %add3A_452 : vector<16xf32>
        %add3A_459 = arith.addf %mul3A_457, %mul3A_458 : vector<16xf32>
        %mul3A_460 = arith.mulf %add3A_455, %scan3A_211 : vector<16xf32>
        %mul3A_461 = arith.mulf %add3A_456, %scan3A_207 : vector<16xf32>
        %add3A_462 = arith.addf %mul3A_460, %mul3A_461 : vector<16xf32>
        %mul3A_463 = arith.mulf %exp3A_277, %add3A_454 : vector<16xf32>
        %add3A_464 = arith.addf %add3A_462, %mul3A_463 : vector<16xf32>
        %mul3A_465 = arith.mulf %mul3A_282, %add3A_452 : vector<16xf32>
        %add3A_466 = arith.addf %add3A_464, %mul3A_465 : vector<16xf32>
        %get3A_467 = arith.constant 39 : index
        %get3A_468 = tpu.vector_load %arg7[%get3A_467] {strides = array<i32>} : memref<80xf32, #tpu.memory_space<vmem>>, vector<16xf32>,
        %get3A_469 = vector.shape_cast %get3A_468 : vector<16xf32> to vector<16xf32>
        %get3A_470 = arith.constant 39 : index
        %get3A_471 = tpu.vector_load %arg8[%get3A_470] {strides = array<i32>} : memref<80xf32, #tpu.memory_space<vmem>>, vector<16xf32>,
        %get3A_472 = vector.shape_cast %get3A_471 : vector<16xf32> to vector<16xf32>
        %get3A_473 = arith.constant 39 : index
        %get3A_474 = tpu.vector_load %arg9[%get3A_473] {strides = array<i32>} : memref<80xf32, #tpu.memory_space<vmem>>, vector<16xf32>,
        %get3A_475 = vector.shape_cast %get3A_474 : vector<16xf32> to vector<16xf32>
        %get3A_476 = arith.constant 39 : index
        %get3A_477 = tpu.vector_load %arg10[%get3A_476] {strides = array<i32>} : memref<80xf32, #tpu.memory_space<vmem>>, vector<16xf32>,
        %get3A_478 = vector.shape_cast %get3A_477 : vector<16xf32> to vector<16xf32>
        %mul3A_479 = arith.mulf %get3A_18, %get3A_475 : vector<16xf32>
        %add3A_480 = arith.addf %get3A_469, %mul3A_479 : vector<16xf32>
        %mul3A_481 = arith.mulf %get3A_18, %get3A_478 : vector<16xf32>
        %add3A_482 = arith.addf %get3A_472, %mul3A_481 : vector<16xf32>
        %add3A_483 = arith.addf %exp3A_278, %exp3A_288 : vector<16xf32>
        %add3A_484 = arith.addf %mul3A_284, %mul3A_292 : vector<16xf32>
        %mul3A_485 = arith.mulf %add3A_483, %scan3A_208 : vector<16xf32>
        %mul3A_486 = arith.mulf %exp3A_278, %add3A_480 : vector<16xf32>
        %add3A_487 = arith.addf %mul3A_485, %mul3A_486 : vector<16xf32>
        %mul3A_488 = arith.mulf %add3A_483, %scan3A_212 : vector<16xf32>
        %mul3A_489 = arith.mulf %add3A_484, %scan3A_208 : vector<16xf32>
        %add3A_490 = arith.addf %mul3A_488, %mul3A_489 : vector<16xf32>
        %mul3A_491 = arith.mulf %exp3A_278, %add3A_482 : vector<16xf32>
        %add3A_492 = arith.addf %add3A_490, %mul3A_491 : vector<16xf32>
        %mul3A_493 = arith.mulf %mul3A_284, %add3A_480 : vector<16xf32>
        %add3A_494 = arith.addf %add3A_492, %mul3A_493 : vector<16xf32>
        %get3A_495 = arith.constant 55 : index
        %get3A_496 = tpu.vector_load %arg7[%get3A_495] {strides = array<i32>} : memref<80xf32, #tpu.memory_space<vmem>>, vector<16xf32>,
        %get3A_497 = vector.shape_cast %get3A_496 : vector<16xf32> to vector<16xf32>
        %get3A_498 = arith.constant 55 : index
        %get3A_499 = tpu.vector_load %arg8[%get3A_498] {strides = array<i32>} : memref<80xf32, #tpu.memory_space<vmem>>, vector<16xf32>,
        %get3A_500 = vector.shape_cast %get3A_499 : vector<16xf32> to vector<16xf32>
        %get3A_501 = arith.constant 55 : index
        %get3A_502 = tpu.vector_load %arg9[%get3A_501] {strides = array<i32>} : memref<80xf32, #tpu.memory_space<vmem>>, vector<16xf32>,
        %get3A_503 = vector.shape_cast %get3A_502 : vector<16xf32> to vector<16xf32>
        %get3A_504 = arith.constant 55 : index
        %get3A_505 = tpu.vector_load %arg10[%get3A_504] {strides = array<i32>} : memref<80xf32, #tpu.memory_space<vmem>>, vector<16xf32>,
        %get3A_506 = vector.shape_cast %get3A_505 : vector<16xf32> to vector<16xf32>
        %mul3A_507 = arith.mulf %get3A_21, %get3A_503 : vector<16xf32>
        %add3A_508 = arith.addf %get3A_497, %mul3A_507 : vector<16xf32>
        %mul3A_509 = arith.mulf %get3A_21, %get3A_506 : vector<16xf32>
        %add3A_510 = arith.addf %get3A_500, %mul3A_509 : vector<16xf32>
        %add3A_511 = arith.addf %exp3A_279, %exp3A_288 : vector<16xf32>
        %add3A_512 = arith.addf %mul3A_286, %mul3A_292 : vector<16xf32>
        %mul3A_513 = arith.mulf %add3A_511, %scan3A_209 : vector<16xf32>
        %mul3A_514 = arith.mulf %exp3A_279, %add3A_508 : vector<16xf32>
        %add3A_515 = arith.addf %mul3A_513, %mul3A_514 : vector<16xf32>
        %mul3A_516 = arith.mulf %add3A_511, %scan3A_213 : vector<16xf32>
        %mul3A_517 = arith.mulf %add3A_512, %scan3A_209 : vector<16xf32>
        %add3A_518 = arith.addf %mul3A_516, %mul3A_517 : vector<16xf32>
        %mul3A_519 = arith.mulf %exp3A_279, %add3A_510 : vector<16xf32>
        %add3A_520 = arith.addf %add3A_518, %mul3A_519 : vector<16xf32>
        %mul3A_521 = arith.mulf %mul3A_286, %add3A_508 : vector<16xf32>
        %add3A_522 = arith.addf %add3A_520, %mul3A_521 : vector<16xf32>
        %mul3A_523 = arith.constant 4 : i32
        %mul3A_524 = arith.muli %mul3A_523, %scan3A_197 : i32
        %add3A_525 = arith.constant 1 : i32
        %add3A_526 = arith.addi %mul3A_524, %add3A_525 : i32
        %get3A_527 = arith.constant 1 : i32
        %get3A_528 = arith.index_cast %get3A_527 : i32 to index
        %get3A_529 = arith.index_cast %add3A_526 : i32 to index
        %get3A_530 = arith.constant 0 : index
        %get3A_531 = tpu.vector_load %arg5[%get3A_528, %get3A_529, %get3A_530] {strides = array<i32>} : memref<2x64x80xf32, #tpu.memory_space<vmem>>, vector<1x1x16xf32>,
        %get3A_532 = vector.shape_cast %get3A_531 : vector<1x1x16xf32> to vector<16xf32>
        %get3A_533 = arith.constant 1 : i32
        %get3A_534 = arith.index_cast %get3A_533 : i32 to index
        %get3A_535 = arith.index_cast %add3A_526 : i32 to index
        %get3A_536 = arith.constant 16 : index
        %get3A_537 = tpu.vector_load %arg5[%get3A_534, %get3A_535, %get3A_536] {strides = array<i32>} : memref<2x64x80xf32, #tpu.memory_space<vmem>>, vector<1x1x16xf32>,
        %get3A_538 = vector.shape_cast %get3A_537 : vector<1x1x16xf32> to vector<16xf32>
        %get3A_539 = arith.constant 1 : i32
        %get3A_540 = arith.index_cast %get3A_539 : i32 to index
        %get3A_541 = arith.index_cast %add3A_526 : i32 to index
        %get3A_542 = arith.constant 32 : index
        %get3A_543 = tpu.vector_load %arg5[%get3A_540, %get3A_541, %get3A_542] {strides = array<i32>} : memref<2x64x80xf32, #tpu.memory_space<vmem>>, vector<1x1x16xf32>,
        %get3A_544 = vector.shape_cast %get3A_543 : vector<1x1x16xf32> to vector<16xf32>
        %get3A_545 = arith.constant 1 : i32
        %get3A_546 = arith.index_cast %get3A_545 : i32 to index
        %get3A_547 = arith.index_cast %add3A_526 : i32 to index
        %get3A_548 = arith.constant 48 : index
        %get3A_549 = tpu.vector_load %arg5[%get3A_546, %get3A_547, %get3A_548] {strides = array<i32>} : memref<2x64x80xf32, #tpu.memory_space<vmem>>, vector<1x1x16xf32>,
        %get3A_550 = vector.shape_cast %get3A_549 : vector<1x1x16xf32> to vector<16xf32>
        %get3A_551 = arith.constant 1 : i32
        %get3A_552 = arith.index_cast %get3A_551 : i32 to index
        %get3A_553 = arith.index_cast %add3A_526 : i32 to index
        %get3A_554 = arith.constant 64 : index
        %get3A_555 = tpu.vector_load %arg5[%get3A_552, %get3A_553, %get3A_554] {strides = array<i32>} : memref<2x64x80xf32, #tpu.memory_space<vmem>>, vector<1x1x16xf32>,
        %get3A_556 = vector.shape_cast %get3A_555 : vector<1x1x16xf32> to vector<16xf32>
        %lt3A_557 = arith.constant 0 : i32
        %lt3A_558 = vector.broadcast %lt3A_557 : i32 to vector<16xi32>
        %lt3A_559 = arith.cmpi slt, %broadcast_in_dim3A_35, %lt3A_558 : vector<16xi32>
        %add3A_560 = arith.constant 16 : i32
        %add3A_561 = vector.broadcast %add3A_560 : i32 to vector<16xi32>
        %add3A_562 = arith.addi %broadcast_in_dim3A_35, %add3A_561 : vector<16xi32>
        %select_n3A_563 = arith.select %lt3A_559, %add3A_562, %broadcast_in_dim3A_35 : vector<16xi1>, vector<16xi32>
        %broadcast_in_dim3A_564 = vector.shape_cast %select_n3A_563 : vector<16xi32> to vector<16x1xi32>
        %gather3A_565 = vector.shape_cast %broadcast_in_dim3A_564 : vector<16x1xi32> to vector<16xi32>
        %gather3A_566 = tpu.dynamic_gather %get3A_556[%gather3A_565] in [0] : vector<16xf32>, vector<16xi32> -> vector<16xf32>
        %lt3A_567 = arith.constant 0 : i32
        %lt3A_568 = vector.broadcast %lt3A_567 : i32 to vector<16xi32>
        %lt3A_569 = arith.cmpi slt, %broadcast_in_dim3A_31, %lt3A_568 : vector<16xi32>
        %add3A_570 = arith.constant 16 : i32
        %add3A_571 = vector.broadcast %add3A_570 : i32 to vector<16xi32>
        %add3A_572 = arith.addi %broadcast_in_dim3A_31, %add3A_571 : vector<16xi32>
        %select_n3A_573 = arith.select %lt3A_569, %add3A_572, %broadcast_in_dim3A_31 : vector<16xi1>, vector<16xi32>
        %broadcast_in_dim3A_574 = vector.shape_cast %select_n3A_573 : vector<16xi32> to vector<16x1xi32>
        %gather3A_575 = vector.shape_cast %broadcast_in_dim3A_574 : vector<16x1xi32> to vector<16xi32>
        %gather3A_576 = tpu.dynamic_gather %get3A_556[%gather3A_575] in [0] : vector<16xf32>, vector<16xi32> -> vector<16xf32>
        %lt3A_577 = arith.constant 0 : i32
        %lt3A_578 = vector.broadcast %lt3A_577 : i32 to vector<16xi32>
        %lt3A_579 = arith.cmpi slt, %broadcast_in_dim3A_33, %lt3A_578 : vector<16xi32>
        %add3A_580 = arith.constant 16 : i32
        %add3A_581 = vector.broadcast %add3A_580 : i32 to vector<16xi32>
        %add3A_582 = arith.addi %broadcast_in_dim3A_33, %add3A_581 : vector<16xi32>
        %select_n3A_583 = arith.select %lt3A_579, %add3A_582, %broadcast_in_dim3A_33 : vector<16xi1>, vector<16xi32>
        %broadcast_in_dim3A_584 = vector.shape_cast %select_n3A_583 : vector<16xi32> to vector<16x1xi32>
        %gather3A_585 = vector.shape_cast %broadcast_in_dim3A_584 : vector<16x1xi32> to vector<16xi32>
        %gather3A_586 = tpu.dynamic_gather %get3A_556[%gather3A_585] in [0] : vector<16xf32>, vector<16xi32> -> vector<16xf32>
        %exp3A_587 = math.exp %get3A_532 : vector<16xf32>
        %exp3A_588 = math.exp %get3A_538 : vector<16xf32>
        %exp3A_589 = math.exp %get3A_544 : vector<16xf32>
        %exp3A_590 = math.exp %get3A_550 : vector<16xf32>
        %sub3A_591 = arith.subf %get3A_532, %gather3A_566 : vector<16xf32>
        %mul3A_592 = arith.mulf %exp3A_587, %sub3A_591 : vector<16xf32>
        %sub3A_593 = arith.subf %get3A_538, %gather3A_566 : vector<16xf32>
        %mul3A_594 = arith.mulf %exp3A_588, %sub3A_593 : vector<16xf32>
        %sub3A_595 = arith.subf %get3A_544, %gather3A_566 : vector<16xf32>
        %mul3A_596 = arith.mulf %exp3A_589, %sub3A_595 : vector<16xf32>
        %sub3A_597 = arith.subf %get3A_550, %gather3A_566 : vector<16xf32>
        %mul3A_598 = arith.mulf %exp3A_590, %sub3A_597 : vector<16xf32>
        %exp3A_599 = math.exp %gather3A_576 : vector<16xf32>
        %exp3A_600 = math.exp %gather3A_586 : vector<16xf32>
        %sub3A_601 = arith.subf %gather3A_576, %gather3A_566 : vector<16xf32>
        %mul3A_602 = arith.mulf %exp3A_599, %sub3A_601 : vector<16xf32>
        %sub3A_603 = arith.subf %gather3A_586, %gather3A_566 : vector<16xf32>
        %mul3A_604 = arith.mulf %exp3A_600, %sub3A_603 : vector<16xf32>
        %add3A_605 = arith.addf %exp3A_599, %exp3A_600 : vector<16xf32>
        %add3A_606 = arith.addf %mul3A_602, %mul3A_604 : vector<16xf32>
        %swap3A_607 = arith.constant 0 : index
        %swap3A_608 = tpu.vector_load %arg7[%swap3A_607] {strides = array<i32>} : memref<80xf32, #tpu.memory_space<vmem>>, vector<16xf32>,
        %swap3A_609 = vector.shape_cast %swap3A_608 : vector<16xf32> to vector<16xf32>
        %swap3A_610 = vector.shape_cast %mul3A_407 : vector<16xf32> to vector<16xf32>
        tpu.vector_store %arg7[%swap3A_607], %swap3A_610 {strides = array<i32>} : memref<80xf32, #tpu.memory_space<vmem>>, vector<16xf32>,
        %swap3A_611 = arith.constant 0 : index
        %swap3A_612 = tpu.vector_load %arg8[%swap3A_611] {strides = array<i32>} : memref<80xf32, #tpu.memory_space<vmem>>, vector<16xf32>,
        %swap3A_613 = vector.shape_cast %swap3A_612 : vector<16xf32> to vector<16xf32>
        %swap3A_614 = vector.shape_cast %add3A_410 : vector<16xf32> to vector<16xf32>
        tpu.vector_store %arg8[%swap3A_611], %swap3A_614 {strides = array<i32>} : memref<80xf32, #tpu.memory_space<vmem>>, vector<16xf32>,
        %swap3A_615 = arith.constant 8 : index
        %swap3A_616 = tpu.vector_load %arg7[%swap3A_615] {strides = array<i32>} : memref<80xf32, #tpu.memory_space<vmem>>, vector<16xf32>,
        %swap3A_617 = vector.shape_cast %swap3A_616 : vector<16xf32> to vector<16xf32>
        %swap3A_618 = vector.shape_cast %add3A_369 : vector<16xf32> to vector<16xf32>
        tpu.vector_store %arg7[%swap3A_615], %swap3A_618 {strides = array<i32>} : memref<80xf32, #tpu.memory_space<vmem>>, vector<16xf32>,
        %swap3A_619 = arith.constant 8 : index
        %swap3A_620 = tpu.vector_load %arg8[%swap3A_619] {strides = array<i32>} : memref<80xf32, #tpu.memory_space<vmem>>, vector<16xf32>,
        %swap3A_621 = vector.shape_cast %swap3A_620 : vector<16xf32> to vector<16xf32>
        %swap3A_622 = vector.shape_cast %add3A_385 : vector<16xf32> to vector<16xf32>
        tpu.vector_store %arg8[%swap3A_619], %swap3A_622 {strides = array<i32>} : memref<80xf32, #tpu.memory_space<vmem>>, vector<16xf32>,
        %swap3A_623 = arith.constant 8 : index
        %swap3A_624 = tpu.vector_load %arg9[%swap3A_623] {strides = array<i32>} : memref<80xf32, #tpu.memory_space<vmem>>, vector<16xf32>,
        %swap3A_625 = vector.shape_cast %swap3A_624 : vector<16xf32> to vector<16xf32>
        %swap3A_626 = vector.shape_cast %add3A_431 : vector<16xf32> to vector<16xf32>
        tpu.vector_store %arg9[%swap3A_623], %swap3A_626 {strides = array<i32>} : memref<80xf32, #tpu.memory_space<vmem>>, vector<16xf32>,
        %swap3A_627 = arith.constant 8 : index
        %swap3A_628 = tpu.vector_load %arg10[%swap3A_627] {strides = array<i32>} : memref<80xf32, #tpu.memory_space<vmem>>, vector<16xf32>,
        %swap3A_629 = vector.shape_cast %swap3A_628 : vector<16xf32> to vector<16xf32>
        %swap3A_630 = vector.shape_cast %add3A_438 : vector<16xf32> to vector<16xf32>
        tpu.vector_store %arg10[%swap3A_627], %swap3A_630 {strides = array<i32>} : memref<80xf32, #tpu.memory_space<vmem>>, vector<16xf32>,
        %swap3A_631 = arith.constant 24 : index
        %swap3A_632 = tpu.vector_load %arg7[%swap3A_631] {strides = array<i32>} : memref<80xf32, #tpu.memory_space<vmem>>, vector<16xf32>,
        %swap3A_633 = vector.shape_cast %swap3A_632 : vector<16xf32> to vector<16xf32>
        %swap3A_634 = vector.shape_cast %add3A_372 : vector<16xf32> to vector<16xf32>
        tpu.vector_store %arg7[%swap3A_631], %swap3A_634 {strides = array<i32>} : memref<80xf32, #tpu.memory_space<vmem>>, vector<16xf32>,
        %swap3A_635 = arith.constant 24 : index
        %swap3A_636 = tpu.vector_load %arg8[%swap3A_635] {strides = array<i32>} : memref<80xf32, #tpu.memory_space<vmem>>, vector<16xf32>,
        %swap3A_637 = vector.shape_cast %swap3A_636 : vector<16xf32> to vector<16xf32>
        %swap3A_638 = vector.shape_cast %add3A_392 : vector<16xf32> to vector<16xf32>
        tpu.vector_store %arg8[%swap3A_635], %swap3A_638 {strides = array<i32>} : memref<80xf32, #tpu.memory_space<vmem>>, vector<16xf32>,
        %swap3A_639 = arith.constant 24 : index
        %swap3A_640 = tpu.vector_load %arg9[%swap3A_639] {strides = array<i32>} : memref<80xf32, #tpu.memory_space<vmem>>, vector<16xf32>,
        %swap3A_641 = vector.shape_cast %swap3A_640 : vector<16xf32> to vector<16xf32>
        %swap3A_642 = vector.shape_cast %add3A_459 : vector<16xf32> to vector<16xf32>
        tpu.vector_store %arg9[%swap3A_639], %swap3A_642 {strides = array<i32>} : memref<80xf32, #tpu.memory_space<vmem>>, vector<16xf32>,
        %swap3A_643 = arith.constant 24 : index
        %swap3A_644 = tpu.vector_load %arg10[%swap3A_643] {strides = array<i32>} : memref<80xf32, #tpu.memory_space<vmem>>, vector<16xf32>,
        %swap3A_645 = vector.shape_cast %swap3A_644 : vector<16xf32> to vector<16xf32>
        %swap3A_646 = vector.shape_cast %add3A_466 : vector<16xf32> to vector<16xf32>
        tpu.vector_store %arg10[%swap3A_643], %swap3A_646 {strides = array<i32>} : memref<80xf32, #tpu.memory_space<vmem>>, vector<16xf32>,
        %swap3A_647 = arith.constant 40 : index
        %swap3A_648 = tpu.vector_load %arg7[%swap3A_647] {strides = array<i32>} : memref<80xf32, #tpu.memory_space<vmem>>, vector<16xf32>,
        %swap3A_649 = vector.shape_cast %swap3A_648 : vector<16xf32> to vector<16xf32>
        %swap3A_650 = vector.shape_cast %add3A_375 : vector<16xf32> to vector<16xf32>
        tpu.vector_store %arg7[%swap3A_647], %swap3A_650 {strides = array<i32>} : memref<80xf32, #tpu.memory_space<vmem>>, vector<16xf32>,
        %swap3A_651 = arith.constant 40 : index
        %swap3A_652 = tpu.vector_load %arg8[%swap3A_651] {strides = array<i32>} : memref<80xf32, #tpu.memory_space<vmem>>, vector<16xf32>,
        %swap3A_653 = vector.shape_cast %swap3A_652 : vector<16xf32> to vector<16xf32>
        %swap3A_654 = vector.shape_cast %add3A_399 : vector<16xf32> to vector<16xf32>
        tpu.vector_store %arg8[%swap3A_651], %swap3A_654 {strides = array<i32>} : memref<80xf32, #tpu.memory_space<vmem>>, vector<16xf32>,
        %swap3A_655 = arith.constant 40 : index
        %swap3A_656 = tpu.vector_load %arg9[%swap3A_655] {strides = array<i32>} : memref<80xf32, #tpu.memory_space<vmem>>, vector<16xf32>,
        %swap3A_657 = vector.shape_cast %swap3A_656 : vector<16xf32> to vector<16xf32>
        %swap3A_658 = vector.shape_cast %add3A_487 : vector<16xf32> to vector<16xf32>
        tpu.vector_store %arg9[%swap3A_655], %swap3A_658 {strides = array<i32>} : memref<80xf32, #tpu.memory_space<vmem>>, vector<16xf32>,
        %swap3A_659 = arith.constant 40 : index
        %swap3A_660 = tpu.vector_load %arg10[%swap3A_659] {strides = array<i32>} : memref<80xf32, #tpu.memory_space<vmem>>, vector<16xf32>,
        %swap3A_661 = vector.shape_cast %swap3A_660 : vector<16xf32> to vector<16xf32>
        %swap3A_662 = vector.shape_cast %add3A_494 : vector<16xf32> to vector<16xf32>
        tpu.vector_store %arg10[%swap3A_659], %swap3A_662 {strides = array<i32>} : memref<80xf32, #tpu.memory_space<vmem>>, vector<16xf32>,
        %swap3A_663 = arith.constant 56 : index
        %swap3A_664 = tpu.vector_load %arg7[%swap3A_663] {strides = array<i32>} : memref<80xf32, #tpu.memory_space<vmem>>, vector<16xf32>,
        %swap3A_665 = vector.shape_cast %swap3A_664 : vector<16xf32> to vector<16xf32>
        %swap3A_666 = vector.shape_cast %add3A_378 : vector<16xf32> to vector<16xf32>
        tpu.vector_store %arg7[%swap3A_663], %swap3A_666 {strides = array<i32>} : memref<80xf32, #tpu.memory_space<vmem>>, vector<16xf32>,
        %swap3A_667 = arith.constant 56 : index
        %swap3A_668 = tpu.vector_load %arg8[%swap3A_667] {strides = array<i32>} : memref<80xf32, #tpu.memory_space<vmem>>, vector<16xf32>,
        %swap3A_669 = vector.shape_cast %swap3A_668 : vector<16xf32> to vector<16xf32>
        %swap3A_670 = vector.shape_cast %add3A_406 : vector<16xf32> to vector<16xf32>
        tpu.vector_store %arg8[%swap3A_667], %swap3A_670 {strides = array<i32>} : memref<80xf32, #tpu.memory_space<vmem>>, vector<16xf32>,
        %swap3A_671 = arith.constant 56 : index
        %swap3A_672 = tpu.vector_load %arg9[%swap3A_671] {strides = array<i32>} : memref<80xf32, #tpu.memory_space<vmem>>, vector<16xf32>,
        %swap3A_673 = vector.shape_cast %swap3A_672 : vector<16xf32> to vector<16xf32>
        %swap3A_674 = vector.shape_cast %add3A_515 : vector<16xf32> to vector<16xf32>
        tpu.vector_store %arg9[%swap3A_671], %swap3A_674 {strides = array<i32>} : memref<80xf32, #tpu.memory_space<vmem>>, vector<16xf32>,
        %swap3A_675 = arith.constant 56 : index
        %swap3A_676 = tpu.vector_load %arg10[%swap3A_675] {strides = array<i32>} : memref<80xf32, #tpu.memory_space<vmem>>, vector<16xf32>,
        %swap3A_677 = vector.shape_cast %swap3A_676 : vector<16xf32> to vector<16xf32>
        %swap3A_678 = vector.shape_cast %add3A_522 : vector<16xf32> to vector<16xf32>
        tpu.vector_store %arg10[%swap3A_675], %swap3A_678 {strides = array<i32>} : memref<80xf32, #tpu.memory_space<vmem>>, vector<16xf32>,
        %mul3A_679 = arith.mulf %add3A_605, %add3A_369 : vector<16xf32>
        %mul3A_680 = arith.mulf %exp3A_599, %add3A_431 : vector<16xf32>
        %add3A_681 = arith.addf %mul3A_679, %mul3A_680 : vector<16xf32>
        %mul3A_682 = arith.mulf %add3A_605, %add3A_372 : vector<16xf32>
        %mul3A_683 = arith.mulf %exp3A_599, %add3A_459 : vector<16xf32>
        %add3A_684 = arith.addf %mul3A_682, %mul3A_683 : vector<16xf32>
        %mul3A_685 = arith.mulf %add3A_605, %add3A_375 : vector<16xf32>
        %mul3A_686 = arith.mulf %exp3A_599, %add3A_487 : vector<16xf32>
        %add3A_687 = arith.addf %mul3A_685, %mul3A_686 : vector<16xf32>
        %mul3A_688 = arith.mulf %add3A_605, %add3A_378 : vector<16xf32>
        %mul3A_689 = arith.mulf %exp3A_599, %add3A_515 : vector<16xf32>
        %add3A_690 = arith.addf %mul3A_688, %mul3A_689 : vector<16xf32>
        %mul3A_691 = arith.mulf %add3A_605, %add3A_385 : vector<16xf32>
        %mul3A_692 = arith.mulf %add3A_606, %add3A_369 : vector<16xf32>
        %add3A_693 = arith.addf %mul3A_691, %mul3A_692 : vector<16xf32>
        %mul3A_694 = arith.mulf %exp3A_599, %add3A_438 : vector<16xf32>
        %add3A_695 = arith.addf %add3A_693, %mul3A_694 : vector<16xf32>
        %mul3A_696 = arith.mulf %mul3A_602, %add3A_431 : vector<16xf32>
        %add3A_697 = arith.addf %add3A_695, %mul3A_696 : vector<16xf32>
        %mul3A_698 = arith.mulf %add3A_605, %add3A_392 : vector<16xf32>
        %mul3A_699 = arith.mulf %add3A_606, %add3A_372 : vector<16xf32>
        %add3A_700 = arith.addf %mul3A_698, %mul3A_699 : vector<16xf32>
        %mul3A_701 = arith.mulf %exp3A_599, %add3A_466 : vector<16xf32>
        %add3A_702 = arith.addf %add3A_700, %mul3A_701 : vector<16xf32>
        %mul3A_703 = arith.mulf %mul3A_602, %add3A_459 : vector<16xf32>
        %add3A_704 = arith.addf %add3A_702, %mul3A_703 : vector<16xf32>
        %mul3A_705 = arith.mulf %add3A_605, %add3A_399 : vector<16xf32>
        %mul3A_706 = arith.mulf %add3A_606, %add3A_375 : vector<16xf32>
        %add3A_707 = arith.addf %mul3A_705, %mul3A_706 : vector<16xf32>
        %mul3A_708 = arith.mulf %exp3A_599, %add3A_494 : vector<16xf32>
        %add3A_709 = arith.addf %add3A_707, %mul3A_708 : vector<16xf32>
        %mul3A_710 = arith.mulf %mul3A_602, %add3A_487 : vector<16xf32>
        %add3A_711 = arith.addf %add3A_709, %mul3A_710 : vector<16xf32>
        %mul3A_712 = arith.mulf %add3A_605, %add3A_406 : vector<16xf32>
        %mul3A_713 = arith.mulf %add3A_606, %add3A_378 : vector<16xf32>
        %add3A_714 = arith.addf %mul3A_712, %mul3A_713 : vector<16xf32>
        %mul3A_715 = arith.mulf %exp3A_599, %add3A_522 : vector<16xf32>
        %add3A_716 = arith.addf %add3A_714, %mul3A_715 : vector<16xf32>
        %mul3A_717 = arith.mulf %mul3A_602, %add3A_515 : vector<16xf32>
        %add3A_718 = arith.addf %add3A_716, %mul3A_717 : vector<16xf32>
        %mul3A_719 = arith.mulf %add3A_605, %mul3A_407 : vector<16xf32>
        %mul3A_720 = arith.mulf %add3A_605, %add3A_410 : vector<16xf32>
        %mul3A_721 = arith.mulf %add3A_606, %mul3A_407 : vector<16xf32>
        %add3A_722 = arith.addf %mul3A_720, %mul3A_721 : vector<16xf32>
        %get3A_723 = arith.constant 7 : index
        %get3A_724 = tpu.vector_load %arg7[%get3A_723] {strides = array<i32>} : memref<80xf32, #tpu.memory_space<vmem>>, vector<16xf32>,
        %get3A_725 = vector.shape_cast %get3A_724 : vector<16xf32> to vector<16xf32>
        %get3A_726 = arith.constant 7 : index
        %get3A_727 = tpu.vector_load %arg8[%get3A_726] {strides = array<i32>} : memref<80xf32, #tpu.memory_space<vmem>>, vector<16xf32>,
        %get3A_728 = vector.shape_cast %get3A_727 : vector<16xf32> to vector<16xf32>
        %get3A_729 = arith.constant 7 : index
        %get3A_730 = tpu.vector_load %arg9[%get3A_729] {strides = array<i32>} : memref<80xf32, #tpu.memory_space<vmem>>, vector<16xf32>,
        %get3A_731 = vector.shape_cast %get3A_730 : vector<16xf32> to vector<16xf32>
        %get3A_732 = arith.constant 7 : index
        %get3A_733 = tpu.vector_load %arg10[%get3A_732] {strides = array<i32>} : memref<80xf32, #tpu.memory_space<vmem>>, vector<16xf32>,
        %get3A_734 = vector.shape_cast %get3A_733 : vector<16xf32> to vector<16xf32>
        %mul3A_735 = arith.mulf %get3A_12, %get3A_731 : vector<16xf32>
        %add3A_736 = arith.addf %get3A_725, %mul3A_735 : vector<16xf32>
        %mul3A_737 = arith.mulf %get3A_12, %get3A_734 : vector<16xf32>
        %add3A_738 = arith.addf %get3A_728, %mul3A_737 : vector<16xf32>
        %add3A_739 = arith.addf %exp3A_587, %exp3A_600 : vector<16xf32>
        %add3A_740 = arith.addf %mul3A_592, %mul3A_604 : vector<16xf32>
        %mul3A_741 = arith.mulf %add3A_739, %add3A_431 : vector<16xf32>
        %mul3A_742 = arith.mulf %exp3A_587, %add3A_736 : vector<16xf32>
        %add3A_743 = arith.addf %mul3A_741, %mul3A_742 : vector<16xf32>
        %mul3A_744 = arith.mulf %add3A_739, %add3A_438 : vector<16xf32>
        %mul3A_745 = arith.mulf %add3A_740, %add3A_431 : vector<16xf32>
        %add3A_746 = arith.addf %mul3A_744, %mul3A_745 : vector<16xf32>
        %mul3A_747 = arith.mulf %exp3A_587, %add3A_738 : vector<16xf32>
        %add3A_748 = arith.addf %add3A_746, %mul3A_747 : vector<16xf32>
        %mul3A_749 = arith.mulf %mul3A_592, %add3A_736 : vector<16xf32>
        %add3A_750 = arith.addf %add3A_748, %mul3A_749 : vector<16xf32>
        %get3A_751 = arith.constant 23 : index
        %get3A_752 = tpu.vector_load %arg7[%get3A_751] {strides = array<i32>} : memref<80xf32, #tpu.memory_space<vmem>>, vector<16xf32>,
        %get3A_753 = vector.shape_cast %get3A_752 : vector<16xf32> to vector<16xf32>
        %get3A_754 = arith.constant 23 : index
        %get3A_755 = tpu.vector_load %arg8[%get3A_754] {strides = array<i32>} : memref<80xf32, #tpu.memory_space<vmem>>, vector<16xf32>,
        %get3A_756 = vector.shape_cast %get3A_755 : vector<16xf32> to vector<16xf32>
        %get3A_757 = arith.constant 23 : index
        %get3A_758 = tpu.vector_load %arg9[%get3A_757] {strides = array<i32>} : memref<80xf32, #tpu.memory_space<vmem>>, vector<16xf32>,
        %get3A_759 = vector.shape_cast %get3A_758 : vector<16xf32> to vector<16xf32>
        %get3A_760 = arith.constant 23 : index
        %get3A_761 = tpu.vector_load %arg10[%get3A_760] {strides = array<i32>} : memref<80xf32, #tpu.memory_space<vmem>>, vector<16xf32>,
        %get3A_762 = vector.shape_cast %get3A_761 : vector<16xf32> to vector<16xf32>
        %mul3A_763 = arith.mulf %get3A_15, %get3A_759 : vector<16xf32>
        %add3A_764 = arith.addf %get3A_753, %mul3A_763 : vector<16xf32>
        %mul3A_765 = arith.mulf %get3A_15, %get3A_762 : vector<16xf32>
        %add3A_766 = arith.addf %get3A_756, %mul3A_765 : vector<16xf32>
        %add3A_767 = arith.addf %exp3A_588, %exp3A_600 : vector<16xf32>
        %add3A_768 = arith.addf %mul3A_594, %mul3A_604 : vector<16xf32>
        %mul3A_769 = arith.mulf %add3A_767, %add3A_459 : vector<16xf32>
        %mul3A_770 = arith.mulf %exp3A_588, %add3A_764 : vector<16xf32>
        %add3A_771 = arith.addf %mul3A_769, %mul3A_770 : vector<16xf32>
        %mul3A_772 = arith.mulf %add3A_767, %add3A_466 : vector<16xf32>
        %mul3A_773 = arith.mulf %add3A_768, %add3A_459 : vector<16xf32>
        %add3A_774 = arith.addf %mul3A_772, %mul3A_773 : vector<16xf32>
        %mul3A_775 = arith.mulf %exp3A_588, %add3A_766 : vector<16xf32>
        %add3A_776 = arith.addf %add3A_774, %mul3A_775 : vector<16xf32>
        %mul3A_777 = arith.mulf %mul3A_594, %add3A_764 : vector<16xf32>
        %add3A_778 = arith.addf %add3A_776, %mul3A_777 : vector<16xf32>
        %get3A_779 = arith.constant 39 : index
        %get3A_780 = tpu.vector_load %arg7[%get3A_779] {strides = array<i32>} : memref<80xf32, #tpu.memory_space<vmem>>, vector<16xf32>,
        %get3A_781 = vector.shape_cast %get3A_780 : vector<16xf32> to vector<16xf32>
        %get3A_782 = arith.constant 39 : index
        %get3A_783 = tpu.vector_load %arg8[%get3A_782] {strides = array<i32>} : memref<80xf32, #tpu.memory_space<vmem>>, vector<16xf32>,
        %get3A_784 = vector.shape_cast %get3A_783 : vector<16xf32> to vector<16xf32>
        %get3A_785 = arith.constant 39 : index
        %get3A_786 = tpu.vector_load %arg9[%get3A_785] {strides = array<i32>} : memref<80xf32, #tpu.memory_space<vmem>>, vector<16xf32>,
        %get3A_787 = vector.shape_cast %get3A_786 : vector<16xf32> to vector<16xf32>
        %get3A_788 = arith.constant 39 : index
        %get3A_789 = tpu.vector_load %arg10[%get3A_788] {strides = array<i32>} : memref<80xf32, #tpu.memory_space<vmem>>, vector<16xf32>,
        %get3A_790 = vector.shape_cast %get3A_789 : vector<16xf32> to vector<16xf32>
        %mul3A_791 = arith.mulf %get3A_18, %get3A_787 : vector<16xf32>
        %add3A_792 = arith.addf %get3A_781, %mul3A_791 : vector<16xf32>
        %mul3A_793 = arith.mulf %get3A_18, %get3A_790 : vector<16xf32>
        %add3A_794 = arith.addf %get3A_784, %mul3A_793 : vector<16xf32>
        %add3A_795 = arith.addf %exp3A_589, %exp3A_600 : vector<16xf32>
        %add3A_796 = arith.addf %mul3A_596, %mul3A_604 : vector<16xf32>
        %mul3A_797 = arith.mulf %add3A_795, %add3A_487 : vector<16xf32>
        %mul3A_798 = arith.mulf %exp3A_589, %add3A_792 : vector<16xf32>
        %add3A_799 = arith.addf %mul3A_797, %mul3A_798 : vector<16xf32>
        %mul3A_800 = arith.mulf %add3A_795, %add3A_494 : vector<16xf32>
        %mul3A_801 = arith.mulf %add3A_796, %add3A_487 : vector<16xf32>
        %add3A_802 = arith.addf %mul3A_800, %mul3A_801 : vector<16xf32>
        %mul3A_803 = arith.mulf %exp3A_589, %add3A_794 : vector<16xf32>
        %add3A_804 = arith.addf %add3A_802, %mul3A_803 : vector<16xf32>
        %mul3A_805 = arith.mulf %mul3A_596, %add3A_792 : vector<16xf32>
        %add3A_806 = arith.addf %add3A_804, %mul3A_805 : vector<16xf32>
        %get3A_807 = arith.constant 55 : index
        %get3A_808 = tpu.vector_load %arg7[%get3A_807] {strides = array<i32>} : memref<80xf32, #tpu.memory_space<vmem>>, vector<16xf32>,
        %get3A_809 = vector.shape_cast %get3A_808 : vector<16xf32> to vector<16xf32>
        %get3A_810 = arith.constant 55 : index
        %get3A_811 = tpu.vector_load %arg8[%get3A_810] {strides = array<i32>} : memref<80xf32, #tpu.memory_space<vmem>>, vector<16xf32>,
        %get3A_812 = vector.shape_cast %get3A_811 : vector<16xf32> to vector<16xf32>
        %get3A_813 = arith.constant 55 : index
        %get3A_814 = tpu.vector_load %arg9[%get3A_813] {strides = array<i32>} : memref<80xf32, #tpu.memory_space<vmem>>, vector<16xf32>,
        %get3A_815 = vector.shape_cast %get3A_814 : vector<16xf32> to vector<16xf32>
        %get3A_816 = arith.constant 55 : index
        %get3A_817 = tpu.vector_load %arg10[%get3A_816] {strides = array<i32>} : memref<80xf32, #tpu.memory_space<vmem>>, vector<16xf32>,
        %get3A_818 = vector.shape_cast %get3A_817 : vector<16xf32> to vector<16xf32>
        %mul3A_819 = arith.mulf %get3A_21, %get3A_815 : vector<16xf32>
        %add3A_820 = arith.addf %get3A_809, %mul3A_819 : vector<16xf32>
        %mul3A_821 = arith.mulf %get3A_21, %get3A_818 : vector<16xf32>
        %add3A_822 = arith.addf %get3A_812, %mul3A_821 : vector<16xf32>
        %add3A_823 = arith.addf %exp3A_590, %exp3A_600 : vector<16xf32>
        %add3A_824 = arith.addf %mul3A_598, %mul3A_604 : vector<16xf32>
        %mul3A_825 = arith.mulf %add3A_823, %add3A_515 : vector<16xf32>
        %mul3A_826 = arith.mulf %exp3A_590, %add3A_820 : vector<16xf32>
        %add3A_827 = arith.addf %mul3A_825, %mul3A_826 : vector<16xf32>
        %mul3A_828 = arith.mulf %add3A_823, %add3A_522 : vector<16xf32>
        %mul3A_829 = arith.mulf %add3A_824, %add3A_515 : vector<16xf32>
        %add3A_830 = arith.addf %mul3A_828, %mul3A_829 : vector<16xf32>
        %mul3A_831 = arith.mulf %exp3A_590, %add3A_822 : vector<16xf32>
        %add3A_832 = arith.addf %add3A_830, %mul3A_831 : vector<16xf32>
        %mul3A_833 = arith.mulf %mul3A_598, %add3A_820 : vector<16xf32>
        %add3A_834 = arith.addf %add3A_832, %mul3A_833 : vector<16xf32>
        %mul3A_835 = arith.constant 4 : i32
        %mul3A_836 = arith.muli %mul3A_835, %scan3A_197 : i32
        %add3A_837 = arith.constant 2 : i32
        %add3A_838 = arith.addi %mul3A_836, %add3A_837 : i32
        %get3A_839 = arith.constant 1 : i32
        %get3A_840 = arith.index_cast %get3A_839 : i32 to index
        %get3A_841 = arith.index_cast %add3A_838 : i32 to index
        %get3A_842 = arith.constant 0 : index
        %get3A_843 = tpu.vector_load %arg5[%get3A_840, %get3A_841, %get3A_842] {strides = array<i32>} : memref<2x64x80xf32, #tpu.memory_space<vmem>>, vector<1x1x16xf32>,
        %get3A_844 = vector.shape_cast %get3A_843 : vector<1x1x16xf32> to vector<16xf32>
        %get3A_845 = arith.constant 1 : i32
        %get3A_846 = arith.index_cast %get3A_845 : i32 to index
        %get3A_847 = arith.index_cast %add3A_838 : i32 to index
        %get3A_848 = arith.constant 16 : index
        %get3A_849 = tpu.vector_load %arg5[%get3A_846, %get3A_847, %get3A_848] {strides = array<i32>} : memref<2x64x80xf32, #tpu.memory_space<vmem>>, vector<1x1x16xf32>,
        %get3A_850 = vector.shape_cast %get3A_849 : vector<1x1x16xf32> to vector<16xf32>
        %get3A_851 = arith.constant 1 : i32
        %get3A_852 = arith.index_cast %get3A_851 : i32 to index
        %get3A_853 = arith.index_cast %add3A_838 : i32 to index
        %get3A_854 = arith.constant 32 : index
        %get3A_855 = tpu.vector_load %arg5[%get3A_852, %get3A_853, %get3A_854] {strides = array<i32>} : memref<2x64x80xf32, #tpu.memory_space<vmem>>, vector<1x1x16xf32>,
        %get3A_856 = vector.shape_cast %get3A_855 : vector<1x1x16xf32> to vector<16xf32>
        %get3A_857 = arith.constant 1 : i32
        %get3A_858 = arith.index_cast %get3A_857 : i32 to index
        %get3A_859 = arith.index_cast %add3A_838 : i32 to index
        %get3A_860 = arith.constant 48 : index
        %get3A_861 = tpu.vector_load %arg5[%get3A_858, %get3A_859, %get3A_860] {strides = array<i32>} : memref<2x64x80xf32, #tpu.memory_space<vmem>>, vector<1x1x16xf32>,
        %get3A_862 = vector.shape_cast %get3A_861 : vector<1x1x16xf32> to vector<16xf32>
        %get3A_863 = arith.constant 1 : i32
        %get3A_864 = arith.index_cast %get3A_863 : i32 to index
        %get3A_865 = arith.index_cast %add3A_838 : i32 to index
        %get3A_866 = arith.constant 64 : index
        %get3A_867 = tpu.vector_load %arg5[%get3A_864, %get3A_865, %get3A_866] {strides = array<i32>} : memref<2x64x80xf32, #tpu.memory_space<vmem>>, vector<1x1x16xf32>,
        %get3A_868 = vector.shape_cast %get3A_867 : vector<1x1x16xf32> to vector<16xf32>
        %lt3A_869 = arith.constant 0 : i32
        %lt3A_870 = vector.broadcast %lt3A_869 : i32 to vector<16xi32>
        %lt3A_871 = arith.cmpi slt, %broadcast_in_dim3A_35, %lt3A_870 : vector<16xi32>
        %add3A_872 = arith.constant 16 : i32
        %add3A_873 = vector.broadcast %add3A_872 : i32 to vector<16xi32>
        %add3A_874 = arith.addi %broadcast_in_dim3A_35, %add3A_873 : vector<16xi32>
        %select_n3A_875 = arith.select %lt3A_871, %add3A_874, %broadcast_in_dim3A_35 : vector<16xi1>, vector<16xi32>
        %broadcast_in_dim3A_876 = vector.shape_cast %select_n3A_875 : vector<16xi32> to vector<16x1xi32>
        %gather3A_877 = vector.shape_cast %broadcast_in_dim3A_876 : vector<16x1xi32> to vector<16xi32>
        %gather3A_878 = tpu.dynamic_gather %get3A_868[%gather3A_877] in [0] : vector<16xf32>, vector<16xi32> -> vector<16xf32>
        %lt3A_879 = arith.constant 0 : i32
        %lt3A_880 = vector.broadcast %lt3A_879 : i32 to vector<16xi32>
        %lt3A_881 = arith.cmpi slt, %broadcast_in_dim3A_31, %lt3A_880 : vector<16xi32>
        %add3A_882 = arith.constant 16 : i32
        %add3A_883 = vector.broadcast %add3A_882 : i32 to vector<16xi32>
        %add3A_884 = arith.addi %broadcast_in_dim3A_31, %add3A_883 : vector<16xi32>
        %select_n3A_885 = arith.select %lt3A_881, %add3A_884, %broadcast_in_dim3A_31 : vector<16xi1>, vector<16xi32>
        %broadcast_in_dim3A_886 = vector.shape_cast %select_n3A_885 : vector<16xi32> to vector<16x1xi32>
        %gather3A_887 = vector.shape_cast %broadcast_in_dim3A_886 : vector<16x1xi32> to vector<16xi32>
        %gather3A_888 = tpu.dynamic_gather %get3A_868[%gather3A_887] in [0] : vector<16xf32>, vector<16xi32> -> vector<16xf32>
        %lt3A_889 = arith.constant 0 : i32
        %lt3A_890 = vector.broadcast %lt3A_889 : i32 to vector<16xi32>
        %lt3A_891 = arith.cmpi slt, %broadcast_in_dim3A_33, %lt3A_890 : vector<16xi32>
        %add3A_892 = arith.constant 16 : i32
        %add3A_893 = vector.broadcast %add3A_892 : i32 to vector<16xi32>
        %add3A_894 = arith.addi %broadcast_in_dim3A_33, %add3A_893 : vector<16xi32>
        %select_n3A_895 = arith.select %lt3A_891, %add3A_894, %broadcast_in_dim3A_33 : vector<16xi1>, vector<16xi32>
        %broadcast_in_dim3A_896 = vector.shape_cast %select_n3A_895 : vector<16xi32> to vector<16x1xi32>
        %gather3A_897 = vector.shape_cast %broadcast_in_dim3A_896 : vector<16x1xi32> to vector<16xi32>
        %gather3A_898 = tpu.dynamic_gather %get3A_868[%gather3A_897] in [0] : vector<16xf32>, vector<16xi32> -> vector<16xf32>
        %exp3A_899 = math.exp %get3A_844 : vector<16xf32>
        %exp3A_900 = math.exp %get3A_850 : vector<16xf32>
        %exp3A_901 = math.exp %get3A_856 : vector<16xf32>
        %exp3A_902 = math.exp %get3A_862 : vector<16xf32>
        %sub3A_903 = arith.subf %get3A_844, %gather3A_878 : vector<16xf32>
        %mul3A_904 = arith.mulf %exp3A_899, %sub3A_903 : vector<16xf32>
        %sub3A_905 = arith.subf %get3A_850, %gather3A_878 : vector<16xf32>
        %mul3A_906 = arith.mulf %exp3A_900, %sub3A_905 : vector<16xf32>
        %sub3A_907 = arith.subf %get3A_856, %gather3A_878 : vector<16xf32>
        %mul3A_908 = arith.mulf %exp3A_901, %sub3A_907 : vector<16xf32>
        %sub3A_909 = arith.subf %get3A_862, %gather3A_878 : vector<16xf32>
        %mul3A_910 = arith.mulf %exp3A_902, %sub3A_909 : vector<16xf32>
        %exp3A_911 = math.exp %gather3A_888 : vector<16xf32>
        %exp3A_912 = math.exp %gather3A_898 : vector<16xf32>
        %sub3A_913 = arith.subf %gather3A_888, %gather3A_878 : vector<16xf32>
        %mul3A_914 = arith.mulf %exp3A_911, %sub3A_913 : vector<16xf32>
        %sub3A_915 = arith.subf %gather3A_898, %gather3A_878 : vector<16xf32>
        %mul3A_916 = arith.mulf %exp3A_912, %sub3A_915 : vector<16xf32>
        %add3A_917 = arith.addf %exp3A_911, %exp3A_912 : vector<16xf32>
        %add3A_918 = arith.addf %mul3A_914, %mul3A_916 : vector<16xf32>
        %swap3A_919 = arith.constant 0 : index
        %swap3A_920 = tpu.vector_load %arg7[%swap3A_919] {strides = array<i32>} : memref<80xf32, #tpu.memory_space<vmem>>, vector<16xf32>,
        %swap3A_921 = vector.shape_cast %swap3A_920 : vector<16xf32> to vector<16xf32>
        %swap3A_922 = vector.shape_cast %mul3A_719 : vector<16xf32> to vector<16xf32>
        tpu.vector_store %arg7[%swap3A_919], %swap3A_922 {strides = array<i32>} : memref<80xf32, #tpu.memory_space<vmem>>, vector<16xf32>,
        %swap3A_923 = arith.constant 0 : index
        %swap3A_924 = tpu.vector_load %arg8[%swap3A_923] {strides = array<i32>} : memref<80xf32, #tpu.memory_space<vmem>>, vector<16xf32>,
        %swap3A_925 = vector.shape_cast %swap3A_924 : vector<16xf32> to vector<16xf32>
        %swap3A_926 = vector.shape_cast %add3A_722 : vector<16xf32> to vector<16xf32>
        tpu.vector_store %arg8[%swap3A_923], %swap3A_926 {strides = array<i32>} : memref<80xf32, #tpu.memory_space<vmem>>, vector<16xf32>,
        %swap3A_927 = arith.constant 8 : index
        %swap3A_928 = tpu.vector_load %arg7[%swap3A_927] {strides = array<i32>} : memref<80xf32, #tpu.memory_space<vmem>>, vector<16xf32>,
        %swap3A_929 = vector.shape_cast %swap3A_928 : vector<16xf32> to vector<16xf32>
        %swap3A_930 = vector.shape_cast %add3A_681 : vector<16xf32> to vector<16xf32>
        tpu.vector_store %arg7[%swap3A_927], %swap3A_930 {strides = array<i32>} : memref<80xf32, #tpu.memory_space<vmem>>, vector<16xf32>,
        %swap3A_931 = arith.constant 8 : index
        %swap3A_932 = tpu.vector_load %arg8[%swap3A_931] {strides = array<i32>} : memref<80xf32, #tpu.memory_space<vmem>>, vector<16xf32>,
        %swap3A_933 = vector.shape_cast %swap3A_932 : vector<16xf32> to vector<16xf32>
        %swap3A_934 = vector.shape_cast %add3A_697 : vector<16xf32> to vector<16xf32>
        tpu.vector_store %arg8[%swap3A_931], %swap3A_934 {strides = array<i32>} : memref<80xf32, #tpu.memory_space<vmem>>, vector<16xf32>,
        %swap3A_935 = arith.constant 8 : index
        %swap3A_936 = tpu.vector_load %arg9[%swap3A_935] {strides = array<i32>} : memref<80xf32, #tpu.memory_space<vmem>>, vector<16xf32>,
        %swap3A_937 = vector.shape_cast %swap3A_936 : vector<16xf32> to vector<16xf32>
        %swap3A_938 = vector.shape_cast %add3A_743 : vector<16xf32> to vector<16xf32>
        tpu.vector_store %arg9[%swap3A_935], %swap3A_938 {strides = array<i32>} : memref<80xf32, #tpu.memory_space<vmem>>, vector<16xf32>,
        %swap3A_939 = arith.constant 8 : index
        %swap3A_940 = tpu.vector_load %arg10[%swap3A_939] {strides = array<i32>} : memref<80xf32, #tpu.memory_space<vmem>>, vector<16xf32>,
        %swap3A_941 = vector.shape_cast %swap3A_940 : vector<16xf32> to vector<16xf32>
        %swap3A_942 = vector.shape_cast %add3A_750 : vector<16xf32> to vector<16xf32>
        tpu.vector_store %arg10[%swap3A_939], %swap3A_942 {strides = array<i32>} : memref<80xf32, #tpu.memory_space<vmem>>, vector<16xf32>,
        %swap3A_943 = arith.constant 24 : index
        %swap3A_944 = tpu.vector_load %arg7[%swap3A_943] {strides = array<i32>} : memref<80xf32, #tpu.memory_space<vmem>>, vector<16xf32>,
        %swap3A_945 = vector.shape_cast %swap3A_944 : vector<16xf32> to vector<16xf32>
        %swap3A_946 = vector.shape_cast %add3A_684 : vector<16xf32> to vector<16xf32>
        tpu.vector_store %arg7[%swap3A_943], %swap3A_946 {strides = array<i32>} : memref<80xf32, #tpu.memory_space<vmem>>, vector<16xf32>,
        %swap3A_947 = arith.constant 24 : index
        %swap3A_948 = tpu.vector_load %arg8[%swap3A_947] {strides = array<i32>} : memref<80xf32, #tpu.memory_space<vmem>>, vector<16xf32>,
        %swap3A_949 = vector.shape_cast %swap3A_948 : vector<16xf32> to vector<16xf32>
        %swap3A_950 = vector.shape_cast %add3A_704 : vector<16xf32> to vector<16xf32>
        tpu.vector_store %arg8[%swap3A_947], %swap3A_950 {strides = array<i32>} : memref<80xf32, #tpu.memory_space<vmem>>, vector<16xf32>,
        %swap3A_951 = arith.constant 24 : index
        %swap3A_952 = tpu.vector_load %arg9[%swap3A_951] {strides = array<i32>} : memref<80xf32, #tpu.memory_space<vmem>>, vector<16xf32>,
        %swap3A_953 = vector.shape_cast %swap3A_952 : vector<16xf32> to vector<16xf32>
        %swap3A_954 = vector.shape_cast %add3A_771 : vector<16xf32> to vector<16xf32>
        tpu.vector_store %arg9[%swap3A_951], %swap3A_954 {strides = array<i32>} : memref<80xf32, #tpu.memory_space<vmem>>, vector<16xf32>,
        %swap3A_955 = arith.constant 24 : index
        %swap3A_956 = tpu.vector_load %arg10[%swap3A_955] {strides = array<i32>} : memref<80xf32, #tpu.memory_space<vmem>>, vector<16xf32>,
        %swap3A_957 = vector.shape_cast %swap3A_956 : vector<16xf32> to vector<16xf32>
        %swap3A_958 = vector.shape_cast %add3A_778 : vector<16xf32> to vector<16xf32>
        tpu.vector_store %arg10[%swap3A_955], %swap3A_958 {strides = array<i32>} : memref<80xf32, #tpu.memory_space<vmem>>, vector<16xf32>,
        %swap3A_959 = arith.constant 40 : index
        %swap3A_960 = tpu.vector_load %arg7[%swap3A_959] {strides = array<i32>} : memref<80xf32, #tpu.memory_space<vmem>>, vector<16xf32>,
        %swap3A_961 = vector.shape_cast %swap3A_960 : vector<16xf32> to vector<16xf32>
        %swap3A_962 = vector.shape_cast %add3A_687 : vector<16xf32> to vector<16xf32>
        tpu.vector_store %arg7[%swap3A_959], %swap3A_962 {strides = array<i32>} : memref<80xf32, #tpu.memory_space<vmem>>, vector<16xf32>,
        %swap3A_963 = arith.constant 40 : index
        %swap3A_964 = tpu.vector_load %arg8[%swap3A_963] {strides = array<i32>} : memref<80xf32, #tpu.memory_space<vmem>>, vector<16xf32>,
        %swap3A_965 = vector.shape_cast %swap3A_964 : vector<16xf32> to vector<16xf32>
        %swap3A_966 = vector.shape_cast %add3A_711 : vector<16xf32> to vector<16xf32>
        tpu.vector_store %arg8[%swap3A_963], %swap3A_966 {strides = array<i32>} : memref<80xf32, #tpu.memory_space<vmem>>, vector<16xf32>,
        %swap3A_967 = arith.constant 40 : index
        %swap3A_968 = tpu.vector_load %arg9[%swap3A_967] {strides = array<i32>} : memref<80xf32, #tpu.memory_space<vmem>>, vector<16xf32>,
        %swap3A_969 = vector.shape_cast %swap3A_968 : vector<16xf32> to vector<16xf32>
        %swap3A_970 = vector.shape_cast %add3A_799 : vector<16xf32> to vector<16xf32>
        tpu.vector_store %arg9[%swap3A_967], %swap3A_970 {strides = array<i32>} : memref<80xf32, #tpu.memory_space<vmem>>, vector<16xf32>,
        %swap3A_971 = arith.constant 40 : index
        %swap3A_972 = tpu.vector_load %arg10[%swap3A_971] {strides = array<i32>} : memref<80xf32, #tpu.memory_space<vmem>>, vector<16xf32>,
        %swap3A_973 = vector.shape_cast %swap3A_972 : vector<16xf32> to vector<16xf32>
        %swap3A_974 = vector.shape_cast %add3A_806 : vector<16xf32> to vector<16xf32>
        tpu.vector_store %arg10[%swap3A_971], %swap3A_974 {strides = array<i32>} : memref<80xf32, #tpu.memory_space<vmem>>, vector<16xf32>,
        %swap3A_975 = arith.constant 56 : index
        %swap3A_976 = tpu.vector_load %arg7[%swap3A_975] {strides = array<i32>} : memref<80xf32, #tpu.memory_space<vmem>>, vector<16xf32>,
        %swap3A_977 = vector.shape_cast %swap3A_976 : vector<16xf32> to vector<16xf32>
        %swap3A_978 = vector.shape_cast %add3A_690 : vector<16xf32> to vector<16xf32>
        tpu.vector_store %arg7[%swap3A_975], %swap3A_978 {strides = array<i32>} : memref<80xf32, #tpu.memory_space<vmem>>, vector<16xf32>,
        %swap3A_979 = arith.constant 56 : index
        %swap3A_980 = tpu.vector_load %arg8[%swap3A_979] {strides = array<i32>} : memref<80xf32, #tpu.memory_space<vmem>>, vector<16xf32>,
        %swap3A_981 = vector.shape_cast %swap3A_980 : vector<16xf32> to vector<16xf32>
        %swap3A_982 = vector.shape_cast %add3A_718 : vector<16xf32> to vector<16xf32>
        tpu.vector_store %arg8[%swap3A_979], %swap3A_982 {strides = array<i32>} : memref<80xf32, #tpu.memory_space<vmem>>, vector<16xf32>,
        %swap3A_983 = arith.constant 56 : index
        %swap3A_984 = tpu.vector_load %arg9[%swap3A_983] {strides = array<i32>} : memref<80xf32, #tpu.memory_space<vmem>>, vector<16xf32>,
        %swap3A_985 = vector.shape_cast %swap3A_984 : vector<16xf32> to vector<16xf32>
        %swap3A_986 = vector.shape_cast %add3A_827 : vector<16xf32> to vector<16xf32>
        tpu.vector_store %arg9[%swap3A_983], %swap3A_986 {strides = array<i32>} : memref<80xf32, #tpu.memory_space<vmem>>, vector<16xf32>,
        %swap3A_987 = arith.constant 56 : index
        %swap3A_988 = tpu.vector_load %arg10[%swap3A_987] {strides = array<i32>} : memref<80xf32, #tpu.memory_space<vmem>>, vector<16xf32>,
        %swap3A_989 = vector.shape_cast %swap3A_988 : vector<16xf32> to vector<16xf32>
        %swap3A_990 = vector.shape_cast %add3A_834 : vector<16xf32> to vector<16xf32>
        tpu.vector_store %arg10[%swap3A_987], %swap3A_990 {strides = array<i32>} : memref<80xf32, #tpu.memory_space<vmem>>, vector<16xf32>,
        %mul3A_991 = arith.mulf %add3A_917, %add3A_681 : vector<16xf32>
        %mul3A_992 = arith.mulf %exp3A_911, %add3A_743 : vector<16xf32>
        %add3A_993 = arith.addf %mul3A_991, %mul3A_992 : vector<16xf32>
        %mul3A_994 = arith.mulf %add3A_917, %add3A_684 : vector<16xf32>
        %mul3A_995 = arith.mulf %exp3A_911, %add3A_771 : vector<16xf32>
        %add3A_996 = arith.addf %mul3A_994, %mul3A_995 : vector<16xf32>
        %mul3A_997 = arith.mulf %add3A_917, %add3A_687 : vector<16xf32>
        %mul3A_998 = arith.mulf %exp3A_911, %add3A_799 : vector<16xf32>
        %add3A_999 = arith.addf %mul3A_997, %mul3A_998 : vector<16xf32>
        %mul3A_1000 = arith.mulf %add3A_917, %add3A_690 : vector<16xf32>
        %mul3A_1001 = arith.mulf %exp3A_911, %add3A_827 : vector<16xf32>
        %add3A_1002 = arith.addf %mul3A_1000, %mul3A_1001 : vector<16xf32>
        %mul3A_1003 = arith.mulf %add3A_917, %add3A_697 : vector<16xf32>
        %mul3A_1004 = arith.mulf %add3A_918, %add3A_681 : vector<16xf32>
        %add3A_1005 = arith.addf %mul3A_1003, %mul3A_1004 : vector<16xf32>
        %mul3A_1006 = arith.mulf %exp3A_911, %add3A_750 : vector<16xf32>
        %add3A_1007 = arith.addf %add3A_1005, %mul3A_1006 : vector<16xf32>
        %mul3A_1008 = arith.mulf %mul3A_914, %add3A_743 : vector<16xf32>
        %add3A_1009 = arith.addf %add3A_1007, %mul3A_1008 : vector<16xf32>
        %mul3A_1010 = arith.mulf %add3A_917, %add3A_704 : vector<16xf32>
        %mul3A_1011 = arith.mulf %add3A_918, %add3A_684 : vector<16xf32>
        %add3A_1012 = arith.addf %mul3A_1010, %mul3A_1011 : vector<16xf32>
        %mul3A_1013 = arith.mulf %exp3A_911, %add3A_778 : vector<16xf32>
        %add3A_1014 = arith.addf %add3A_1012, %mul3A_1013 : vector<16xf32>
        %mul3A_1015 = arith.mulf %mul3A_914, %add3A_771 : vector<16xf32>
        %add3A_1016 = arith.addf %add3A_1014, %mul3A_1015 : vector<16xf32>
        %mul3A_1017 = arith.mulf %add3A_917, %add3A_711 : vector<16xf32>
        %mul3A_1018 = arith.mulf %add3A_918, %add3A_687 : vector<16xf32>
        %add3A_1019 = arith.addf %mul3A_1017, %mul3A_1018 : vector<16xf32>
        %mul3A_1020 = arith.mulf %exp3A_911, %add3A_806 : vector<16xf32>
        %add3A_1021 = arith.addf %add3A_1019, %mul3A_1020 : vector<16xf32>
        %mul3A_1022 = arith.mulf %mul3A_914, %add3A_799 : vector<16xf32>
        %add3A_1023 = arith.addf %add3A_1021, %mul3A_1022 : vector<16xf32>
        %mul3A_1024 = arith.mulf %add3A_917, %add3A_718 : vector<16xf32>
        %mul3A_1025 = arith.mulf %add3A_918, %add3A_690 : vector<16xf32>
        %add3A_1026 = arith.addf %mul3A_1024, %mul3A_1025 : vector<16xf32>
        %mul3A_1027 = arith.mulf %exp3A_911, %add3A_834 : vector<16xf32>
        %add3A_1028 = arith.addf %add3A_1026, %mul3A_1027 : vector<16xf32>
        %mul3A_1029 = arith.mulf %mul3A_914, %add3A_827 : vector<16xf32>
        %add3A_1030 = arith.addf %add3A_1028, %mul3A_1029 : vector<16xf32>
        %mul3A_1031 = arith.mulf %add3A_917, %mul3A_719 : vector<16xf32>
        %mul3A_1032 = arith.mulf %add3A_917, %add3A_722 : vector<16xf32>
        %mul3A_1033 = arith.mulf %add3A_918, %mul3A_719 : vector<16xf32>
        %add3A_1034 = arith.addf %mul3A_1032, %mul3A_1033 : vector<16xf32>
        %get3A_1035 = arith.constant 7 : index
        %get3A_1036 = tpu.vector_load %arg7[%get3A_1035] {strides = array<i32>} : memref<80xf32, #tpu.memory_space<vmem>>, vector<16xf32>,
        %get3A_1037 = vector.shape_cast %get3A_1036 : vector<16xf32> to vector<16xf32>
        %get3A_1038 = arith.constant 7 : index
        %get3A_1039 = tpu.vector_load %arg8[%get3A_1038] {strides = array<i32>} : memref<80xf32, #tpu.memory_space<vmem>>, vector<16xf32>,
        %get3A_1040 = vector.shape_cast %get3A_1039 : vector<16xf32> to vector<16xf32>
        %get3A_1041 = arith.constant 7 : index
        %get3A_1042 = tpu.vector_load %arg9[%get3A_1041] {strides = array<i32>} : memref<80xf32, #tpu.memory_space<vmem>>, vector<16xf32>,
        %get3A_1043 = vector.shape_cast %get3A_1042 : vector<16xf32> to vector<16xf32>
        %get3A_1044 = arith.constant 7 : index
        %get3A_1045 = tpu.vector_load %arg10[%get3A_1044] {strides = array<i32>} : memref<80xf32, #tpu.memory_space<vmem>>, vector<16xf32>,
        %get3A_1046 = vector.shape_cast %get3A_1045 : vector<16xf32> to vector<16xf32>
        %mul3A_1047 = arith.mulf %get3A_12, %get3A_1043 : vector<16xf32>
        %add3A_1048 = arith.addf %get3A_1037, %mul3A_1047 : vector<16xf32>
        %mul3A_1049 = arith.mulf %get3A_12, %get3A_1046 : vector<16xf32>
        %add3A_1050 = arith.addf %get3A_1040, %mul3A_1049 : vector<16xf32>
        %add3A_1051 = arith.addf %exp3A_899, %exp3A_912 : vector<16xf32>
        %add3A_1052 = arith.addf %mul3A_904, %mul3A_916 : vector<16xf32>
        %mul3A_1053 = arith.mulf %add3A_1051, %add3A_743 : vector<16xf32>
        %mul3A_1054 = arith.mulf %exp3A_899, %add3A_1048 : vector<16xf32>
        %add3A_1055 = arith.addf %mul3A_1053, %mul3A_1054 : vector<16xf32>
        %mul3A_1056 = arith.mulf %add3A_1051, %add3A_750 : vector<16xf32>
        %mul3A_1057 = arith.mulf %add3A_1052, %add3A_743 : vector<16xf32>
        %add3A_1058 = arith.addf %mul3A_1056, %mul3A_1057 : vector<16xf32>
        %mul3A_1059 = arith.mulf %exp3A_899, %add3A_1050 : vector<16xf32>
        %add3A_1060 = arith.addf %add3A_1058, %mul3A_1059 : vector<16xf32>
        %mul3A_1061 = arith.mulf %mul3A_904, %add3A_1048 : vector<16xf32>
        %add3A_1062 = arith.addf %add3A_1060, %mul3A_1061 : vector<16xf32>
        %get3A_1063 = arith.constant 23 : index
        %get3A_1064 = tpu.vector_load %arg7[%get3A_1063] {strides = array<i32>} : memref<80xf32, #tpu.memory_space<vmem>>, vector<16xf32>,
        %get3A_1065 = vector.shape_cast %get3A_1064 : vector<16xf32> to vector<16xf32>
        %get3A_1066 = arith.constant 23 : index
        %get3A_1067 = tpu.vector_load %arg8[%get3A_1066] {strides = array<i32>} : memref<80xf32, #tpu.memory_space<vmem>>, vector<16xf32>,
        %get3A_1068 = vector.shape_cast %get3A_1067 : vector<16xf32> to vector<16xf32>
        %get3A_1069 = arith.constant 23 : index
        %get3A_1070 = tpu.vector_load %arg9[%get3A_1069] {strides = array<i32>} : memref<80xf32, #tpu.memory_space<vmem>>, vector<16xf32>,
        %get3A_1071 = vector.shape_cast %get3A_1070 : vector<16xf32> to vector<16xf32>
        %get3A_1072 = arith.constant 23 : index
        %get3A_1073 = tpu.vector_load %arg10[%get3A_1072] {strides = array<i32>} : memref<80xf32, #tpu.memory_space<vmem>>, vector<16xf32>,
        %get3A_1074 = vector.shape_cast %get3A_1073 : vector<16xf32> to vector<16xf32>
        %mul3A_1075 = arith.mulf %get3A_15, %get3A_1071 : vector<16xf32>
        %add3A_1076 = arith.addf %get3A_1065, %mul3A_1075 : vector<16xf32>
        %mul3A_1077 = arith.mulf %get3A_15, %get3A_1074 : vector<16xf32>
        %add3A_1078 = arith.addf %get3A_1068, %mul3A_1077 : vector<16xf32>
        %add3A_1079 = arith.addf %exp3A_900, %exp3A_912 : vector<16xf32>
        %add3A_1080 = arith.addf %mul3A_906, %mul3A_916 : vector<16xf32>
        %mul3A_1081 = arith.mulf %add3A_1079, %add3A_771 : vector<16xf32>
        %mul3A_1082 = arith.mulf %exp3A_900, %add3A_1076 : vector<16xf32>
        %add3A_1083 = arith.addf %mul3A_1081, %mul3A_1082 : vector<16xf32>
        %mul3A_1084 = arith.mulf %add3A_1079, %add3A_778 : vector<16xf32>
        %mul3A_1085 = arith.mulf %add3A_1080, %add3A_771 : vector<16xf32>
        %add3A_1086 = arith.addf %mul3A_1084, %mul3A_1085 : vector<16xf32>
        %mul3A_1087 = arith.mulf %exp3A_900, %add3A_1078 : vector<16xf32>
        %add3A_1088 = arith.addf %add3A_1086, %mul3A_1087 : vector<16xf32>
        %mul3A_1089 = arith.mulf %mul3A_906, %add3A_1076 : vector<16xf32>
        %add3A_1090 = arith.addf %add3A_1088, %mul3A_1089 : vector<16xf32>
        %get3A_1091 = arith.constant 39 : index
        %get3A_1092 = tpu.vector_load %arg7[%get3A_1091] {strides = array<i32>} : memref<80xf32, #tpu.memory_space<vmem>>, vector<16xf32>,
        %get3A_1093 = vector.shape_cast %get3A_1092 : vector<16xf32> to vector<16xf32>
        %get3A_1094 = arith.constant 39 : index
        %get3A_1095 = tpu.vector_load %arg8[%get3A_1094] {strides = array<i32>} : memref<80xf32, #tpu.memory_space<vmem>>, vector<16xf32>,
        %get3A_1096 = vector.shape_cast %get3A_1095 : vector<16xf32> to vector<16xf32>
        %get3A_1097 = arith.constant 39 : index
        %get3A_1098 = tpu.vector_load %arg9[%get3A_1097] {strides = array<i32>} : memref<80xf32, #tpu.memory_space<vmem>>, vector<16xf32>,
        %get3A_1099 = vector.shape_cast %get3A_1098 : vector<16xf32> to vector<16xf32>
        %get3A_1100 = arith.constant 39 : index
        %get3A_1101 = tpu.vector_load %arg10[%get3A_1100] {strides = array<i32>} : memref<80xf32, #tpu.memory_space<vmem>>, vector<16xf32>,
        %get3A_1102 = vector.shape_cast %get3A_1101 : vector<16xf32> to vector<16xf32>
        %mul3A_1103 = arith.mulf %get3A_18, %get3A_1099 : vector<16xf32>
        %add3A_1104 = arith.addf %get3A_1093, %mul3A_1103 : vector<16xf32>
        %mul3A_1105 = arith.mulf %get3A_18, %get3A_1102 : vector<16xf32>
        %add3A_1106 = arith.addf %get3A_1096, %mul3A_1105 : vector<16xf32>
        %add3A_1107 = arith.addf %exp3A_901, %exp3A_912 : vector<16xf32>
        %add3A_1108 = arith.addf %mul3A_908, %mul3A_916 : vector<16xf32>
        %mul3A_1109 = arith.mulf %add3A_1107, %add3A_799 : vector<16xf32>
        %mul3A_1110 = arith.mulf %exp3A_901, %add3A_1104 : vector<16xf32>
        %add3A_1111 = arith.addf %mul3A_1109, %mul3A_1110 : vector<16xf32>
        %mul3A_1112 = arith.mulf %add3A_1107, %add3A_806 : vector<16xf32>
        %mul3A_1113 = arith.mulf %add3A_1108, %add3A_799 : vector<16xf32>
        %add3A_1114 = arith.addf %mul3A_1112, %mul3A_1113 : vector<16xf32>
        %mul3A_1115 = arith.mulf %exp3A_901, %add3A_1106 : vector<16xf32>
        %add3A_1116 = arith.addf %add3A_1114, %mul3A_1115 : vector<16xf32>
        %mul3A_1117 = arith.mulf %mul3A_908, %add3A_1104 : vector<16xf32>
        %add3A_1118 = arith.addf %add3A_1116, %mul3A_1117 : vector<16xf32>
        %get3A_1119 = arith.constant 55 : index
        %get3A_1120 = tpu.vector_load %arg7[%get3A_1119] {strides = array<i32>} : memref<80xf32, #tpu.memory_space<vmem>>, vector<16xf32>,
        %get3A_1121 = vector.shape_cast %get3A_1120 : vector<16xf32> to vector<16xf32>
        %get3A_1122 = arith.constant 55 : index
        %get3A_1123 = tpu.vector_load %arg8[%get3A_1122] {strides = array<i32>} : memref<80xf32, #tpu.memory_space<vmem>>, vector<16xf32>,
        %get3A_1124 = vector.shape_cast %get3A_1123 : vector<16xf32> to vector<16xf32>
        %get3A_1125 = arith.constant 55 : index
        %get3A_1126 = tpu.vector_load %arg9[%get3A_1125] {strides = array<i32>} : memref<80xf32, #tpu.memory_space<vmem>>, vector<16xf32>,
        %get3A_1127 = vector.shape_cast %get3A_1126 : vector<16xf32> to vector<16xf32>
        %get3A_1128 = arith.constant 55 : index
        %get3A_1129 = tpu.vector_load %arg10[%get3A_1128] {strides = array<i32>} : memref<80xf32, #tpu.memory_space<vmem>>, vector<16xf32>,
        %get3A_1130 = vector.shape_cast %get3A_1129 : vector<16xf32> to vector<16xf32>
        %mul3A_1131 = arith.mulf %get3A_21, %get3A_1127 : vector<16xf32>
        %add3A_1132 = arith.addf %get3A_1121, %mul3A_1131 : vector<16xf32>
        %mul3A_1133 = arith.mulf %get3A_21, %get3A_1130 : vector<16xf32>
        %add3A_1134 = arith.addf %get3A_1124, %mul3A_1133 : vector<16xf32>
        %add3A_1135 = arith.addf %exp3A_902, %exp3A_912 : vector<16xf32>
        %add3A_1136 = arith.addf %mul3A_910, %mul3A_916 : vector<16xf32>
        %mul3A_1137 = arith.mulf %add3A_1135, %add3A_827 : vector<16xf32>
        %mul3A_1138 = arith.mulf %exp3A_902, %add3A_1132 : vector<16xf32>
        %add3A_1139 = arith.addf %mul3A_1137, %mul3A_1138 : vector<16xf32>
        %mul3A_1140 = arith.mulf %add3A_1135, %add3A_834 : vector<16xf32>
        %mul3A_1141 = arith.mulf %add3A_1136, %add3A_827 : vector<16xf32>
        %add3A_1142 = arith.addf %mul3A_1140, %mul3A_1141 : vector<16xf32>
        %mul3A_1143 = arith.mulf %exp3A_902, %add3A_1134 : vector<16xf32>
        %add3A_1144 = arith.addf %add3A_1142, %mul3A_1143 : vector<16xf32>
        %mul3A_1145 = arith.mulf %mul3A_910, %add3A_1132 : vector<16xf32>
        %add3A_1146 = arith.addf %add3A_1144, %mul3A_1145 : vector<16xf32>
        %mul3A_1147 = arith.constant 4 : i32
        %mul3A_1148 = arith.muli %mul3A_1147, %scan3A_197 : i32
        %add3A_1149 = arith.constant 3 : i32
        %add3A_1150 = arith.addi %mul3A_1148, %add3A_1149 : i32
        %get3A_1151 = arith.constant 1 : i32
        %get3A_1152 = arith.index_cast %get3A_1151 : i32 to index
        %get3A_1153 = arith.index_cast %add3A_1150 : i32 to index
        %get3A_1154 = arith.constant 0 : index
        %get3A_1155 = tpu.vector_load %arg5[%get3A_1152, %get3A_1153, %get3A_1154] {strides = array<i32>} : memref<2x64x80xf32, #tpu.memory_space<vmem>>, vector<1x1x16xf32>,
        %get3A_1156 = vector.shape_cast %get3A_1155 : vector<1x1x16xf32> to vector<16xf32>
        %get3A_1157 = arith.constant 1 : i32
        %get3A_1158 = arith.index_cast %get3A_1157 : i32 to index
        %get3A_1159 = arith.index_cast %add3A_1150 : i32 to index
        %get3A_1160 = arith.constant 16 : index
        %get3A_1161 = tpu.vector_load %arg5[%get3A_1158, %get3A_1159, %get3A_1160] {strides = array<i32>} : memref<2x64x80xf32, #tpu.memory_space<vmem>>, vector<1x1x16xf32>,
        %get3A_1162 = vector.shape_cast %get3A_1161 : vector<1x1x16xf32> to vector<16xf32>
        %get3A_1163 = arith.constant 1 : i32
        %get3A_1164 = arith.index_cast %get3A_1163 : i32 to index
        %get3A_1165 = arith.index_cast %add3A_1150 : i32 to index
        %get3A_1166 = arith.constant 32 : index
        %get3A_1167 = tpu.vector_load %arg5[%get3A_1164, %get3A_1165, %get3A_1166] {strides = array<i32>} : memref<2x64x80xf32, #tpu.memory_space<vmem>>, vector<1x1x16xf32>,
        %get3A_1168 = vector.shape_cast %get3A_1167 : vector<1x1x16xf32> to vector<16xf32>
        %get3A_1169 = arith.constant 1 : i32
        %get3A_1170 = arith.index_cast %get3A_1169 : i32 to index
        %get3A_1171 = arith.index_cast %add3A_1150 : i32 to index
        %get3A_1172 = arith.constant 48 : index
        %get3A_1173 = tpu.vector_load %arg5[%get3A_1170, %get3A_1171, %get3A_1172] {strides = array<i32>} : memref<2x64x80xf32, #tpu.memory_space<vmem>>, vector<1x1x16xf32>,
        %get3A_1174 = vector.shape_cast %get3A_1173 : vector<1x1x16xf32> to vector<16xf32>
        %get3A_1175 = arith.constant 1 : i32
        %get3A_1176 = arith.index_cast %get3A_1175 : i32 to index
        %get3A_1177 = arith.index_cast %add3A_1150 : i32 to index
        %get3A_1178 = arith.constant 64 : index
        %get3A_1179 = tpu.vector_load %arg5[%get3A_1176, %get3A_1177, %get3A_1178] {strides = array<i32>} : memref<2x64x80xf32, #tpu.memory_space<vmem>>, vector<1x1x16xf32>,
        %get3A_1180 = vector.shape_cast %get3A_1179 : vector<1x1x16xf32> to vector<16xf32>
        %lt3A_1181 = arith.constant 0 : i32
        %lt3A_1182 = vector.broadcast %lt3A_1181 : i32 to vector<16xi32>
        %lt3A_1183 = arith.cmpi slt, %broadcast_in_dim3A_35, %lt3A_1182 : vector<16xi32>
        %add3A_1184 = arith.constant 16 : i32
        %add3A_1185 = vector.broadcast %add3A_1184 : i32 to vector<16xi32>
        %add3A_1186 = arith.addi %broadcast_in_dim3A_35, %add3A_1185 : vector<16xi32>
        %select_n3A_1187 = arith.select %lt3A_1183, %add3A_1186, %broadcast_in_dim3A_35 : vector<16xi1>, vector<16xi32>
        %broadcast_in_dim3A_1188 = vector.shape_cast %select_n3A_1187 : vector<16xi32> to vector<16x1xi32>
        %gather3A_1189 = vector.shape_cast %broadcast_in_dim3A_1188 : vector<16x1xi32> to vector<16xi32>
        %gather3A_1190 = tpu.dynamic_gather %get3A_1180[%gather3A_1189] in [0] : vector<16xf32>, vector<16xi32> -> vector<16xf32>
        %lt3A_1191 = arith.constant 0 : i32
        %lt3A_1192 = vector.broadcast %lt3A_1191 : i32 to vector<16xi32>
        %lt3A_1193 = arith.cmpi slt, %broadcast_in_dim3A_31, %lt3A_1192 : vector<16xi32>
        %add3A_1194 = arith.constant 16 : i32
        %add3A_1195 = vector.broadcast %add3A_1194 : i32 to vector<16xi32>
        %add3A_1196 = arith.addi %broadcast_in_dim3A_31, %add3A_1195 : vector<16xi32>
        %select_n3A_1197 = arith.select %lt3A_1193, %add3A_1196, %broadcast_in_dim3A_31 : vector<16xi1>, vector<16xi32>
        %broadcast_in_dim3A_1198 = vector.shape_cast %select_n3A_1197 : vector<16xi32> to vector<16x1xi32>
        %gather3A_1199 = vector.shape_cast %broadcast_in_dim3A_1198 : vector<16x1xi32> to vector<16xi32>
        %gather3A_1200 = tpu.dynamic_gather %get3A_1180[%gather3A_1199] in [0] : vector<16xf32>, vector<16xi32> -> vector<16xf32>
        %lt3A_1201 = arith.constant 0 : i32
        %lt3A_1202 = vector.broadcast %lt3A_1201 : i32 to vector<16xi32>
        %lt3A_1203 = arith.cmpi slt, %broadcast_in_dim3A_33, %lt3A_1202 : vector<16xi32>
        %add3A_1204 = arith.constant 16 : i32
        %add3A_1205 = vector.broadcast %add3A_1204 : i32 to vector<16xi32>
        %add3A_1206 = arith.addi %broadcast_in_dim3A_33, %add3A_1205 : vector<16xi32>
        %select_n3A_1207 = arith.select %lt3A_1203, %add3A_1206, %broadcast_in_dim3A_33 : vector<16xi1>, vector<16xi32>
        %broadcast_in_dim3A_1208 = vector.shape_cast %select_n3A_1207 : vector<16xi32> to vector<16x1xi32>
        %gather3A_1209 = vector.shape_cast %broadcast_in_dim3A_1208 : vector<16x1xi32> to vector<16xi32>
        %gather3A_1210 = tpu.dynamic_gather %get3A_1180[%gather3A_1209] in [0] : vector<16xf32>, vector<16xi32> -> vector<16xf32>
        %exp3A_1211 = math.exp %get3A_1156 : vector<16xf32>
        %exp3A_1212 = math.exp %get3A_1162 : vector<16xf32>
        %exp3A_1213 = math.exp %get3A_1168 : vector<16xf32>
        %exp3A_1214 = math.exp %get3A_1174 : vector<16xf32>
        %sub3A_1215 = arith.subf %get3A_1156, %gather3A_1190 : vector<16xf32>
        %mul3A_1216 = arith.mulf %exp3A_1211, %sub3A_1215 : vector<16xf32>
        %sub3A_1217 = arith.subf %get3A_1162, %gather3A_1190 : vector<16xf32>
        %mul3A_1218 = arith.mulf %exp3A_1212, %sub3A_1217 : vector<16xf32>
        %sub3A_1219 = arith.subf %get3A_1168, %gather3A_1190 : vector<16xf32>
        %mul3A_1220 = arith.mulf %exp3A_1213, %sub3A_1219 : vector<16xf32>
        %sub3A_1221 = arith.subf %get3A_1174, %gather3A_1190 : vector<16xf32>
        %mul3A_1222 = arith.mulf %exp3A_1214, %sub3A_1221 : vector<16xf32>
        %exp3A_1223 = math.exp %gather3A_1200 : vector<16xf32>
        %exp3A_1224 = math.exp %gather3A_1210 : vector<16xf32>
        %sub3A_1225 = arith.subf %gather3A_1200, %gather3A_1190 : vector<16xf32>
        %mul3A_1226 = arith.mulf %exp3A_1223, %sub3A_1225 : vector<16xf32>
        %sub3A_1227 = arith.subf %gather3A_1210, %gather3A_1190 : vector<16xf32>
        %mul3A_1228 = arith.mulf %exp3A_1224, %sub3A_1227 : vector<16xf32>
        %add3A_1229 = arith.addf %exp3A_1223, %exp3A_1224 : vector<16xf32>
        %add3A_1230 = arith.addf %mul3A_1226, %mul3A_1228 : vector<16xf32>
        %swap3A_1231 = arith.constant 0 : index
        %swap3A_1232 = tpu.vector_load %arg7[%swap3A_1231] {strides = array<i32>} : memref<80xf32, #tpu.memory_space<vmem>>, vector<16xf32>,
        %swap3A_1233 = vector.shape_cast %swap3A_1232 : vector<16xf32> to vector<16xf32>
        %swap3A_1234 = vector.shape_cast %mul3A_1031 : vector<16xf32> to vector<16xf32>
        tpu.vector_store %arg7[%swap3A_1231], %swap3A_1234 {strides = array<i32>} : memref<80xf32, #tpu.memory_space<vmem>>, vector<16xf32>,
        %swap3A_1235 = arith.constant 0 : index
        %swap3A_1236 = tpu.vector_load %arg8[%swap3A_1235] {strides = array<i32>} : memref<80xf32, #tpu.memory_space<vmem>>, vector<16xf32>,
        %swap3A_1237 = vector.shape_cast %swap3A_1236 : vector<16xf32> to vector<16xf32>
        %swap3A_1238 = vector.shape_cast %add3A_1034 : vector<16xf32> to vector<16xf32>
        tpu.vector_store %arg8[%swap3A_1235], %swap3A_1238 {strides = array<i32>} : memref<80xf32, #tpu.memory_space<vmem>>, vector<16xf32>,
        %swap3A_1239 = arith.constant 8 : index
        %swap3A_1240 = tpu.vector_load %arg7[%swap3A_1239] {strides = array<i32>} : memref<80xf32, #tpu.memory_space<vmem>>, vector<16xf32>,
        %swap3A_1241 = vector.shape_cast %swap3A_1240 : vector<16xf32> to vector<16xf32>
        %swap3A_1242 = vector.shape_cast %add3A_993 : vector<16xf32> to vector<16xf32>
        tpu.vector_store %arg7[%swap3A_1239], %swap3A_1242 {strides = array<i32>} : memref<80xf32, #tpu.memory_space<vmem>>, vector<16xf32>,
        %swap3A_1243 = arith.constant 8 : index
        %swap3A_1244 = tpu.vector_load %arg8[%swap3A_1243] {strides = array<i32>} : memref<80xf32, #tpu.memory_space<vmem>>, vector<16xf32>,
        %swap3A_1245 = vector.shape_cast %swap3A_1244 : vector<16xf32> to vector<16xf32>
        %swap3A_1246 = vector.shape_cast %add3A_1009 : vector<16xf32> to vector<16xf32>
        tpu.vector_store %arg8[%swap3A_1243], %swap3A_1246 {strides = array<i32>} : memref<80xf32, #tpu.memory_space<vmem>>, vector<16xf32>,
        %swap3A_1247 = arith.constant 8 : index
        %swap3A_1248 = tpu.vector_load %arg9[%swap3A_1247] {strides = array<i32>} : memref<80xf32, #tpu.memory_space<vmem>>, vector<16xf32>,
        %swap3A_1249 = vector.shape_cast %swap3A_1248 : vector<16xf32> to vector<16xf32>
        %swap3A_1250 = vector.shape_cast %add3A_1055 : vector<16xf32> to vector<16xf32>
        tpu.vector_store %arg9[%swap3A_1247], %swap3A_1250 {strides = array<i32>} : memref<80xf32, #tpu.memory_space<vmem>>, vector<16xf32>,
        %swap3A_1251 = arith.constant 8 : index
        %swap3A_1252 = tpu.vector_load %arg10[%swap3A_1251] {strides = array<i32>} : memref<80xf32, #tpu.memory_space<vmem>>, vector<16xf32>,
        %swap3A_1253 = vector.shape_cast %swap3A_1252 : vector<16xf32> to vector<16xf32>
        %swap3A_1254 = vector.shape_cast %add3A_1062 : vector<16xf32> to vector<16xf32>
        tpu.vector_store %arg10[%swap3A_1251], %swap3A_1254 {strides = array<i32>} : memref<80xf32, #tpu.memory_space<vmem>>, vector<16xf32>,
        %swap3A_1255 = arith.constant 24 : index
        %swap3A_1256 = tpu.vector_load %arg7[%swap3A_1255] {strides = array<i32>} : memref<80xf32, #tpu.memory_space<vmem>>, vector<16xf32>,
        %swap3A_1257 = vector.shape_cast %swap3A_1256 : vector<16xf32> to vector<16xf32>
        %swap3A_1258 = vector.shape_cast %add3A_996 : vector<16xf32> to vector<16xf32>
        tpu.vector_store %arg7[%swap3A_1255], %swap3A_1258 {strides = array<i32>} : memref<80xf32, #tpu.memory_space<vmem>>, vector<16xf32>,
        %swap3A_1259 = arith.constant 24 : index
        %swap3A_1260 = tpu.vector_load %arg8[%swap3A_1259] {strides = array<i32>} : memref<80xf32, #tpu.memory_space<vmem>>, vector<16xf32>,
        %swap3A_1261 = vector.shape_cast %swap3A_1260 : vector<16xf32> to vector<16xf32>
        %swap3A_1262 = vector.shape_cast %add3A_1016 : vector<16xf32> to vector<16xf32>
        tpu.vector_store %arg8[%swap3A_1259], %swap3A_1262 {strides = array<i32>} : memref<80xf32, #tpu.memory_space<vmem>>, vector<16xf32>,
        %swap3A_1263 = arith.constant 24 : index
        %swap3A_1264 = tpu.vector_load %arg9[%swap3A_1263] {strides = array<i32>} : memref<80xf32, #tpu.memory_space<vmem>>, vector<16xf32>,
        %swap3A_1265 = vector.shape_cast %swap3A_1264 : vector<16xf32> to vector<16xf32>
        %swap3A_1266 = vector.shape_cast %add3A_1083 : vector<16xf32> to vector<16xf32>
        tpu.vector_store %arg9[%swap3A_1263], %swap3A_1266 {strides = array<i32>} : memref<80xf32, #tpu.memory_space<vmem>>, vector<16xf32>,
        %swap3A_1267 = arith.constant 24 : index
        %swap3A_1268 = tpu.vector_load %arg10[%swap3A_1267] {strides = array<i32>} : memref<80xf32, #tpu.memory_space<vmem>>, vector<16xf32>,
        %swap3A_1269 = vector.shape_cast %swap3A_1268 : vector<16xf32> to vector<16xf32>
        %swap3A_1270 = vector.shape_cast %add3A_1090 : vector<16xf32> to vector<16xf32>
        tpu.vector_store %arg10[%swap3A_1267], %swap3A_1270 {strides = array<i32>} : memref<80xf32, #tpu.memory_space<vmem>>, vector<16xf32>,
        %swap3A_1271 = arith.constant 40 : index
        %swap3A_1272 = tpu.vector_load %arg7[%swap3A_1271] {strides = array<i32>} : memref<80xf32, #tpu.memory_space<vmem>>, vector<16xf32>,
        %swap3A_1273 = vector.shape_cast %swap3A_1272 : vector<16xf32> to vector<16xf32>
        %swap3A_1274 = vector.shape_cast %add3A_999 : vector<16xf32> to vector<16xf32>
        tpu.vector_store %arg7[%swap3A_1271], %swap3A_1274 {strides = array<i32>} : memref<80xf32, #tpu.memory_space<vmem>>, vector<16xf32>,
        %swap3A_1275 = arith.constant 40 : index
        %swap3A_1276 = tpu.vector_load %arg8[%swap3A_1275] {strides = array<i32>} : memref<80xf32, #tpu.memory_space<vmem>>, vector<16xf32>,
        %swap3A_1277 = vector.shape_cast %swap3A_1276 : vector<16xf32> to vector<16xf32>
        %swap3A_1278 = vector.shape_cast %add3A_1023 : vector<16xf32> to vector<16xf32>
        tpu.vector_store %arg8[%swap3A_1275], %swap3A_1278 {strides = array<i32>} : memref<80xf32, #tpu.memory_space<vmem>>, vector<16xf32>,
        %swap3A_1279 = arith.constant 40 : index
        %swap3A_1280 = tpu.vector_load %arg9[%swap3A_1279] {strides = array<i32>} : memref<80xf32, #tpu.memory_space<vmem>>, vector<16xf32>,
        %swap3A_1281 = vector.shape_cast %swap3A_1280 : vector<16xf32> to vector<16xf32>
        %swap3A_1282 = vector.shape_cast %add3A_1111 : vector<16xf32> to vector<16xf32>
        tpu.vector_store %arg9[%swap3A_1279], %swap3A_1282 {strides = array<i32>} : memref<80xf32, #tpu.memory_space<vmem>>, vector<16xf32>,
        %swap3A_1283 = arith.constant 40 : index
        %swap3A_1284 = tpu.vector_load %arg10[%swap3A_1283] {strides = array<i32>} : memref<80xf32, #tpu.memory_space<vmem>>, vector<16xf32>,
        %swap3A_1285 = vector.shape_cast %swap3A_1284 : vector<16xf32> to vector<16xf32>
        %swap3A_1286 = vector.shape_cast %add3A_1118 : vector<16xf32> to vector<16xf32>
        tpu.vector_store %arg10[%swap3A_1283], %swap3A_1286 {strides = array<i32>} : memref<80xf32, #tpu.memory_space<vmem>>, vector<16xf32>,
        %swap3A_1287 = arith.constant 56 : index
        %swap3A_1288 = tpu.vector_load %arg7[%swap3A_1287] {strides = array<i32>} : memref<80xf32, #tpu.memory_space<vmem>>, vector<16xf32>,
        %swap3A_1289 = vector.shape_cast %swap3A_1288 : vector<16xf32> to vector<16xf32>
        %swap3A_1290 = vector.shape_cast %add3A_1002 : vector<16xf32> to vector<16xf32>
        tpu.vector_store %arg7[%swap3A_1287], %swap3A_1290 {strides = array<i32>} : memref<80xf32, #tpu.memory_space<vmem>>, vector<16xf32>,
        %swap3A_1291 = arith.constant 56 : index
        %swap3A_1292 = tpu.vector_load %arg8[%swap3A_1291] {strides = array<i32>} : memref<80xf32, #tpu.memory_space<vmem>>, vector<16xf32>,
        %swap3A_1293 = vector.shape_cast %swap3A_1292 : vector<16xf32> to vector<16xf32>
        %swap3A_1294 = vector.shape_cast %add3A_1030 : vector<16xf32> to vector<16xf32>
        tpu.vector_store %arg8[%swap3A_1291], %swap3A_1294 {strides = array<i32>} : memref<80xf32, #tpu.memory_space<vmem>>, vector<16xf32>,
        %swap3A_1295 = arith.constant 56 : index
        %swap3A_1296 = tpu.vector_load %arg9[%swap3A_1295] {strides = array<i32>} : memref<80xf32, #tpu.memory_space<vmem>>, vector<16xf32>,
        %swap3A_1297 = vector.shape_cast %swap3A_1296 : vector<16xf32> to vector<16xf32>
        %swap3A_1298 = vector.shape_cast %add3A_1139 : vector<16xf32> to vector<16xf32>
        tpu.vector_store %arg9[%swap3A_1295], %swap3A_1298 {strides = array<i32>} : memref<80xf32, #tpu.memory_space<vmem>>, vector<16xf32>,
        %swap3A_1299 = arith.constant 56 : index
        %swap3A_1300 = tpu.vector_load %arg10[%swap3A_1299] {strides = array<i32>} : memref<80xf32, #tpu.memory_space<vmem>>, vector<16xf32>,
        %swap3A_1301 = vector.shape_cast %swap3A_1300 : vector<16xf32> to vector<16xf32>
        %swap3A_1302 = vector.shape_cast %add3A_1146 : vector<16xf32> to vector<16xf32>
        tpu.vector_store %arg10[%swap3A_1299], %swap3A_1302 {strides = array<i32>} : memref<80xf32, #tpu.memory_space<vmem>>, vector<16xf32>,
        %mul3A_1303 = arith.mulf %add3A_1229, %add3A_993 : vector<16xf32>
        %mul3A_1304 = arith.mulf %exp3A_1223, %add3A_1055 : vector<16xf32>
        %add3A_1305 = arith.addf %mul3A_1303, %mul3A_1304 : vector<16xf32>
        %mul3A_1306 = arith.mulf %add3A_1229, %add3A_996 : vector<16xf32>
        %mul3A_1307 = arith.mulf %exp3A_1223, %add3A_1083 : vector<16xf32>
        %add3A_1308 = arith.addf %mul3A_1306, %mul3A_1307 : vector<16xf32>
        %mul3A_1309 = arith.mulf %add3A_1229, %add3A_999 : vector<16xf32>
        %mul3A_1310 = arith.mulf %exp3A_1223, %add3A_1111 : vector<16xf32>
        %add3A_1311 = arith.addf %mul3A_1309, %mul3A_1310 : vector<16xf32>
        %mul3A_1312 = arith.mulf %add3A_1229, %add3A_1002 : vector<16xf32>
        %mul3A_1313 = arith.mulf %exp3A_1223, %add3A_1139 : vector<16xf32>
        %add3A_1314 = arith.addf %mul3A_1312, %mul3A_1313 : vector<16xf32>
        %mul3A_1315 = arith.mulf %add3A_1229, %add3A_1009 : vector<16xf32>
        %mul3A_1316 = arith.mulf %add3A_1230, %add3A_993 : vector<16xf32>
        %add3A_1317 = arith.addf %mul3A_1315, %mul3A_1316 : vector<16xf32>
        %mul3A_1318 = arith.mulf %exp3A_1223, %add3A_1062 : vector<16xf32>
        %add3A_1319 = arith.addf %add3A_1317, %mul3A_1318 : vector<16xf32>
        %mul3A_1320 = arith.mulf %mul3A_1226, %add3A_1055 : vector<16xf32>
        %add3A_1321 = arith.addf %add3A_1319, %mul3A_1320 : vector<16xf32>
        %mul3A_1322 = arith.mulf %add3A_1229, %add3A_1016 : vector<16xf32>
        %mul3A_1323 = arith.mulf %add3A_1230, %add3A_996 : vector<16xf32>
        %add3A_1324 = arith.addf %mul3A_1322, %mul3A_1323 : vector<16xf32>
        %mul3A_1325 = arith.mulf %exp3A_1223, %add3A_1090 : vector<16xf32>
        %add3A_1326 = arith.addf %add3A_1324, %mul3A_1325 : vector<16xf32>
        %mul3A_1327 = arith.mulf %mul3A_1226, %add3A_1083 : vector<16xf32>
        %add3A_1328 = arith.addf %add3A_1326, %mul3A_1327 : vector<16xf32>
        %mul3A_1329 = arith.mulf %add3A_1229, %add3A_1023 : vector<16xf32>
        %mul3A_1330 = arith.mulf %add3A_1230, %add3A_999 : vector<16xf32>
        %add3A_1331 = arith.addf %mul3A_1329, %mul3A_1330 : vector<16xf32>
        %mul3A_1332 = arith.mulf %exp3A_1223, %add3A_1118 : vector<16xf32>
        %add3A_1333 = arith.addf %add3A_1331, %mul3A_1332 : vector<16xf32>
        %mul3A_1334 = arith.mulf %mul3A_1226, %add3A_1111 : vector<16xf32>
        %add3A_1335 = arith.addf %add3A_1333, %mul3A_1334 : vector<16xf32>
        %mul3A_1336 = arith.mulf %add3A_1229, %add3A_1030 : vector<16xf32>
        %mul3A_1337 = arith.mulf %add3A_1230, %add3A_1002 : vector<16xf32>
        %add3A_1338 = arith.addf %mul3A_1336, %mul3A_1337 : vector<16xf32>
        %mul3A_1339 = arith.mulf %exp3A_1223, %add3A_1146 : vector<16xf32>
        %add3A_1340 = arith.addf %add3A_1338, %mul3A_1339 : vector<16xf32>
        %mul3A_1341 = arith.mulf %mul3A_1226, %add3A_1139 : vector<16xf32>
        %add3A_1342 = arith.addf %add3A_1340, %mul3A_1341 : vector<16xf32>
        %mul3A_1343 = arith.mulf %add3A_1229, %mul3A_1031 : vector<16xf32>
        %mul3A_1344 = arith.mulf %add3A_1229, %add3A_1034 : vector<16xf32>
        %mul3A_1345 = arith.mulf %add3A_1230, %mul3A_1031 : vector<16xf32>
        %add3A_1346 = arith.addf %mul3A_1344, %mul3A_1345 : vector<16xf32>
        %get3A_1347 = arith.constant 7 : index
        %get3A_1348 = tpu.vector_load %arg7[%get3A_1347] {strides = array<i32>} : memref<80xf32, #tpu.memory_space<vmem>>, vector<16xf32>,
        %get3A_1349 = vector.shape_cast %get3A_1348 : vector<16xf32> to vector<16xf32>
        %get3A_1350 = arith.constant 7 : index
        %get3A_1351 = tpu.vector_load %arg8[%get3A_1350] {strides = array<i32>} : memref<80xf32, #tpu.memory_space<vmem>>, vector<16xf32>,
        %get3A_1352 = vector.shape_cast %get3A_1351 : vector<16xf32> to vector<16xf32>
        %get3A_1353 = arith.constant 7 : index
        %get3A_1354 = tpu.vector_load %arg9[%get3A_1353] {strides = array<i32>} : memref<80xf32, #tpu.memory_space<vmem>>, vector<16xf32>,
        %get3A_1355 = vector.shape_cast %get3A_1354 : vector<16xf32> to vector<16xf32>
        %get3A_1356 = arith.constant 7 : index
        %get3A_1357 = tpu.vector_load %arg10[%get3A_1356] {strides = array<i32>} : memref<80xf32, #tpu.memory_space<vmem>>, vector<16xf32>,
        %get3A_1358 = vector.shape_cast %get3A_1357 : vector<16xf32> to vector<16xf32>
        %mul3A_1359 = arith.mulf %get3A_12, %get3A_1355 : vector<16xf32>
        %add3A_1360 = arith.addf %get3A_1349, %mul3A_1359 : vector<16xf32>
        %mul3A_1361 = arith.mulf %get3A_12, %get3A_1358 : vector<16xf32>
        %add3A_1362 = arith.addf %get3A_1352, %mul3A_1361 : vector<16xf32>
        %add3A_1363 = arith.addf %exp3A_1211, %exp3A_1224 : vector<16xf32>
        %add3A_1364 = arith.addf %mul3A_1216, %mul3A_1228 : vector<16xf32>
        %mul3A_1365 = arith.mulf %add3A_1363, %add3A_1055 : vector<16xf32>
        %mul3A_1366 = arith.mulf %exp3A_1211, %add3A_1360 : vector<16xf32>
        %add3A_1367 = arith.addf %mul3A_1365, %mul3A_1366 : vector<16xf32>
        %mul3A_1368 = arith.mulf %add3A_1363, %add3A_1062 : vector<16xf32>
        %mul3A_1369 = arith.mulf %add3A_1364, %add3A_1055 : vector<16xf32>
        %add3A_1370 = arith.addf %mul3A_1368, %mul3A_1369 : vector<16xf32>
        %mul3A_1371 = arith.mulf %exp3A_1211, %add3A_1362 : vector<16xf32>
        %add3A_1372 = arith.addf %add3A_1370, %mul3A_1371 : vector<16xf32>
        %mul3A_1373 = arith.mulf %mul3A_1216, %add3A_1360 : vector<16xf32>
        %add3A_1374 = arith.addf %add3A_1372, %mul3A_1373 : vector<16xf32>
        %get3A_1375 = arith.constant 23 : index
        %get3A_1376 = tpu.vector_load %arg7[%get3A_1375] {strides = array<i32>} : memref<80xf32, #tpu.memory_space<vmem>>, vector<16xf32>,
        %get3A_1377 = vector.shape_cast %get3A_1376 : vector<16xf32> to vector<16xf32>
        %get3A_1378 = arith.constant 23 : index
        %get3A_1379 = tpu.vector_load %arg8[%get3A_1378] {strides = array<i32>} : memref<80xf32, #tpu.memory_space<vmem>>, vector<16xf32>,
        %get3A_1380 = vector.shape_cast %get3A_1379 : vector<16xf32> to vector<16xf32>
        %get3A_1381 = arith.constant 23 : index
        %get3A_1382 = tpu.vector_load %arg9[%get3A_1381] {strides = array<i32>} : memref<80xf32, #tpu.memory_space<vmem>>, vector<16xf32>,
        %get3A_1383 = vector.shape_cast %get3A_1382 : vector<16xf32> to vector<16xf32>
        %get3A_1384 = arith.constant 23 : index
        %get3A_1385 = tpu.vector_load %arg10[%get3A_1384] {strides = array<i32>} : memref<80xf32, #tpu.memory_space<vmem>>, vector<16xf32>,
        %get3A_1386 = vector.shape_cast %get3A_1385 : vector<16xf32> to vector<16xf32>
        %mul3A_1387 = arith.mulf %get3A_15, %get3A_1383 : vector<16xf32>
        %add3A_1388 = arith.addf %get3A_1377, %mul3A_1387 : vector<16xf32>
        %mul3A_1389 = arith.mulf %get3A_15, %get3A_1386 : vector<16xf32>
        %add3A_1390 = arith.addf %get3A_1380, %mul3A_1389 : vector<16xf32>
        %add3A_1391 = arith.addf %exp3A_1212, %exp3A_1224 : vector<16xf32>
        %add3A_1392 = arith.addf %mul3A_1218, %mul3A_1228 : vector<16xf32>
        %mul3A_1393 = arith.mulf %add3A_1391, %add3A_1083 : vector<16xf32>
        %mul3A_1394 = arith.mulf %exp3A_1212, %add3A_1388 : vector<16xf32>
        %add3A_1395 = arith.addf %mul3A_1393, %mul3A_1394 : vector<16xf32>
        %mul3A_1396 = arith.mulf %add3A_1391, %add3A_1090 : vector<16xf32>
        %mul3A_1397 = arith.mulf %add3A_1392, %add3A_1083 : vector<16xf32>
        %add3A_1398 = arith.addf %mul3A_1396, %mul3A_1397 : vector<16xf32>
        %mul3A_1399 = arith.mulf %exp3A_1212, %add3A_1390 : vector<16xf32>
        %add3A_1400 = arith.addf %add3A_1398, %mul3A_1399 : vector<16xf32>
        %mul3A_1401 = arith.mulf %mul3A_1218, %add3A_1388 : vector<16xf32>
        %add3A_1402 = arith.addf %add3A_1400, %mul3A_1401 : vector<16xf32>
        %get3A_1403 = arith.constant 39 : index
        %get3A_1404 = tpu.vector_load %arg7[%get3A_1403] {strides = array<i32>} : memref<80xf32, #tpu.memory_space<vmem>>, vector<16xf32>,
        %get3A_1405 = vector.shape_cast %get3A_1404 : vector<16xf32> to vector<16xf32>
        %get3A_1406 = arith.constant 39 : index
        %get3A_1407 = tpu.vector_load %arg8[%get3A_1406] {strides = array<i32>} : memref<80xf32, #tpu.memory_space<vmem>>, vector<16xf32>,
        %get3A_1408 = vector.shape_cast %get3A_1407 : vector<16xf32> to vector<16xf32>
        %get3A_1409 = arith.constant 39 : index
        %get3A_1410 = tpu.vector_load %arg9[%get3A_1409] {strides = array<i32>} : memref<80xf32, #tpu.memory_space<vmem>>, vector<16xf32>,
        %get3A_1411 = vector.shape_cast %get3A_1410 : vector<16xf32> to vector<16xf32>
        %get3A_1412 = arith.constant 39 : index
        %get3A_1413 = tpu.vector_load %arg10[%get3A_1412] {strides = array<i32>} : memref<80xf32, #tpu.memory_space<vmem>>, vector<16xf32>,
        %get3A_1414 = vector.shape_cast %get3A_1413 : vector<16xf32> to vector<16xf32>
        %mul3A_1415 = arith.mulf %get3A_18, %get3A_1411 : vector<16xf32>
        %add3A_1416 = arith.addf %get3A_1405, %mul3A_1415 : vector<16xf32>
        %mul3A_1417 = arith.mulf %get3A_18, %get3A_1414 : vector<16xf32>
        %add3A_1418 = arith.addf %get3A_1408, %mul3A_1417 : vector<16xf32>
        %add3A_1419 = arith.addf %exp3A_1213, %exp3A_1224 : vector<16xf32>
        %add3A_1420 = arith.addf %mul3A_1220, %mul3A_1228 : vector<16xf32>
        %mul3A_1421 = arith.mulf %add3A_1419, %add3A_1111 : vector<16xf32>
        %mul3A_1422 = arith.mulf %exp3A_1213, %add3A_1416 : vector<16xf32>
        %add3A_1423 = arith.addf %mul3A_1421, %mul3A_1422 : vector<16xf32>
        %mul3A_1424 = arith.mulf %add3A_1419, %add3A_1118 : vector<16xf32>
        %mul3A_1425 = arith.mulf %add3A_1420, %add3A_1111 : vector<16xf32>
        %add3A_1426 = arith.addf %mul3A_1424, %mul3A_1425 : vector<16xf32>
        %mul3A_1427 = arith.mulf %exp3A_1213, %add3A_1418 : vector<16xf32>
        %add3A_1428 = arith.addf %add3A_1426, %mul3A_1427 : vector<16xf32>
        %mul3A_1429 = arith.mulf %mul3A_1220, %add3A_1416 : vector<16xf32>
        %add3A_1430 = arith.addf %add3A_1428, %mul3A_1429 : vector<16xf32>
        %get3A_1431 = arith.constant 55 : index
        %get3A_1432 = tpu.vector_load %arg7[%get3A_1431] {strides = array<i32>} : memref<80xf32, #tpu.memory_space<vmem>>, vector<16xf32>,
        %get3A_1433 = vector.shape_cast %get3A_1432 : vector<16xf32> to vector<16xf32>
        %get3A_1434 = arith.constant 55 : index
        %get3A_1435 = tpu.vector_load %arg8[%get3A_1434] {strides = array<i32>} : memref<80xf32, #tpu.memory_space<vmem>>, vector<16xf32>,
        %get3A_1436 = vector.shape_cast %get3A_1435 : vector<16xf32> to vector<16xf32>
        %get3A_1437 = arith.constant 55 : index
        %get3A_1438 = tpu.vector_load %arg9[%get3A_1437] {strides = array<i32>} : memref<80xf32, #tpu.memory_space<vmem>>, vector<16xf32>,
        %get3A_1439 = vector.shape_cast %get3A_1438 : vector<16xf32> to vector<16xf32>
        %get3A_1440 = arith.constant 55 : index
        %get3A_1441 = tpu.vector_load %arg10[%get3A_1440] {strides = array<i32>} : memref<80xf32, #tpu.memory_space<vmem>>, vector<16xf32>,
        %get3A_1442 = vector.shape_cast %get3A_1441 : vector<16xf32> to vector<16xf32>
        %mul3A_1443 = arith.mulf %get3A_21, %get3A_1439 : vector<16xf32>
        %add3A_1444 = arith.addf %get3A_1433, %mul3A_1443 : vector<16xf32>
        %mul3A_1445 = arith.mulf %get3A_21, %get3A_1442 : vector<16xf32>
        %add3A_1446 = arith.addf %get3A_1436, %mul3A_1445 : vector<16xf32>
        %add3A_1447 = arith.addf %exp3A_1214, %exp3A_1224 : vector<16xf32>
        %add3A_1448 = arith.addf %mul3A_1222, %mul3A_1228 : vector<16xf32>
        %mul3A_1449 = arith.mulf %add3A_1447, %add3A_1139 : vector<16xf32>
        %mul3A_1450 = arith.mulf %exp3A_1214, %add3A_1444 : vector<16xf32>
        %add3A_1451 = arith.addf %mul3A_1449, %mul3A_1450 : vector<16xf32>
        %mul3A_1452 = arith.mulf %add3A_1447, %add3A_1146 : vector<16xf32>
        %mul3A_1453 = arith.mulf %add3A_1448, %add3A_1139 : vector<16xf32>
        %add3A_1454 = arith.addf %mul3A_1452, %mul3A_1453 : vector<16xf32>
        %mul3A_1455 = arith.mulf %exp3A_1214, %add3A_1446 : vector<16xf32>
        %add3A_1456 = arith.addf %add3A_1454, %mul3A_1455 : vector<16xf32>
        %mul3A_1457 = arith.mulf %mul3A_1222, %add3A_1444 : vector<16xf32>
        %add3A_1458 = arith.addf %add3A_1456, %mul3A_1457 : vector<16xf32>
        %add3A_1459 = arith.addf %add3A_1305, %add3A_1308 : vector<16xf32>
        %add3A_1460 = arith.addf %add3A_1459, %add3A_1311 : vector<16xf32>
        %add3A_1461 = arith.addf %add3A_1460, %add3A_1314 : vector<16xf32>
        %add3A_1462 = arith.addf %add3A_1461, %add3A_1367 : vector<16xf32>
        %add3A_1463 = arith.addf %add3A_1462, %add3A_1395 : vector<16xf32>
        %add3A_1464 = arith.addf %add3A_1463, %add3A_1423 : vector<16xf32>
        %add3A_1465 = arith.addf %add3A_1464, %add3A_1451 : vector<16xf32>
        %xor3A = arith.constant 1 : i32
        %xor3A_1466 = vector.broadcast %xor3A : i32 to vector<16xi32>
        %xor3A_1467 = arith.xori %iota3A, %xor3A_1466 : vector<16xi32>
        %lt3A_1468 = arith.constant 0 : i32
        %lt3A_1469 = vector.broadcast %lt3A_1468 : i32 to vector<16xi32>
        %lt3A_1470 = arith.cmpi slt, %xor3A_1467, %lt3A_1469 : vector<16xi32>
        %add3A_1471 = arith.constant 16 : i32
        %add3A_1472 = vector.broadcast %add3A_1471 : i32 to vector<16xi32>
        %add3A_1473 = arith.addi %xor3A_1467, %add3A_1472 : vector<16xi32>
        %select_n3A_1474 = arith.select %lt3A_1470, %add3A_1473, %xor3A_1467 : vector<16xi1>, vector<16xi32>
        %broadcast_in_dim3A_1475 = vector.shape_cast %select_n3A_1474 : vector<16xi32> to vector<16x1xi32>
        %gather3A_1476 = vector.shape_cast %broadcast_in_dim3A_1475 : vector<16x1xi32> to vector<16xi32>
        %gather3A_1477 = tpu.dynamic_gather %add3A_1465[%gather3A_1476] in [0] : vector<16xf32>, vector<16xi32> -> vector<16xf32>
        %add3A_1478 = arith.addf %add3A_1465, %gather3A_1477 : vector<16xf32>
        %xor3A_1479 = arith.constant 2 : i32
        %xor3A_1480 = vector.broadcast %xor3A_1479 : i32 to vector<16xi32>
        %xor3A_1481 = arith.xori %iota3A, %xor3A_1480 : vector<16xi32>
        %lt3A_1482 = arith.constant 0 : i32
        %lt3A_1483 = vector.broadcast %lt3A_1482 : i32 to vector<16xi32>
        %lt3A_1484 = arith.cmpi slt, %xor3A_1481, %lt3A_1483 : vector<16xi32>
        %add3A_1485 = arith.constant 16 : i32
        %add3A_1486 = vector.broadcast %add3A_1485 : i32 to vector<16xi32>
        %add3A_1487 = arith.addi %xor3A_1481, %add3A_1486 : vector<16xi32>
        %select_n3A_1488 = arith.select %lt3A_1484, %add3A_1487, %xor3A_1481 : vector<16xi1>, vector<16xi32>
        %broadcast_in_dim3A_1489 = vector.shape_cast %select_n3A_1488 : vector<16xi32> to vector<16x1xi32>
        %gather3A_1490 = vector.shape_cast %broadcast_in_dim3A_1489 : vector<16x1xi32> to vector<16xi32>
        %gather3A_1491 = tpu.dynamic_gather %add3A_1478[%gather3A_1490] in [0] : vector<16xf32>, vector<16xi32> -> vector<16xf32>
        %add3A_1492 = arith.addf %add3A_1478, %gather3A_1491 : vector<16xf32>
        %xor3A_1493 = arith.constant 4 : i32
        %xor3A_1494 = vector.broadcast %xor3A_1493 : i32 to vector<16xi32>
        %xor3A_1495 = arith.xori %iota3A, %xor3A_1494 : vector<16xi32>
        %lt3A_1496 = arith.constant 0 : i32
        %lt3A_1497 = vector.broadcast %lt3A_1496 : i32 to vector<16xi32>
        %lt3A_1498 = arith.cmpi slt, %xor3A_1495, %lt3A_1497 : vector<16xi32>
        %add3A_1499 = arith.constant 16 : i32
        %add3A_1500 = vector.broadcast %add3A_1499 : i32 to vector<16xi32>
        %add3A_1501 = arith.addi %xor3A_1495, %add3A_1500 : vector<16xi32>
        %select_n3A_1502 = arith.select %lt3A_1498, %add3A_1501, %xor3A_1495 : vector<16xi1>, vector<16xi32>
        %broadcast_in_dim3A_1503 = vector.shape_cast %select_n3A_1502 : vector<16xi32> to vector<16x1xi32>
        %gather3A_1504 = vector.shape_cast %broadcast_in_dim3A_1503 : vector<16x1xi32> to vector<16xi32>
        %gather3A_1505 = tpu.dynamic_gather %add3A_1492[%gather3A_1504] in [0] : vector<16xf32>, vector<16xi32> -> vector<16xf32>
        %add3A_1506 = arith.addf %add3A_1492, %gather3A_1505 : vector<16xf32>
        %xor3A_1507 = arith.constant 8 : i32
        %xor3A_1508 = vector.broadcast %xor3A_1507 : i32 to vector<16xi32>
        %xor3A_1509 = arith.xori %iota3A, %xor3A_1508 : vector<16xi32>
        %lt3A_1510 = arith.constant 0 : i32
        %lt3A_1511 = vector.broadcast %lt3A_1510 : i32 to vector<16xi32>
        %lt3A_1512 = arith.cmpi slt, %xor3A_1509, %lt3A_1511 : vector<16xi32>
        %add3A_1513 = arith.constant 16 : i32
        %add3A_1514 = vector.broadcast %add3A_1513 : i32 to vector<16xi32>
        %add3A_1515 = arith.addi %xor3A_1509, %add3A_1514 : vector<16xi32>
        %select_n3A_1516 = arith.select %lt3A_1512, %add3A_1515, %xor3A_1509 : vector<16xi1>, vector<16xi32>
        %broadcast_in_dim3A_1517 = vector.shape_cast %select_n3A_1516 : vector<16xi32> to vector<16x1xi32>
        %gather3A_1518 = vector.shape_cast %broadcast_in_dim3A_1517 : vector<16x1xi32> to vector<16xi32>
        %gather3A_1519 = tpu.dynamic_gather %add3A_1506[%gather3A_1518] in [0] : vector<16xf32>, vector<16xi32> -> vector<16xf32>
        %add3A_1520 = arith.addf %add3A_1506, %gather3A_1519 : vector<16xf32>
        %add3A_1521 = arith.addf %add3A_1520, %mul3A_1343 : vector<16xf32>
        %div3A_1522 = arith.constant 0x49800000 : f32
        %div3A_1523 = vector.broadcast %div3A_1522 : f32 to vector<16xf32>
        %div3A_1524 = arith.divf %div3A_1523, %add3A_1521 : vector<16xf32>
        %mul3A_1525 = arith.mulf %add3A_1305, %div3A_1524 : vector<16xf32>
        %mul3A_1526 = arith.mulf %add3A_1308, %div3A_1524 : vector<16xf32>
        %mul3A_1527 = arith.mulf %add3A_1311, %div3A_1524 : vector<16xf32>
        %mul3A_1528 = arith.mulf %add3A_1314, %div3A_1524 : vector<16xf32>
        %mul3A_1529 = arith.mulf %add3A_1321, %div3A_1524 : vector<16xf32>
        %mul3A_1530 = arith.mulf %add3A_1328, %div3A_1524 : vector<16xf32>
        %mul3A_1531 = arith.mulf %add3A_1335, %div3A_1524 : vector<16xf32>
        %mul3A_1532 = arith.mulf %add3A_1342, %div3A_1524 : vector<16xf32>
        %mul3A_1533 = arith.mulf %add3A_1367, %div3A_1524 : vector<16xf32>
        %mul3A_1534 = arith.mulf %add3A_1395, %div3A_1524 : vector<16xf32>
        %mul3A_1535 = arith.mulf %add3A_1423, %div3A_1524 : vector<16xf32>
        %mul3A_1536 = arith.mulf %add3A_1451, %div3A_1524 : vector<16xf32>
        %mul3A_1537 = arith.mulf %add3A_1374, %div3A_1524 : vector<16xf32>
        %mul3A_1538 = arith.mulf %add3A_1402, %div3A_1524 : vector<16xf32>
        %mul3A_1539 = arith.mulf %add3A_1430, %div3A_1524 : vector<16xf32>
        %mul3A_1540 = arith.mulf %add3A_1458, %div3A_1524 : vector<16xf32>
        %mul3A_1541 = arith.mulf %mul3A_1343, %div3A_1524 : vector<16xf32>
        %mul3A_1542 = arith.mulf %add3A_1346, %div3A_1524 : vector<16xf32>
        scf.yield %mul3A_1525, %mul3A_1526, %mul3A_1527, %mul3A_1528, %mul3A_1529, %mul3A_1530, %mul3A_1531, %mul3A_1532, %mul3A_1533, %mul3A_1534, %mul3A_1535, %mul3A_1536, %mul3A_1537, %mul3A_1538, %mul3A_1539, %mul3A_1540, %mul3A_1541, %mul3A_1542 : vector<16xf32>, vector<16xf32>, vector<16xf32>, vector<16xf32>, vector<16xf32>, vector<16xf32>, vector<16xf32>, vector<16xf32>, vector<16xf32>, vector<16xf32>, vector<16xf32>, vector<16xf32>, vector<16xf32>, vector<16xf32>, vector<16xf32>, vector<16xf32>, vector<16xf32>, vector<16xf32>
      }
      %scan3A_196 = arith.constant 16 : i32
      scf.yield %scan3A_195#0, %scan3A_195#1, %scan3A_195#2, %scan3A_195#3, %scan3A_195#4, %scan3A_195#5, %scan3A_195#6, %scan3A_195#7, %scan3A_195#8, %scan3A_195#9, %scan3A_195#10, %scan3A_195#11, %scan3A_195#12, %scan3A_195#13, %scan3A_195#14, %scan3A_195#15, %scan3A_195#16, %scan3A_195#17 : vector<16xf32>, vector<16xf32>, vector<16xf32>, vector<16xf32>, vector<16xf32>, vector<16xf32>, vector<16xf32>, vector<16xf32>, vector<16xf32>, vector<16xf32>, vector<16xf32>, vector<16xf32>, vector<16xf32>, vector<16xf32>, vector<16xf32>, vector<16xf32>, vector<16xf32>, vector<16xf32>
    }
    %scan3A_59 = arith.constant 4 : i32
    %dma_wait3A_60 = arith.constant 0 : i32
    %dma_wait3A_61 = arith.constant 0 : i32
    %dma_wait3A_62 = arith.constant 0 : i32
    %dma_wait3A_63 = tpu.memref_slice %arg5[%dma_wait3A_60, %dma_wait3A_61, %dma_wait3A_62] : memref<2x64x80xf32, #tpu.memory_space<vmem>> -> memref<1x64x80xf32, #tpu.memory_space<vmem>>
    %dma_wait3A_64 = tpu.memref_squeeze %dma_wait3A_63 : memref<1x64x80xf32, #tpu.memory_space<vmem>> -> memref<64x80xf32, #tpu.memory_space<vmem>>
    %dma_wait3A_65 = arith.constant 448 : i32
    %dma_wait3A_66 = arith.constant 0 : i32
    %dma_wait3A_67 = tpu.memref_slice %arg2[%add3A, %dma_wait3A_65, %dma_wait3A_66] : memref<32x512x80xf32, #tpu.memory_space<hbm>> -> memref<1x64x80xf32, #tpu.memory_space<hbm>>
    %dma_wait3A_68 = tpu.memref_squeeze %dma_wait3A_67 : memref<1x64x80xf32, #tpu.memory_space<hbm>> -> memref<64x80xf32, #tpu.memory_space<hbm>>
    %dma_wait3A_69 = arith.constant 0 : i32
    %dma_wait3A_70 = arith.constant 0 : i32
    %dma_wait3A_71 = tpu.memref_slice %arg5[%dma_wait3A_60, %dma_wait3A_69, %dma_wait3A_70] : memref<2x64x80xf32, #tpu.memory_space<vmem>> -> memref<1x64x80xf32, #tpu.memory_space<vmem>>
    %dma_wait3A_72 = tpu.memref_squeeze %dma_wait3A_71 : memref<1x64x80xf32, #tpu.memory_space<vmem>> -> memref<64x80xf32, #tpu.memory_space<vmem>>
    %dma_wait3A_73 = arith.constant 448 : i32
    %dma_wait3A_74 = arith.constant 0 : i32
    %dma_wait3A_75 = tpu.memref_slice %arg2[%add3A, %dma_wait3A_73, %dma_wait3A_74] : memref<32x512x80xf32, #tpu.memory_space<hbm>> -> memref<1x64x80xf32, #tpu.memory_space<hbm>>
    %dma_wait3A_76 = tpu.memref_squeeze %dma_wait3A_75 : memref<1x64x80xf32, #tpu.memory_space<hbm>> -> memref<64x80xf32, #tpu.memory_space<hbm>>
    tpu.wait_dma2 semaphore(%arg12 : memref<!tpu.dma_semaphore, #tpu.memory_space<semaphore_mem>>) src(%dma_wait3A_76 : memref<64x80xf32, #tpu.memory_space<hbm>>) dst(%dma_wait3A_72 : memref<64x80xf32, #tpu.memory_space<vmem>>)
    %add3A_77 = arith.addf %scan3A_58#7, %scan3A_58#15 : vector<16xf32>
    %add3A_78 = arith.addf %scan3A_58#3, %scan3A_58#11 : vector<16xf32>
    %div3A = arith.divf %add3A_77, %add3A_78 : vector<16xf32>
    %swap3A_79 = arith.constant 0 : index
    %swap3A_80 = tpu.vector_load %arg11[%swap3A_79] {strides = array<i32>} : memref<16xf32, #tpu.memory_space<vmem>>, vector<16xf32>,
    %swap3A_81 = vector.shape_cast %swap3A_80 : vector<16xf32> to vector<16xf32>
    %swap3A_82 = vector.shape_cast %div3A : vector<16xf32> to vector<16xf32>
    tpu.vector_store %arg11[%swap3A_79], %swap3A_82 {strides = array<i32>} : memref<16xf32, #tpu.memory_space<vmem>>, vector<16xf32>,
    "tpu.region"() ({
      %run_scoped3A = tpu.sem_alloc : memref<!tpu.dma_semaphore, #tpu.memory_space<semaphore_mem>>
      %dma_start3A_83 = arith.constant 0 : i32
      %dma_start3A_84 = tpu.memref_slice %arg4[%add3A, %dma_start3A_83] : memref<32x16xf32, #tpu.memory_space<hbm>> -> memref<1x16xf32, #tpu.memory_space<hbm>>
      %dma_start3A_85 = tpu.memref_squeeze %dma_start3A_84 : memref<1x16xf32, #tpu.memory_space<hbm>> -> memref<16xf32, #tpu.memory_space<hbm>>
      %dma_start3A_86 = arith.constant 0 : i32
      %dma_start3A_87 = tpu.memref_slice %arg4[%add3A, %dma_start3A_86] : memref<32x16xf32, #tpu.memory_space<hbm>> -> memref<1x16xf32, #tpu.memory_space<hbm>>
      %dma_start3A_88 = tpu.memref_squeeze %dma_start3A_87 : memref<1x16xf32, #tpu.memory_space<hbm>> -> memref<16xf32, #tpu.memory_space<hbm>>
      tpu.enqueue_dma source(%arg11 : memref<16xf32, #tpu.memory_space<vmem>>) target(%dma_start3A_88 : memref<16xf32, #tpu.memory_space<hbm>>) target_semaphore(%run_scoped3A : memref<!tpu.dma_semaphore, #tpu.memory_space<semaphore_mem>>)
      %dma_wait3A_89 = arith.constant 0 : i32
      %dma_wait3A_90 = tpu.memref_slice %arg4[%add3A, %dma_wait3A_89] : memref<32x16xf32, #tpu.memory_space<hbm>> -> memref<1x16xf32, #tpu.memory_space<hbm>>
      %dma_wait3A_91 = tpu.memref_squeeze %dma_wait3A_90 : memref<1x16xf32, #tpu.memory_space<hbm>> -> memref<16xf32, #tpu.memory_space<hbm>>
      %dma_wait3A_92 = arith.constant 0 : i32
      %dma_wait3A_93 = tpu.memref_slice %arg4[%add3A, %dma_wait3A_92] : memref<32x16xf32, #tpu.memory_space<hbm>> -> memref<1x16xf32, #tpu.memory_space<hbm>>
      %dma_wait3A_94 = tpu.memref_squeeze %dma_wait3A_93 : memref<1x16xf32, #tpu.memory_space<hbm>> -> memref<16xf32, #tpu.memory_space<hbm>>
      tpu.wait_dma2 semaphore(%run_scoped3A : memref<!tpu.dma_semaphore, #tpu.memory_space<semaphore_mem>>) src(%arg11 : memref<16xf32, #tpu.memory_space<vmem>>) dst(%dma_wait3A_94 : memref<16xf32, #tpu.memory_space<hbm>>)
      tpu.yield
    }) : () -> ()
    return
  }
}

module attributes {stable_mosaic.version = 14 : i64} {
  func.func @_stage1_kernel(%arg0: memref<512x32x128xf32, #tpu.memory_space<vmem>>, %arg1: memref<32x64xi32, #tpu.memory_space<vmem>>, %arg2: memref<32x512x80xf32, #tpu.memory_space<vmem>>, %arg3: memref<32x64xf32, #tpu.memory_space<vmem>>, %arg4: memref<1x1xf32, #tpu.memory_space<vmem>>, %arg5: memref<32x128x128xf32, #tpu.memory_space<vmem>>) attributes {dimension_semantics = [], scalar_prefetch = 0 : i64, scratch_operands = 1 : i64, tpu.core_type = #tpu.core_type<tc>} {
    %iota3A = tpu.iota {dimensions = array<i32: 1>} : vector<1x128x128xi32>
    %iota3A_0 = tpu.iota {dimensions = array<i32: 1>} : vector<32x2xi32>
    %broadcast_in_dim3A = arith.constant -1 : i32
    %broadcast_in_dim3A_1 = vector.broadcast %broadcast_in_dim3A : i32 to vector<32x62xi32>
    %iota3A_2 = tpu.iota {dimensions = array<i32: 1>} : vector<1x64xi32>
    %get3A = arith.constant 0 : index
    %get3A_3 = arith.constant 0 : index
    %get3A_4 = vector.load %arg1[%get3A, %get3A_3] : memref<32x64xi32, #tpu.memory_space<vmem>>, vector<32x64xi32>
    %concatenate3A = tpu.concatenate %get3A_4, %iota3A_0, %broadcast_in_dim3A_1 in 1 : vector<32x64xi32>, vector<32x2xi32>, vector<32x62xi32> -> vector<32x128xi32>
    %iota3A_5 = tpu.iota {dimensions = array<i32: 2>} : vector<1x1x128xi32>
    %eq3A = arith.constant 66 : i32
    %eq3A_6 = vector.broadcast %eq3A : i32 to vector<1x1x128xi32>
    %eq3A_7 = arith.cmpi eq, %iota3A_5, %eq3A_6 : vector<1x1x128xi32>
    %reshape3A = vector.shape_cast %concatenate3A : vector<32x128xi32> to vector<32x1x128xi32>
    %eq3A_8 = vector.broadcast %iota3A : vector<1x128x128xi32> to vector<32x128x128xi32>
    %eq3A_9 = vector.broadcast %reshape3A : vector<32x1x128xi32> to vector<32x128x128xi32>
    %eq3A_10 = arith.cmpi eq, %eq3A_8, %eq3A_9 : vector<32x128x128xi32>
    %convert_element_type3A = arith.extui %eq3A_10 : vector<32x128x128xi1> to vector<32x128x128xi32>
    %convert_element_type3A_11 = arith.sitofp %convert_element_type3A : vector<32x128x128xi32> to vector<32x128x128xf32>
    %convert_element_type3A_12 = arith.extui %eq3A_7 : vector<1x1x128xi1> to vector<1x1x128xi32>
    %convert_element_type3A_13 = arith.sitofp %convert_element_type3A_12 : vector<1x1x128xi32> to vector<1x1x128xf32>
    %mul3A = arith.constant 7.812500e-03 : f32
    %mul3A_14 = vector.broadcast %mul3A : f32 to vector<1x1x128xf32>
    %mul3A_15 = arith.mulf %convert_element_type3A_13, %mul3A_14 : vector<1x1x128xf32>
    %add3A = vector.broadcast %mul3A_15 : vector<1x1x128xf32> to vector<32x128x128xf32>
    %add3A_16 = arith.addf %convert_element_type3A_11, %add3A : vector<32x128x128xf32>
    %swap3A = arith.constant 0 : index
    %swap3A_17 = arith.constant 0 : index
    %swap3A_18 = arith.constant 0 : index
    %swap3A_19 = vector.load %arg5[%swap3A, %swap3A_17, %swap3A_18] : memref<32x128x128xf32, #tpu.memory_space<vmem>>, vector<32x128x128xf32>
    tpu.vector_store %arg5[%swap3A, %swap3A_17, %swap3A_18], %add3A_16 {strides = array<i32>} : memref<32x128x128xf32, #tpu.memory_space<vmem>>, vector<32x128x128xf32>,
    %scan3A = arith.constant 0.000000e+00 : f32
    %scan3A_20 = arith.constant 0 : i32
    %scan3A_21 = arith.constant 8 : i32
    %scan3A_22 = arith.addi %scan3A_20, %scan3A_21 : i32
    %scan3A_23 = arith.constant 1 : i32
    %scan3A_24 = scf.for %scan3A_30 = %scan3A_20 to %scan3A_22 step %scan3A_23 iter_args(%scan3A_31 = %scan3A) -> (f32)  : i32 {
      %mul3A_32 = arith.constant 4 : i32
      %mul3A_33 = arith.muli %mul3A_32, %scan3A_30 : i32
      %add3A_34 = arith.constant 0 : i32
      %add3A_35 = arith.addi %mul3A_33, %add3A_34 : i32
      %get3A_36 = arith.constant 0 : index
      %get3A_37 = arith.index_cast %add3A_35 : i32 to index
      %get3A_38 = arith.constant 0 : index
      %get3A_39 = vector.load %arg0[%get3A_36, %get3A_37, %get3A_38] : memref<512x32x128xf32, #tpu.memory_space<vmem>>, vector<512x1x128xf32>
      %reshape3A_40 = vector.shape_cast %get3A_39 : vector<512x1x128xf32> to vector<512x128xf32>
      %get3A_41 = arith.index_cast %add3A_35 : i32 to index
      %get3A_42 = arith.constant 0 : index
      %get3A_43 = arith.constant 0 : index
      %get3A_44 = vector.load %arg5[%get3A_41, %get3A_42, %get3A_43] : memref<32x128x128xf32, #tpu.memory_space<vmem>>, vector<1x128x128xf32>
      %reshape3A_45 = vector.shape_cast %get3A_44 : vector<1x128x128xf32> to vector<128x128xf32>
      %dot_general3A = arith.constant dense<0.000000e+00> : vector<512x128xf32>
      %dot_general3A_46 = tpu.matmul %reshape3A_40, %reshape3A_45, %dot_general3A {dimension_numbers = #tpu.dot_dimension_numbers<[1], [0], [0], [1], [0, 0, 1, 1], [], []>, transpose_lhs_hint = false} : vector<512x128xf32>, vector<128x128xf32>, vector<512x128xf32> -> vector<512x128xf32>
      %slice3A = vector.extract_strided_slice %dot_general3A_46 {offsets = [0, 0], sizes = [512, 80], strides = [1, 1]} : vector<512x128xf32> to vector<512x80xf32>
      %reshape3A_47 = vector.shape_cast %slice3A : vector<512x80xf32> to vector<1x512x80xf32>
      %swap3A_48 = arith.index_cast %add3A_35 : i32 to index
      %swap3A_49 = arith.constant 0 : index
      %swap3A_50 = arith.constant 0 : index
      %swap3A_51 = vector.load %arg2[%swap3A_48, %swap3A_49, %swap3A_50] : memref<32x512x80xf32, #tpu.memory_space<vmem>>, vector<1x512x80xf32>
      tpu.vector_store %arg2[%swap3A_48, %swap3A_49, %swap3A_50], %reshape3A_47 {strides = array<i32>} : memref<32x512x80xf32, #tpu.memory_space<vmem>>, vector<1x512x80xf32>,
      %get3A_52 = arith.index_cast %add3A_35 : i32 to index
      %get3A_53 = arith.constant 0 : index
      %get3A_54 = vector.load %arg1[%get3A_52, %get3A_53] : memref<32x64xi32, #tpu.memory_space<vmem>>, vector<1x64xi32>
      %slice3A_55 = vector.extract_strided_slice %get3A_54 {offsets = [0, 0], sizes = [1, 1], strides = [1, 1]} : vector<1x64xi32> to vector<1x1xi32>
      %slice3A_56 = vector.extract_strided_slice %get3A_54 {offsets = [0, 0], sizes = [1, 63], strides = [1, 1]} : vector<1x64xi32> to vector<1x63xi32>
      %concatenate3A_57 = tpu.concatenate %slice3A_55, %slice3A_56 in 1 : vector<1x1xi32>, vector<1x63xi32> -> vector<1x64xi32>
      %ge3A = arith.constant 1 : i32
      %ge3A_58 = vector.broadcast %ge3A : i32 to vector<1x64xi32>
      %ge3A_59 = arith.cmpi sge, %iota3A_2, %ge3A_58 : vector<1x64xi32>
      %ne3A = arith.cmpi ne, %get3A_54, %concatenate3A_57 : vector<1x64xi32>
      %and3A = arith.andi %ge3A_59, %ne3A : vector<1x64xi1>
      %convert_element_type3A_60 = arith.extui %and3A : vector<1x64xi1> to vector<1x64xi32>
      %convert_element_type3A_61 = arith.sitofp %convert_element_type3A_60 : vector<1x64xi32> to vector<1x64xf32>
      %swap3A_62 = arith.index_cast %add3A_35 : i32 to index
      %swap3A_63 = arith.constant 0 : index
      %swap3A_64 = vector.load %arg3[%swap3A_62, %swap3A_63] : memref<32x64xf32, #tpu.memory_space<vmem>>, vector<1x64xf32>
      tpu.vector_store %arg3[%swap3A_62, %swap3A_63], %convert_element_type3A_61 {strides = array<i32>} : memref<32x64xf32, #tpu.memory_space<vmem>>, vector<1x64xf32>,
      %slice3A_65 = vector.extract_strided_slice %dot_general3A_46 {offsets = [0, 66], sizes = [512, 1], strides = [1, 1]} : vector<512x128xf32> to vector<512x1xf32>
      %reduce_sum3A = vector.shape_cast %slice3A_65 : vector<512x1xf32> to vector<1x512x1xf32>
      %reduce_sum3A_66 = arith.constant dense<0.000000e+00> : vector<1xf32>
      %reduce_sum3A_67 = vector.multi_reduction <add>, %reduce_sum3A, %reduce_sum3A_66 [1, 2] : vector<1x512x1xf32> to vector<1xf32>
      %reduce_sum3A_68 = vector.shape_cast %reduce_sum3A_67 : vector<1xf32> to vector<1x1x1xf32>
      %reduce_sum3A_69 = vector.extract %reduce_sum3A_68[0, 0, 0] : f32 from vector<1x1x1xf32>
      %add3A_70 = arith.addf %scan3A_31, %reduce_sum3A_69 : f32
      %mul3A_71 = arith.constant 4 : i32
      %mul3A_72 = arith.muli %mul3A_71, %scan3A_30 : i32
      %add3A_73 = arith.constant 1 : i32
      %add3A_74 = arith.addi %mul3A_72, %add3A_73 : i32
      %get3A_75 = arith.constant 0 : index
      %get3A_76 = arith.index_cast %add3A_74 : i32 to index
      %get3A_77 = arith.constant 0 : index
      %get3A_78 = vector.load %arg0[%get3A_75, %get3A_76, %get3A_77] : memref<512x32x128xf32, #tpu.memory_space<vmem>>, vector<512x1x128xf32>
      %reshape3A_79 = vector.shape_cast %get3A_78 : vector<512x1x128xf32> to vector<512x128xf32>
      %get3A_80 = arith.index_cast %add3A_74 : i32 to index
      %get3A_81 = arith.constant 0 : index
      %get3A_82 = arith.constant 0 : index
      %get3A_83 = vector.load %arg5[%get3A_80, %get3A_81, %get3A_82] : memref<32x128x128xf32, #tpu.memory_space<vmem>>, vector<1x128x128xf32>
      %reshape3A_84 = vector.shape_cast %get3A_83 : vector<1x128x128xf32> to vector<128x128xf32>
      %dot_general3A_85 = arith.constant dense<0.000000e+00> : vector<512x128xf32>
      %dot_general3A_86 = tpu.matmul %reshape3A_79, %reshape3A_84, %dot_general3A_85 {dimension_numbers = #tpu.dot_dimension_numbers<[1], [0], [0], [1], [0, 0, 1, 1], [], []>, transpose_lhs_hint = false} : vector<512x128xf32>, vector<128x128xf32>, vector<512x128xf32> -> vector<512x128xf32>
      %slice3A_87 = vector.extract_strided_slice %dot_general3A_86 {offsets = [0, 0], sizes = [512, 80], strides = [1, 1]} : vector<512x128xf32> to vector<512x80xf32>
      %reshape3A_88 = vector.shape_cast %slice3A_87 : vector<512x80xf32> to vector<1x512x80xf32>
      %swap3A_89 = arith.index_cast %add3A_74 : i32 to index
      %swap3A_90 = arith.constant 0 : index
      %swap3A_91 = arith.constant 0 : index
      %swap3A_92 = vector.load %arg2[%swap3A_89, %swap3A_90, %swap3A_91] : memref<32x512x80xf32, #tpu.memory_space<vmem>>, vector<1x512x80xf32>
      tpu.vector_store %arg2[%swap3A_89, %swap3A_90, %swap3A_91], %reshape3A_88 {strides = array<i32>} : memref<32x512x80xf32, #tpu.memory_space<vmem>>, vector<1x512x80xf32>,
      %get3A_93 = arith.index_cast %add3A_74 : i32 to index
      %get3A_94 = arith.constant 0 : index
      %get3A_95 = vector.load %arg1[%get3A_93, %get3A_94] : memref<32x64xi32, #tpu.memory_space<vmem>>, vector<1x64xi32>
      %slice3A_96 = vector.extract_strided_slice %get3A_95 {offsets = [0, 0], sizes = [1, 1], strides = [1, 1]} : vector<1x64xi32> to vector<1x1xi32>
      %slice3A_97 = vector.extract_strided_slice %get3A_95 {offsets = [0, 0], sizes = [1, 63], strides = [1, 1]} : vector<1x64xi32> to vector<1x63xi32>
      %concatenate3A_98 = tpu.concatenate %slice3A_96, %slice3A_97 in 1 : vector<1x1xi32>, vector<1x63xi32> -> vector<1x64xi32>
      %ge3A_99 = arith.constant 1 : i32
      %ge3A_100 = vector.broadcast %ge3A_99 : i32 to vector<1x64xi32>
      %ge3A_101 = arith.cmpi sge, %iota3A_2, %ge3A_100 : vector<1x64xi32>
      %ne3A_102 = arith.cmpi ne, %get3A_95, %concatenate3A_98 : vector<1x64xi32>
      %and3A_103 = arith.andi %ge3A_101, %ne3A_102 : vector<1x64xi1>
      %convert_element_type3A_104 = arith.extui %and3A_103 : vector<1x64xi1> to vector<1x64xi32>
      %convert_element_type3A_105 = arith.sitofp %convert_element_type3A_104 : vector<1x64xi32> to vector<1x64xf32>
      %swap3A_106 = arith.index_cast %add3A_74 : i32 to index
      %swap3A_107 = arith.constant 0 : index
      %swap3A_108 = vector.load %arg3[%swap3A_106, %swap3A_107] : memref<32x64xf32, #tpu.memory_space<vmem>>, vector<1x64xf32>
      tpu.vector_store %arg3[%swap3A_106, %swap3A_107], %convert_element_type3A_105 {strides = array<i32>} : memref<32x64xf32, #tpu.memory_space<vmem>>, vector<1x64xf32>,
      %slice3A_109 = vector.extract_strided_slice %dot_general3A_86 {offsets = [0, 66], sizes = [512, 1], strides = [1, 1]} : vector<512x128xf32> to vector<512x1xf32>
      %reduce_sum3A_110 = vector.shape_cast %slice3A_109 : vector<512x1xf32> to vector<1x512x1xf32>
      %reduce_sum3A_111 = arith.constant dense<0.000000e+00> : vector<1xf32>
      %reduce_sum3A_112 = vector.multi_reduction <add>, %reduce_sum3A_110, %reduce_sum3A_111 [1, 2] : vector<1x512x1xf32> to vector<1xf32>
      %reduce_sum3A_113 = vector.shape_cast %reduce_sum3A_112 : vector<1xf32> to vector<1x1x1xf32>
      %reduce_sum3A_114 = vector.extract %reduce_sum3A_113[0, 0, 0] : f32 from vector<1x1x1xf32>
      %add3A_115 = arith.addf %add3A_70, %reduce_sum3A_114 : f32
      %mul3A_116 = arith.constant 4 : i32
      %mul3A_117 = arith.muli %mul3A_116, %scan3A_30 : i32
      %add3A_118 = arith.constant 2 : i32
      %add3A_119 = arith.addi %mul3A_117, %add3A_118 : i32
      %get3A_120 = arith.constant 0 : index
      %get3A_121 = arith.index_cast %add3A_119 : i32 to index
      %get3A_122 = arith.constant 0 : index
      %get3A_123 = vector.load %arg0[%get3A_120, %get3A_121, %get3A_122] : memref<512x32x128xf32, #tpu.memory_space<vmem>>, vector<512x1x128xf32>
      %reshape3A_124 = vector.shape_cast %get3A_123 : vector<512x1x128xf32> to vector<512x128xf32>
      %get3A_125 = arith.index_cast %add3A_119 : i32 to index
      %get3A_126 = arith.constant 0 : index
      %get3A_127 = arith.constant 0 : index
      %get3A_128 = vector.load %arg5[%get3A_125, %get3A_126, %get3A_127] : memref<32x128x128xf32, #tpu.memory_space<vmem>>, vector<1x128x128xf32>
      %reshape3A_129 = vector.shape_cast %get3A_128 : vector<1x128x128xf32> to vector<128x128xf32>
      %dot_general3A_130 = arith.constant dense<0.000000e+00> : vector<512x128xf32>
      %dot_general3A_131 = tpu.matmul %reshape3A_124, %reshape3A_129, %dot_general3A_130 {dimension_numbers = #tpu.dot_dimension_numbers<[1], [0], [0], [1], [0, 0, 1, 1], [], []>, transpose_lhs_hint = false} : vector<512x128xf32>, vector<128x128xf32>, vector<512x128xf32> -> vector<512x128xf32>
      %slice3A_132 = vector.extract_strided_slice %dot_general3A_131 {offsets = [0, 0], sizes = [512, 80], strides = [1, 1]} : vector<512x128xf32> to vector<512x80xf32>
      %reshape3A_133 = vector.shape_cast %slice3A_132 : vector<512x80xf32> to vector<1x512x80xf32>
      %swap3A_134 = arith.index_cast %add3A_119 : i32 to index
      %swap3A_135 = arith.constant 0 : index
      %swap3A_136 = arith.constant 0 : index
      %swap3A_137 = vector.load %arg2[%swap3A_134, %swap3A_135, %swap3A_136] : memref<32x512x80xf32, #tpu.memory_space<vmem>>, vector<1x512x80xf32>
      tpu.vector_store %arg2[%swap3A_134, %swap3A_135, %swap3A_136], %reshape3A_133 {strides = array<i32>} : memref<32x512x80xf32, #tpu.memory_space<vmem>>, vector<1x512x80xf32>,
      %get3A_138 = arith.index_cast %add3A_119 : i32 to index
      %get3A_139 = arith.constant 0 : index
      %get3A_140 = vector.load %arg1[%get3A_138, %get3A_139] : memref<32x64xi32, #tpu.memory_space<vmem>>, vector<1x64xi32>
      %slice3A_141 = vector.extract_strided_slice %get3A_140 {offsets = [0, 0], sizes = [1, 1], strides = [1, 1]} : vector<1x64xi32> to vector<1x1xi32>
      %slice3A_142 = vector.extract_strided_slice %get3A_140 {offsets = [0, 0], sizes = [1, 63], strides = [1, 1]} : vector<1x64xi32> to vector<1x63xi32>
      %concatenate3A_143 = tpu.concatenate %slice3A_141, %slice3A_142 in 1 : vector<1x1xi32>, vector<1x63xi32> -> vector<1x64xi32>
      %ge3A_144 = arith.constant 1 : i32
      %ge3A_145 = vector.broadcast %ge3A_144 : i32 to vector<1x64xi32>
      %ge3A_146 = arith.cmpi sge, %iota3A_2, %ge3A_145 : vector<1x64xi32>
      %ne3A_147 = arith.cmpi ne, %get3A_140, %concatenate3A_143 : vector<1x64xi32>
      %and3A_148 = arith.andi %ge3A_146, %ne3A_147 : vector<1x64xi1>
      %convert_element_type3A_149 = arith.extui %and3A_148 : vector<1x64xi1> to vector<1x64xi32>
      %convert_element_type3A_150 = arith.sitofp %convert_element_type3A_149 : vector<1x64xi32> to vector<1x64xf32>
      %swap3A_151 = arith.index_cast %add3A_119 : i32 to index
      %swap3A_152 = arith.constant 0 : index
      %swap3A_153 = vector.load %arg3[%swap3A_151, %swap3A_152] : memref<32x64xf32, #tpu.memory_space<vmem>>, vector<1x64xf32>
      tpu.vector_store %arg3[%swap3A_151, %swap3A_152], %convert_element_type3A_150 {strides = array<i32>} : memref<32x64xf32, #tpu.memory_space<vmem>>, vector<1x64xf32>,
      %slice3A_154 = vector.extract_strided_slice %dot_general3A_131 {offsets = [0, 66], sizes = [512, 1], strides = [1, 1]} : vector<512x128xf32> to vector<512x1xf32>
      %reduce_sum3A_155 = vector.shape_cast %slice3A_154 : vector<512x1xf32> to vector<1x512x1xf32>
      %reduce_sum3A_156 = arith.constant dense<0.000000e+00> : vector<1xf32>
      %reduce_sum3A_157 = vector.multi_reduction <add>, %reduce_sum3A_155, %reduce_sum3A_156 [1, 2] : vector<1x512x1xf32> to vector<1xf32>
      %reduce_sum3A_158 = vector.shape_cast %reduce_sum3A_157 : vector<1xf32> to vector<1x1x1xf32>
      %reduce_sum3A_159 = vector.extract %reduce_sum3A_158[0, 0, 0] : f32 from vector<1x1x1xf32>
      %add3A_160 = arith.addf %add3A_115, %reduce_sum3A_159 : f32
      %mul3A_161 = arith.constant 4 : i32
      %mul3A_162 = arith.muli %mul3A_161, %scan3A_30 : i32
      %add3A_163 = arith.constant 3 : i32
      %add3A_164 = arith.addi %mul3A_162, %add3A_163 : i32
      %get3A_165 = arith.constant 0 : index
      %get3A_166 = arith.index_cast %add3A_164 : i32 to index
      %get3A_167 = arith.constant 0 : index
      %get3A_168 = vector.load %arg0[%get3A_165, %get3A_166, %get3A_167] : memref<512x32x128xf32, #tpu.memory_space<vmem>>, vector<512x1x128xf32>
      %reshape3A_169 = vector.shape_cast %get3A_168 : vector<512x1x128xf32> to vector<512x128xf32>
      %get3A_170 = arith.index_cast %add3A_164 : i32 to index
      %get3A_171 = arith.constant 0 : index
      %get3A_172 = arith.constant 0 : index
      %get3A_173 = vector.load %arg5[%get3A_170, %get3A_171, %get3A_172] : memref<32x128x128xf32, #tpu.memory_space<vmem>>, vector<1x128x128xf32>
      %reshape3A_174 = vector.shape_cast %get3A_173 : vector<1x128x128xf32> to vector<128x128xf32>
      %dot_general3A_175 = arith.constant dense<0.000000e+00> : vector<512x128xf32>
      %dot_general3A_176 = tpu.matmul %reshape3A_169, %reshape3A_174, %dot_general3A_175 {dimension_numbers = #tpu.dot_dimension_numbers<[1], [0], [0], [1], [0, 0, 1, 1], [], []>, transpose_lhs_hint = false} : vector<512x128xf32>, vector<128x128xf32>, vector<512x128xf32> -> vector<512x128xf32>
      %slice3A_177 = vector.extract_strided_slice %dot_general3A_176 {offsets = [0, 0], sizes = [512, 80], strides = [1, 1]} : vector<512x128xf32> to vector<512x80xf32>
      %reshape3A_178 = vector.shape_cast %slice3A_177 : vector<512x80xf32> to vector<1x512x80xf32>
      %swap3A_179 = arith.index_cast %add3A_164 : i32 to index
      %swap3A_180 = arith.constant 0 : index
      %swap3A_181 = arith.constant 0 : index
      %swap3A_182 = vector.load %arg2[%swap3A_179, %swap3A_180, %swap3A_181] : memref<32x512x80xf32, #tpu.memory_space<vmem>>, vector<1x512x80xf32>
      tpu.vector_store %arg2[%swap3A_179, %swap3A_180, %swap3A_181], %reshape3A_178 {strides = array<i32>} : memref<32x512x80xf32, #tpu.memory_space<vmem>>, vector<1x512x80xf32>,
      %get3A_183 = arith.index_cast %add3A_164 : i32 to index
      %get3A_184 = arith.constant 0 : index
      %get3A_185 = vector.load %arg1[%get3A_183, %get3A_184] : memref<32x64xi32, #tpu.memory_space<vmem>>, vector<1x64xi32>
      %slice3A_186 = vector.extract_strided_slice %get3A_185 {offsets = [0, 0], sizes = [1, 1], strides = [1, 1]} : vector<1x64xi32> to vector<1x1xi32>
      %slice3A_187 = vector.extract_strided_slice %get3A_185 {offsets = [0, 0], sizes = [1, 63], strides = [1, 1]} : vector<1x64xi32> to vector<1x63xi32>
      %concatenate3A_188 = tpu.concatenate %slice3A_186, %slice3A_187 in 1 : vector<1x1xi32>, vector<1x63xi32> -> vector<1x64xi32>
      %ge3A_189 = arith.constant 1 : i32
      %ge3A_190 = vector.broadcast %ge3A_189 : i32 to vector<1x64xi32>
      %ge3A_191 = arith.cmpi sge, %iota3A_2, %ge3A_190 : vector<1x64xi32>
      %ne3A_192 = arith.cmpi ne, %get3A_185, %concatenate3A_188 : vector<1x64xi32>
      %and3A_193 = arith.andi %ge3A_191, %ne3A_192 : vector<1x64xi1>
      %convert_element_type3A_194 = arith.extui %and3A_193 : vector<1x64xi1> to vector<1x64xi32>
      %convert_element_type3A_195 = arith.sitofp %convert_element_type3A_194 : vector<1x64xi32> to vector<1x64xf32>
      %swap3A_196 = arith.index_cast %add3A_164 : i32 to index
      %swap3A_197 = arith.constant 0 : index
      %swap3A_198 = vector.load %arg3[%swap3A_196, %swap3A_197] : memref<32x64xf32, #tpu.memory_space<vmem>>, vector<1x64xf32>
      tpu.vector_store %arg3[%swap3A_196, %swap3A_197], %convert_element_type3A_195 {strides = array<i32>} : memref<32x64xf32, #tpu.memory_space<vmem>>, vector<1x64xf32>,
      %slice3A_199 = vector.extract_strided_slice %dot_general3A_176 {offsets = [0, 66], sizes = [512, 1], strides = [1, 1]} : vector<512x128xf32> to vector<512x1xf32>
      %reduce_sum3A_200 = vector.shape_cast %slice3A_199 : vector<512x1xf32> to vector<1x512x1xf32>
      %reduce_sum3A_201 = arith.constant dense<0.000000e+00> : vector<1xf32>
      %reduce_sum3A_202 = vector.multi_reduction <add>, %reduce_sum3A_200, %reduce_sum3A_201 [1, 2] : vector<1x512x1xf32> to vector<1xf32>
      %reduce_sum3A_203 = vector.shape_cast %reduce_sum3A_202 : vector<1xf32> to vector<1x1x1xf32>
      %reduce_sum3A_204 = vector.extract %reduce_sum3A_203[0, 0, 0] : f32 from vector<1x1x1xf32>
      %add3A_205 = arith.addf %add3A_160, %reduce_sum3A_204 : f32
      scf.yield %add3A_205 : f32
    }
    %scan3A_25 = arith.constant 8 : i32
    %reshape3A_26 = vector.broadcast %scan3A_24 : f32 to vector<1x1xf32>
    %swap3A_27 = arith.constant 0 : index
    %swap3A_28 = arith.constant 0 : index
    %swap3A_29 = vector.load %arg4[%swap3A_27, %swap3A_28] : memref<1x1xf32, #tpu.memory_space<vmem>>, vector<1x1xf32>
    tpu.vector_store %arg4[%swap3A_27, %swap3A_28], %reshape3A_26 {strides = array<i32>} : memref<1x1xf32, #tpu.memory_space<vmem>>, vector<1x1xf32>,
    return
  }
}

</mosaic_0001>

<sc_bundles>
// kernel: kernel.4.cloned.1.call-start
scs
__scs_entry_jumppad:
0x0: {  	(pc) =	sbr.rel $0x88, $3  }
0x1: {  	(tag) =	ssettag $0x0;
	lr =	simm.s32 $0x1  }
0x2: {  	[smem:$0x3F9F] =	sst lr;
	_ =	strace $0xD0000000  }
0x3: {  	_ = 	snop  }
0x4: {  	_ = 	snop  }
0x5: {  	_ = 	snop  }
0x6: {  	_ = 	snop  }
0x7: {  	_ = 	snop  }
__scs_overlays_trampoline_lowered:
0x8: {  	[smem:$0x3FAE] =	sst s0  }
0x9: {  	[smem:$0x3FAF] =	sst s1  }
0xa: {  	[smem:$0x3FB0] =	sst s2  }
0xb: {  	[smem:$0x3FB1] =	sst s3  }
0xc: {  	[smem:$0x3FB2] =	sst s4  }
0xd: {  	[smem:$0x3FB3] =	sst s5  }
0xe: {  	[smem:$0x3FB4] =	sst s6  }
0xf: {  	[smem:$0x3FB5] =	sst s7  }
0x10: {  	[smem:$0x3FB6] =	sst s8  }
0x11: {  	[smem:$0x3FB7] =	sst s9;
	s0 =	simm.s32 @!p0 $0x0  }
0x12: {  	s1 =	sld [smem:$0x3F9D];
	s0 =	simm.s32 @p0 $0x1  }
0x13: {  	[smem:$0x3FB8] =	sst s0;
	s0 =	simm.s32 @!p1 $0x0  }
0x14: {  	s2 =	sld [smem:$0x3F9C];
	s0 =	simm.s32 @p1 $0x1  }
0x15: {  	[smem:$0x3FB9] =	sst s0;
	s0 =	simm.s32 @!p2 $0x0  }
0x16: {  	s3 =	sld [smem:$0x3FDB];
	s0 =	simm.s32 @p2 $0x1  }
0x17: {  	s4 =	simm.s32 $0x1BF5;
	[smem:$0x3FBB] =	sst s0  }
0x18: {  	s0 =	sld [smem:$0x3F9E];
	_ =	swait.ge [sflag:s4], $0x0  }
0x19: {  	s7 =	sld [smem:$0x3F9F]  }
0x1a: {  	s8 =	sadd.s32 $0xFFFFE003, lr  }
0x1b: {  	s9 =	sadd.s32 $0xFFFFFEF7, lr;
	s5 =	simm.s32 $0xFFFFFFFF;
	p2 =	slt.u32 s8, $0xFFFFF086  }
0x1c: {  	p1 =	slt.u32 s9, $0xF7A;
	s5 =	simm.s32 @!p2 $0x0  }
0x1d: {  	s5 =	simm.s32 @p1 $0x1;
	p0 =	seq.s32 s7, s2  }
0x1e: {  	s7 =	smul.u32 @!p0 $0xF7A, s2;
	p2 =	seq.s32 @!p0 s5, $0x0  }
0x1f: {  	s9 =	smul.u32 $0xF7A, s1;
	s8 =	simm.s32 @!p0 $0x1BF5;
	p2 =	por !p2, p0  }
0x20: {  	[sflag:s8] =	ssyncset.s32 @!p0 $0xFFFFF086;
	s6 =	sadd.s32 @!p0 s3, s7;
	s7 =	simm.s32 @!p0 $0x108  }
0x21: {  	s3 =	sadd.s32 s3, s9;
	s6 =	sadd.s32 @!p0 $0x88, s6;
	s7 =	simm.s32 @p2 $0x1082  }
0x22: {  	[simem:s7], [sflag:s8] =	dma.local @!p0 [hbm:s6], $0xF7A  }
0x23: {  	s9 =	sor.u32 $0xD0000000, s2;
	s6 =	simm.s32 $0x108;
	_ =	swait.ge @!p0 [sflag:s8], $0x0  }
0x24: {  	s3 =	sadd.s32 $0x88, s3;
	s6 =	simm.s32 @!p1 $0x1082;
	[sflag:s4] =	ssyncset.s32 $0xFFFFF086  }
0x25: {  	[simem:s6], [sflag:s4] =	dma.local [hbm:s3], $0xF7A  }
0x26: {  	[smem:$0x3F9F] =	sst s1;
	(tag) =	ssettag s2;
	_ =	strace s9  }
0x27: {  	s1 =	sld [smem:$0x3FAF]  }
0x28: {  	s2 =	sld [smem:$0x3FB0]  }
0x29: {  	s4 =	sld [smem:$0x3FB2]  }
0x2a: {  	p0 =	seq.s32 s5, $0x0;
	s5 =	sld [smem:$0x3FB3]  }
0x2b: {  	s6 =	sld [smem:$0x3FB4]  }
0x2c: {  	s7 =	sld [smem:$0x3FB5]  }
0x2d: {  	s3 =	simm.s32 $0x108;
	s8 =	sld [smem:$0x3FB6]  }
0x2e: {  	s3 =	simm.s32 @!p0 $0x1082;
	s9 =	sld [smem:$0x3FB7]  }
0x2f: {  	lr =	sadd.s32 s0, s3;
	s0 =	sld [smem:$0x3FAE]  }
0x30: {  	s3 =	sld [smem:$0x3FB1]  }
0x31: {  	[smem:$0x3FBA] =	sst s10  }
0x32: {  	s10 =	sld [smem:$0x3FB8];
	_ =	sdelay $0x3  }
0x33: {  	p0 =	seq.s32 s10, $0x1;
	s10 =	sld [smem:$0x3FBA];
	_ =	sdelay $0x3  }
0x34: {  	[smem:$0x3FBA] =	sst s10  }
0x35: {  	s10 =	sld [smem:$0x3FB9];
	_ =	sdelay $0x3  }
0x36: {  	p1 =	seq.s32 s10, $0x1;
	s10 =	sld [smem:$0x3FBA];
	_ =	sdelay $0x3  }
0x37: {  	[smem:$0x3FBA] =	sst s10  }
0x38: {  	s10 =	sld [smem:$0x3FBB]  }
0x39: {  	_ = 	snop;
	(pc) =	sbr.ind lr, $3  }
0x3a: {  	_ = 	snop  }
0x3b: {  	_ = 	snop  }
0x3c: {  	p2 =	seq.s32 s10, $0x1;
	s10 =	sld [smem:$0x3FBA]  }
0x3d: {  	_ =	shalt  }
0x3e: {  	_ =	shalt  }
0x3f: {  	_ =	shalt  }
0x40: {  	_ =	shalt  }
0x41: {  	_ =	shalt  }
0x42: {  	_ =	shalt  }
0x43: {  	_ =	shalt  }
0x44: {  	_ =	shalt  }
0x45: {  	_ =	shalt  }
0x46: {  	_ =	shalt  }
0x47: {  	_ =	shalt  }
0x48: {  	_ =	shalt  }
0x49: {  	_ =	shalt  }
0x4a: {  	_ =	shalt  }
0x4b: {  	_ =	shalt  }
0x4c: {  	_ =	shalt  }
0x4d: {  	_ =	shalt  }
0x4e: {  	_ =	shalt  }
0x4f: {  	_ =	shalt  }
0x50: {  	_ =	shalt  }
0x51: {  	_ =	shalt  }
0x52: {  	_ =	shalt  }
0x53: {  	_ =	shalt  }
0x54: {  	_ =	shalt  }
0x55: {  	_ =	shalt  }
0x56: {  	_ =	shalt  }
0x57: {  	_ =	shalt  }
0x58: {  	_ =	shalt  }
0x59: {  	_ =	shalt  }
0x5a: {  	_ =	shalt  }
0x5b: {  	_ =	shalt  }
0x5c: {  	_ =	shalt  }
0x5d: {  	_ =	shalt  }
0x5e: {  	_ =	shalt  }
0x5f: {  	_ =	shalt  }
0x60: {  	_ =	shalt  }
0x61: {  	_ =	shalt  }
0x62: {  	_ =	shalt  }
0x63: {  	_ =	shalt  }
0x64: {  	_ =	shalt  }
0x65: {  	_ =	shalt  }
0x66: {  	_ =	shalt  }
0x67: {  	_ =	shalt  }
0x68: {  	_ =	shalt  }
0x69: {  	_ =	shalt  }
0x6a: {  	_ =	shalt  }
0x6b: {  	_ =	shalt  }
0x6c: {  	_ =	shalt  }
0x6d: {  	_ =	shalt  }
0x6e: {  	_ =	shalt  }
0x6f: {  	_ =	shalt  }
0x70: {  	_ =	shalt  }
0x71: {  	_ =	shalt  }
0x72: {  	_ =	shalt  }
0x73: {  	_ =	shalt  }
0x74: {  	_ =	shalt  }
0x75: {  	_ =	shalt  }
0x76: {  	_ =	shalt  }
0x77: {  	_ =	shalt  }
0x78: {  	_ =	shalt  }
0x79: {  	_ =	shalt  }
0x7a: {  	_ =	shalt  }
0x7b: {  	_ =	shalt  }
0x7c: {  	_ =	shalt  }
0x7d: {  	_ =	shalt  }
0x7e: {  	_ =	shalt  }
0x7f: {  	_ =	shalt  }
0x80: {  	_ =	shalt  }
0x81: {  	_ =	shalt  }
0x82: {  	_ =	shalt  }
0x83: {  	_ =	shalt  }
0x84: {  	_ =	shalt  }
0x85: {  	_ =	shalt  }
0x86: {  	_ =	shalt  }
0x87: {  	_ =	shalt  }
.Lfunc_end0:
.L_simem_size_0:
called_computation_lowered:
.L_overlay_start_0:
0x88: {  	s2 =	sld [smem:$0x3FD9]  }
0x89: {  	s3 =	sld [smem:$0x3FFE];
	_ =	sdelay $0x1  }
0x8a: {  	s1 =	srdreg.scid  }
0x8b: {  	s0 =	sand.u32 $0x1, s1  }
0x8c: {  	s16 =	sshll.u32 s0, $0xA;
	s2 =	sadd.s32 s3, s2  }
0x8d: {  	s2 =	sadd.s32 s2, s16  }
0x8e: {  	[smem:$0x3FC6] =	sst s2  }
0x8f: {  	_ = 	snop  }
0x90: {  	(tm) =	ssettm $0x1  }
0x91: {  	s17 =	sld [smem:$0x3FFB];
	_ =	sdelay $0x3  }
0x92: {  	_ =	strace s17  }
0x93: {  	s2 =	sld [smem:$0x3FFC];
	_ =	sdelay $0x3  }
0x94: {  	_ =	strace s2  }
0x95: {  	s2 =	sld [smem:$0x3FFD];
	_ =	sdelay $0x3  }
0x96: {  	_ =	strace s2  }
0x97: {  	_ =	strace $0x8FFFFFFF  }
0x98: {  	s18 =	sld [smem:$0x3FDB];
	_ =	sdelay $0x1  }
0x99: {  	s19 =	simm.s32 $_scs_section_size  }
0x9a: {  	s4 =	simm.s32 $_size__tile_overlayer_lowered;
	s5 =	simm.s32 $_tile_overlayer_lowered  }
0x9b: {  	s22 =	simm.s32 $0x1BFF;
	s21 =	sshll.u32 s5, $0x1;
	s2 =	sadd.s32 s19, s18  }
0x9c: {  	s6 =	simm.s32 $0x0;
	s20 =	sshll.u32 s4, $0x1;
	s4 =	sadd.s32 s21, s2  }
0x9d: {  	[timem:s6], [sflag:s22] =	dma.local [hbm:s4], s20  }
0x9e: {  	_ =	swait.ge [sflag:s22], s20  }
0x9f: {  	s3 =	ssub.s32 $0x0, s20;
	[sflag:s22] =	ssyncset.done $0x0  }
0xa0: {  	[sflag:s22] =	ssyncadd.s32 s3;
	_ =	sdelay $0x1  }
0xa1: {  	s23 =	simm.s32 $0x1B8B  }
0xa2: {  	_ =	swait.ge [sflag:s23], $0x1  }
0xa3: {  	[sflag:s23] =	ssyncset.done $0x0  }
0xa4: {  	s25 =	simm.s32 $0x1B8E;
	s24 =	sld [smem:$0x3FFE];
	[sflag:s23] =	ssyncadd.s32 $0xFFFFFFFF  }
0xa5: {  	s26 =	simm.s32 $execute0_lowered;
	[smem:$0x3FD2] =	sst s25  }
0xa6: {  	s4 =	sshll.u32 s26, $0x1;
	_ =	strace $0x80000046;
	[dreg:$0x1] =	wrdreg $0xFFFFFFFF  }
0xa7: {  	s28 =	simm.s32 $_size_execute0_lowered;
	s2 =	sadd.s32 s2, s4;
	[dreg:$0x0] =	wrdreg $0x0  }
0xa8: {  	s4 =	sshll.u32 s28, $0x1;
	[dreg:$0x2] =	wrdreg s2  }
0xa9: {  	[dreg:$0x3] =	wrdreg s4  }
0xaa: {  	[dreg:$0x4] =	wrdreg $0xC0  }
0xab: {  	_ =	task [dreg:s6], $0x5FFFF  }
0xac: {  	[dreg:$0x1] =	wrdreg $0xFFFFFFFF  }
0xad: {  	[dreg:$0x0] =	wrdreg $0x60  }
0xae: {  	[dreg:$0x2] =	wrdreg s24  }
0xaf: {  	[dreg:$0x3] =	wrdreg $0x9  }
0xb0: {  	_ =	task.clear_ibuf [dreg:s6], $0x4FFFF;
	_ =	strace $0x90000046  }
0xb1: {  	s29 =	simm.s32 $0x9;
	_ =	strace $0x80000048  }
0xb2: {  	_ =	swait.ge [sflag:s29], $0x1  }
0xb3: {  	[sflag:s29] =	ssyncadd.s32 $0xFFFFFFFF  }
0xb4: {  	_ =	strace $0x90000048  }
0xb5: {  	_ =	sfence  }
0xb6: {  	s30 =	sld [smem:$0x0];
	_ =	sdelay $0x2  }
0xb7: {  	s31 =	sshll.u32 s1, $0xD;
	s1 =	sshrl.u32 s1, $0x2  }
0xb8: {  	s3 =	sand.u32 $0x4000, s31;
	s1 =	sadd.s32 s1, s30  }
0xb9: {  	s0 =	sor.u32 s3, s0;
	s1 =	sshll.u32 s1, $0x11  }
0xba: {  	s0 =	sor.u32 s1, s0  }
0xbb: {  	s0 =	sadd.s32 $0x8F2B, s0  }
0xbc: {  	[sflag:s0] =	ssyncadd.remote.s32 $0x1  }
0xbd: {  	_ =	sfence.sel $0xFFFF  }
0xbe: {  	[dreg:$0x0] =	wrdreg $0xFFFFFFFF;
	(pc) =	sbr.abs _section_cstart, $3  }
0xbf: {  	[dreg:$0x1] =	wrdreg $0xFFFFFFFF  }
0xc0: {  	_ =	task.clear_ibuf [dreg:s6], $0x2FFFF;
	_ =	strace $0x9FFFFFFF  }
0xc1: {  	(tm) =	ssettm $0x7FFFFFFF  }
tec
execute0_lowered:
.L_overlay_start_1:
0x0: {  	(tag) =	ssettag $0x1  }
0x1: {  	v0 =	vimm.s32 $0xEFCDAB89;
	v1 =	vimm.s32 $0x67452301;
	v3 =	vimm.s32 $0xDCFE98BA  }
0x2: {  	s4 =	rddreg [dreg:$0x0];
	v63 =	vimm.s32 $0x54761032;
	v4 =	vimm.s32 $0xBA98FEDC;
	v5 =	vimm.s32 $0xFEDCBA98  }
0x3: {  	s0 =	rddreg [dreg:$0x1];
	v6 =	vimm.s32 $0x32107654;
	v7 =	vimm.s32 $0x76543210;
	v0 =	vunpack.c.l.s4.s8 v0  }
0x4: {  	s2 =	simm.s32 $0x0;
	s3 =	srdreg.scid;
	s1 =	stileid.u32;
	v1 =	vunpack.c.l.s4.s8 v1;
	v62 =	vunpack.c.l.s4.s8 v3;
	v3 =	vunpack.c.l.s4.s8 v63  }
0x5: {  	s11 =	simm.s32 $0x3;
	s12 =	simm.s32 $0x1;
	s13 =	simm.s32 $0x2000;
	v5 =	vunpack.c.l.s4.s8 v5;
	v4 =	vunpack.c.l.s4.s8 v4;
	v6 =	vunpack.c.l.s4.s8 v6  }
0x6: {  	s14 =	simm.s32 $0x2;
	s15 =	simm.s32 $0x4280;
	s16 =	simm.s32 $0x4;
	v7 =	vunpack.c.l.s4.s8 v7;
	v2 =	vunpack.c.0.s8.s32 v0;
	v1 =	vunpack.c.0.s8.s32 v1  }
0x7: {  	[smem:$0x7FF] =	sst s2;
	s3 =	sand.u32 $0x1, s3;
	s5 =	sshll.u32 s1, $0x1;
	v5 =	vunpack.c.0.s8.s32 v5;
	v4 =	vunpack.c.0.s8.s32 v4;
	v6 =	vunpack.c.0.s8.s32 v6  }
0x8: {  	s17 =	simm.s32 $0x0;
	_ =	strace $0x80000047;
	s5 =	sor.u32 s3, s5;
	v3 =	vunpack.c.0.s8.s32 v3;
	v7 =	vunpack.c.0.s8.s32 v7;
	v49 =	vcombine.low v1, v2  }
0x9: {  	s6 =	ssub.s32 $0x2, s3;
	s3 =	sadd.s32 $0xA00, s4;
	s7 =	sshll.u32 s5, $0x4;
	v2 =	vunpack.c.0.s8.s32 v62;
	v8 =	vand.u32 $0xF, v5;
	v59 =	vcombine.low v6, v4  }
0xa: {  	s8 =	sshrl.u32 s6, $0x1;
	s30 =	sshll.u32 s5, $0xD;
	s31 =	sshll.u32 s5, $0x10;
	v61 =	vcombine.low v8, v7;
	[tilespmem:$0x1FFC0] =	vst v49  }
0xb: {  	s9 =	sadd.s32 s7, s4;
	s10 =	ssub.s32 s6, s8;
	s5 =	sadd.s32 s3, s30;
	v55 =	vcombine.low v3, v2;
	[tilespmem:$0x1FFE0] =	vst v59  }
0xc: {  	s6 =	sor.u32 $0x2000, s31;
	s7 =	sor.u32 $0x4000, s31;
	s4 =	sadd.s32 $0x40A00, s9;
	[tilespmem:$0x1FFF0] =	vst v61  }
0xd: {  	v58 =	vimm.s32 $0x0;
	v60 =	vimm.s32 $0x1;
	s8 =	sadd.s32 $0x40C00, s9;
	s9 =	smax.u32 s10, $0x1;
	s10 =	simm.s32 $0x4000;
	[tilespmem:$0x1FFD0] =	vst v55  }
.LBB2_1:
0xe: {  	[tilespmem:s10], [sflag:$0x3] =	stream.linear.gather [hbm4b:s4+s2], $0x80, $0x38;
	[tilespmem:$0x4300] =	vst v63  }
0xf: {  	_ =	swait.ge [sflag:s11], $0x80  }
0x10: {  	[sflag:s11] =	ssyncset.done $0x0  }
0x11: {  	[sflag:s11] =	ssyncadd.s32 $0xFFFFFF80  }
0x12: {  	v62 =	vld [tilespmem:$0x4000]  }
0x13: {  	v23 =	vimm.f32 $0.0e+00;
	v50 =	vld [tilespmem:$0x4020]  }
0x14: {  	v13 =	vimm.f32 $1.000000000e+00;
	v12 =	vimm.f32 $0.0e+00;
	[tilespmem:$0x4180] =	vst v23;
	v57 =	vld [tilespmem:$0x4030]  }
0x15: {  	v15 =	vimm.f32 $0.0e+00;
	v17 =	vimm.f32 $0.0e+00;
	v21 =	vimm.f32 $0.0e+00;
	[tilespmem:$0x4200] =	vst v23  }
0x16: {  	v11 =	vimm.f32 $0.0e+00;
	v14 =	vimm.f32 $0.0e+00;
	v16 =	vimm.f32 $0.0e+00;
	v48 =	vld [tilespmem:$0x4010];
	[tilespmem:s2], [sflag:$0x1] =	stream.linear.gather [hbm4b:s5+s2], $0x2000, $0x38  }
0x17: {  	v18 =	vimm.f32 $0.0e+00;
	v19 =	vimm.f32 $0.0e+00;
	v22 =	vimm.f32 $0.0e+00;
	[tilespmem:$0x1FF90] =	vst v62  }
0x18: {  	v26 =	vimm.f32 $0.0e+00;
	v30 =	vimm.f32 $0.0e+00;
	v20 =	vimm.f32 $0.0e+00;
	[tilespmem:$0x1FFA0] =	vst v50  }
0x19: {  	v24 =	vimm.f32 $0.0e+00;
	v27 =	vimm.f32 $0.0e+00;
	v25 =	vimm.f32 $0.0e+00;
	s18 =	simm.s32 $0x0;
	[tilespmem:$0x1FFB0] =	vst v57  }
.LBB2_2:
0x1a: {  	s19 =	sshll.u32 s18, $0xE  }
0x1b: {  	_ =	swait.ge [sflag:s12], $0x2000;
	s19 =	sadd.s32 s6, s19  }
0x1c: {  	[sflag:s12] =	ssyncset.done $0x0;
	s19 =	sshrl.u32 s19, $0x3  }
0x1d: {  	[sflag:s12] =	ssyncadd.s32 $0xFFFFE000;
	s20 =	sadd.s32 s3, s19;
	s19 =	simm.s32 $0x0  }
0x1e: {  	v10 =	vmov v48;
	[tilespmem:s13], [sflag:$0x2] =	stream.linear.gather [hbm4b:s20+s19], $0x2000, $0x38;
	[tilespmem:$0x4300] =	vst v63  }
.LBB2_3:
0x1f: {  	s20 =	sshra.s32 s19, $0x2  }
0x20: {  	v28 =	vld [tilespmem:s20+$0x0]  }
0x21: {  	v29 =	vld [tilespmem:s20+$0x40]  }
0x22: {  	v31 =	vld [tilespmem:s20+$0x10]  }
0x23: {  	v33 =	vld [tilespmem:s20+$0x20]  }
0x24: {  	v34 =	vld [tilespmem:s20+$0x30];
	_ =	sdelay $0x1  }
0x25: {  	v32 =	vmul.f32 $1.442695020e+00, v28  }
0x26: {  	v36 =	vperm.xlane v29, v58;
	v35 =	vmul.f32 $1.442695020e+00, v31  }
0x27: {  	v49 =	vmul.f32 $1.442695020e+00, v33;
	(erf) = vpow2.f32 v32  }
0x28: {  	v50 =	vmul.f32 $1.442695020e+00, v34;
	(erf) = vpow2.f32 v35  }
0x29: {  	v51 =	vmul.f32 $1.442695020e+00, v36;
	(erf) = vpow2.f32 v49  }
0x2a: {  	(erf) = vpow2.f32 v50  }
0x2b: {  	v37 =	vperm.xlane v29, v60;
	(erf) = vpow2.f32 v51;
	_ =	sdelay $0x1  }
0x2c: {  	v0 =	vimm.s32 $0x2;
	v52 =	vmul.f32 $1.442695020e+00, v37  }
0x2d: {  	[tilespmem:$0x4208] =	vst v21;
	v29 =	vperm.xlane v29, v0  }
0x2e: {  	v6 =	vld [tilespmem:$0x4207];
	(erf) = vpow2.f32 v52  }
0x2f: {  	v28 =	vsub.f32 v28, v29;
	v38 =	vpop (erf)  }
0x30: {  	v31 =	vsub.f32 v31, v29;
	v40 =	vpop (erf)  }
0x31: {  	v42 =	vmul.f32 v28, v38;
	v28 =	vsub.f32 v33, v29;
	v35 =	vpop (erf)  }
0x32: {  	[tilespmem:$0x4080] =	vst v13;
	v53 =	vsub.f32 v34, v29;
	v43 =	vmul.f32 v31, v40;
	v31 =	vsub.f32 v36, v29;
	v32 =	vpop (erf)  }
0x33: {  	[tilespmem:$0x4100] =	vst v23;
	v6 =	vmul.f32 v6, v62;
	v36 =	vmul.f32 v28, v35;
	v39 =	vpop (erf)  }
0x34: {  	[tilespmem:$0x4188] =	vst v18;
	v33 =	vmul.f32 v53, v32;
	v44 =	vmul.f32 v39, v31  }
0x35: {  	[tilespmem:$0x4098] =	vst v27;
	v47 =	vmul.f32 v39, v16;
	v48 =	vmul.f32 v39, v14  }
0x36: {  	[tilespmem:$0x4118] =	vst v26;
	v29 =	vsub.f32 v37, v29;
	v55 =	vmul.f32 v39, v11;
	v50 =	vmul.f32 v39, v21  }
0x37: {  	[tilespmem:$0x4198] =	vst v16;
	v34 =	vpop (erf);
	v3 =	vmul.f32 v39, v15;
	v7 =	vmul.f32 v39, v12  }
0x38: {  	[tilespmem:$0x4218] =	vst v17;
	v41 =	vadd.f32 v34, v39;
	v37 =	vmul.f32 v34, v29;
	v29 =	vmul.f32 v39, v18  }
0x39: {  	[tilespmem:$0x40A8] =	vst v24;
	v51 =	vmul.f32 v44, v18;
	v53 =	vmul.f32 v44, v14  }
0x3a: {  	[tilespmem:$0x4128] =	vst v22;
	v28 =	vmul.f32 v41, v25;
	v46 =	vmul.f32 v41, v27  }
0x3b: {  	[tilespmem:$0x41A8] =	vst v14;
	v45 =	vadd.f32 v37, v44;
	v54 =	vmul.f32 v41, v20;
	v56 =	vmul.f32 v41, v30  }
0x3c: {  	[tilespmem:$0x4108] =	vst v30;
	v30 =	vmul.f32 v41, v26;
	v63 =	vmul.f32 v41, v22;
	v31 =	vadd.f32 v28, v29  }
0x3d: {  	[tilespmem:$0x4228] =	vst v15;
	v28 =	vmul.f32 v41, v24;
	v29 =	vadd.f32 v46, v47;
	v49 =	vmul.f32 v45, v25  }
0x3e: {  	[tilespmem:$0x4088] =	vst v25;
	v25 =	vadd.f32 v54, v55;
	v59 =	vmul.f32 v45, v27;
	v0 =	vmul.f32 v45, v24  }
0x3f: {  	[tilespmem:$0x40B8] =	vst v20;
	v2 =	vld [tilespmem:$0x4187];
	v5 =	vmul.f32 v45, v20;
	v20 =	vadd.f32 v37, v42;
	v55 =	vadd.f32 v34, v40  }
0x40: {  	[tilespmem:$0x4138] =	vst v19;
	v52 =	vld [tilespmem:$0x4087];
	v4 =	vmul.f32 v41, v19;
	v28 =	vadd.f32 v28, v48;
	v61 =	vadd.f32 v49, v56  }
0x41: {  	[tilespmem:$0x41B8] =	vst v11;
	v23 =	vmul.f32 v41, v23;
	v54 =	vld [tilespmem:$0x4107];
	v30 =	vadd.f32 v59, v30;
	v48 =	vadd.f32 v0, v63  }
0x42: {  	[tilespmem:$0x4238] =	vst v12;
	v27 =	vmul.f32 v39, v17;
	v47 =	vadd.f32 v5, v4;
	v56 =	vld [tilespmem:$0x4217];
	v59 =	vadd.f32 v34, v38  }
0x43: {  	v63 =	vmul.f32 v45, v13;
	v4 =	vadd.f32 v37, v43;
	v45 =	vld [tilespmem:s20+$0xC0];
	v5 =	vadd.f32 v34, v35  }
0x44: {  	v17 =	vmul.f32 v55, v17;
	v26 =	vadd.f32 v61, v50;
	v27 =	vadd.f32 v30, v27;
	v61 =	vld [tilespmem:$0x4097]  }
0x45: {  	v30 =	vmul.f32 v44, v16;
	v22 =	vadd.f32 v47, v7;
	v44 =	vmul.f32 v44, v11;
	v7 =	vld [tilespmem:$0x4117]  }
0x46: {  	v48 =	vadd.f32 v48, v3;
	v50 =	vmul.f32 v59, v18;
	v21 =	vmul.f32 v59, v21;
	v59 =	vld [tilespmem:$0x4227]  }
0x47: {  	v39 =	vadd.f32 v26, v51;
	v26 =	vadd.f32 v27, v30;
	v27 =	vmul.f32 v2, v62;
	v30 =	vld [tilespmem:$0x4197]  }
0x48: {  	v18 =	vmul.f32 v20, v18;
	v19 =	vadd.f32 v6, v54;
	v24 =	vadd.f32 v48, v53;
	v48 =	vld [tilespmem:s20+$0x80]  }
0x49: {  	v47 =	vmul.f32 v55, v16;
	v16 =	vmul.f32 v4, v16;
	v6 =	vld [tilespmem:$0x1FFA0];
	v27 =	vadd.f32 v27, v52  }
0x4a: {  	v18 =	vadd.f32 v18, v21;
	v20 =	vmul.f32 v56, v10;
	v56 =	vld [tilespmem:$0x41A7];
	v19 =	vmul.f32 v19, v38  }
0x4b: {  	v51 =	vmul.f32 v27, v38;
	v27 =	vmul.f32 v27, v42;
	v42 =	vadd.f32 v63, v23;
	v63 =	vld [tilespmem:$0x1FFA0]  }
0x4c: {  	v20 =	vadd.f32 v20, v7;
	v18 =	vadd.f32 v19, v18;
	v19 =	vld [tilespmem:$0x40A7];
	v30 =	vmul.f32 v30, v10  }
0x4d: {  	v1 =	vimm.s32 $0x2;
	v49 =	vld [tilespmem:s20+$0x90];
	v3 =	vmul.f32 v5, v14;
	v4 =	vmul.f32 $1.442695020e+00, v48  }
0x4e: {  	v15 =	vmul.f32 v5, v15;
	v20 =	vmul.f32 v20, v40;
	v30 =	vadd.f32 v30, v61  }
0x4f: {  	v52 =	vld [tilespmem:s20+$0xA0];
	v7 =	vmul.f32 v56, v6;
	v61 =	vadd.f32 v37, v36;
	(erf) = vpow2.f32 v4  }
0x50: {  	v16 =	vadd.f32 v16, v17;
	v21 =	vmul.f32 v30, v40;
	v2 =	vmul.f32 v59, v63;
	v59 =	vld [tilespmem:s20+$0xB0]  }
0x51: {  	v19 =	vadd.f32 v7, v19;
	v30 =	vmul.f32 v30, v43;
	v14 =	vmul.f32 v61, v14;
	v61 =	vld [tilespmem:$0x4127]  }
0x52: {  	v63 =	vperm.xlane v45, v58;
	v40 =	vadd.f32 v18, v27;
	v27 =	vmul.f32 $1.442695020e+00, v49  }
0x53: {  	v16 =	vadd.f32 v20, v16;
	v18 =	vperm.xlane v45, v60;
	v20 =	vmul.f32 v19, v35  }
0x54: {  	v23 =	vadd.f32 v21, v47;
	v21 =	vmul.f32 $1.442695020e+00, v52;
	(erf) = vpow2.f32 v27  }
0x55: {  	v27 =	vld [tilespmem:$0x41B7];
	v14 =	vadd.f32 v14, v15;
	v15 =	vmul.f32 v41, v13;
	v17 =	vmul.f32 $1.442695020e+00, v59  }
0x56: {  	v6 =	vld [tilespmem:$0x4237];
	(erf) = vpow2.f32 v21;
	v21 =	vmul.f32 $1.442695020e+00, v63;
	v5 =	vadd.f32 v2, v61  }
0x57: {  	v22 =	vadd.f32 v22, v44;
	v7 =	vld [tilespmem:$0x40B7];
	(erf) = vpow2.f32 v17;
	v17 =	vmul.f32 $1.442695020e+00, v18  }
0x58: {  	v38 =	vadd.f32 v51, v50;
	v47 =	vld [tilespmem:$0x4137];
	(erf) = vpow2.f32 v21;
	v21 =	vmul.f32 v5, v35  }
0x59: {  	v41 =	vadd.f32 v16, v30;
	v16 =	vadd.f32 v20, v3;
	(erf) = vpow2.f32 v17  }
0x5a: {  	v17 =	vmul.f32 v27, v57;
	v13 =	vadd.f32 v21, v14;
	v14 =	vmul.f32 v19, v36  }
0x5b: {  	v20 =	vadd.f32 v34, v32;
	v27 =	vadd.f32 v37, v33;
	v19 =	vmul.f32 v6, v57  }
0x5c: {  	v21 =	vadd.f32 v13, v14;
	v13 =	vadd.f32 v17, v7;
	v17 =	vperm.xlane v45, v1  }
0x5d: {  	v12 =	vmul.f32 v20, v12;
	v14 =	vadd.f32 v19, v47;
	v19 =	vmul.f32 v27, v11  }
0x5e: {  	v20 =	vmul.f32 v20, v11;
	v37 =	vpop (erf);
	v27 =	vmul.f32 v13, v32;
	v30 =	vsub.f32 v48, v17  }
0x5f: {  	v43 =	vpop (erf);
	v12 =	vadd.f32 v19, v12;
	v19 =	vmul.f32 v14, v32;
	v51 =	vsub.f32 v49, v17  }
0x60: {  	v11 =	vpop (erf);
	v13 =	vmul.f32 v13, v33;
	v53 =	vsub.f32 v52, v17;
	v54 =	vsub.f32 v59, v17  }
0x61: {  	v55 =	vsub.f32 v63, v17;
	v18 =	vsub.f32 v18, v17;
	v14 =	vpop (erf);
	v44 =	vmul.f32 v30, v37  }
0x62: {  	v46 =	vmul.f32 v51, v43;
	v32 =	vmul.f32 v53, v11;
	v12 =	vadd.f32 v19, v12;
	v45 =	vpop (erf)  }
0x63: {  	v27 =	vadd.f32 v27, v20;
	v17 =	vmul.f32 v54, v14;
	v47 =	vmul.f32 v45, v55  }
0x64: {  	v30 =	vpop (erf);
	v34 =	vadd.f32 v12, v13;
	v12 =	vmul.f32 v45, v38;
	v20 =	vmul.f32 v45, v23  }
0x65: {  	[tilespmem:$0x4100] =	vst v42;
	v61 =	vmul.f32 v45, v40;
	v3 =	vmul.f32 v45, v41;
	v36 =	vadd.f32 v30, v45  }
0x66: {  	[tilespmem:$0x4188] =	vst v38;
	v5 =	vmul.f32 v45, v21;
	v35 =	vmul.f32 v30, v18  }
0x67: {  	[tilespmem:$0x4098] =	vst v29;
	v18 =	vmul.f32 v36, v31;
	v19 =	vmul.f32 v36, v29  }
0x68: {  	[tilespmem:$0x4118] =	vst v26;
	v56 =	vmul.f32 v36, v28;
	v59 =	vmul.f32 v36, v25  }
0x69: {  	[tilespmem:$0x40A8] =	vst v28;
	v48 =	vadd.f32 v35, v47;
	v63 =	vmul.f32 v36, v26;
	v26 =	vmul.f32 v47, v38  }
0x6a: {  	[tilespmem:$0x40B8] =	vst v25;
	v7 =	vmul.f32 v36, v22;
	v42 =	vmul.f32 v36, v42;
	v13 =	vadd.f32 v18, v12  }
0x6b: {  	[tilespmem:$0x4080] =	vst v15;
	v12 =	vmul.f32 v45, v16;
	v18 =	vadd.f32 v19, v20;
	v19 =	vmul.f32 v36, v39  }
0x6c: {  	v4 =	vld [tilespmem:$0x4187];
	[tilespmem:$0x4088] =	vst v31;
	v20 =	vmul.f32 v48, v31;
	v31 =	vmul.f32 v45, v27  }
0x6d: {  	[tilespmem:$0x4108] =	vst v39;
	v0 =	vmul.f32 v48, v29;
	v2 =	vmul.f32 v48, v28  }
0x6e: {  	[tilespmem:$0x4208] =	vst v40;
	v6 =	vld [tilespmem:$0x4087];
	v45 =	vmul.f32 v45, v34;
	v12 =	vadd.f32 v56, v12;
	v19 =	vadd.f32 v20, v19  }
0x6f: {  	[tilespmem:$0x4128] =	vst v24;
	v55 =	vld [tilespmem:$0x1FFA0];
	v20 =	vadd.f32 v59, v31;
	v31 =	vmul.f32 v36, v24;
	v29 =	vadd.f32 v0, v63  }
0x70: {  	[tilespmem:$0x4138] =	vst v22;
	v59 =	vmul.f32 v48, v25;
	v63 =	vmul.f32 v47, v23;
	v19 =	vadd.f32 v19, v61;
	v61 =	vld [tilespmem:$0x4207]  }
0x71: {  	[tilespmem:$0x4198] =	vst v23;
	v24 =	vmul.f32 v4, v62;
	v31 =	vadd.f32 v2, v31;
	v29 =	vadd.f32 v29, v3;
	v2 =	vld [tilespmem:$0x4107]  }
0x72: {  	[tilespmem:$0x4218] =	vst v41;
	v0 =	vmul.f32 v47, v16;
	v4 =	vadd.f32 v30, v37;
	v56 =	vadd.f32 v35, v44;
	v3 =	vld [tilespmem:$0x4197]  }
0x73: {  	[tilespmem:$0x41A8] =	vst v16;
	v25 =	vmul.f32 v48, v15;
	v24 =	vadd.f32 v24, v6;
	v33 =	vadd.f32 v29, v63;
	v29 =	vld [tilespmem:$0x4097]  }
0x74: {  	[tilespmem:$0x4228] =	vst v21;
	v50 =	vmul.f32 v4, v38;
	v39 =	vmul.f32 v4, v40;
	v31 =	vadd.f32 v31, v5;
	v5 =	vld [tilespmem:$0x4217]  }
0x75: {  	[tilespmem:$0x41B8] =	vst v27;
	v38 =	vmul.f32 v56, v38;
	v28 =	vadd.f32 v19, v26;
	v26 =	vadd.f32 v59, v7;
	v59 =	vld [tilespmem:$0x41A7]  }
0x76: {  	[tilespmem:$0x4238] =	vst v34;
	v7 =	vld [tilespmem:$0x4117];
	v19 =	vadd.f32 v31, v0;
	v31 =	vmul.f32 v47, v27;
	v6 =	vmul.f32 v61, v62  }
0x77: {  	v53 =	vld [tilespmem:s20+$0x100];
	v26 =	vadd.f32 v26, v45;
	v47 =	vmul.f32 v24, v37;
	v51 =	vmul.f32 v3, v10  }
0x78: {  	v63 =	vld [tilespmem:$0x40A7];
	v24 =	vmul.f32 v24, v44;
	v61 =	vadd.f32 v30, v43;
	v22 =	vadd.f32 v6, v2  }
0x79: {  	v4 =	vld [tilespmem:$0x4227];
	v29 =	vadd.f32 v51, v29;
	v3 =	vmul.f32 v5, v10;
	v5 =	vadd.f32 v35, v46  }
0x7a: {  	v45 =	vld [tilespmem:s20+$0x130];
	v6 =	vmul.f32 v61, v23;
	v52 =	vmul.f32 v59, v55;
	v59 =	vadd.f32 v30, v11  }
0x7b: {  	v44 =	vld [tilespmem:s20+$0x110];
	v22 =	vmul.f32 v22, v37;
	v49 =	vadd.f32 v3, v7;
	v7 =	vmul.f32 v29, v43  }
0x7c: {  	v55 =	vld [tilespmem:s20+$0x140];
	v37 =	vadd.f32 v26, v31;
	v31 =	vmul.f32 v61, v41;
	v56 =	vmul.f32 v5, v23  }
0x7d: {  	v48 =	vadd.f32 v52, v63;
	v23 =	vadd.f32 v38, v39;
	v29 =	vmul.f32 v29, v46;
	v61 =	vld [tilespmem:$0x1FFA0]  }
0x7e: {  	v52 =	vld [tilespmem:s20+$0x120];
	v38 =	vadd.f32 v25, v42;
	v25 =	vmul.f32 v59, v16;
	v26 =	vmul.f32 $1.442695020e+00, v53  }
0x7f: {  	v1 =	vimm.s32 $0x2;
	v5 =	vmul.f32 $1.442695020e+00, v45;
	v21 =	vmul.f32 v59, v21  }
0x80: {  	v39 =	vmul.f32 v36, v15;
	v43 =	vmul.f32 v49, v43;
	v22 =	vadd.f32 v22, v23  }
0x81: {  	v59 =	vadd.f32 v35, v17;
	v0 =	vmul.f32 v48, v11;
	(erf) = vpow2.f32 v26  }
0x82: {  	v40 =	vadd.f32 v22, v24;
	v22 =	vld [tilespmem:$0x4127];
	v63 =	vmul.f32 v4, v61;
	v4 =	vmul.f32 $1.442695020e+00, v44  }
0x83: {  	v23 =	vadd.f32 v47, v50;
	v2 =	vperm.xlane v55, v58;
	v24 =	vmul.f32 $1.442695020e+00, v52  }
0x84: {  	v26 =	vadd.f32 v7, v6;
	v31 =	vadd.f32 v56, v31;
	(erf) = vpow2.f32 v4  }
0x85: {  	v6 =	vadd.f32 v35, v32;
	v7 =	vld [tilespmem:$0x41B7];
	(erf) = vpow2.f32 v24;
	v24 =	vmul.f32 $1.442695020e+00, v2  }
0x86: {  	v56 =	vld [tilespmem:$0x4237];
	v3 =	vperm.xlane v55, v60;
	v31 =	vadd.f32 v43, v31;
	(erf) = vpow2.f32 v5  }
0x87: {  	v16 =	vmul.f32 v6, v16;
	v22 =	vadd.f32 v63, v22;
	(erf) = vpow2.f32 v24;
	v24 =	vld [tilespmem:$0x40B7]  }
0x88: {  	v15 =	vld [tilespmem:$0x4137];
	v54 =	vmul.f32 $1.442695020e+00, v3;
	v61 =	vperm.xlane v55, v1;
	v29 =	vadd.f32 v31, v29  }
0x89: {  	v31 =	vadd.f32 v0, v25;
	v16 =	vadd.f32 v16, v21;
	v11 =	vmul.f32 v22, v11  }
0x8a: {  	[tilespmem:$0x4098] =	vst v18;
	v21 =	vadd.f32 v30, v14;
	v25 =	vmul.f32 v7, v57;
	(erf) = vpow2.f32 v54  }
0x8b: {  	[tilespmem:$0x4080] =	vst v39;
	v22 =	vmul.f32 v48, v32;
	v11 =	vadd.f32 v11, v16;
	v16 =	vmul.f32 v56, v57  }
0x8c: {  	[tilespmem:$0x4100] =	vst v38;
	v34 =	vmul.f32 v21, v34;
	v24 =	vadd.f32 v25, v24;
	v25 =	vmul.f32 v59, v27  }
0x8d: {  	[tilespmem:$0x4138] =	vst v37;
	v21 =	vmul.f32 v21, v27;
	v30 =	vpop (erf);
	v41 =	vadd.f32 v11, v22;
	v15 =	vadd.f32 v16, v15  }
0x8e: {  	[tilespmem:$0x4088] =	vst v13;
	v27 =	vsub.f32 v53, v61;
	v43 =	vpop (erf);
	v22 =	vmul.f32 v24, v14;
	v25 =	vadd.f32 v25, v34  }
0x8f: {  	[tilespmem:$0x4108] =	vst v28;
	v16 =	vpop (erf);
	v14 =	vmul.f32 v15, v14;
	v17 =	vmul.f32 v24, v17;
	v24 =	vsub.f32 v52, v61  }
0x90: {  	[tilespmem:$0x4188] =	vst v23;
	v35 =	vsub.f32 v45, v61;
	v50 =	vmul.f32 v27, v30;
	v27 =	vsub.f32 v2, v61;
	v11 =	vpop (erf)  }
0x91: {  	[tilespmem:$0x4118] =	vst v33;
	v63 =	vsub.f32 v3, v61;
	v36 =	vpop (erf);
	v0 =	vadd.f32 v14, v25;
	v14 =	vmul.f32 v24, v16  }
0x92: {  	[tilespmem:$0x4198] =	vst v26;
	v15 =	vsub.f32 v44, v61;
	v27 =	vmul.f32 v36, v27;
	v2 =	vmul.f32 v36, v26  }
0x93: {  	[tilespmem:$0x4128] =	vst v19;
	v22 =	vadd.f32 v22, v21;
	v42 =	vpop (erf);
	v4 =	vmul.f32 v36, v31;
	v52 =	vmul.f32 v36, v40  }
0x94: {  	[tilespmem:$0x4208] =	vst v40;
	v54 =	vmul.f32 v36, v29;
	v45 =	vmul.f32 v36, v41;
	v44 =	vadd.f32 v42, v36  }
0x95: {  	[tilespmem:$0x4218] =	vst v29;
	v25 =	vmul.f32 v42, v63;
	v24 =	vadd.f32 v0, v17;
	v17 =	vmul.f32 v36, v23  }
0x96: {  	[tilespmem:$0x41A8] =	vst v31;
	v7 =	vmul.f32 v36, v22;
	v56 =	vmul.f32 v27, v23  }
0x97: {  	[tilespmem:$0x40A8] =	vst v12;
	v57 =	vmul.f32 v27, v26;
	v21 =	vmul.f32 v44, v13  }
0x98: {  	v55 =	vld [tilespmem:$0x4187];
	[tilespmem:$0x40B8] =	vst v20;
	v1 =	vmul.f32 v44, v18;
	v3 =	vmul.f32 v44, v12  }
0x99: {  	[tilespmem:$0x4228] =	vst v41;
	v46 =	vadd.f32 v25, v27;
	v5 =	vmul.f32 v44, v20;
	v28 =	vmul.f32 v44, v28  }
0x9a: {  	v61 =	vld [tilespmem:$0x4087];
	[tilespmem:$0x41B8] =	vst v22;
	v33 =	vmul.f32 v44, v33;
	v59 =	vmul.f32 v44, v19  }
0x9b: {  	v63 =	vld [tilespmem:$0x4207];
	[tilespmem:$0x4238] =	vst v24;
	v0 =	vmul.f32 v44, v37;
	v21 =	vadd.f32 v21, v17;
	v13 =	vmul.f32 v46, v13  }
0x9c: {  	v34 =	vld [tilespmem:s20+$0x180];
	v17 =	vadd.f32 v1, v2;
	v6 =	vmul.f32 v46, v18;
	v18 =	vadd.f32 v3, v4  }
0x9d: {  	v37 =	vld [tilespmem:s20+$0x190];
	v20 =	vmul.f32 v46, v20;
	v2 =	vmul.f32 v55, v62;
	v4 =	vadd.f32 v42, v30  }
0x9e: {  	v3 =	vmul.f32 v36, v24;
	v28 =	vadd.f32 v13, v28;
	v53 =	vadd.f32 v6, v33  }
0x9f: {  	v13 =	vadd.f32 v5, v7;
	v5 =	vmul.f32 v44, v38;
	v20 =	vadd.f32 v20, v0  }
0xa0: {  	v6 =	vmul.f32 v63, v62;
	v38 =	vld [tilespmem:s20+$0x1A0];
	v28 =	vadd.f32 v28, v52;
	v32 =	vadd.f32 v53, v54  }
0xa1: {  	v54 =	vadd.f32 v2, v61;
	v20 =	vadd.f32 v20, v3;
	v2 =	vmul.f32 $1.442695020e+00, v34  }
0xa2: {  	v47 =	vld [tilespmem:s20+$0x1C0];
	v3 =	vmul.f32 $1.442695020e+00, v37;
	v19 =	vadd.f32 v28, v56;
	v28 =	vmul.f32 v46, v12  }
0xa3: {  	v1 =	vld [tilespmem:$0x4197];
	v12 =	vadd.f32 v32, v57;
	v32 =	vmul.f32 v27, v31;
	v27 =	vmul.f32 v27, v22  }
0xa4: {  	v36 =	vld [tilespmem:s20+$0x1B0];
	v56 =	vmul.f32 v4, v23;
	v61 =	vmul.f32 v54, v30  }
0xa5: {  	v62 =	vld [tilespmem:$0x4107];
	(erf) = vpow2.f32 v2;
	v20 =	vadd.f32 v20, v27;
	v27 =	vmul.f32 $1.442695020e+00, v38  }
0xa6: {  	v7 =	vadd.f32 v25, v50;
	(erf) = vpow2.f32 v3;
	v28 =	vadd.f32 v28, v59;
	v59 =	vld [tilespmem:$0x1FFA0]  }
0xa7: {  	v40 =	vmul.f32 v4, v40;
	(erf) = vpow2.f32 v27;
	v27 =	vadd.f32 v61, v56;
	v61 =	vld [tilespmem:$0x41A7]  }
0xa8: {  	v63 =	vmul.f32 v7, v23;
	v48 =	vperm.xlane v47, v58  }
0xa9: {  	v49 =	vperm.xlane v47, v60;
	v46 =	vmul.f32 v46, v39;
	v4 =	vld [tilespmem:$0x4097];
	v28 =	vadd.f32 v28, v45  }
0xaa: {  	v51 =	vmul.f32 v1, v10;
	v60 =	vadd.f32 v63, v40;
	v63 =	vld [tilespmem:$0x4227];
	v45 =	vadd.f32 v6, v62  }
0xab: {  	v0 =	vmul.f32 $1.442695020e+00, v36;
	v23 =	vadd.f32 v28, v32;
	v28 =	vadd.f32 v46, v5;
	v5 =	vld [tilespmem:$0x4217]  }
0xac: {  	v30 =	vmul.f32 v45, v30;
	v45 =	vmul.f32 v61, v59;
	v61 =	vld [tilespmem:$0x1FFA0]  }
0xad: {  	v15 =	vmul.f32 v15, v43;
	v6 =	vmul.f32 $1.442695020e+00, v48;
	v62 =	vadd.f32 v42, v43  }
0xae: {  	v7 =	vmul.f32 $1.442695020e+00, v49;
	(erf) = vpow2.f32 v0;
	v56 =	vadd.f32 v51, v4;
	v4 =	vld [tilespmem:$0x4127]  }
0xaf: {  	v1 =	vld [tilespmem:$0x4117];
	(erf) = vpow2.f32 v6;
	v29 =	vmul.f32 v62, v29  }
0xb0: {  	v3 =	vadd.f32 v25, v15;
	(erf) = vpow2.f32 v7;
	v46 =	vmul.f32 v5, v10  }
0xb1: {  	v55 =	vld [tilespmem:$0x40A7];
	v30 =	vadd.f32 v30, v60;
	v5 =	vmul.f32 v62, v26;
	v62 =	vmul.f32 v63, v61  }
0xb2: {  	v7 =	vld [tilespmem:$0x41B7];
	v26 =	vmul.f32 v3, v26  }
0xb3: {  	v2 =	vmul.f32 v54, v50;
	v59 =	vadd.f32 v62, v4;
	v4 =	vld [tilespmem:$0x1FFB0]  }
0xb4: {  	v33 =	vpop (erf);
	v46 =	vadd.f32 v46, v1;
	v50 =	vadd.f32 v26, v29  }
0xb5: {  	v6 =	vmul.f32 v56, v43;
	v60 =	vld [tilespmem:$0x40B7];
	v40 =	vadd.f32 v30, v2;
	v30 =	vpop (erf)  }
0xb6: {  	v55 =	vadd.f32 v45, v55;
	v29 =	vpop (erf);
	v63 =	vadd.f32 v42, v16;
	v43 =	vmul.f32 v46, v43  }
0xb7: {  	v32 =	vadd.f32 v6, v5;
	v6 =	vadd.f32 v25, v14;
	v26 =	vpop (erf)  }
0xb8: {  	v46 =	vmul.f32 v63, v31;
	v57 =	vadd.f32 v43, v50;
	v50 =	vpop (erf);
	v5 =	vmul.f32 v7, v4  }
0xb9: {  	v51 =	vld [tilespmem:$0x4237];
	v41 =	vmul.f32 v63, v41;
	v61 =	vpop (erf);
	v7 =	vmul.f32 v55, v16  }
0xba: {  	v52 =	vadd.f32 v61, v50;
	v4 =	vmul.f32 v6, v31;
	v58 =	vadd.f32 v5, v60;
	v5 =	vld [tilespmem:$0x1FFB0]  }
0xbb: {  	v9 =	vld [tilespmem:$0x1FFA0];
	v39 =	vmul.f32 v44, v39;
	v31 =	vadd.f32 v7, v46  }
0xbc: {  	v54 =	vld [tilespmem:$0x4137];
	[tilespmem:$0x4188] =	vst v27;
	v62 =	vadd.f32 v4, v41;
	v7 =	vmul.f32 v52, v21;
	v4 =	vmul.f32 v50, v27  }
0xbd: {  	[tilespmem:$0x4080] =	vst v39;
	v44 =	vld [tilespmem:$0x4187]  }
0xbe: {  	[tilespmem:$0x4198] =	vst v32;
	v60 =	vadd.f32 v42, v11;
	v41 =	vadd.f32 v7, v4;
	v7 =	vld [tilespmem:$0x1FF90]  }
0xbf: {  	[tilespmem:$0x4088] =	vst v21;
	v6 =	vmul.f32 v51, v5;
	v51 =	vld [tilespmem:$0x4197]  }
0xc0: {  	[tilespmem:$0x4098] =	vst v17;
	v53 =	vld [tilespmem:$0x4087];
	v45 =	vmul.f32 v60, v22;
	v46 =	vmul.f32 v58, v11  }
0xc1: {  	v2 =	vld [tilespmem:$0x4097];
	[tilespmem:$0x41A8] =	vst v31  }
0xc2: {  	v4 =	vld [tilespmem:$0x41A7];
	v43 =	vadd.f32 v46, v45;
	v45 =	vmul.f32 v52, v18;
	v46 =	vmul.f32 v50, v31  }
0xc3: {  	v5 =	vmul.f32 v52, v17;
	v63 =	vadd.f32 v6, v54  }
0xc4: {  	[tilespmem:$0x40A8] =	vst v18;
	v54 =	vmul.f32 v44, v7;
	v44 =	vadd.f32 v45, v46;
	v45 =	vmul.f32 v51, v10  }
0xc5: {  	v1 =	vadd.f32 v61, v30;
	v3 =	vmul.f32 v50, v43;
	v6 =	vmul.f32 v50, v32;
	v51 =	vld [tilespmem:$0x40A7]  }
0xc6: {  	v46 =	vmul.f32 v52, v13;
	v53 =	vadd.f32 v54, v53;
	v54 =	vadd.f32 v45, v2  }
0xc7: {  	v4 =	vmul.f32 v4, v9;
	v42 =	vadd.f32 v5, v6;
	v6 =	vadd.f32 v61, v33  }
0xc8: {  	[tilespmem:$0x41B8] =	vst v43;
	v46 =	vadd.f32 v46, v3;
	v45 =	vmul.f32 v1, v32;
	v3 =	vmul.f32 v54, v30  }
0xc9: {  	v0 =	vld [tilespmem:$0x41B7];
	v5 =	vmul.f32 v6, v27;
	v8 =	vadd.f32 v42, v41  }
0xca: {  	v2 =	vmul.f32 v53, v33;
	v45 =	vadd.f32 v3, v45;
	v3 =	vadd.f32 v4, v51;
	v51 =	vld [tilespmem:$0x1FFB0]  }
0xcb: {  	[tilespmem:$0x40B8] =	vst v13  }
0xcc: {  	v7 =	vld [tilespmem:$0x40B7];
	v9 =	vmul.f32 v35, v11;
	v35 =	vadd.f32 v2, v5;
	v2 =	vadd.f32 v8, v44;
	_ =	sdelay $0x1  }
0xcd: {  	v8 =	vimm.s32 $0x2;
	v2 =	vadd.f32 v2, v46  }
0xce: {  	v5 =	vadd.f32 v61, v29;
	v8 =	vperm.xlane v47, v8;
	v0 =	vmul.f32 v0, v51  }
0xcf: {  	v4 =	vmul.f32 v59, v16;
	v47 =	vmul.f32 v3, v29;
	v2 =	vadd.f32 v35, v2  }
0xd0: {  	v16 =	vadd.f32 v0, v7;
	v0 =	vadd.f32 v61, v26;
	v7 =	vmul.f32 v5, v31  }
0xd1: {  	v25 =	vadd.f32 v25, v9;
	v2 =	vadd.f32 v45, v2  }
0xd2: {  	v51 =	vmul.f32 v0, v43;
	v59 =	vmul.f32 v16, v26;
	v47 =	vadd.f32 v47, v7  }
0xd3: {  	v15 =	vmul.f32 v56, v15;
	v7 =	vmul.f32 v25, v22;
	v25 =	vsub.f32 v49, v8;
	v49 =	vld [tilespmem:$0x1FFC0]  }
0xd4: {  	v24 =	vmul.f32 v60, v24;
	v51 =	vadd.f32 v59, v51;
	v2 =	vadd.f32 v47, v2  }
0xd5: {  	v14 =	vmul.f32 v55, v14;
	v11 =	vmul.f32 v63, v11;
	v22 =	vsub.f32 v48, v8  }
0xd6: {  	v63 =	vmul.f32 v52, v12;
	v7 =	vadd.f32 v7, v24;
	v2 =	vadd.f32 v51, v2  }
0xd7: {  	v48 =	vld [tilespmem:$0x1FFD0];
	v24 =	vmul.f32 v61, v25;
	v22 =	vmul.f32 v50, v22  }
0xd8: {  	v4 =	vadd.f32 v4, v62;
	v7 =	vadd.f32 v11, v7;
	v25 =	vperm.xlane v2, v49  }
0xd9: {  	v9 =	vmul.f32 v58, v9;
	v11 =	vadd.f32 v57, v15;
	v15 =	vadd.f32 v24, v22  }
0xda: {  	v6 =	vmul.f32 v6, v40;
	v4 =	vadd.f32 v4, v14;
	v2 =	vadd.f32 v2, v25  }
0xdb: {  	v59 =	vld [tilespmem:$0x1FFE0];
	v7 =	vadd.f32 v7, v9;
	v9 =	vmul.f32 v52, v19;
	v14 =	vmul.f32 v15, v21  }
0xdc: {  	v21 =	vsub.f32 v34, v8;
	v17 =	vmul.f32 v15, v17;
	v56 =	vperm.xlane v2, v48  }
0xdd: {  	v49 =	vmul.f32 v52, v23;
	v9 =	vadd.f32 v14, v9;
	v14 =	vmul.f32 v50, v40  }
0xde: {  	v18 =	vmul.f32 v15, v18;
	v17 =	vadd.f32 v17, v63;
	v2 =	vadd.f32 v2, v56  }
0xdf: {  	v61 =	vld [tilespmem:$0x1FFF0];
	v9 =	vadd.f32 v9, v14;
	v14 =	vmul.f32 v22, v27;
	v48 =	vmul.f32 v50, v11  }
0xe0: {  	v13 =	vmul.f32 v15, v13;
	v25 =	vsub.f32 v37, v8;
	v55 =	vperm.xlane v2, v59  }
0xe1: {  	[tilespmem:$0x4100] =	vst v28;
	v9 =	vadd.f32 v9, v14;
	v14 =	vadd.f32 v17, v48;
	v17 =	vmul.f32 v22, v32  }
0xe2: {  	[tilespmem:$0x4108] =	vst v19;
	v19 =	vmul.f32 v22, v31;
	v18 =	vadd.f32 v18, v49;
	v2 =	vadd.f32 v2, v55  }
0xe3: {  	[tilespmem:$0x4208] =	vst v40;
	v62 =	vld [tilespmem:$0x1FF90];
	v56 =	vmul.f32 v50, v4;
	v14 =	vadd.f32 v14, v17;
	v17 =	vmul.f32 v52, v20  }
0xe4: {  	v37 =	vsub.f32 v38, v8;
	v8 =	vsub.f32 v36, v8;
	v59 =	vld [tilespmem:$0x4207];
	v61 =	vperm.xlane v2, v61  }
0xe5: {  	v57 =	vld [tilespmem:$0x1FFB0];
	v1 =	vmul.f32 v1, v11;
	v18 =	vadd.f32 v18, v56;
	v13 =	vadd.f32 v13, v17  }
0xe6: {  	[tilespmem:$0x4218] =	vst v11;
	v63 =	vld [tilespmem:$0x4107];
	v17 =	vmul.f32 v50, v7;
	v55 =	vmul.f32 v52, v39;
	v2 =	vadd.f32 v2, v61  }
0xe7: {  	[tilespmem:$0x4118] =	vst v12;
	v21 =	vmul.f32 v21, v33;
	v0 =	vmul.f32 v0, v7;
	v18 =	vadd.f32 v18, v19;
	v19 =	vld [tilespmem:$0x4217]  }
0xe8: {  	v56 =	vld [tilespmem:$0x4117];
	v12 =	vadd.f32 v13, v17;
	v13 =	vmul.f32 v22, v43;
	v2 =	vadd.f32 v2, v55  }
0xe9: {  	[tilespmem:$0x4228] =	vst v4;
	v50 =	vld [tilespmem:$0x1FFA0];
	v17 =	vmul.f32 v52, v28;
	v28 =	vadd.f32 v24, v21;
	v22 =	vmul.f32 v59, v62  }
0xea: {  	[tilespmem:$0x4238] =	vst v7;
	v12 =	vadd.f32 v12, v13;
	v13 =	vmul.f32 v25, v30;
	v25 =	vld [tilespmem:$0x4227];
	(erf) = vrcp.f32 v2  }
0xeb: {  	[tilespmem:$0x4128] =	vst v23;
	v11 =	vld [tilespmem:$0x4237];
	v8 =	vmul.f32 v8, v26;
	v23 =	vmul.f32 v28, v27;
	v22 =	vadd.f32 v22, v63  }
0xec: {  	[tilespmem:$0x4138] =	vst v20;
	v59 =	vmul.f32 v15, v39;
	v27 =	vld [tilespmem:$0x4127];
	v15 =	vmul.f32 v19, v10;
	v19 =	vadd.f32 v24, v13  }
0xed: {  	v20 =	vmul.f32 v37, v29;
	v6 =	vadd.f32 v23, v6;
	v23 =	vld [tilespmem:$0x4137];
	v22 =	vmul.f32 v22, v33  }
0xee: {  	v4 =	vmul.f32 v5, v4;
	v15 =	vadd.f32 v15, v56;
	v19 =	vmul.f32 v19, v32  }
0xef: {  	v3 =	vmul.f32 v3, v20;
	v6 =	vadd.f32 v22, v6;
	v22 =	vmul.f32 v25, v50  }
0xf0: {  	v61 =	vmul.f32 v11, v57;
	v15 =	vmul.f32 v15, v30;
	v1 =	vadd.f32 v19, v1  }
0xf1: {  	v21 =	vmul.f32 v53, v21;
	v19 =	vadd.f32 v22, v27;
	v22 =	vadd.f32 v24, v20  }
0xf2: {  	v13 =	vmul.f32 v54, v13;
	v5 =	vadd.f32 v61, v23;
	v1 =	vadd.f32 v15, v1  }
0xf3: {  	v11 =	vmul.f32 v22, v31;
	v15 =	vmul.f32 v19, v29;
	v19 =	vadd.f32 v24, v8;
	v63 =	vpop (erf)  }
0xf4: {  	v2 =	vadd.f32 v59, v17;
	v5 =	vmul.f32 v5, v26;
	v7 =	vmul.f32 $1.048576000e+06, v63  }
0xf5: {  	v6 =	vadd.f32 v6, v21;
	v8 =	vmul.f32 v16, v8;
	v19 =	vmul.f32 v19, v43  }
0xf6: {  	v1 =	vadd.f32 v1, v13;
	v25 =	vmul.f32 v7, v41;
	v27 =	vmul.f32 v7, v42  }
0xf7: {  	v4 =	vadd.f32 v11, v4;
	v24 =	vmul.f32 v7, v44;
	v20 =	vmul.f32 v7, v46  }
0xf8: {  	v0 =	vadd.f32 v19, v0;
	v30 =	vmul.f32 v7, v9;
	v26 =	vmul.f32 v7, v14  }
0xf9: {  	p0 =	sne.s32 s19, $0x7800;
	v4 =	vadd.f32 v15, v4;
	v22 =	vmul.f32 v7, v18;
	v19 =	vmul.f32 v7, v12  }
.Ltmp0:
0xfa: {  	v0 =	vadd.f32 v5, v0;
	v18 =	vmul.f32 v7, v35;
	v16 =	vmul.f32 v7, v45;
	(pc) =	sbr.rel @p0 .LBB2_3-.Ltmp0, $4  }
0xfb: {  	v3 =	vadd.f32 v4, v3;
	v14 =	vmul.f32 v7, v47;
	v11 =	vmul.f32 v7, v51  }
0xfc: {  	v21 =	vmul.f32 v7, v6;
	v17 =	vmul.f32 v7, v1;
	v0 =	vadd.f32 v0, v8  }
0xfd: {  	v60 =	vimm.s32 $0x1;
	v13 =	vmul.f32 v7, v55;
	v23 =	vmul.f32 v7, v2  }
0xfe: {  	s19 =	sadd.s32 $0x800, s19;
	v58 =	vimm.s32 $0x0;
	v15 =	vmul.f32 v7, v3;
	v12 =	vmul.f32 v7, v0  }
0xff: {  	s19 =	sshll.u32 s18, $0x1  }
0x100: {  	s19 =	smin.u32 s19, $0x5  }
0x101: {  	s19 =	sshll.u32 s19, $0xD  }
0x102: {  	_ =	swait.ge [sflag:s14], $0x2000;
	s19 =	sadd.s32 s19, s7  }
0x103: {  	[sflag:s14] =	ssyncset.done $0x0;
	s19 =	sshrl.u32 s19, $0x3  }
0x104: {  	[sflag:s14] =	ssyncadd.s32 $0xFFFFE000;
	s20 =	sadd.s32 s3, s19;
	s19 =	simm.s32 $0x0  }
0x105: {  	v48 =	vmov v10;
	[tilespmem:s19], [sflag:$0x1] =	stream.linear.gather [hbm4b:s20+s19], $0x2000, $0x38;
	[tilespmem:$0x4300] =	vst v63  }
.LBB2_5:
0x106: {  	s20 =	sshra.s32 s19, $0x2  }
0x107: {  	v0 =	vld [tilespmem:s20+$0x2000]  }
0x108: {  	v1 =	vld [tilespmem:s20+$0x2040]  }
0x109: {  	v2 =	vld [tilespmem:s20+$0x2010]  }
0x10a: {  	v3 =	vld [tilespmem:s20+$0x2020]  }
0x10b: {  	v4 =	vld [tilespmem:s20+$0x2030];
	_ =	sdelay $0x1  }
0x10c: {  	v5 =	vperm.xlane v1, v58;
	v6 =	vmul.f32 $1.442695020e+00, v0  }
0x10d: {  	v7 =	vperm.xlane v1, v60;
	v8 =	vmul.f32 $1.442695020e+00, v2  }
0x10e: {  	v40 =	vmul.f32 $1.442695020e+00, v3;
	(erf) = vpow2.f32 v6  }
0x10f: {  	(erf) = vpow2.f32 v8;
	v8 =	vmul.f32 $1.442695020e+00, v4  }
0x110: {  	v41 =	vmul.f32 $1.442695020e+00, v5;
	(erf) = vpow2.f32 v40  }
0x111: {  	(erf) = vpow2.f32 v8  }
0x112: {  	v8 =	vmul.f32 $1.442695020e+00, v7;
	(erf) = vpow2.f32 v41;
	_ =	sdelay $0x1  }
0x113: {  	(erf) = vpow2.f32 v8  }
0x114: {  	v10 =	vimm.s32 $0x2  }
0x115: {  	v1 =	vperm.xlane v1, v10  }
0x116: {  	v6 =	vpop (erf)  }
0x117: {  	v0 =	vsub.f32 v0, v1;
	v2 =	vsub.f32 v2, v1;
	v8 =	vpop (erf)  }
0x118: {  	v3 =	vsub.f32 v3, v1;
	v4 =	vsub.f32 v4, v1;
	v35 =	vpop (erf)  }
0x119: {  	v5 =	vsub.f32 v5, v1;
	v0 =	vmul.f32 v0, v6;
	v2 =	vmul.f32 v2, v8;
	v32 =	vpop (erf)  }
0x11a: {  	[tilespmem:$0x4080] =	vst v13;
	v36 =	vmul.f32 v3, v35;
	v9 =	vpop (erf);
	v33 =	vmul.f32 v4, v32  }
0x11b: {  	[tilespmem:$0x4100] =	vst v23;
	v3 =	vmul.f32 v9, v5;
	v43 =	vmul.f32 v9, v18  }
0x11c: {  	[tilespmem:$0x4188] =	vst v18;
	v1 =	vsub.f32 v7, v1;
	v34 =	vpop (erf);
	v28 =	vmul.f32 v9, v16;
	v46 =	vmul.f32 v9, v14  }
0x11d: {  	[tilespmem:$0x4208] =	vst v21;
	v38 =	vmul.f32 v9, v11;
	v39 =	vmul.f32 v9, v21;
	v41 =	vadd.f32 v34, v9  }
0x11e: {  	[tilespmem:$0x4098] =	vst v27;
	v55 =	vmul.f32 v9, v15;
	v37 =	vmul.f32 v34, v1  }
0x11f: {  	[tilespmem:$0x4118] =	vst v26;
	v40 =	vmul.f32 v3, v18;
	v42 =	vmul.f32 v41, v25  }
0x120: {  	[tilespmem:$0x4198] =	vst v16;
	v44 =	vmul.f32 v41, v27;
	v45 =	vmul.f32 v41, v24  }
0x121: {  	[tilespmem:$0x4218] =	vst v17;
	v47 =	vmul.f32 v41, v20;
	v49 =	vmul.f32 v41, v30  }
0x122: {  	[tilespmem:$0x40A8] =	vst v24;
	v5 =	vadd.f32 v37, v3;
	v52 =	vmul.f32 v41, v26;
	v53 =	vmul.f32 v41, v22  }
0x123: {  	[tilespmem:$0x4128] =	vst v22;
	v26 =	vmul.f32 v41, v19;
	v23 =	vmul.f32 v41, v23;
	v31 =	vadd.f32 v42, v43  }
0x124: {  	[tilespmem:$0x4088] =	vst v25;
	v29 =	vadd.f32 v44, v28;
	v28 =	vadd.f32 v45, v46;
	v51 =	vmul.f32 v5, v25  }
0x125: {  	[tilespmem:$0x4108] =	vst v30;
	v59 =	vld [tilespmem:$0x4207];
	v25 =	vadd.f32 v47, v38;
	v30 =	vmul.f32 v5, v27;
	v54 =	vmul.f32 v5, v24  }
0x126: {  	[tilespmem:$0x40B8] =	vst v20;
	v63 =	vld [tilespmem:$0x4197];
	v27 =	vmul.f32 v9, v17;
	v56 =	vmul.f32 v5, v20;
	v20 =	vadd.f32 v37, v0  }
0x127: {  	[tilespmem:$0x41A8] =	vst v14;
	v43 =	vmul.f32 v3, v14;
	v45 =	vld [tilespmem:$0x4107];
	v1 =	vadd.f32 v51, v49;
	v7 =	vadd.f32 v30, v52  }
0x128: {  	[tilespmem:$0x4228] =	vst v15;
	v9 =	vmul.f32 v9, v12;
	v30 =	vld [tilespmem:$0x4187];
	v4 =	vadd.f32 v54, v53;
	v44 =	vadd.f32 v56, v26  }
0x129: {  	[tilespmem:$0x4138] =	vst v19;
	v42 =	vld [tilespmem:$0x4087];
	v56 =	vadd.f32 v37, v2;
	v7 =	vadd.f32 v7, v27;
	v27 =	vmul.f32 v3, v16  }
0x12a: {  	[tilespmem:$0x41B8] =	vst v11;
	v47 =	vmul.f32 v5, v13;
	v4 =	vadd.f32 v4, v55;
	v46 =	vadd.f32 v44, v9;
	v9 =	vld [tilespmem:$0x4217]  }
0x12b: {  	[tilespmem:$0x4238] =	vst v12;
	v49 =	vmul.f32 v59, v62;
	v1 =	vadd.f32 v1, v39;
	v55 =	vld [tilespmem:$0x4227];
	v26 =	vadd.f32 v7, v27  }
0x12c: {  	v3 =	vmul.f32 v3, v11;
	v44 =	vld [tilespmem:s20+$0x20B0];
	v24 =	vadd.f32 v4, v43;
	v27 =	vadd.f32 v34, v6  }
0x12d: {  	v51 =	vld [tilespmem:$0x4117];
	v4 =	vadd.f32 v49, v45;
	v7 =	vmul.f32 v63, v48;
	v61 =	vmul.f32 v30, v62  }
0x12e: {  	v39 =	vadd.f32 v1, v40;
	v30 =	vld [tilespmem:$0x4097];
	v52 =	vmul.f32 v27, v18;
	v19 =	vmul.f32 v27, v21  }
0x12f: {  	v18 =	vmul.f32 v20, v18;
	v20 =	vadd.f32 v34, v8;
	v4 =	vmul.f32 v4, v6  }
0x130: {  	v1 =	vadd.f32 v61, v42;
	v9 =	vmul.f32 v9, v48;
	v61 =	vmul.f32 v55, v50  }
0x131: {  	v22 =	vadd.f32 v46, v3;
	v21 =	vld [tilespmem:$0x41A7];
	v49 =	vmul.f32 $1.442695020e+00, v44;
	v17 =	vmul.f32 v20, v17  }
0x132: {  	v43 =	vld [tilespmem:s20+$0x20A0];
	v18 =	vadd.f32 v18, v19;
	v53 =	vmul.f32 v1, v6;
	v0 =	vmul.f32 v1, v0  }
0x133: {  	v27 =	vld [tilespmem:s20+$0x2080];
	v5 =	vadd.f32 v9, v51;
	v9 =	vmul.f32 v20, v16;
	v54 =	vadd.f32 v7, v30  }
0x134: {  	v20 =	vld [tilespmem:s20+$0x20C0];
	v7 =	vmul.f32 v56, v16;
	v16 =	vadd.f32 v37, v36;
	v56 =	vadd.f32 v34, v32  }
0x135: {  	v30 =	vld [tilespmem:s20+$0x2090];
	v5 =	vmul.f32 v5, v8;
	v19 =	vmul.f32 v54, v8;
	v8 =	vadd.f32 v34, v35  }
0x136: {  	v4 =	vadd.f32 v4, v18;
	v18 =	vld [tilespmem:$0x40A7];
	v59 =	vmul.f32 v21, v50;
	v1 =	vmul.f32 v54, v2  }
0x137: {  	v42 =	vadd.f32 v47, v23;
	v34 =	vmul.f32 v56, v12;
	v63 =	vmul.f32 v8, v14  }
0x138: {  	v7 =	vadd.f32 v7, v17;
	v17 =	vld [tilespmem:$0x41B7];
	v8 =	vmul.f32 v8, v15;
	v14 =	vmul.f32 v16, v14  }
0x139: {  	v38 =	vadd.f32 v53, v52;
	v45 =	vperm.xlane v20, v58;
	v16 =	vmul.f32 $1.442695020e+00, v27  }
0x13a: {  	v15 =	vld [tilespmem:$0x4127];
	v46 =	vperm.xlane v20, v60;
	v23 =	vadd.f32 v19, v9;
	v47 =	vmul.f32 $1.442695020e+00, v30  }
0x13b: {  	v9 =	vmul.f32 $1.442695020e+00, v43;
	v2 =	vadd.f32 v59, v18;
	(erf) = vpow2.f32 v16  }
0x13c: {  	v40 =	vadd.f32 v4, v0;
	v51 =	vmul.f32 $1.442695020e+00, v46;
	(erf) = vpow2.f32 v47  }
0x13d: {  	v19 =	vld [tilespmem:$0x40B7];
	v59 =	vadd.f32 v37, v33;
	v52 =	vmul.f32 v2, v35;
	v54 =	vmul.f32 v17, v57  }
0x13e: {  	v5 =	vadd.f32 v5, v7;
	(erf) = vpow2.f32 v9;
	v9 =	vmul.f32 $1.442695020e+00, v45  }
0x13f: {  	v18 =	vld [tilespmem:$0x4237];
	v6 =	vmul.f32 v59, v11;
	v3 =	vadd.f32 v61, v15;
	(erf) = vpow2.f32 v49  }
0x140: {  	v16 =	vadd.f32 v52, v63;
	v63 =	vperm.xlane v20, v10;
	(erf) = vpow2.f32 v9  }
0x141: {  	v8 =	vadd.f32 v14, v8;
	v9 =	vld [tilespmem:$0x4137];
	v3 =	vmul.f32 v3, v35;
	(erf) = vpow2.f32 v51  }
0x142: {  	v15 =	vmul.f32 v41, v13;
	v41 =	vadd.f32 v5, v1;
	v61 =	vadd.f32 v54, v19  }
0x143: {  	v2 =	vmul.f32 v2, v36;
	v6 =	vadd.f32 v6, v34;
	v12 =	vsub.f32 v27, v63  }
0x144: {  	[tilespmem:$0x4100] =	vst v42;
	v55 =	vmul.f32 v18, v57;
	v35 =	vsub.f32 v30, v63;
	v13 =	vsub.f32 v44, v63  }
0x145: {  	[tilespmem:$0x4098] =	vst v29;
	v5 =	vmul.f32 v56, v11;
	v18 =	vsub.f32 v45, v63;
	v53 =	vadd.f32 v3, v8;
	v3 =	vpop (erf)  }
0x146: {  	[tilespmem:$0x4108] =	vst v39;
	v1 =	vmul.f32 v61, v33;
	v0 =	vsub.f32 v46, v63;
	v4 =	vadd.f32 v55, v9;
	v8 =	vpop (erf)  }
0x147: {  	[tilespmem:$0x4188] =	vst v38;
	v9 =	vmul.f32 v61, v32;
	v37 =	vmul.f32 v12, v3;
	v12 =	vsub.f32 v43, v63;
	v11 =	vpop (erf)  }
0x148: {  	[tilespmem:$0x4208] =	vst v40;
	v21 =	vadd.f32 v53, v2;
	v4 =	vmul.f32 v4, v32;
	v7 =	vmul.f32 v35, v8;
	v14 =	vpop (erf)  }
0x149: {  	[tilespmem:$0x4118] =	vst v26;
	v27 =	vadd.f32 v9, v5;
	v32 =	vmul.f32 v12, v11;
	v19 =	vpop (erf);
	v17 =	vmul.f32 v13, v14  }
0x14a: {  	[tilespmem:$0x40A8] =	vst v28;
	v43 =	vadd.f32 v4, v6;
	v30 =	vpop (erf);
	v4 =	vmul.f32 v19, v18;
	v45 =	vmul.f32 v19, v38  }
0x14b: {  	[tilespmem:$0x40B8] =	vst v25;
	v47 =	vmul.f32 v19, v23;
	v49 =	vmul.f32 v19, v16;
	v36 =	vadd.f32 v30, v19  }
0x14c: {  	[tilespmem:$0x4198] =	vst v23;
	v54 =	vmul.f32 v19, v27;
	v61 =	vmul.f32 v19, v21  }
0x14d: {  	[tilespmem:$0x4128] =	vst v24;
	v35 =	vmul.f32 v30, v0;
	v44 =	vmul.f32 v36, v31  }
0x14e: {  	[tilespmem:$0x4138] =	vst v22;
	v46 =	vmul.f32 v36, v29;
	v9 =	vmul.f32 v36, v28  }
0x14f: {  	[tilespmem:$0x4080] =	vst v15;
	v51 =	vmul.f32 v36, v25;
	v52 =	vmul.f32 v36, v39  }
0x150: {  	[tilespmem:$0x4218] =	vst v41;
	v5 =	vadd.f32 v35, v4;
	v55 =	vmul.f32 v36, v26;
	v56 =	vmul.f32 v36, v24  }
0x151: {  	[tilespmem:$0x41A8] =	vst v16;
	v34 =	vadd.f32 v43, v1;
	v26 =	vmul.f32 v4, v38;
	v24 =	vmul.f32 v36, v42  }
0x152: {  	[tilespmem:$0x4088] =	vst v31;
	v13 =	vadd.f32 v44, v45;
	v18 =	vadd.f32 v46, v47;
	v53 =	vmul.f32 v5, v31  }
0x153: {  	[tilespmem:$0x4228] =	vst v21;
	v12 =	vadd.f32 v9, v49;
	v9 =	vmul.f32 v19, v40;
	v31 =	vmul.f32 v5, v29  }
0x154: {  	[tilespmem:$0x41B8] =	vst v27;
	v20 =	vadd.f32 v51, v54;
	v59 =	vmul.f32 v5, v28;
	v29 =	vld [tilespmem:$0x4187];
	v63 =	vmul.f32 v5, v25  }
0x155: {  	[tilespmem:$0x4238] =	vst v34;
	v49 =	vld [tilespmem:$0x4207];
	v51 =	vmul.f32 v4, v23;
	v25 =	vadd.f32 v35, v37;
	v2 =	vadd.f32 v53, v52  }
0x156: {  	v5 =	vmul.f32 v5, v15;
	v44 =	vld [tilespmem:s20+$0x2100];
	v6 =	vadd.f32 v31, v55;
	v0 =	vadd.f32 v59, v56  }
0x157: {  	v52 =	vmul.f32 v4, v16;
	v4 =	vmul.f32 v4, v27;
	v59 =	vadd.f32 v30, v3  }
0x158: {  	v53 =	vld [tilespmem:$0x4107];
	v25 =	vmul.f32 v25, v38;
	v2 =	vadd.f32 v2, v9;
	v9 =	vmul.f32 v19, v41  }
0x159: {  	v31 =	vld [tilespmem:$0x4087];
	v0 =	vadd.f32 v0, v61;
	v61 =	vmul.f32 v59, v38;
	v38 =	vadd.f32 v5, v24  }
0x15a: {  	v47 =	vld [tilespmem:s20+$0x2130];
	v55 =	vmul.f32 v29, v62;
	v6 =	vadd.f32 v6, v9;
	v9 =	vmul.f32 v36, v22  }
0x15b: {  	v45 =	vld [tilespmem:s20+$0x2140];
	v29 =	vmul.f32 v49, v62;
	v49 =	vadd.f32 v30, v8;
	v24 =	vmul.f32 $1.442695020e+00, v44  }
0x15c: {  	v28 =	vadd.f32 v2, v26;
	v26 =	vld [tilespmem:$0x4197];
	v54 =	vadd.f32 v63, v9;
	v9 =	vmul.f32 v19, v34  }
0x15d: {  	v56 =	vld [tilespmem:$0x4097];
	v22 =	vadd.f32 v29, v53;
	v53 =	vmul.f32 v49, v41;
	v19 =	vadd.f32 v0, v52  }
0x15e: {  	(erf) = vpow2.f32 v24;
	v0 =	vadd.f32 v55, v31;
	v2 =	vadd.f32 v54, v9;
	v9 =	vld [tilespmem:$0x4217]  }
0x15f: {  	v24 =	vmul.f32 $1.442695020e+00, v47;
	v33 =	vadd.f32 v6, v51;
	v63 =	vld [tilespmem:$0x41A7];
	v6 =	vmul.f32 v59, v40  }
0x160: {  	v31 =	vld [tilespmem:$0x4117];
	v52 =	vmul.f32 v49, v23;
	v55 =	vadd.f32 v30, v11;
	v29 =	vmul.f32 v0, v3  }
0x161: {  	v46 =	vld [tilespmem:s20+$0x2110];
	v3 =	vmul.f32 v22, v3;
	v26 =	vmul.f32 v26, v48  }
0x162: {  	v51 =	vld [tilespmem:$0x40A7];
	v49 =	vadd.f32 v35, v32;
	v0 =	vmul.f32 v0, v37;
	v59 =	vmul.f32 v55, v16  }
0x163: {  	v22 =	vld [tilespmem:$0x4227];
	v1 =	vadd.f32 v26, v56;
	v26 =	vadd.f32 v35, v7;
	v9 =	vmul.f32 v9, v48  }
0x164: {  	v6 =	vadd.f32 v25, v6;
	v25 =	vperm.xlane v45, v60;
	v42 =	vmul.f32 v63, v50  }
0x165: {  	v54 =	vmul.f32 v26, v23;
	v23 =	vadd.f32 v29, v61;
	v61 =	vld [tilespmem:$0x4127];
	v9 =	vadd.f32 v9, v31  }
0x166: {  	v3 =	vadd.f32 v3, v6;
	v6 =	vperm.xlane v45, v58;
	v29 =	vmul.f32 $1.442695020e+00, v46  }
0x167: {  	v31 =	vmul.f32 v1, v8;
	v8 =	vmul.f32 v9, v8;
	v9 =	vadd.f32 v42, v51;
	v42 =	vld [tilespmem:s20+$0x2120]  }
0x168: {  	v37 =	vadd.f32 v2, v4;
	v40 =	vadd.f32 v3, v0;
	v56 =	vmul.f32 v22, v50  }
0x169: {  	v39 =	vmul.f32 $1.442695020e+00, v6;
	(erf) = vpow2.f32 v29;
	v2 =	vadd.f32 v54, v53;
	v51 =	vld [tilespmem:$0x41B7]  }
0x16a: {  	v26 =	vadd.f32 v31, v52;
	v52 =	vmul.f32 v49, v16;
	v0 =	vadd.f32 v56, v61  }
0x16b: {  	v53 =	vld [tilespmem:$0x40B7];
	v22 =	vmul.f32 v9, v11;
	v2 =	vadd.f32 v8, v2;
	v8 =	vmul.f32 v55, v21  }
0x16c: {  	v56 =	vadd.f32 v30, v14;
	v0 =	vmul.f32 v0, v11;
	v63 =	vmul.f32 $1.442695020e+00, v42  }
0x16d: {  	v31 =	vadd.f32 v22, v59;
	v55 =	vadd.f32 v52, v8;
	v59 =	vmul.f32 v9, v32  }
0x16e: {  	v8 =	vadd.f32 v35, v17;
	v61 =	vmul.f32 v51, v57;
	(erf) = vpow2.f32 v63  }
0x16f: {  	v21 =	vld [tilespmem:$0x4237];
	v35 =	vmul.f32 v56, v27;
	(erf) = vpow2.f32 v24  }
0x170: {  	v32 =	vmul.f32 v8, v27;
	v4 =	vadd.f32 v61, v53;
	(erf) = vpow2.f32 v39  }
0x171: {  	v54 =	vld [tilespmem:$0x4137];
	[tilespmem:$0x4100] =	vst v38;
	v8 =	vperm.xlane v45, v10;
	v24 =	vmul.f32 $1.442695020e+00, v25  }
0x172: {  	[tilespmem:$0x4188] =	vst v23;
	v39 =	vmul.f32 v36, v15;
	v36 =	vmul.f32 v4, v14  }
0x173: {  	[tilespmem:$0x4208] =	vst v40;
	v0 =	vadd.f32 v0, v55;
	(erf) = vpow2.f32 v24  }
0x174: {  	[tilespmem:$0x4098] =	vst v18;
	v63 =	vmul.f32 v21, v57;
	v22 =	vadd.f32 v36, v35;
	v35 =	vsub.f32 v47, v8;
	v47 =	vld [tilespmem:$0x4187]  }
0x175: {  	[tilespmem:$0x4118] =	vst v33;
	v30 =	vpop (erf);
	v9 =	vmul.f32 v56, v34;
	v41 =	vadd.f32 v0, v59  }
0x176: {  	v1 =	vmul.f32 v1, v7;
	[tilespmem:$0x40A8] =	vst v12;
	v43 =	vpop (erf);
	v51 =	vsub.f32 v44, v8;
	v34 =	vadd.f32 v63, v54  }
0x177: {  	[tilespmem:$0x4128] =	vst v19;
	v52 =	vsub.f32 v46, v8;
	v6 =	vsub.f32 v6, v8;
	v4 =	vmul.f32 v4, v17;
	v16 =	vpop (erf)  }
0x178: {  	[tilespmem:$0x40B8] =	vst v20;
	v5 =	vmul.f32 v51, v30;
	v0 =	vmul.f32 v34, v14;
	v14 =	vsub.f32 v42, v8;
	v11 =	vpop (erf)  }
0x179: {  	[tilespmem:$0x4138] =	vst v37;
	v49 =	vadd.f32 v32, v9;
	v15 =	vmul.f32 v52, v43;
	v7 =	vmul.f32 v47, v62;
	v9 =	vpop (erf)  }
0x17a: {  	[tilespmem:$0x4108] =	vst v28;
	v29 =	vadd.f32 v2, v1;
	v14 =	vmul.f32 v14, v16;
	v3 =	vmul.f32 v9, v6  }
0x17b: {  	[tilespmem:$0x4198] =	vst v26;
	v53 =	vsub.f32 v25, v8;
	v55 =	vmul.f32 v9, v23;
	v59 =	vmul.f32 v9, v26  }
0x17c: {  	[tilespmem:$0x4218] =	vst v29;
	v0 =	vadd.f32 v0, v49;
	v42 =	vpop (erf);
	v8 =	vmul.f32 v9, v31;
	v45 =	vmul.f32 v9, v40  }
0x17d: {  	[tilespmem:$0x41A8] =	vst v31;
	v46 =	vmul.f32 v9, v29;
	v44 =	vadd.f32 v42, v9;
	v25 =	vmul.f32 v42, v53  }
0x17e: {  	[tilespmem:$0x4228] =	vst v41;
	v53 =	vmul.f32 v9, v41;
	v49 =	vmul.f32 v3, v23  }
0x17f: {  	[tilespmem:$0x4080] =	vst v39;
	v24 =	vadd.f32 v0, v4;
	v51 =	vmul.f32 v3, v26;
	v54 =	vmul.f32 v44, v13  }
0x180: {  	[tilespmem:$0x4088] =	vst v13;
	v56 =	vmul.f32 v44, v18;
	v4 =	vadd.f32 v25, v3;
	v61 =	vmul.f32 v44, v12  }
0x181: {  	[tilespmem:$0x41B8] =	vst v22;
	v27 =	vmul.f32 v44, v20;
	v63 =	vmul.f32 v44, v28  }
0x182: {  	[tilespmem:$0x4238] =	vst v24;
	v34 =	vmul.f32 v44, v33;
	v21 =	vadd.f32 v54, v55;
	v32 =	vmul.f32 v4, v13  }
0x183: {  	v47 =	vld [tilespmem:s20+$0x21C0];
	v17 =	vadd.f32 v56, v59;
	v36 =	vmul.f32 v4, v18;
	v13 =	vmul.f32 v9, v22  }
0x184: {  	v18 =	vadd.f32 v61, v8;
	v8 =	vmul.f32 v44, v19;
	v52 =	vmul.f32 v4, v12;
	v56 =	vld [tilespmem:$0x4197]  }
0x185: {  	v28 =	vld [tilespmem:$0x4207];
	v54 =	vmul.f32 v3, v31;
	v0 =	vadd.f32 v32, v63;
	v2 =	vadd.f32 v36, v34  }
0x186: {  	v55 =	vmul.f32 v44, v37;
	v9 =	vmul.f32 v9, v24;
	v37 =	vld [tilespmem:s20+$0x2190];
	v13 =	vadd.f32 v27, v13  }
0x187: {  	v3 =	vmul.f32 v3, v22;
	v27 =	vld [tilespmem:$0x4087];
	v0 =	vadd.f32 v0, v45;
	v2 =	vadd.f32 v2, v46  }
0x188: {  	v59 =	vmul.f32 v44, v38;
	v12 =	vperm.xlane v47, v58;
	v36 =	vld [tilespmem:s20+$0x21B0]  }
0x189: {  	v32 =	vmul.f32 v56, v48;
	v19 =	vadd.f32 v0, v49;
	v2 =	vadd.f32 v2, v51  }
0x18a: {  	v34 =	vld [tilespmem:s20+$0x2180];
	v0 =	vadd.f32 v52, v8;
	v8 =	vmul.f32 v4, v20;
	v4 =	vmul.f32 v4, v39  }
0x18b: {  	v20 =	vadd.f32 v42, v30;
	v49 =	vperm.xlane v47, v60;
	v52 =	vmul.f32 $1.442695020e+00, v37  }
0x18c: {  	v38 =	vld [tilespmem:s20+$0x21A0];
	v39 =	vmul.f32 v44, v39;
	v7 =	vadd.f32 v7, v27;
	v27 =	vmul.f32 v28, v62  }
0x18d: {  	v61 =	vld [tilespmem:$0x4107];
	v28 =	vadd.f32 v25, v5;
	v56 =	vmul.f32 $1.442695020e+00, v36;
	v6 =	vadd.f32 v8, v55  }
0x18e: {  	v45 =	vmul.f32 v20, v23;
	v40 =	vmul.f32 v20, v40;
	v0 =	vadd.f32 v0, v53  }
0x18f: {  	v60 =	vmul.f32 $1.442695020e+00, v49;
	v6 =	vadd.f32 v6, v9;
	v9 =	vmul.f32 $1.442695020e+00, v34  }
0x190: {  	v8 =	vmul.f32 v7, v30;
	v63 =	vmul.f32 v28, v23;
	v28 =	vadd.f32 v4, v59  }
0x191: {  	v55 =	vld [tilespmem:$0x4217];
	v23 =	vadd.f32 v0, v54;
	v54 =	vmul.f32 $1.442695020e+00, v38;
	(erf) = vpow2.f32 v9  }
0x192: {  	v53 =	vld [tilespmem:$0x4097];
	v1 =	vadd.f32 v27, v61;
	v59 =	vmul.f32 $1.442695020e+00, v12;
	(erf) = vpow2.f32 v52  }
0x193: {  	v58 =	vld [tilespmem:$0x4117];
	v61 =	vadd.f32 v42, v43;
	v51 =	vmul.f32 v7, v5;
	(erf) = vpow2.f32 v54  }
0x194: {  	v27 =	vadd.f32 v8, v45;
	v1 =	vmul.f32 v1, v30;
	v30 =	vld [tilespmem:$0x41A7];
	(erf) = vpow2.f32 v56  }
0x195: {  	v8 =	vld [tilespmem:$0x40A7];
	v20 =	vadd.f32 v6, v3;
	v9 =	vadd.f32 v63, v40;
	(erf) = vpow2.f32 v59  }
0x196: {  	v63 =	vld [tilespmem:$0x4227];
	v4 =	vmul.f32 v55, v48;
	v52 =	vadd.f32 v25, v15;
	(erf) = vpow2.f32 v60  }
0x197: {  	[tilespmem:$0x1FF80] =	vst v2;
	v3 =	vmul.f32 v61, v29;
	v2 =	vadd.f32 v32, v53;
	v1 =	vadd.f32 v1, v9;
	v54 =	vld [tilespmem:$0x41B7]  }
0x198: {  	v53 =	vld [tilespmem:$0x4127];
	v9 =	vmul.f32 v61, v26;
	v4 =	vadd.f32 v4, v58;
	v5 =	vmul.f32 v52, v26  }
0x199: {  	v61 =	vadd.f32 v25, v14;
	v32 =	vmul.f32 v2, v43;
	v56 =	vld [tilespmem:$0x40B7];
	v55 =	vmul.f32 v30, v50  }
0x19a: {  	v40 =	vadd.f32 v1, v51;
	v59 =	vld [tilespmem:$0x4237];
	v3 =	vadd.f32 v5, v3;
	v4 =	vmul.f32 v4, v43;
	v33 =	vpop (erf)  }
0x19b: {  	v58 =	vmul.f32 v63, v50;
	v0 =	vadd.f32 v55, v8;
	v8 =	vadd.f32 v42, v16;
	v30 =	vpop (erf)  }
0x19c: {  	v32 =	vadd.f32 v32, v9;
	v3 =	vadd.f32 v4, v3;
	v60 =	vmul.f32 v54, v57;
	v29 =	vpop (erf)  }
0x19d: {  	[tilespmem:$0x4188] =	vst v27;
	v4 =	vadd.f32 v58, v53;
	v58 =	vld [tilespmem:$0x4137];
	v9 =	vmul.f32 v8, v31;
	v63 =	vmul.f32 v0, v16;
	v26 =	vpop (erf)  }
0x19e: {  	v45 =	vld [tilespmem:$0x4187];
	v7 =	vmul.f32 v61, v31;
	v5 =	vadd.f32 v42, v11;
	[tilespmem:$0x4198] =	vst v32;
	v1 =	vadd.f32 v60, v56;
	v50 =	vpop (erf)  }
0x19f: {  	[tilespmem:$0x4080] =	vst v39;
	v8 =	vmul.f32 v8, v41;
	v61 =	vld [tilespmem:$0x4197];
	v6 =	vmul.f32 v59, v57;
	v31 =	vadd.f32 v63, v9;
	v55 =	vpop (erf)  }
0x1a0: {  	[tilespmem:$0x4088] =	vst v21;
	v9 =	vmul.f32 v5, v22;
	v59 =	vmul.f32 v1, v11;
	v52 =	vadd.f32 v55, v50  }
0x1a1: {  	[tilespmem:$0x4098] =	vst v17;
	v51 =	vld [tilespmem:$0x4087];
	v7 =	vadd.f32 v7, v8;
	v63 =	vmul.f32 v50, v27;
	v53 =	vmul.f32 v50, v32  }
0x1a2: {  	v54 =	vld [tilespmem:$0x4097];
	v6 =	vadd.f32 v6, v58;
	v56 =	vmul.f32 v50, v31;
	v8 =	vmul.f32 v52, v21  }
0x1a3: {  	v43 =	vadd.f32 v59, v9;
	v60 =	vmul.f32 v52, v17;
	v9 =	vmul.f32 v52, v18  }
0x1a4: {  	v10 =	vld [tilespmem:$0x1FFA0];
	[tilespmem:$0x41A8] =	vst v31;
	v46 =	vmul.f32 v61, v48;
	v41 =	vadd.f32 v8, v63;
	v8 =	vmul.f32 v45, v62  }
0x1a5: {  	v58 =	vmul.f32 v50, v43;
	v42 =	vadd.f32 v60, v53;
	v45 =	vld [tilespmem:$0x41A7];
	v44 =	vadd.f32 v9, v56  }
0x1a6: {  	v57 =	vmul.f32 v52, v13;
	v9 =	vadd.f32 v55, v33;
	v53 =	vadd.f32 v8, v51  }
0x1a7: {  	v54 =	vadd.f32 v46, v54;
	v8 =	vadd.f32 v55, v30  }
0x1a8: {  	[tilespmem:$0x40A8] =	vst v18;
	v46 =	vadd.f32 v57, v58;
	v59 =	vmul.f32 v9, v27;
	v60 =	vmul.f32 v53, v33  }
0x1a9: {  	[tilespmem:$0x41B8] =	vst v43;
	v56 =	vld [tilespmem:$0x40A7];
	v57 =	vmul.f32 v54, v30;
	v63 =	vadd.f32 v42, v41;
	v61 =	vmul.f32 v8, v32  }
0x1aa: {  	v51 =	vld [tilespmem:$0x41B7];
	v58 =	vmul.f32 v45, v10;
	v10 =	vmul.f32 v35, v11;
	v35 =	vadd.f32 v60, v59  }
0x1ab: {  	v59 =	vadd.f32 v63, v44;
	v63 =	vadd.f32 v57, v61;
	v61 =	vld [tilespmem:$0x1FFB0]  }
0x1ac: {  	[tilespmem:$0x40B8] =	vst v13  }
0x1ad: {  	v62 =	vld [tilespmem:$0x40B7]  }
0x1ae: {  	v2 =	vmul.f32 v2, v15  }
0x1af: {  	v4 =	vmul.f32 v4, v16;
	v45 =	vimm.s32 $0x2;
	v57 =	vadd.f32 v55, v29  }
0x1b0: {  	v56 =	vadd.f32 v58, v56;
	v58 =	vadd.f32 v59, v46;
	v51 =	vmul.f32 v51, v61  }
0x1b1: {  	v60 =	vadd.f32 v55, v26;
	v59 =	vperm.xlane v47, v45;
	v47 =	vmul.f32 v57, v31  }
0x1b2: {  	v45 =	vmul.f32 v56, v29;
	v58 =	vadd.f32 v35, v58;
	v16 =	vadd.f32 v51, v62  }
0x1b3: {  	v5 =	vmul.f32 v5, v24;
	v25 =	vadd.f32 v25, v10;
	v61 =	vmul.f32 v60, v43  }
0x1b4: {  	v47 =	vadd.f32 v45, v47;
	v24 =	vadd.f32 v63, v58;
	v62 =	vmul.f32 v16, v26  }
0x1b5: {  	v22 =	vmul.f32 v25, v22;
	v25 =	vsub.f32 v12, v59;
	v15 =	vsub.f32 v49, v59;
	v45 =	vld [tilespmem:$0x1FFC0]  }
0x1b6: {  	v6 =	vmul.f32 v6, v11;
	v24 =	vadd.f32 v47, v24;
	v51 =	vadd.f32 v62, v61  }
0x1b7: {  	v4 =	vadd.f32 v4, v7;
	v7 =	vmul.f32 v55, v15;
	v11 =	vmul.f32 v50, v25  }
0x1b8: {  	v5 =	vadd.f32 v22, v5;
	v15 =	vadd.f32 v51, v24  }
0x1b9: {  	v0 =	vmul.f32 v0, v14;
	v2 =	vadd.f32 v3, v2;
	v55 =	vld [tilespmem:$0x1FFD0];
	v3 =	vadd.f32 v7, v11  }
0x1ba: {  	v9 =	vmul.f32 v9, v40;
	v12 =	vld [tilespmem:$0x1FF80];
	v5 =	vadd.f32 v6, v5;
	v6 =	vperm.xlane v15, v45  }
0x1bb: {  	v0 =	vadd.f32 v4, v0;
	v49 =	vmul.f32 v3, v21;
	v45 =	vmul.f32 v52, v19  }
0x1bc: {  	v1 =	vmul.f32 v1, v10;
	v10 =	vsub.f32 v34, v59;
	v6 =	vadd.f32 v15, v6  }
0x1bd: {  	v14 =	vsub.f32 v37, v59;
	v37 =	vmul.f32 v50, v40;
	v4 =	vadd.f32 v49, v45;
	v45 =	vld [tilespmem:$0x1FFE0]  }
0x1be: {  	v10 =	vmul.f32 v10, v33;
	v15 =	vperm.xlane v6, v55  }
0x1bf: {  	v22 =	vmul.f32 v52, v12;
	v17 =	vmul.f32 v3, v17  }
0x1c0: {  	v21 =	vsub.f32 v38, v59;
	v38 =	vmul.f32 v11, v27;
	v6 =	vadd.f32 v6, v15  }
0x1c1: {  	[tilespmem:$0x4100] =	vst v28;
	v18 =	vmul.f32 v3, v18;
	v61 =	vld [tilespmem:$0x1FFF0];
	v15 =	vadd.f32 v17, v22;
	v17 =	vmul.f32 v50, v2  }
0x1c2: {  	[tilespmem:$0x4208] =	vst v40;
	v1 =	vadd.f32 v5, v1;
	v22 =	vmul.f32 v52, v23;
	v25 =	vperm.xlane v6, v45  }
0x1c3: {  	[tilespmem:$0x4218] =	vst v2;
	v13 =	vmul.f32 v3, v13;
	v49 =	vadd.f32 v15, v17;
	v15 =	vmul.f32 v11, v32  }
0x1c4: {  	[tilespmem:$0x4228] =	vst v0;
	v62 =	vld [tilespmem:$0x1FF90];
	v17 =	vadd.f32 v18, v22;
	v18 =	vmul.f32 v50, v0;
	v6 =	vadd.f32 v6, v25  }
0x1c5: {  	[tilespmem:$0x4238] =	vst v1;
	v2 =	vmul.f32 v8, v2;
	v22 =	vld [tilespmem:$0x4207];
	v5 =	vadd.f32 v49, v15;
	v15 =	vmul.f32 v52, v20  }
0x1c6: {  	[tilespmem:$0x4108] =	vst v19;
	v8 =	vld [tilespmem:$0x4237];
	v17 =	vadd.f32 v17, v18;
	v18 =	vmul.f32 v11, v31;
	v19 =	vperm.xlane v6, v61  }
0x1c7: {  	v3 =	vmul.f32 v3, v39;
	v25 =	vld [tilespmem:$0x4107];
	v13 =	vadd.f32 v13, v15;
	v15 =	vmul.f32 v50, v1  }
0x1c8: {  	v55 =	vmul.f32 v52, v39;
	v17 =	vadd.f32 v17, v18;
	v18 =	vld [tilespmem:$0x4217];
	v6 =	vadd.f32 v6, v19  }
0x1c9: {  	[tilespmem:$0x4118] =	vst v12;
	v0 =	vmul.f32 v57, v0;
	v57 =	vld [tilespmem:$0x1FFB0];
	v11 =	vmul.f32 v11, v43;
	v12 =	vadd.f32 v13, v15  }
0x1ca: {  	v50 =	vld [tilespmem:$0x1FFA0];
	v15 =	vmul.f32 v22, v62;
	v19 =	vadd.f32 v7, v10;
	v6 =	vadd.f32 v6, v55  }
0x1cb: {  	v24 =	vsub.f32 v36, v59;
	v22 =	vld [tilespmem:$0x4117];
	v11 =	vadd.f32 v12, v11;
	v12 =	vmul.f32 v14, v30  }
0x1cc: {  	v14 =	vld [tilespmem:$0x4227];
	v15 =	vadd.f32 v15, v25;
	v19 =	vmul.f32 v19, v27;
	(erf) = vrcp.f32 v6  }
0x1cd: {  	[tilespmem:$0x4128] =	vst v23;
	v4 =	vadd.f32 v4, v37;
	v1 =	vmul.f32 v60, v1;
	v59 =	vmul.f32 v18, v48  }
0x1ce: {  	v23 =	vld [tilespmem:$0x4127];
	v18 =	vadd.f32 v7, v12;
	v9 =	vadd.f32 v19, v9;
	v15 =	vmul.f32 v15, v33  }
0x1cf: {  	[tilespmem:$0x4138] =	vst v20;
	v4 =	vadd.f32 v4, v38;
	v61 =	vmul.f32 v8, v57;
	v13 =	vmul.f32 v52, v28  }
0x1d0: {  	v19 =	vmul.f32 v21, v29;
	v18 =	vmul.f32 v18, v32;
	v9 =	vadd.f32 v15, v9;
	v15 =	vld [tilespmem:$0x4137]  }
0x1d1: {  	v10 =	vmul.f32 v53, v10;
	v6 =	vadd.f32 v59, v22;
	v14 =	vmul.f32 v14, v50  }
0x1d2: {  	v20 =	vadd.f32 v7, v19;
	v2 =	vadd.f32 v18, v2;
	v18 =	vmul.f32 v24, v26  }
0x1d3: {  	v12 =	vmul.f32 v54, v12;
	v6 =	vmul.f32 v6, v30;
	v14 =	vadd.f32 v14, v23  }
0x1d4: {  	v21 =	vmul.f32 v56, v19;
	v8 =	vmul.f32 v20, v31;
	v7 =	vadd.f32 v7, v18  }
0x1d5: {  	v2 =	vadd.f32 v6, v2;
	v14 =	vmul.f32 v14, v29;
	v6 =	vadd.f32 v61, v15;
	v15 =	vpop (erf)  }
0x1d6: {  	v9 =	vadd.f32 v9, v10;
	v7 =	vmul.f32 v7, v43;
	v10 =	vmul.f32 $1.048576000e+06, v15  }
0x1d7: {  	v2 =	vadd.f32 v2, v12;
	v12 =	vmul.f32 v16, v18;
	v6 =	vmul.f32 v6, v26  }
0x1d8: {  	v3 =	vadd.f32 v3, v13;
	v25 =	vmul.f32 v10, v41;
	v27 =	vmul.f32 v10, v42  }
0x1d9: {  	v0 =	vadd.f32 v8, v0;
	v24 =	vmul.f32 v10, v44;
	v20 =	vmul.f32 v10, v46  }
0x1da: {  	v1 =	vadd.f32 v7, v1;
	v30 =	vmul.f32 v10, v4;
	v26 =	vmul.f32 v10, v5  }
0x1db: {  	p0 =	sne.s32 s19, $0x7800;
	v0 =	vadd.f32 v14, v0;
	v22 =	vmul.f32 v10, v17;
	v19 =	vmul.f32 v10, v11  }
.Ltmp1:
0x1dc: {  	v1 =	vadd.f32 v6, v1;
	v18 =	vmul.f32 v10, v35;
	v16 =	vmul.f32 v10, v63;
	(pc) =	sbr.rel @p0 .LBB2_5-.Ltmp1, $4  }
0x1dd: {  	v0 =	vadd.f32 v0, v21;
	v14 =	vmul.f32 v10, v47;
	v11 =	vmul.f32 v10, v51  }
0x1de: {  	v21 =	vmul.f32 v10, v9;
	v17 =	vmul.f32 v10, v2;
	v1 =	vadd.f32 v1, v12  }
0x1df: {  	v58 =	vimm.s32 $0x0;
	v13 =	vmul.f32 v10, v55;
	v23 =	vmul.f32 v10, v3  }
0x1e0: {  	s19 =	sadd.s32 $0x800, s19;
	v60 =	vimm.s32 $0x1;
	v15 =	vmul.f32 v10, v0;
	v12 =	vmul.f32 v10, v1  }
0x1e1: {  	s18 =	sadd.s32 $0x1, s18  }
0x1e2: {  	p0 =	sne.s32 s18, $0x4  }
.Ltmp2:
0x1e3: {  	_ = 	snop;
	(pc) =	sbr.rel @p0 .LBB2_2-.Ltmp2, $1  }
0x1e4: {  	_ =	sdelay $0x3  }
0x1e5: {  	v0 =	vadd.f32 v11, v20  }
0x1e6: {  	_ =	swait.ge [sflag:s12], $0x2000  }
0x1e7: {  	(erf) = vrcp.f32 v0;
	_ =	sdelay $0x7  }
0x1e8: {  	v63 =	vadd.f32 v12, v19  }
0x1e9: {  	v1 =	vpop (erf)  }
0x1ea: {  	s17 =	sadd.s32 $0x1, s17;
	[sflag:s12] =	ssyncset.done $0x0;
	v0 =	vmul.f32 v63, v1  }
0x1eb: {  	p0 =	sne.s32 s17, s9;
	[sflag:s12] =	ssyncadd.s32 $0xFFFFE000  }
.Ltmp3:
0x1ec: {  	[tilespmem:$0x4280] =	vst v0;
	(pc) =	sbr.rel @p0 .LBB2_1-.Ltmp3, $4  }
0x1ed: {  	[hbm4b:s8+s2] =	stream.linear.scatter [tilespmem:s15], [sflag:$0x4], $0x80, $0x38;
	[tilespmem:$0x4300] =	vst v63  }
0x1ee: {  	_ =	swait.ge [sflag:s16], $0x80  }
0x1ef: {  	[sflag:s16] =	ssyncset.done $0x0  }
0x1f0: {  	[sflag:s16] =	ssyncadd.s32 $0xFFFFFF80  }
0x1f1: {  	_ =	sfence.sel $0x180000  }
0x1f2: {  	[bflag:$0x0] =	sbarrier.arrive $0xFFFF  }
0x1f3: {  	p0 =	sne.s32 s1, $0x0;
	_ =	strace $0x90000047  }
0x1f4: {  	s0 =	sadd.s32 @!p0 $0x100000, s0;
	[bflag:$0x2] =	sbarrier.arrive $0xFFFF  }
0x1f5: {  	[sflag:s0] =	ssyncadd.tile.s32 @!p0 $0x1;
	_ =	shalt  }
.Lfunc_end2:
_tile_overlayer_lowered:
.L_overlay_start_2:
0x1f6: {  	(tag) =	ssettag $0x2  }
0x1f7: {  	s0 =	rddreg [dreg:$0x0];
	s2 =	stileid.u32  }
0x1f8: {  	s1 =	rddreg [dreg:$0x1];
	p0 =	sne.s32 s2, $0x0  }
0x1f9: {  	s3 =	rddreg [dreg:$0x2];
	[bflag:$0x3] =	sbarrier.arrive $0xFFFF;
	s2 =	simm.s32 @!p0 $0x1C04  }
0x1fa: {  	[timem:s3], [sflag:s2] =	dma.local @!p0 [hbm:s0], s1  }
0x1fb: {  	s0 =	simm.s32 @!p0 $0x4  }
0x1fc: {  	_ =	swait.ge @!p0 [sflag:s0], s1  }
0x1fd: {  	s1 =	ssub.s32 @!p0 $0x0, s1;
	[sflag:s0] =	ssyncset.done @!p0 $0x0  }
0x1fe: {  	[sflag:s0] =	ssyncadd.s32 @!p0 s1  }
0x1ff: {  	[bflag:$0x3] =	sbarrier.arrive $0xFFFF  }
0x200: {  	_ =	shalt  }

</sc_bundles>
